<compile_context>
chip_gen: v7x
topology: tpu7x:2x2x1
jax: 0.10.2.dev20260603
libtpu: 0.0.44.dev20260713+nightly
codegen_flags: <defaults>
</compile_context>

<pallas_src>
import functools

import jax
import jax.numpy as jnp
from jax import lax
from jax.experimental import pallas as pl
from jax.experimental.pallas import tpu as pltpu
from jax.experimental.pallas import tpu_sc as plsc

F32 = jnp.float32
N = 10000
E = 320000
IN = 128
D1 = 192
D2 = 320
NB_GRAPHS = 16
EPS = 1e-5

N_PAD = 10016
STRIPE = N_PAD // 16
EPW = 20480
E_PAD = EPW * 16
NIDX = 8
NEA = 4
K1, NCH1 = 128, 160

BN = 1000
NB = N // BN


def _spmm_body(with_ea, fc, kk, nch, nrow, gl, il, *refs):
    d = nrow - gl
    if with_ea:
        tbl, sd, eap, zfc, zea, out, eaout = refs[:7]
        scr = refs[7:]
    else:
        tbl, sd, zfc, out = refs[:4]
        scr = refs[4:]
    idxb = scr[:NIDX]
    rows = scr[NIDX:NIDX + nrow]
    k = NIDX + nrow
    if with_ea:
        earows = scr[k:k + NEA]
        k += NEA
    acc = scr[k]
    k += 1
    if with_ea:
        eacc = scr[k]
        k += 1
    isem = scr[k:k + NIDX]
    gsem = scr[k + NIDX:k + NIDX + nrow]
    ssem = scr[k + NIDX + nrow:k + NIDX + 2 * nrow]
    k += NIDX + 2 * nrow
    if with_ea:
        elsem = scr[k:k + NEA]
        essem = scr[k + NEA:k + 2 * NEA]

    c = lax.axis_index("c")
    s = lax.axis_index("s")
    r0 = s * STRIPE

    def fire_idx(ch, bi):
        pltpu.async_copy(sd.at[s, ch], idxb[bi], isem[bi])

    def wait_idx(ch, bi):
        pltpu.make_async_copy(sd.at[s, ch], idxb[bi], isem[bi]).wait()

    def fire_g(bi, br):
        pltpu.async_copy(tbl.at[c].at[idxb[bi].at[0]], rows[br], gsem[br])

    def drain_g(bi, br):
        pltpu.make_async_copy(tbl.at[c].at[idxb[bi].at[0]], rows[br],
                              gsem[br]).wait()

    def fire_s(bi, br):
        pltpu.async_copy(rows[br], acc.at[idxb[bi].at[1]], ssem[br], add=True)

    def drain_s(bi, br):
        pltpu.make_async_copy(rows[br], acc.at[idxb[bi].at[1]],
                              ssem[br]).wait()

    def fire_el(ch, be):
        pltpu.async_copy(eap.at[s, ch], earows[be], elsem[be])

    def wait_el(ch, be):
        pltpu.make_async_copy(eap.at[s, ch], earows[be], elsem[be]).wait()

    def fire_es(bi, be):
        pltpu.async_copy(earows[be], eacc.at[idxb[bi].at[1]], essem[be],
                         add=True)

    def drain_es(bi, be):
        pltpu.make_async_copy(earows[be], eacc.at[idxb[bi].at[1]],
                              essem[be]).wait()

    pltpu.sync_copy(zfc.at[pl.ds(r0, STRIPE)], acc.at[pl.ds(r0, STRIPE)])
    if with_ea:
        @pl.when(c == 0)
        def _():
            pltpu.sync_copy(zea.at[pl.ds(r0, STRIPE)],
                            eacc.at[pl.ds(r0, STRIPE)])
    plsc.subcore_barrier()

    for t in range(il):
        fire_idx(t, t % NIDX)
    for t in range(gl):
        wait_idx(t, t % NIDX)
        fire_g(t % NIDX, t % nrow)
    if with_ea:
        @pl.when(c == 0)
        def _():
            fire_el(0, 0)
            fire_el(1, 1)

    def body(g, carry):
        for u in range(8):
            t = g * 8 + u
            drain_g(u % NIDX, u % nrow)
            if with_ea:
                @pl.when(c == 0)
                def _(t=t, u=u):
                    if u >= 2:
                        drain_es((u - 2) % NIDX, (u - 2) % NEA)
                    else:
                        @pl.when(g >= 1)
                        def _():
                            drain_es((u - 2) % NIDX, (u - 2) % NEA)

                    @pl.when(t + 2 < nch)
                    def _():
                        fire_el(t + 2, (u + 2) % NEA)
                    wait_el(t, u % NEA)
                    fire_es(u % NIDX, u % NEA)
            fire_s(u % NIDX, u % nrow)
            if u >= d:
                drain_s((u - d) % NIDX, (u - d) % nrow)
            else:
                @pl.when(g >= 1)
                def _(u=u):
                    drain_s((u - d) % NIDX, (u - d) % nrow)

            @pl.when(t + il < nch)
            def _(t=t, u=u):
                fire_idx(t + il, (u + il) % NIDX)

            @pl.when(t + gl < nch)
            def _(t=t, u=u):
                wait_idx(t + gl, (u + gl) % NIDX)
                fire_g((u + gl) % NIDX, (u + gl) % nrow)
        return carry

    lax.fori_loop(0, nch // 8, body, 0)
    for t in range(nch - d, nch):
        drain_s(t % NIDX, t % nrow)
    if with_ea:
        @pl.when(c == 0)
        def _():
            for t in (nch - 2, nch - 1):
                drain_es(t % NIDX, t % NEA)
    plsc.subcore_barrier()
    pltpu.sync_copy(acc.at[pl.ds(r0, STRIPE)],
                    out.at[c].at[pl.ds(r0, STRIPE)])
    if with_ea:
        @pl.when(c == 0)
        def _():
            pltpu.sync_copy(eacc.at[pl.ds(r0, STRIPE)],
                            eaout.at[pl.ds(r0, STRIPE)])


def _make_spmm(fc, kk, nch, nrow, gl, il, with_ea):
    mesh = plsc.VectorSubcoreMesh(core_axis_name="c", subcore_axis_name="s")
    out_type = [jax.ShapeDtypeStruct((2, N_PAD, fc), F32)]
    if with_ea:
        out_type.append(jax.ShapeDtypeStruct((N_PAD, 8), F32))
    scratch = [pltpu.VMEM((2, kk), jnp.int32) for _ in range(NIDX)]
    scratch += [pltpu.VMEM((kk, fc), F32) for _ in range(nrow)]
    if with_ea:
        scratch += [pltpu.VMEM((K1, 8), F32) for _ in range(NEA)]
    scratch.append(pltpu.VMEM_SHARED((N_PAD, fc), F32))
    if with_ea:
        scratch.append(pltpu.VMEM_SHARED((N_PAD, 8), F32))
    nsem = NIDX + 2 * nrow + (2 * NEA if with_ea else 0)
    scratch += [pltpu.SemaphoreType.DMA for _ in range(nsem)]
    return pl.kernel(
        functools.partial(_spmm_body, with_ea, fc, kk, nch, nrow, gl, il),
        out_type=out_type,
        mesh=mesh,
        scratch_types=scratch,
        compiler_params=pltpu.CompilerParams(use_tc_tiling_on_sc=False),
    )


def _combine1_body(aggl_ref, aggr_ref, ea_ref, x_ref, wm1_ref, ws_ref, bs_ref,
                   we_ref, bm_ref, be_ref, g_ref, bt_ref,
                   x1_ref, h1l_ref, h1r_ref, hbuf, ssum, ssq):
    p = pl.program_id(0)
    i = pl.program_id(1)
    xb = x_ref[...]

    @pl.when(p == 0)
    def _():
        eab = ea_ref[...]
        aggx = jnp.concatenate([aggl_ref[0], aggr_ref[0]], axis=1)
        h = (jnp.dot(aggx, wm1_ref[...], preferred_element_type=F32,
                     precision=lax.Precision.HIGHEST)
             + jnp.dot(eab[:, :4], we_ref[...], preferred_element_type=F32,
                      precision=lax.Precision.HIGHEST)
             + eab[:, 4:5] * (bm_ref[...] + be_ref[...])
             + jnp.dot(xb, ws_ref[...], preferred_element_type=F32)
             + bs_ref[...])
        hbuf[pl.ds(i * BN, BN), :] = h

        @pl.when(i == 0)
        def _():
            ssum[...] = jnp.zeros_like(ssum)
            ssq[...] = jnp.zeros_like(ssq)
        ssum[...] += jnp.sum(h, axis=0, keepdims=True)
        ssq[...] += jnp.sum(h * h, axis=0, keepdims=True)

    @pl.when(p == 1)
    def _():
        h = hbuf[pl.ds(i * BN, BN), :]
        mu = ssum[...] * (1.0 / N)
        var = ssq[...] * (1.0 / N) - mu * mu
        h1 = (h - mu) * lax.rsqrt(var + EPS) * g_ref[...] + bt_ref[...]
        x1_ref[...] = jnp.concatenate([h1, xb], axis=1)
        h1l_ref[...] = h1[:, : D1 // 2]
        h1r_ref[...] = h1[:, D1 // 2:]


def _final_body(agghl_ref, agghr_ref, aggxl_ref, aggxr_ref, ea_ref, x1_ref,
                wm2_ref, we_ref, bm_ref, be_ref, g_ref, bt_ref, batch_ref,
                wf1_ref, bf1_ref, a_ref, wf2_ref, bf2_ref, out_ref,
                hbuf, ssum, ssq, sadd_h, sadd_x, smax_h, smax_x, scnt):
    p = pl.program_id(0)
    i = pl.program_id(1)
    x1b = x1_ref[...]

    @pl.when(p == 0)
    def _():
        eab = ea_ref[...]
        aggx1 = jnp.concatenate([agghl_ref[0], agghr_ref[0],
                                 aggxl_ref[0], aggxr_ref[0]], axis=1)
        h = (jnp.dot(aggx1, wm2_ref[...], preferred_element_type=F32,
                     precision=lax.Precision.HIGHEST)
             + jnp.dot(eab[:, :4], we_ref[...], preferred_element_type=F32,
                      precision=lax.Precision.HIGHEST)
             + eab[:, 4:5] * (bm_ref[...] + be_ref[...])
             + x1b)
        hbuf[pl.ds(i * BN, BN), :] = h

        @pl.when(i == 0)
        def _():
            ssum[...] = jnp.zeros_like(ssum)
            ssq[...] = jnp.zeros_like(ssq)
        ssum[...] += jnp.sum(h, axis=0, keepdims=True)
        ssq[...] += jnp.sum(h * h, axis=0, keepdims=True)

    @pl.when(p == 1)
    def _():
        h = hbuf[pl.ds(i * BN, BN), :]
        mu = ssum[...] * (1.0 / N)
        var = ssq[...] * (1.0 / N) - mu * mu
        h2 = (h - mu) * lax.rsqrt(var + EPS) * g_ref[...] + bt_ref[...]

        @pl.when(i == 0)
        def _():
            sadd_h[...] = jnp.zeros_like(sadd_h)
            sadd_x[...] = jnp.zeros_like(sadd_x)
            smax_h[...] = jnp.full_like(smax_h, -jnp.inf)
            smax_x[...] = jnp.full_like(smax_x, -jnp.inf)
            scnt[...] = jnp.zeros_like(scnt)

        bids = batch_ref[...]
        bmin = batch_ref[0, 0]
        bmax = batch_ref[BN - 1, 0]
        for b in range(NB_GRAPHS):
            @pl.when(jnp.logical_and(b >= bmin, b <= bmax))
            def _(b=b):
                m = bids == b
                vh = jnp.where(m, h2, -jnp.inf)
                vx = jnp.where(m, x1b, -jnp.inf)
                smax_h[b:b + 1, :] = jnp.maximum(
                    smax_h[b:b + 1, :], jnp.max(vh, axis=0, keepdims=True))
                smax_x[b:b + 1, :] = jnp.maximum(
                    smax_x[b:b + 1, :], jnp.max(vx, axis=0, keepdims=True))
                sadd_h[b:b + 1, :] += jnp.sum(
                    jnp.where(m, h2, 0.0), axis=0, keepdims=True)
                sadd_x[b:b + 1, :] += jnp.sum(
                    jnp.where(m, x1b, 0.0), axis=0, keepdims=True)
                scnt[b:b + 1, :] += jnp.sum(
                    m.astype(F32), axis=0, keepdims=True)

        @pl.when(i == NB - 1)
        def _():
            cnt = jnp.maximum(scnt[...], 1.0)
            pooled = jnp.concatenate(
                [sadd_h[...], sadd_x[...], smax_h[...], smax_x[...],
                 sadd_h[...] / cnt, sadd_x[...] / cnt], axis=1)
            hh = jnp.dot(pooled, wf1_ref[...], preferred_element_type=F32,
                      precision=lax.Precision.HIGHEST) + bf1_ref[...]
            a = a_ref[0, 0]
            hh = jnp.where(hh >= 0, hh, a * hh)
            o = jnp.dot(hh, wf2_ref[...], preferred_element_type=F32,
                      precision=lax.Precision.HIGHEST) + bf2_ref[...]
            mx = jnp.max(o, axis=1, keepdims=True)
            lse = mx + jnp.log(jnp.sum(jnp.exp(o - mx), axis=1, keepdims=True))
            out_ref[...] = o - lse


def kernel(x, edge_index, edge_attr, batch,
           W_msg1, b_msg1, W_edge1, b_edge1, W_self1, b_self1, g1, bt1,
           W_msg2, b_msg2, W_edge2, b_edge2, g2, bt2,
           W_fc1, b_fc1, prelu_a, W_fc2, b_fc2):
    src = edge_index[0].astype(jnp.int32)
    dst = edge_index[1].astype(jnp.int32)
    pad = E_PAD - E
    src_f = jnp.concatenate([src, jnp.zeros((pad,), jnp.int32)])
    dst_f = jnp.concatenate([dst, jnp.full((pad,), N, jnp.int32)])
    sd1 = jnp.stack([src_f.reshape(16, NCH1, K1),
                     dst_f.reshape(16, NCH1, K1)], axis=2)
    ea_p = jnp.concatenate(
        [jnp.concatenate([edge_attr, jnp.ones((E, 1), F32),
                          jnp.zeros((E, 3), F32)], axis=1),
         jnp.zeros((pad, 8), F32)], axis=0).reshape(16, NCH1, K1, 8)

    xf = IN // 2
    xs = jnp.stack([x[:, :xf], x[:, xf:]])
    z1 = jnp.zeros((N_PAD, xf), F32)
    zea = jnp.zeros((N_PAD, 8), F32)
    aggxs, ea_acc = _make_spmm(xf, K1, NCH1, 4, 2, 6, True)(
        xs, sd1, ea_p, z1, zea)

    h1f = D1 // 2
    x1, h1l, h1r = pl.pallas_call(
        _combine1_body,
        grid=(2, NB),
        in_specs=[pl.BlockSpec((1, BN, xf), lambda p, i: (0, i, 0)),
                  pl.BlockSpec((1, BN, xf), lambda p, i: (1, i, 0)),
                  pl.BlockSpec((BN, 8), lambda p, i: (i, 0)),
                  pl.BlockSpec((BN, IN), lambda p, i: (i, 0)),
                  pl.BlockSpec((IN, D1), lambda p, i: (0, 0)),
                  pl.BlockSpec((IN, D1), lambda p, i: (0, 0)),
                  pl.BlockSpec((1, D1), lambda p, i: (0, 0)),
                  pl.BlockSpec((4, D1), lambda p, i: (0, 0)),
                  pl.BlockSpec((1, D1), lambda p, i: (0, 0)),
                  pl.BlockSpec((1, D1), lambda p, i: (0, 0)),
                  pl.BlockSpec((1, D1), lambda p, i: (0, 0)),
                  pl.BlockSpec((1, D1), lambda p, i: (0, 0))],
        out_specs=[pl.BlockSpec((BN, D2), lambda p, i: (i, 0)),
                   pl.BlockSpec((BN, h1f), lambda p, i: (i, 0)),
                   pl.BlockSpec((BN, h1f), lambda p, i: (i, 0))],
        out_shape=[jax.ShapeDtypeStruct((N, D2), F32),
                   jax.ShapeDtypeStruct((N, h1f), F32),
                   jax.ShapeDtypeStruct((N, h1f), F32)],
        scratch_shapes=[pltpu.VMEM((N, D1), F32),
                        pltpu.VMEM((1, D1), F32), pltpu.VMEM((1, D1), F32)],
    )(aggxs, aggxs, ea_acc, x, W_msg1, W_self1, b_self1.reshape(1, D1),
      W_edge1, b_msg1.reshape(1, D1), b_edge1.reshape(1, D1),
      g1.reshape(1, D1), bt1.reshape(1, D1))

    th1 = jnp.stack([h1l, h1r])

    z2 = jnp.zeros((N_PAD, h1f), F32)
    (agghs,) = _make_spmm(h1f, K1, NCH1, 4, 2, 6, False)(th1, sd1, z2)

    out = pl.pallas_call(
        _final_body,
        grid=(2, NB),
        in_specs=[pl.BlockSpec((1, BN, h1f), lambda p, i: (0, i, 0)),
                  pl.BlockSpec((1, BN, h1f), lambda p, i: (1, i, 0)),
                  pl.BlockSpec((1, BN, xf), lambda p, i: (0, i, 0)),
                  pl.BlockSpec((1, BN, xf), lambda p, i: (1, i, 0)),
                  pl.BlockSpec((BN, 8), lambda p, i: (i, 0)),
                  pl.BlockSpec((BN, D2), lambda p, i: (i, 0)),
                  pl.BlockSpec((D2, D2), lambda p, i: (0, 0)),
                  pl.BlockSpec((4, D2), lambda p, i: (0, 0)),
                  pl.BlockSpec((1, D2), lambda p, i: (0, 0)),
                  pl.BlockSpec((1, D2), lambda p, i: (0, 0)),
                  pl.BlockSpec((1, D2), lambda p, i: (0, 0)),
                  pl.BlockSpec((1, D2), lambda p, i: (0, 0)),
                  pl.BlockSpec((BN, 1), lambda p, i: (i, 0)),
                  pl.BlockSpec((6 * D2, 3 * D2), lambda p, i: (0, 0)),
                  pl.BlockSpec((1, 3 * D2), lambda p, i: (0, 0)),
                  pl.BlockSpec((1, 1), lambda p, i: (0, 0)),
                  pl.BlockSpec((3 * D2, 2), lambda p, i: (0, 0)),
                  pl.BlockSpec((1, 2), lambda p, i: (0, 0))],
        out_specs=pl.BlockSpec((NB_GRAPHS, 2), lambda p, i: (0, 0)),
        out_shape=jax.ShapeDtypeStruct((NB_GRAPHS, 2), F32),
        scratch_shapes=[pltpu.VMEM((N, D2), F32),
                        pltpu.VMEM((1, D2), F32), pltpu.VMEM((1, D2), F32),
                        pltpu.VMEM((NB_GRAPHS, D2), F32),
                        pltpu.VMEM((NB_GRAPHS, D2), F32),
                        pltpu.VMEM((NB_GRAPHS, D2), F32),
                        pltpu.VMEM((NB_GRAPHS, D2), F32),
                        pltpu.VMEM((NB_GRAPHS, 1), F32)],
    )(agghs, agghs, aggxs, aggxs, ea_acc, x1, W_msg2, W_edge2,
      b_msg2.reshape(1, D2), b_edge2.reshape(1, D2), g2.reshape(1, D2),
      bt2.reshape(1, D2), batch.reshape(N, 1).astype(jnp.int32),
      W_fc1, b_fc1.reshape(1, 3 * D2), prelu_a.reshape(1, 1),
      W_fc2, b_fc2.reshape(1, 2))
    return out

# --- scband reference (transcript-rebuilt; emitter-appended) ---
"""Pipeline reference for scband-net-17669495456404 (READ-ONLY COPY).

The authoritative reference and input builder live on the scoring server;
editing this copy changes nothing except your own understanding.
"""

import jax, jax.numpy as jnp
import numpy as np

N = 10000
E = 320000
IN = 128
HID = 64
HEADS = 3
D1 = HID * HEADS          # 192
D2 = D1 + IN              # 320
B = 16
EPS = 1e-5


def _bn(x, g, b):
    # BatchNorm1d in training mode: batch statistics, biased variance
    mu = jnp.mean(x, axis=0)
    var = jnp.mean((x - mu) ** 2, axis=0)
    return (x - mu) / jnp.sqrt(var + EPS) * g + b


def _prelu(x, a):
    return jnp.where(x >= 0, x, a * x)


def setup_inputs(seed: int = 0):
    key = jax.random.key(seed)
    ks = jax.random.split(key, 16)

    def w(k, shape):
        return (jax.random.normal(k, shape, dtype=jnp.float32) / np.sqrt(shape[0])).astype(jnp.float32)

    inp = {
        "x": jax.random.normal(ks[0], (N, IN), dtype=jnp.float32),
        "edge_index": jax.random.randint(ks[1], (2, E), 0, N),
        "edge_attr": jax.random.normal(ks[2], (E, 4), dtype=jnp.float32),
        "batch": jnp.sort(jax.random.randint(ks[3], (N,), 0, B)),
        # conv1: GeneralConv(IN -> HID, heads=3, in_edge_channels=4), output dim D1 = HID*HEADS
        "W_msg1": w(ks[4], (IN, D1)),
        "b_msg1": jnp.zeros((D1,), jnp.float32),
        "W_edge1": w(ks[5], (4, D1)),
        "b_edge1": jnp.zeros((D1,), jnp.float32),
        "W_self1": w(ks[6], (IN, D1)),
        "b_self1": jnp.zeros((D1,), jnp.float32),
        "g1": jnp.ones((D1,), jnp.float32),
        "bt1": jnp.zeros((D1,), jnp.float32),
        # conv2: GeneralConv(D2 -> D2, in_edge_channels=4), lin_self = Identity (in == out)
        "W_msg2": w(ks[7], (D2, D2)),
        "b_msg2": jnp.zeros((D2,), jnp.float32),
        "W_edge2": w(ks[8], (4, D2)),
        "b_edge2": jnp.zeros((D2,), jnp.float32),
        "g2": jnp.ones((D2,), jnp.float32),
        "bt2": jnp.zeros((D2,), jnp.float32),
        # MLP head: Linear(6*D2 -> 3*D2), Dropout(p=0), PReLU, Linear(3*D2 -> 2)
        "W_fc1": w(ks[9], (6 * D2, 3 * D2)),
        "b_fc1": jnp.zeros((3 * D2,), jnp.float32),
        "prelu_a": jnp.asarray(0.25, jnp.float32),
        "W_fc2": w(ks[10], (3 * D2, 2)),
        "b_fc2": jnp.zeros((2,), jnp.float32),
    }
    return inp


def reference(x, edge_index, edge_attr, batch,
              W_msg1, b_msg1, W_edge1, b_edge1, W_self1, b_self1, g1, bt1,
              W_msg2, b_msg2, W_edge2, b_edge2, g2, bt2,
              W_fc1, b_fc1, prelu_a, W_fc2, b_fc2):
    src = edge_index[0]
    dst = edge_index[1]
    # conv1: per-edge message = lin_msg(x_j) + lin_edge(edge_attr); sum-aggregate at dst; + lin_self(x)
    m1 = x[src] @ W_msg1 + b_msg1 + edge_attr @ W_edge1 + b_edge1
    agg1 = jnp.zeros((N, D1), jnp.float32).at[dst].add(m1)
    h1 = agg1 + x @ W_self1 + b_self1
    h1 = _bn(h1, g1, bt1)
    x1 = jnp.concatenate([h1, x], axis=1)          # [N, D2]
    # conv2 (heads=1, in == out so self connection is identity)
    m2 = x1[src] @ W_msg2 + b_msg2 + edge_attr @ W_edge2 + b_edge2
    agg2 = jnp.zeros((N, D2), jnp.float32).at[dst].add(m2)
    h2 = agg2 + x1
    h2 = _bn(h2, g2, bt2)
    x2 = jnp.concatenate([h2, x1], axis=1)         # [N, 2*D2]
    # global add / mean / max pooling over graphs
    x_add = jax.ops.segment_sum(x2, batch, num_segments=B)
    cnt = jax.ops.segment_sum(jnp.ones((N, 1), jnp.float32), batch, num_segments=B)
    x_mean = x_add / jnp.maximum(cnt, 1.0)
    x_max = jax.ops.segment_max(x2, batch, num_segments=B)
    pooled = jnp.concatenate([x_add, x_max, x_mean], axis=1)   # [B, 6*D2]
    h = _prelu(pooled @ W_fc1 + b_fc1, prelu_a)
    out = h @ W_fc2 + b_fc2
    return jax.nn.log_softmax(out, axis=-1)

if __name__ == "__main__":
    import jax
    _d = setup_inputs()
    print(jax.jit(kernel)(*tuple(_d.values())))

</pallas_src>

<mosaic_0001>
#map = affine_map<(d0, d1) -> (0, 0, 0)>
#map1 = affine_map<(d0, d1) -> (0, 0, 0, 0)>
#map2 = affine_map<(d0, d1) -> (0, 0)>
module attributes {stable_mosaic.version = 14 : i64} {
  func.func @_spmm_body(%arg0: i32, %arg1: i32, %arg2: memref<2x10000x64xf32, #tpu.memory_space<hbm>>, %arg3: memref<16x160x2x128xi32, #tpu.memory_space<hbm>>, %arg4: memref<16x160x128x8xf32, #tpu.memory_space<hbm>>, %arg5: memref<10016x64xf32, #tpu.memory_space<hbm>>, %arg6: memref<10016x8xf32, #tpu.memory_space<hbm>>, %arg7: memref<2x10016x64xf32, #tpu.memory_space<hbm>>, %arg8: memref<10016x8xf32, #tpu.memory_space<hbm>>, %arg9: memref<2x128xi32, #tpu.memory_space<vmem>>, %arg10: memref<2x128xi32, #tpu.memory_space<vmem>>, %arg11: memref<2x128xi32, #tpu.memory_space<vmem>>, %arg12: memref<2x128xi32, #tpu.memory_space<vmem>>, %arg13: memref<2x128xi32, #tpu.memory_space<vmem>>, %arg14: memref<2x128xi32, #tpu.memory_space<vmem>>, %arg15: memref<2x128xi32, #tpu.memory_space<vmem>>, %arg16: memref<2x128xi32, #tpu.memory_space<vmem>>, %arg17: memref<128x64xf32, #tpu.memory_space<vmem>>, %arg18: memref<128x64xf32, #tpu.memory_space<vmem>>, %arg19: memref<128x64xf32, #tpu.memory_space<vmem>>, %arg20: memref<128x64xf32, #tpu.memory_space<vmem>>, %arg21: memref<128x8xf32, #tpu.memory_space<vmem>>, %arg22: memref<128x8xf32, #tpu.memory_space<vmem>>, %arg23: memref<128x8xf32, #tpu.memory_space<vmem>>, %arg24: memref<128x8xf32, #tpu.memory_space<vmem>>, %arg25: memref<10016x64xf32, #tpu.memory_space<vmem_shared>>, %arg26: memref<10016x8xf32, #tpu.memory_space<vmem_shared>>, %arg27: memref<!tpu.dma_semaphore, #tpu.memory_space<semaphore_mem>>, %arg28: memref<!tpu.dma_semaphore, #tpu.memory_space<semaphore_mem>>, %arg29: memref<!tpu.dma_semaphore, #tpu.memory_space<semaphore_mem>>, %arg30: memref<!tpu.dma_semaphore, #tpu.memory_space<semaphore_mem>>, %arg31: memref<!tpu.dma_semaphore, #tpu.memory_space<semaphore_mem>>, %arg32: memref<!tpu.dma_semaphore, #tpu.memory_space<semaphore_mem>>, %arg33: memref<!tpu.dma_semaphore, #tpu.memory_space<semaphore_mem>>, %arg34: memref<!tpu.dma_semaphore, #tpu.memory_space<semaphore_mem>>, %arg35: memref<!tpu.dma_semaphore, #tpu.memory_space<semaphore_mem>>, %arg36: memref<!tpu.dma_semaphore, #tpu.memory_space<semaphore_mem>>, %arg37: memref<!tpu.dma_semaphore, #tpu.memory_space<semaphore_mem>>, %arg38: memref<!tpu.dma_semaphore, #tpu.memory_space<semaphore_mem>>, %arg39: memref<!tpu.dma_semaphore, #tpu.memory_space<semaphore_mem>>, %arg40: memref<!tpu.dma_semaphore, #tpu.memory_space<semaphore_mem>>, %arg41: memref<!tpu.dma_semaphore, #tpu.memory_space<semaphore_mem>>, %arg42: memref<!tpu.dma_semaphore, #tpu.memory_space<semaphore_mem>>, %arg43: memref<!tpu.dma_semaphore, #tpu.memory_space<semaphore_mem>>, %arg44: memref<!tpu.dma_semaphore, #tpu.memory_space<semaphore_mem>>, %arg45: memref<!tpu.dma_semaphore, #tpu.memory_space<semaphore_mem>>, %arg46: memref<!tpu.dma_semaphore, #tpu.memory_space<semaphore_mem>>, %arg47: memref<!tpu.dma_semaphore, #tpu.memory_space<semaphore_mem>>, %arg48: memref<!tpu.dma_semaphore, #tpu.memory_space<semaphore_mem>>, %arg49: memref<!tpu.dma_semaphore, #tpu.memory_space<semaphore_mem>>, %arg50: memref<!tpu.dma_semaphore, #tpu.memory_space<semaphore_mem>>) attributes {dimension_semantics = [#tpu.dimension_semantics<core_parallel>, #tpu.dimension_semantics<subcore_parallel>], iteration_bounds = array<i64: 2, 16>, scalar_prefetch = 0 : i64, scratch_operands = 42 : i64, tpu.core_type = #tpu.core_type<sc_vector_subcore>, window_params = [{transform_indices = #map}, {transform_indices = #map1}, {transform_indices = #map1}, {transform_indices = #map2}, {transform_indices = #map2}, {transform_indices = #map}, {transform_indices = #map2}]} {
    %mul3A = arith.constant 626 : i32
    %mul3A_0 = arith.muli %arg1, %mul3A : i32
    "tpu.region"() ({
      %run_scoped3A = tpu.sem_alloc : memref<!tpu.dma_semaphore, #tpu.memory_space<semaphore_mem>>
      %dma_start3A_130 = arith.constant 0 : i32
      %dma_start3A_131 = tpu.memref_slice %arg25[%mul3A_0, %dma_start3A_130] : memref<10016x64xf32, #tpu.memory_space<vmem_shared>> -> memref<626x64xf32, #tpu.memory_space<vmem_shared>>
      %dma_start3A_132 = arith.constant 0 : i32
      %dma_start3A_133 = tpu.memref_slice %arg5[%mul3A_0, %dma_start3A_132] : memref<10016x64xf32, #tpu.memory_space<hbm>> -> memref<626x64xf32, #tpu.memory_space<hbm>>
      tpu.enqueue_dma source(%dma_start3A_133 : memref<626x64xf32, #tpu.memory_space<hbm>>) target(%dma_start3A_131 : memref<626x64xf32, #tpu.memory_space<vmem_shared>>) target_semaphore(%run_scoped3A : memref<!tpu.dma_semaphore, #tpu.memory_space<semaphore_mem>>)
      %dma_wait3A_134 = arith.constant 0 : i32
      %dma_wait3A_135 = tpu.memref_slice %arg25[%mul3A_0, %dma_wait3A_134] : memref<10016x64xf32, #tpu.memory_space<vmem_shared>> -> memref<626x64xf32, #tpu.memory_space<vmem_shared>>
      %dma_wait3A_136 = arith.constant 0 : i32
      %dma_wait3A_137 = tpu.memref_slice %arg5[%mul3A_0, %dma_wait3A_136] : memref<10016x64xf32, #tpu.memory_space<hbm>> -> memref<626x64xf32, #tpu.memory_space<hbm>>
      tpu.wait_dma2 semaphore(%run_scoped3A : memref<!tpu.dma_semaphore, #tpu.memory_space<semaphore_mem>>) src(%dma_wait3A_137 : memref<626x64xf32, #tpu.memory_space<hbm>>) dst(%dma_wait3A_135 : memref<626x64xf32, #tpu.memory_space<vmem_shared>>)
      tpu.yield
    }) : () -> ()
    %eq3A = arith.constant 0 : i32
    %eq3A_1 = arith.cmpi eq, %arg0, %eq3A : i32
    %convert_element_type3A = arith.extui %eq3A_1 : i1 to i32
    %cond3A = arith.constant 0 : i32
    %cond3A_2 = arith.cmpi ne, %convert_element_type3A, %cond3A : i32
    scf.if %cond3A_2 {
      "tpu.region"() ({
        %run_scoped3A = tpu.sem_alloc : memref<!tpu.dma_semaphore, #tpu.memory_space<semaphore_mem>>
        %dma_start3A_130 = arith.constant 0 : i32
        %dma_start3A_131 = tpu.memref_slice %arg26[%mul3A_0, %dma_start3A_130] : memref<10016x8xf32, #tpu.memory_space<vmem_shared>> -> memref<626x8xf32, #tpu.memory_space<vmem_shared>>
        %dma_start3A_132 = arith.constant 0 : i32
        %dma_start3A_133 = tpu.memref_slice %arg6[%mul3A_0, %dma_start3A_132] : memref<10016x8xf32, #tpu.memory_space<hbm>> -> memref<626x8xf32, #tpu.memory_space<hbm>>
        tpu.enqueue_dma source(%dma_start3A_133 : memref<626x8xf32, #tpu.memory_space<hbm>>) target(%dma_start3A_131 : memref<626x8xf32, #tpu.memory_space<vmem_shared>>) target_semaphore(%run_scoped3A : memref<!tpu.dma_semaphore, #tpu.memory_space<semaphore_mem>>)
        %dma_wait3A_134 = arith.constant 0 : i32
        %dma_wait3A_135 = tpu.memref_slice %arg26[%mul3A_0, %dma_wait3A_134] : memref<10016x8xf32, #tpu.memory_space<vmem_shared>> -> memref<626x8xf32, #tpu.memory_space<vmem_shared>>
        %dma_wait3A_136 = arith.constant 0 : i32
        %dma_wait3A_137 = tpu.memref_slice %arg6[%mul3A_0, %dma_wait3A_136] : memref<10016x8xf32, #tpu.memory_space<hbm>> -> memref<626x8xf32, #tpu.memory_space<hbm>>
        tpu.wait_dma2 semaphore(%run_scoped3A : memref<!tpu.dma_semaphore, #tpu.memory_space<semaphore_mem>>) src(%dma_wait3A_137 : memref<626x8xf32, #tpu.memory_space<hbm>>) dst(%dma_wait3A_135 : memref<626x8xf32, #tpu.memory_space<vmem_shared>>)
        tpu.yield
      }) : () -> ()
    } else {
    }
    %barrier3A = arith.constant 0 : index
    tpu.barrier barrier_id(%barrier3A)
    %dma_start3A = arith.constant 0 : i32
    %dma_start3A_3 = arith.constant 0 : i32
    %dma_start3A_4 = arith.constant 0 : i32
    %dma_start3A_5 = tpu.memref_slice %arg3[%arg1, %dma_start3A, %dma_start3A_3, %dma_start3A_4] : memref<16x160x2x128xi32, #tpu.memory_space<hbm>> -> memref<1x1x2x128xi32, #tpu.memory_space<hbm>>
    %dma_start3A_6 = tpu.memref_squeeze %dma_start3A_5 : memref<1x1x2x128xi32, #tpu.memory_space<hbm>> -> memref<2x128xi32, #tpu.memory_space<hbm>>
    %dma_start3A_7 = arith.constant 0 : i32
    %dma_start3A_8 = arith.constant 0 : i32
    %dma_start3A_9 = tpu.memref_slice %arg3[%arg1, %dma_start3A, %dma_start3A_7, %dma_start3A_8] : memref<16x160x2x128xi32, #tpu.memory_space<hbm>> -> memref<1x1x2x128xi32, #tpu.memory_space<hbm>>
    %dma_start3A_10 = tpu.memref_squeeze %dma_start3A_9 : memref<1x1x2x128xi32, #tpu.memory_space<hbm>> -> memref<2x128xi32, #tpu.memory_space<hbm>>
    tpu.enqueue_dma source(%dma_start3A_10 : memref<2x128xi32, #tpu.memory_space<hbm>>) target(%arg9 : memref<2x128xi32, #tpu.memory_space<vmem>>) target_semaphore(%arg27 : memref<!tpu.dma_semaphore, #tpu.memory_space<semaphore_mem>>)
    %dma_start3A_11 = arith.constant 1 : i32
    %dma_start3A_12 = arith.constant 0 : i32
    %dma_start3A_13 = arith.constant 0 : i32
    %dma_start3A_14 = tpu.memref_slice %arg3[%arg1, %dma_start3A_11, %dma_start3A_12, %dma_start3A_13] : memref<16x160x2x128xi32, #tpu.memory_space<hbm>> -> memref<1x1x2x128xi32, #tpu.memory_space<hbm>>
    %dma_start3A_15 = tpu.memref_squeeze %dma_start3A_14 : memref<1x1x2x128xi32, #tpu.memory_space<hbm>> -> memref<2x128xi32, #tpu.memory_space<hbm>>
    %dma_start3A_16 = arith.constant 0 : i32
    %dma_start3A_17 = arith.constant 0 : i32
    %dma_start3A_18 = tpu.memref_slice %arg3[%arg1, %dma_start3A_11, %dma_start3A_16, %dma_start3A_17] : memref<16x160x2x128xi32, #tpu.memory_space<hbm>> -> memref<1x1x2x128xi32, #tpu.memory_space<hbm>>
    %dma_start3A_19 = tpu.memref_squeeze %dma_start3A_18 : memref<1x1x2x128xi32, #tpu.memory_space<hbm>> -> memref<2x128xi32, #tpu.memory_space<hbm>>
    tpu.enqueue_dma source(%dma_start3A_19 : memref<2x128xi32, #tpu.memory_space<hbm>>) target(%arg10 : memref<2x128xi32, #tpu.memory_space<vmem>>) target_semaphore(%arg28 : memref<!tpu.dma_semaphore, #tpu.memory_space<semaphore_mem>>)
    %dma_start3A_20 = arith.constant 2 : i32
    %dma_start3A_21 = arith.constant 0 : i32
    %dma_start3A_22 = arith.constant 0 : i32
    %dma_start3A_23 = tpu.memref_slice %arg3[%arg1, %dma_start3A_20, %dma_start3A_21, %dma_start3A_22] : memref<16x160x2x128xi32, #tpu.memory_space<hbm>> -> memref<1x1x2x128xi32, #tpu.memory_space<hbm>>
    %dma_start3A_24 = tpu.memref_squeeze %dma_start3A_23 : memref<1x1x2x128xi32, #tpu.memory_space<hbm>> -> memref<2x128xi32, #tpu.memory_space<hbm>>
    %dma_start3A_25 = arith.constant 0 : i32
    %dma_start3A_26 = arith.constant 0 : i32
    %dma_start3A_27 = tpu.memref_slice %arg3[%arg1, %dma_start3A_20, %dma_start3A_25, %dma_start3A_26] : memref<16x160x2x128xi32, #tpu.memory_space<hbm>> -> memref<1x1x2x128xi32, #tpu.memory_space<hbm>>
    %dma_start3A_28 = tpu.memref_squeeze %dma_start3A_27 : memref<1x1x2x128xi32, #tpu.memory_space<hbm>> -> memref<2x128xi32, #tpu.memory_space<hbm>>
    tpu.enqueue_dma source(%dma_start3A_28 : memref<2x128xi32, #tpu.memory_space<hbm>>) target(%arg11 : memref<2x128xi32, #tpu.memory_space<vmem>>) target_semaphore(%arg29 : memref<!tpu.dma_semaphore, #tpu.memory_space<semaphore_mem>>)
    %dma_start3A_29 = arith.constant 3 : i32
    %dma_start3A_30 = arith.constant 0 : i32
    %dma_start3A_31 = arith.constant 0 : i32
    %dma_start3A_32 = tpu.memref_slice %arg3[%arg1, %dma_start3A_29, %dma_start3A_30, %dma_start3A_31] : memref<16x160x2x128xi32, #tpu.memory_space<hbm>> -> memref<1x1x2x128xi32, #tpu.memory_space<hbm>>
    %dma_start3A_33 = tpu.memref_squeeze %dma_start3A_32 : memref<1x1x2x128xi32, #tpu.memory_space<hbm>> -> memref<2x128xi32, #tpu.memory_space<hbm>>
    %dma_start3A_34 = arith.constant 0 : i32
    %dma_start3A_35 = arith.constant 0 : i32
    %dma_start3A_36 = tpu.memref_slice %arg3[%arg1, %dma_start3A_29, %dma_start3A_34, %dma_start3A_35] : memref<16x160x2x128xi32, #tpu.memory_space<hbm>> -> memref<1x1x2x128xi32, #tpu.memory_space<hbm>>
    %dma_start3A_37 = tpu.memref_squeeze %dma_start3A_36 : memref<1x1x2x128xi32, #tpu.memory_space<hbm>> -> memref<2x128xi32, #tpu.memory_space<hbm>>
    tpu.enqueue_dma source(%dma_start3A_37 : memref<2x128xi32, #tpu.memory_space<hbm>>) target(%arg12 : memref<2x128xi32, #tpu.memory_space<vmem>>) target_semaphore(%arg30 : memref<!tpu.dma_semaphore, #tpu.memory_space<semaphore_mem>>)
    %dma_start3A_38 = arith.constant 4 : i32
    %dma_start3A_39 = arith.constant 0 : i32
    %dma_start3A_40 = arith.constant 0 : i32
    %dma_start3A_41 = tpu.memref_slice %arg3[%arg1, %dma_start3A_38, %dma_start3A_39, %dma_start3A_40] : memref<16x160x2x128xi32, #tpu.memory_space<hbm>> -> memref<1x1x2x128xi32, #tpu.memory_space<hbm>>
    %dma_start3A_42 = tpu.memref_squeeze %dma_start3A_41 : memref<1x1x2x128xi32, #tpu.memory_space<hbm>> -> memref<2x128xi32, #tpu.memory_space<hbm>>
    %dma_start3A_43 = arith.constant 0 : i32
    %dma_start3A_44 = arith.constant 0 : i32
    %dma_start3A_45 = tpu.memref_slice %arg3[%arg1, %dma_start3A_38, %dma_start3A_43, %dma_start3A_44] : memref<16x160x2x128xi32, #tpu.memory_space<hbm>> -> memref<1x1x2x128xi32, #tpu.memory_space<hbm>>
    %dma_start3A_46 = tpu.memref_squeeze %dma_start3A_45 : memref<1x1x2x128xi32, #tpu.memory_space<hbm>> -> memref<2x128xi32, #tpu.memory_space<hbm>>
    tpu.enqueue_dma source(%dma_start3A_46 : memref<2x128xi32, #tpu.memory_space<hbm>>) target(%arg13 : memref<2x128xi32, #tpu.memory_space<vmem>>) target_semaphore(%arg31 : memref<!tpu.dma_semaphore, #tpu.memory_space<semaphore_mem>>)
    %dma_start3A_47 = arith.constant 5 : i32
    %dma_start3A_48 = arith.constant 0 : i32
    %dma_start3A_49 = arith.constant 0 : i32
    %dma_start3A_50 = tpu.memref_slice %arg3[%arg1, %dma_start3A_47, %dma_start3A_48, %dma_start3A_49] : memref<16x160x2x128xi32, #tpu.memory_space<hbm>> -> memref<1x1x2x128xi32, #tpu.memory_space<hbm>>
    %dma_start3A_51 = tpu.memref_squeeze %dma_start3A_50 : memref<1x1x2x128xi32, #tpu.memory_space<hbm>> -> memref<2x128xi32, #tpu.memory_space<hbm>>
    %dma_start3A_52 = arith.constant 0 : i32
    %dma_start3A_53 = arith.constant 0 : i32
    %dma_start3A_54 = tpu.memref_slice %arg3[%arg1, %dma_start3A_47, %dma_start3A_52, %dma_start3A_53] : memref<16x160x2x128xi32, #tpu.memory_space<hbm>> -> memref<1x1x2x128xi32, #tpu.memory_space<hbm>>
    %dma_start3A_55 = tpu.memref_squeeze %dma_start3A_54 : memref<1x1x2x128xi32, #tpu.memory_space<hbm>> -> memref<2x128xi32, #tpu.memory_space<hbm>>
    tpu.enqueue_dma source(%dma_start3A_55 : memref<2x128xi32, #tpu.memory_space<hbm>>) target(%arg14 : memref<2x128xi32, #tpu.memory_space<vmem>>) target_semaphore(%arg32 : memref<!tpu.dma_semaphore, #tpu.memory_space<semaphore_mem>>)
    %dma_wait3A = arith.constant 0 : i32
    %dma_wait3A_56 = arith.constant 0 : i32
    %dma_wait3A_57 = arith.constant 0 : i32
    %dma_wait3A_58 = tpu.memref_slice %arg3[%arg1, %dma_wait3A, %dma_wait3A_56, %dma_wait3A_57] : memref<16x160x2x128xi32, #tpu.memory_space<hbm>> -> memref<1x1x2x128xi32, #tpu.memory_space<hbm>>
    %dma_wait3A_59 = tpu.memref_squeeze %dma_wait3A_58 : memref<1x1x2x128xi32, #tpu.memory_space<hbm>> -> memref<2x128xi32, #tpu.memory_space<hbm>>
    %dma_wait3A_60 = arith.constant 0 : i32
    %dma_wait3A_61 = arith.constant 0 : i32
    %dma_wait3A_62 = tpu.memref_slice %arg3[%arg1, %dma_wait3A, %dma_wait3A_60, %dma_wait3A_61] : memref<16x160x2x128xi32, #tpu.memory_space<hbm>> -> memref<1x1x2x128xi32, #tpu.memory_space<hbm>>
    %dma_wait3A_63 = tpu.memref_squeeze %dma_wait3A_62 : memref<1x1x2x128xi32, #tpu.memory_space<hbm>> -> memref<2x128xi32, #tpu.memory_space<hbm>>
    tpu.wait_dma2 semaphore(%arg27 : memref<!tpu.dma_semaphore, #tpu.memory_space<semaphore_mem>>) src(%dma_wait3A_63 : memref<2x128xi32, #tpu.memory_space<hbm>>) dst(%arg9 : memref<2x128xi32, #tpu.memory_space<vmem>>)
    %dma_start3A_64 = arith.constant 0 : i32
    %dma_start3A_65 = arith.constant 0 : i32
    %dma_start3A_66 = tpu.memref_slice %arg9[%dma_start3A_64, %dma_start3A_65] : memref<2x128xi32, #tpu.memory_space<vmem>> -> memref<1x128xi32, #tpu.memory_space<vmem>>
    %dma_start3A_67 = tpu.memref_squeeze %dma_start3A_66 : memref<1x128xi32, #tpu.memory_space<vmem>> -> memref<128xi32, #tpu.memory_space<vmem>>
    %dma_start3A_68 = arith.constant 0 : i32
    %dma_start3A_69 = arith.constant 0 : i32
    %dma_start3A_70 = tpu.memref_slice %arg2[%arg0, %dma_start3A_68, %dma_start3A_69] : memref<2x10000x64xf32, #tpu.memory_space<hbm>> -> memref<1x10000x64xf32, #tpu.memory_space<hbm>>
    %dma_start3A_71 = tpu.memref_squeeze %dma_start3A_70 : memref<1x10000x64xf32, #tpu.memory_space<hbm>> -> memref<10000x64xf32, #tpu.memory_space<hbm>>
    %dma_start3A_72 = arith.constant 0 : i32
    %dma_start3A_73 = arith.constant 0 : i32
    %dma_start3A_74 = tpu.memref_slice %dma_start3A_71[%dma_start3A_72, %dma_start3A_73] : memref<10000x64xf32, #tpu.memory_space<hbm>> -> memref<10000x64xf32, #tpu.memory_space<hbm>>
    tpu.enqueue_indirect_dma source(%dma_start3A_74 : memref<10000x64xf32, #tpu.memory_space<hbm>>) target(%arg17 : memref<128x64xf32, #tpu.memory_space<vmem>>) offsets(%dma_start3A_67 : memref<128xi32, #tpu.memory_space<vmem>>) semaphore(%arg35 : memref<!tpu.dma_semaphore, #tpu.memory_space<semaphore_mem>>)
    %dma_wait3A_75 = arith.constant 1 : i32
    %dma_wait3A_76 = arith.constant 0 : i32
    %dma_wait3A_77 = arith.constant 0 : i32
    %dma_wait3A_78 = tpu.memref_slice %arg3[%arg1, %dma_wait3A_75, %dma_wait3A_76, %dma_wait3A_77] : memref<16x160x2x128xi32, #tpu.memory_space<hbm>> -> memref<1x1x2x128xi32, #tpu.memory_space<hbm>>
    %dma_wait3A_79 = tpu.memref_squeeze %dma_wait3A_78 : memref<1x1x2x128xi32, #tpu.memory_space<hbm>> -> memref<2x128xi32, #tpu.memory_space<hbm>>
    %dma_wait3A_80 = arith.constant 0 : i32
    %dma_wait3A_81 = arith.constant 0 : i32
    %dma_wait3A_82 = tpu.memref_slice %arg3[%arg1, %dma_wait3A_75, %dma_wait3A_80, %dma_wait3A_81] : memref<16x160x2x128xi32, #tpu.memory_space<hbm>> -> memref<1x1x2x128xi32, #tpu.memory_space<hbm>>
    %dma_wait3A_83 = tpu.memref_squeeze %dma_wait3A_82 : memref<1x1x2x128xi32, #tpu.memory_space<hbm>> -> memref<2x128xi32, #tpu.memory_space<hbm>>
    tpu.wait_dma2 semaphore(%arg28 : memref<!tpu.dma_semaphore, #tpu.memory_space<semaphore_mem>>) src(%dma_wait3A_83 : memref<2x128xi32, #tpu.memory_space<hbm>>) dst(%arg10 : memref<2x128xi32, #tpu.memory_space<vmem>>)
    %dma_start3A_84 = arith.constant 0 : i32
    %dma_start3A_85 = arith.constant 0 : i32
    %dma_start3A_86 = tpu.memref_slice %arg10[%dma_start3A_84, %dma_start3A_85] : memref<2x128xi32, #tpu.memory_space<vmem>> -> memref<1x128xi32, #tpu.memory_space<vmem>>
    %dma_start3A_87 = tpu.memref_squeeze %dma_start3A_86 : memref<1x128xi32, #tpu.memory_space<vmem>> -> memref<128xi32, #tpu.memory_space<vmem>>
    %dma_start3A_88 = arith.constant 0 : i32
    %dma_start3A_89 = arith.constant 0 : i32
    %dma_start3A_90 = tpu.memref_slice %arg2[%arg0, %dma_start3A_88, %dma_start3A_89] : memref<2x10000x64xf32, #tpu.memory_space<hbm>> -> memref<1x10000x64xf32, #tpu.memory_space<hbm>>
    %dma_start3A_91 = tpu.memref_squeeze %dma_start3A_90 : memref<1x10000x64xf32, #tpu.memory_space<hbm>> -> memref<10000x64xf32, #tpu.memory_space<hbm>>
    %dma_start3A_92 = arith.constant 0 : i32
    %dma_start3A_93 = arith.constant 0 : i32
    %dma_start3A_94 = tpu.memref_slice %dma_start3A_91[%dma_start3A_92, %dma_start3A_93] : memref<10000x64xf32, #tpu.memory_space<hbm>> -> memref<10000x64xf32, #tpu.memory_space<hbm>>
    tpu.enqueue_indirect_dma source(%dma_start3A_94 : memref<10000x64xf32, #tpu.memory_space<hbm>>) target(%arg18 : memref<128x64xf32, #tpu.memory_space<vmem>>) offsets(%dma_start3A_87 : memref<128xi32, #tpu.memory_space<vmem>>) semaphore(%arg36 : memref<!tpu.dma_semaphore, #tpu.memory_space<semaphore_mem>>)
    %eq3A_95 = arith.constant 0 : i32
    %eq3A_96 = arith.cmpi eq, %arg0, %eq3A_95 : i32
    %convert_element_type3A_97 = arith.extui %eq3A_96 : i1 to i32
    %cond3A_98 = arith.constant 0 : i32
    %cond3A_99 = arith.cmpi ne, %convert_element_type3A_97, %cond3A_98 : i32
    scf.if %cond3A_99 {
      %dma_start3A_130 = arith.constant 0 : i32
      %dma_start3A_131 = arith.constant 0 : i32
      %dma_start3A_132 = arith.constant 0 : i32
      %dma_start3A_133 = tpu.memref_slice %arg4[%arg1, %dma_start3A_130, %dma_start3A_131, %dma_start3A_132] : memref<16x160x128x8xf32, #tpu.memory_space<hbm>> -> memref<1x1x128x8xf32, #tpu.memory_space<hbm>>
      %dma_start3A_134 = tpu.memref_squeeze %dma_start3A_133 : memref<1x1x128x8xf32, #tpu.memory_space<hbm>> -> memref<128x8xf32, #tpu.memory_space<hbm>>
      %dma_start3A_135 = arith.constant 0 : i32
      %dma_start3A_136 = arith.constant 0 : i32
      %dma_start3A_137 = tpu.memref_slice %arg4[%arg1, %dma_start3A_130, %dma_start3A_135, %dma_start3A_136] : memref<16x160x128x8xf32, #tpu.memory_space<hbm>> -> memref<1x1x128x8xf32, #tpu.memory_space<hbm>>
      %dma_start3A_138 = tpu.memref_squeeze %dma_start3A_137 : memref<1x1x128x8xf32, #tpu.memory_space<hbm>> -> memref<128x8xf32, #tpu.memory_space<hbm>>
      tpu.enqueue_dma source(%dma_start3A_138 : memref<128x8xf32, #tpu.memory_space<hbm>>) target(%arg21 : memref<128x8xf32, #tpu.memory_space<vmem>>) target_semaphore(%arg43 : memref<!tpu.dma_semaphore, #tpu.memory_space<semaphore_mem>>)
      %dma_start3A_139 = arith.constant 1 : i32
      %dma_start3A_140 = arith.constant 0 : i32
      %dma_start3A_141 = arith.constant 0 : i32
      %dma_start3A_142 = tpu.memref_slice %arg4[%arg1, %dma_start3A_139, %dma_start3A_140, %dma_start3A_141] : memref<16x160x128x8xf32, #tpu.memory_space<hbm>> -> memref<1x1x128x8xf32, #tpu.memory_space<hbm>>
      %dma_start3A_143 = tpu.memref_squeeze %dma_start3A_142 : memref<1x1x128x8xf32, #tpu.memory_space<hbm>> -> memref<128x8xf32, #tpu.memory_space<hbm>>
      %dma_start3A_144 = arith.constant 0 : i32
      %dma_start3A_145 = arith.constant 0 : i32
      %dma_start3A_146 = tpu.memref_slice %arg4[%arg1, %dma_start3A_139, %dma_start3A_144, %dma_start3A_145] : memref<16x160x128x8xf32, #tpu.memory_space<hbm>> -> memref<1x1x128x8xf32, #tpu.memory_space<hbm>>
      %dma_start3A_147 = tpu.memref_squeeze %dma_start3A_146 : memref<1x1x128x8xf32, #tpu.memory_space<hbm>> -> memref<128x8xf32, #tpu.memory_space<hbm>>
      tpu.enqueue_dma source(%dma_start3A_147 : memref<128x8xf32, #tpu.memory_space<hbm>>) target(%arg22 : memref<128x8xf32, #tpu.memory_space<vmem>>) target_semaphore(%arg44 : memref<!tpu.dma_semaphore, #tpu.memory_space<semaphore_mem>>)
    } else {
    }
    %scan3A = arith.constant 0 : i32
    %scan3A_100 = arith.constant 0 : i32
    %scan3A_101 = arith.constant 20 : i32
    %scan3A_102 = arith.addi %scan3A_100, %scan3A_101 : i32
    %scan3A_103 = arith.constant 1 : i32
    scf.for %scan3A_130 = %scan3A_100 to %scan3A_102 step %scan3A_103  : i32 {
      %mul3A_131 = arith.constant 8 : i32
      %mul3A_132 = arith.muli %scan3A_130, %mul3A_131 : i32
      %add3A = arith.constant 0 : i32
      %add3A_133 = arith.addi %mul3A_132, %add3A : i32
      %dma_wait3A_134 = arith.constant 0 : i32
      %dma_wait3A_135 = arith.constant 0 : i32
      %dma_wait3A_136 = tpu.memref_slice %arg9[%dma_wait3A_134, %dma_wait3A_135] : memref<2x128xi32, #tpu.memory_space<vmem>> -> memref<1x128xi32, #tpu.memory_space<vmem>>
      %dma_wait3A_137 = tpu.memref_squeeze %dma_wait3A_136 : memref<1x128xi32, #tpu.memory_space<vmem>> -> memref<128xi32, #tpu.memory_space<vmem>>
      %dma_wait3A_138 = arith.constant 0 : i32
      %dma_wait3A_139 = arith.constant 0 : i32
      %dma_wait3A_140 = tpu.memref_slice %arg2[%arg0, %dma_wait3A_138, %dma_wait3A_139] : memref<2x10000x64xf32, #tpu.memory_space<hbm>> -> memref<1x10000x64xf32, #tpu.memory_space<hbm>>
      %dma_wait3A_141 = tpu.memref_squeeze %dma_wait3A_140 : memref<1x10000x64xf32, #tpu.memory_space<hbm>> -> memref<10000x64xf32, #tpu.memory_space<hbm>>
      %dma_wait3A_142 = arith.constant 0 : i32
      %dma_wait3A_143 = arith.constant 0 : i32
      %dma_wait3A_144 = tpu.memref_slice %dma_wait3A_141[%dma_wait3A_142, %dma_wait3A_143] : memref<10000x64xf32, #tpu.memory_space<hbm>> -> memref<10000x64xf32, #tpu.memory_space<hbm>>
      tpu.wait_indirect_dma semaphore(%arg35 : memref<!tpu.dma_semaphore, #tpu.memory_space<semaphore_mem>>) src(%dma_wait3A_144 : memref<10000x64xf32, #tpu.memory_space<hbm>>) dst(%arg17 : memref<128x64xf32, #tpu.memory_space<vmem>>)
      %eq3A_145 = arith.constant 0 : i32
      %eq3A_146 = arith.cmpi eq, %arg0, %eq3A_145 : i32
      %convert_element_type3A_147 = arith.extui %eq3A_146 : i1 to i32
      %cond3A_148 = arith.constant 0 : i32
      %cond3A_149 = arith.cmpi ne, %convert_element_type3A_147, %cond3A_148 : i32
      scf.if %cond3A_149 {
        %ge3A_508 = arith.constant 1 : i32
        %ge3A_509 = arith.cmpi sge, %scan3A_130, %ge3A_508 : i32
        %convert_element_type3A_510 = arith.extui %ge3A_509 : i1 to i32
        %cond3A_511 = arith.constant 0 : i32
        %cond3A_512 = arith.cmpi ne, %convert_element_type3A_510, %cond3A_511 : i32
        scf.if %cond3A_512 {
          %dma_wait3A_535 = arith.constant 1 : i32
          %dma_wait3A_536 = arith.constant 0 : i32
          %dma_wait3A_537 = tpu.memref_slice %arg15[%dma_wait3A_535, %dma_wait3A_536] : memref<2x128xi32, #tpu.memory_space<vmem>> -> memref<1x128xi32, #tpu.memory_space<vmem>>
          %dma_wait3A_538 = tpu.memref_squeeze %dma_wait3A_537 : memref<1x128xi32, #tpu.memory_space<vmem>> -> memref<128xi32, #tpu.memory_space<vmem>>
          %dma_wait3A_539 = arith.constant 0 : i32
          %dma_wait3A_540 = arith.constant 0 : i32
          %dma_wait3A_541 = tpu.memref_slice %arg26[%dma_wait3A_539, %dma_wait3A_540] : memref<10016x8xf32, #tpu.memory_space<vmem_shared>> -> memref<10016x8xf32, #tpu.memory_space<vmem_shared>>
          tpu.wait_indirect_dma semaphore(%arg49 : memref<!tpu.dma_semaphore, #tpu.memory_space<semaphore_mem>>) src(%arg23 : memref<128x8xf32, #tpu.memory_space<vmem>>) dst(%dma_wait3A_541 : memref<10016x8xf32, #tpu.memory_space<vmem_shared>>)
        } else {
        }
        %add3A_513 = arith.constant 2 : i32
        %add3A_514 = arith.addi %add3A_133, %add3A_513 : i32
        %lt3A_515 = arith.constant 160 : i32
        %lt3A_516 = arith.cmpi slt, %add3A_514, %lt3A_515 : i32
        %convert_element_type3A_517 = arith.extui %lt3A_516 : i1 to i32
        %cond3A_518 = arith.constant 0 : i32
        %cond3A_519 = arith.cmpi ne, %convert_element_type3A_517, %cond3A_518 : i32
        scf.if %cond3A_519 {
          %add3A_535 = arith.constant 2 : i32
          %add3A_536 = arith.addi %add3A_133, %add3A_535 : i32
          %dma_start3A_537 = arith.constant 0 : i32
          %dma_start3A_538 = arith.constant 0 : i32
          %dma_start3A_539 = tpu.memref_slice %arg4[%arg1, %add3A_536, %dma_start3A_537, %dma_start3A_538] : memref<16x160x128x8xf32, #tpu.memory_space<hbm>> -> memref<1x1x128x8xf32, #tpu.memory_space<hbm>>
          %dma_start3A_540 = tpu.memref_squeeze %dma_start3A_539 : memref<1x1x128x8xf32, #tpu.memory_space<hbm>> -> memref<128x8xf32, #tpu.memory_space<hbm>>
          %dma_start3A_541 = arith.constant 0 : i32
          %dma_start3A_542 = arith.constant 0 : i32
          %dma_start3A_543 = tpu.memref_slice %arg4[%arg1, %add3A_536, %dma_start3A_541, %dma_start3A_542] : memref<16x160x128x8xf32, #tpu.memory_space<hbm>> -> memref<1x1x128x8xf32, #tpu.memory_space<hbm>>
          %dma_start3A_544 = tpu.memref_squeeze %dma_start3A_543 : memref<1x1x128x8xf32, #tpu.memory_space<hbm>> -> memref<128x8xf32, #tpu.memory_space<hbm>>
          tpu.enqueue_dma source(%dma_start3A_544 : memref<128x8xf32, #tpu.memory_space<hbm>>) target(%arg23 : memref<128x8xf32, #tpu.memory_space<vmem>>) target_semaphore(%arg45 : memref<!tpu.dma_semaphore, #tpu.memory_space<semaphore_mem>>)
        } else {
        }
        %dma_wait3A_520 = arith.constant 0 : i32
        %dma_wait3A_521 = arith.constant 0 : i32
        %dma_wait3A_522 = tpu.memref_slice %arg4[%arg1, %add3A_133, %dma_wait3A_520, %dma_wait3A_521] : memref<16x160x128x8xf32, #tpu.memory_space<hbm>> -> memref<1x1x128x8xf32, #tpu.memory_space<hbm>>
        %dma_wait3A_523 = tpu.memref_squeeze %dma_wait3A_522 : memref<1x1x128x8xf32, #tpu.memory_space<hbm>> -> memref<128x8xf32, #tpu.memory_space<hbm>>
        %dma_wait3A_524 = arith.constant 0 : i32
        %dma_wait3A_525 = arith.constant 0 : i32
        %dma_wait3A_526 = tpu.memref_slice %arg4[%arg1, %add3A_133, %dma_wait3A_524, %dma_wait3A_525] : memref<16x160x128x8xf32, #tpu.memory_space<hbm>> -> memref<1x1x128x8xf32, #tpu.memory_space<hbm>>
        %dma_wait3A_527 = tpu.memref_squeeze %dma_wait3A_526 : memref<1x1x128x8xf32, #tpu.memory_space<hbm>> -> memref<128x8xf32, #tpu.memory_space<hbm>>
        tpu.wait_dma2 semaphore(%arg43 : memref<!tpu.dma_semaphore, #tpu.memory_space<semaphore_mem>>) src(%dma_wait3A_527 : memref<128x8xf32, #tpu.memory_space<hbm>>) dst(%arg21 : memref<128x8xf32, #tpu.memory_space<vmem>>)
        %dma_start3A_528 = arith.constant 1 : i32
        %dma_start3A_529 = arith.constant 0 : i32
        %dma_start3A_530 = tpu.memref_slice %arg9[%dma_start3A_528, %dma_start3A_529] : memref<2x128xi32, #tpu.memory_space<vmem>> -> memref<1x128xi32, #tpu.memory_space<vmem>>
        %dma_start3A_531 = tpu.memref_squeeze %dma_start3A_530 : memref<1x128xi32, #tpu.memory_space<vmem>> -> memref<128xi32, #tpu.memory_space<vmem>>
        %dma_start3A_532 = arith.constant 0 : i32
        %dma_start3A_533 = arith.constant 0 : i32
        %dma_start3A_534 = tpu.memref_slice %arg26[%dma_start3A_532, %dma_start3A_533] : memref<10016x8xf32, #tpu.memory_space<vmem_shared>> -> memref<10016x8xf32, #tpu.memory_space<vmem_shared>>
        tpu.enqueue_indirect_dma source(%arg21 : memref<128x8xf32, #tpu.memory_space<vmem>>) target(%dma_start3A_534 : memref<10016x8xf32, #tpu.memory_space<vmem_shared>>) offsets(%dma_start3A_531 : memref<128xi32, #tpu.memory_space<vmem>>) semaphore(%arg47 : memref<!tpu.dma_semaphore, #tpu.memory_space<semaphore_mem>>) {add = true}
      } else {
      }
      %dma_start3A_150 = arith.constant 1 : i32
      %dma_start3A_151 = arith.constant 0 : i32
      %dma_start3A_152 = tpu.memref_slice %arg9[%dma_start3A_150, %dma_start3A_151] : memref<2x128xi32, #tpu.memory_space<vmem>> -> memref<1x128xi32, #tpu.memory_space<vmem>>
      %dma_start3A_153 = tpu.memref_squeeze %dma_start3A_152 : memref<1x128xi32, #tpu.memory_space<vmem>> -> memref<128xi32, #tpu.memory_space<vmem>>
      %dma_start3A_154 = arith.constant 0 : i32
      %dma_start3A_155 = arith.constant 0 : i32
      %dma_start3A_156 = tpu.memref_slice %arg25[%dma_start3A_154, %dma_start3A_155] : memref<10016x64xf32, #tpu.memory_space<vmem_shared>> -> memref<10016x64xf32, #tpu.memory_space<vmem_shared>>
      tpu.enqueue_indirect_dma source(%arg17 : memref<128x64xf32, #tpu.memory_space<vmem>>) target(%dma_start3A_156 : memref<10016x64xf32, #tpu.memory_space<vmem_shared>>) offsets(%dma_start3A_153 : memref<128xi32, #tpu.memory_space<vmem>>) semaphore(%arg39 : memref<!tpu.dma_semaphore, #tpu.memory_space<semaphore_mem>>) {add = true}
      %ge3A = arith.constant 1 : i32
      %ge3A_157 = arith.cmpi sge, %scan3A_130, %ge3A : i32
      %convert_element_type3A_158 = arith.extui %ge3A_157 : i1 to i32
      %cond3A_159 = arith.constant 0 : i32
      %cond3A_160 = arith.cmpi ne, %convert_element_type3A_158, %cond3A_159 : i32
      scf.if %cond3A_160 {
        %dma_wait3A_508 = arith.constant 1 : i32
        %dma_wait3A_509 = arith.constant 0 : i32
        %dma_wait3A_510 = tpu.memref_slice %arg15[%dma_wait3A_508, %dma_wait3A_509] : memref<2x128xi32, #tpu.memory_space<vmem>> -> memref<1x128xi32, #tpu.memory_space<vmem>>
        %dma_wait3A_511 = tpu.memref_squeeze %dma_wait3A_510 : memref<1x128xi32, #tpu.memory_space<vmem>> -> memref<128xi32, #tpu.memory_space<vmem>>
        %dma_wait3A_512 = arith.constant 0 : i32
        %dma_wait3A_513 = arith.constant 0 : i32
        %dma_wait3A_514 = tpu.memref_slice %arg25[%dma_wait3A_512, %dma_wait3A_513] : memref<10016x64xf32, #tpu.memory_space<vmem_shared>> -> memref<10016x64xf32, #tpu.memory_space<vmem_shared>>
        tpu.wait_indirect_dma semaphore(%arg41 : memref<!tpu.dma_semaphore, #tpu.memory_space<semaphore_mem>>) src(%arg19 : memref<128x64xf32, #tpu.memory_space<vmem>>) dst(%dma_wait3A_514 : memref<10016x64xf32, #tpu.memory_space<vmem_shared>>)
      } else {
      }
      %add3A_161 = arith.constant 6 : i32
      %add3A_162 = arith.addi %add3A_133, %add3A_161 : i32
      %lt3A = arith.constant 160 : i32
      %lt3A_163 = arith.cmpi slt, %add3A_162, %lt3A : i32
      %convert_element_type3A_164 = arith.extui %lt3A_163 : i1 to i32
      %cond3A_165 = arith.constant 0 : i32
      %cond3A_166 = arith.cmpi ne, %convert_element_type3A_164, %cond3A_165 : i32
      scf.if %cond3A_166 {
        %add3A_508 = arith.constant 6 : i32
        %add3A_509 = arith.addi %add3A_133, %add3A_508 : i32
        %dma_start3A_510 = arith.constant 0 : i32
        %dma_start3A_511 = arith.constant 0 : i32
        %dma_start3A_512 = tpu.memref_slice %arg3[%arg1, %add3A_509, %dma_start3A_510, %dma_start3A_511] : memref<16x160x2x128xi32, #tpu.memory_space<hbm>> -> memref<1x1x2x128xi32, #tpu.memory_space<hbm>>
        %dma_start3A_513 = tpu.memref_squeeze %dma_start3A_512 : memref<1x1x2x128xi32, #tpu.memory_space<hbm>> -> memref<2x128xi32, #tpu.memory_space<hbm>>
        %dma_start3A_514 = arith.constant 0 : i32
        %dma_start3A_515 = arith.constant 0 : i32
        %dma_start3A_516 = tpu.memref_slice %arg3[%arg1, %add3A_509, %dma_start3A_514, %dma_start3A_515] : memref<16x160x2x128xi32, #tpu.memory_space<hbm>> -> memref<1x1x2x128xi32, #tpu.memory_space<hbm>>
        %dma_start3A_517 = tpu.memref_squeeze %dma_start3A_516 : memref<1x1x2x128xi32, #tpu.memory_space<hbm>> -> memref<2x128xi32, #tpu.memory_space<hbm>>
        tpu.enqueue_dma source(%dma_start3A_517 : memref<2x128xi32, #tpu.memory_space<hbm>>) target(%arg15 : memref<2x128xi32, #tpu.memory_space<vmem>>) target_semaphore(%arg33 : memref<!tpu.dma_semaphore, #tpu.memory_space<semaphore_mem>>)
      } else {
      }
      %add3A_167 = arith.constant 2 : i32
      %add3A_168 = arith.addi %add3A_133, %add3A_167 : i32
      %lt3A_169 = arith.constant 160 : i32
      %lt3A_170 = arith.cmpi slt, %add3A_168, %lt3A_169 : i32
      %convert_element_type3A_171 = arith.extui %lt3A_170 : i1 to i32
      %cond3A_172 = arith.constant 0 : i32
      %cond3A_173 = arith.cmpi ne, %convert_element_type3A_171, %cond3A_172 : i32
      scf.if %cond3A_173 {
        %add3A_508 = arith.constant 2 : i32
        %add3A_509 = arith.addi %add3A_133, %add3A_508 : i32
        %dma_wait3A_510 = arith.constant 0 : i32
        %dma_wait3A_511 = arith.constant 0 : i32
        %dma_wait3A_512 = tpu.memref_slice %arg3[%arg1, %add3A_509, %dma_wait3A_510, %dma_wait3A_511] : memref<16x160x2x128xi32, #tpu.memory_space<hbm>> -> memref<1x1x2x128xi32, #tpu.memory_space<hbm>>
        %dma_wait3A_513 = tpu.memref_squeeze %dma_wait3A_512 : memref<1x1x2x128xi32, #tpu.memory_space<hbm>> -> memref<2x128xi32, #tpu.memory_space<hbm>>
        %dma_wait3A_514 = arith.constant 0 : i32
        %dma_wait3A_515 = arith.constant 0 : i32
        %dma_wait3A_516 = tpu.memref_slice %arg3[%arg1, %add3A_509, %dma_wait3A_514, %dma_wait3A_515] : memref<16x160x2x128xi32, #tpu.memory_space<hbm>> -> memref<1x1x2x128xi32, #tpu.memory_space<hbm>>
        %dma_wait3A_517 = tpu.memref_squeeze %dma_wait3A_516 : memref<1x1x2x128xi32, #tpu.memory_space<hbm>> -> memref<2x128xi32, #tpu.memory_space<hbm>>
        tpu.wait_dma2 semaphore(%arg29 : memref<!tpu.dma_semaphore, #tpu.memory_space<semaphore_mem>>) src(%dma_wait3A_517 : memref<2x128xi32, #tpu.memory_space<hbm>>) dst(%arg11 : memref<2x128xi32, #tpu.memory_space<vmem>>)
        %dma_start3A_518 = arith.constant 0 : i32
        %dma_start3A_519 = arith.constant 0 : i32
        %dma_start3A_520 = tpu.memref_slice %arg11[%dma_start3A_518, %dma_start3A_519] : memref<2x128xi32, #tpu.memory_space<vmem>> -> memref<1x128xi32, #tpu.memory_space<vmem>>
        %dma_start3A_521 = tpu.memref_squeeze %dma_start3A_520 : memref<1x128xi32, #tpu.memory_space<vmem>> -> memref<128xi32, #tpu.memory_space<vmem>>
        %dma_start3A_522 = arith.constant 0 : i32
        %dma_start3A_523 = arith.constant 0 : i32
        %dma_start3A_524 = tpu.memref_slice %arg2[%arg0, %dma_start3A_522, %dma_start3A_523] : memref<2x10000x64xf32, #tpu.memory_space<hbm>> -> memref<1x10000x64xf32, #tpu.memory_space<hbm>>
        %dma_start3A_525 = tpu.memref_squeeze %dma_start3A_524 : memref<1x10000x64xf32, #tpu.memory_space<hbm>> -> memref<10000x64xf32, #tpu.memory_space<hbm>>
        %dma_start3A_526 = arith.constant 0 : i32
        %dma_start3A_527 = arith.constant 0 : i32
        %dma_start3A_528 = tpu.memref_slice %dma_start3A_525[%dma_start3A_526, %dma_start3A_527] : memref<10000x64xf32, #tpu.memory_space<hbm>> -> memref<10000x64xf32, #tpu.memory_space<hbm>>
        tpu.enqueue_indirect_dma source(%dma_start3A_528 : memref<10000x64xf32, #tpu.memory_space<hbm>>) target(%arg19 : memref<128x64xf32, #tpu.memory_space<vmem>>) offsets(%dma_start3A_521 : memref<128xi32, #tpu.memory_space<vmem>>) semaphore(%arg37 : memref<!tpu.dma_semaphore, #tpu.memory_space<semaphore_mem>>)
      } else {
      }
      %mul3A_174 = arith.constant 8 : i32
      %mul3A_175 = arith.muli %scan3A_130, %mul3A_174 : i32
      %add3A_176 = arith.constant 1 : i32
      %add3A_177 = arith.addi %mul3A_175, %add3A_176 : i32
      %dma_wait3A_178 = arith.constant 0 : i32
      %dma_wait3A_179 = arith.constant 0 : i32
      %dma_wait3A_180 = tpu.memref_slice %arg10[%dma_wait3A_178, %dma_wait3A_179] : memref<2x128xi32, #tpu.memory_space<vmem>> -> memref<1x128xi32, #tpu.memory_space<vmem>>
      %dma_wait3A_181 = tpu.memref_squeeze %dma_wait3A_180 : memref<1x128xi32, #tpu.memory_space<vmem>> -> memref<128xi32, #tpu.memory_space<vmem>>
      %dma_wait3A_182 = arith.constant 0 : i32
      %dma_wait3A_183 = arith.constant 0 : i32
      %dma_wait3A_184 = tpu.memref_slice %arg2[%arg0, %dma_wait3A_182, %dma_wait3A_183] : memref<2x10000x64xf32, #tpu.memory_space<hbm>> -> memref<1x10000x64xf32, #tpu.memory_space<hbm>>
      %dma_wait3A_185 = tpu.memref_squeeze %dma_wait3A_184 : memref<1x10000x64xf32, #tpu.memory_space<hbm>> -> memref<10000x64xf32, #tpu.memory_space<hbm>>
      %dma_wait3A_186 = arith.constant 0 : i32
      %dma_wait3A_187 = arith.constant 0 : i32
      %dma_wait3A_188 = tpu.memref_slice %dma_wait3A_185[%dma_wait3A_186, %dma_wait3A_187] : memref<10000x64xf32, #tpu.memory_space<hbm>> -> memref<10000x64xf32, #tpu.memory_space<hbm>>
      tpu.wait_indirect_dma semaphore(%arg36 : memref<!tpu.dma_semaphore, #tpu.memory_space<semaphore_mem>>) src(%dma_wait3A_188 : memref<10000x64xf32, #tpu.memory_space<hbm>>) dst(%arg18 : memref<128x64xf32, #tpu.memory_space<vmem>>)
      %eq3A_189 = arith.constant 0 : i32
      %eq3A_190 = arith.cmpi eq, %arg0, %eq3A_189 : i32
      %convert_element_type3A_191 = arith.extui %eq3A_190 : i1 to i32
      %cond3A_192 = arith.constant 0 : i32
      %cond3A_193 = arith.cmpi ne, %convert_element_type3A_191, %cond3A_192 : i32
      scf.if %cond3A_193 {
        %ge3A_508 = arith.constant 1 : i32
        %ge3A_509 = arith.cmpi sge, %scan3A_130, %ge3A_508 : i32
        %convert_element_type3A_510 = arith.extui %ge3A_509 : i1 to i32
        %cond3A_511 = arith.constant 0 : i32
        %cond3A_512 = arith.cmpi ne, %convert_element_type3A_510, %cond3A_511 : i32
        scf.if %cond3A_512 {
          %dma_wait3A_535 = arith.constant 1 : i32
          %dma_wait3A_536 = arith.constant 0 : i32
          %dma_wait3A_537 = tpu.memref_slice %arg16[%dma_wait3A_535, %dma_wait3A_536] : memref<2x128xi32, #tpu.memory_space<vmem>> -> memref<1x128xi32, #tpu.memory_space<vmem>>
          %dma_wait3A_538 = tpu.memref_squeeze %dma_wait3A_537 : memref<1x128xi32, #tpu.memory_space<vmem>> -> memref<128xi32, #tpu.memory_space<vmem>>
          %dma_wait3A_539 = arith.constant 0 : i32
          %dma_wait3A_540 = arith.constant 0 : i32
          %dma_wait3A_541 = tpu.memref_slice %arg26[%dma_wait3A_539, %dma_wait3A_540] : memref<10016x8xf32, #tpu.memory_space<vmem_shared>> -> memref<10016x8xf32, #tpu.memory_space<vmem_shared>>
          tpu.wait_indirect_dma semaphore(%arg50 : memref<!tpu.dma_semaphore, #tpu.memory_space<semaphore_mem>>) src(%arg24 : memref<128x8xf32, #tpu.memory_space<vmem>>) dst(%dma_wait3A_541 : memref<10016x8xf32, #tpu.memory_space<vmem_shared>>)
        } else {
        }
        %add3A_513 = arith.constant 2 : i32
        %add3A_514 = arith.addi %add3A_177, %add3A_513 : i32
        %lt3A_515 = arith.constant 160 : i32
        %lt3A_516 = arith.cmpi slt, %add3A_514, %lt3A_515 : i32
        %convert_element_type3A_517 = arith.extui %lt3A_516 : i1 to i32
        %cond3A_518 = arith.constant 0 : i32
        %cond3A_519 = arith.cmpi ne, %convert_element_type3A_517, %cond3A_518 : i32
        scf.if %cond3A_519 {
          %add3A_535 = arith.constant 2 : i32
          %add3A_536 = arith.addi %add3A_177, %add3A_535 : i32
          %dma_start3A_537 = arith.constant 0 : i32
          %dma_start3A_538 = arith.constant 0 : i32
          %dma_start3A_539 = tpu.memref_slice %arg4[%arg1, %add3A_536, %dma_start3A_537, %dma_start3A_538] : memref<16x160x128x8xf32, #tpu.memory_space<hbm>> -> memref<1x1x128x8xf32, #tpu.memory_space<hbm>>
          %dma_start3A_540 = tpu.memref_squeeze %dma_start3A_539 : memref<1x1x128x8xf32, #tpu.memory_space<hbm>> -> memref<128x8xf32, #tpu.memory_space<hbm>>
          %dma_start3A_541 = arith.constant 0 : i32
          %dma_start3A_542 = arith.constant 0 : i32
          %dma_start3A_543 = tpu.memref_slice %arg4[%arg1, %add3A_536, %dma_start3A_541, %dma_start3A_542] : memref<16x160x128x8xf32, #tpu.memory_space<hbm>> -> memref<1x1x128x8xf32, #tpu.memory_space<hbm>>
          %dma_start3A_544 = tpu.memref_squeeze %dma_start3A_543 : memref<1x1x128x8xf32, #tpu.memory_space<hbm>> -> memref<128x8xf32, #tpu.memory_space<hbm>>
          tpu.enqueue_dma source(%dma_start3A_544 : memref<128x8xf32, #tpu.memory_space<hbm>>) target(%arg24 : memref<128x8xf32, #tpu.memory_space<vmem>>) target_semaphore(%arg46 : memref<!tpu.dma_semaphore, #tpu.memory_space<semaphore_mem>>)
        } else {
        }
        %dma_wait3A_520 = arith.constant 0 : i32
        %dma_wait3A_521 = arith.constant 0 : i32
        %dma_wait3A_522 = tpu.memref_slice %arg4[%arg1, %add3A_177, %dma_wait3A_520, %dma_wait3A_521] : memref<16x160x128x8xf32, #tpu.memory_space<hbm>> -> memref<1x1x128x8xf32, #tpu.memory_space<hbm>>
        %dma_wait3A_523 = tpu.memref_squeeze %dma_wait3A_522 : memref<1x1x128x8xf32, #tpu.memory_space<hbm>> -> memref<128x8xf32, #tpu.memory_space<hbm>>
        %dma_wait3A_524 = arith.constant 0 : i32
        %dma_wait3A_525 = arith.constant 0 : i32
        %dma_wait3A_526 = tpu.memref_slice %arg4[%arg1, %add3A_177, %dma_wait3A_524, %dma_wait3A_525] : memref<16x160x128x8xf32, #tpu.memory_space<hbm>> -> memref<1x1x128x8xf32, #tpu.memory_space<hbm>>
        %dma_wait3A_527 = tpu.memref_squeeze %dma_wait3A_526 : memref<1x1x128x8xf32, #tpu.memory_space<hbm>> -> memref<128x8xf32, #tpu.memory_space<hbm>>
        tpu.wait_dma2 semaphore(%arg44 : memref<!tpu.dma_semaphore, #tpu.memory_space<semaphore_mem>>) src(%dma_wait3A_527 : memref<128x8xf32, #tpu.memory_space<hbm>>) dst(%arg22 : memref<128x8xf32, #tpu.memory_space<vmem>>)
        %dma_start3A_528 = arith.constant 1 : i32
        %dma_start3A_529 = arith.constant 0 : i32
        %dma_start3A_530 = tpu.memref_slice %arg10[%dma_start3A_528, %dma_start3A_529] : memref<2x128xi32, #tpu.memory_space<vmem>> -> memref<1x128xi32, #tpu.memory_space<vmem>>
        %dma_start3A_531 = tpu.memref_squeeze %dma_start3A_530 : memref<1x128xi32, #tpu.memory_space<vmem>> -> memref<128xi32, #tpu.memory_space<vmem>>
        %dma_start3A_532 = arith.constant 0 : i32
        %dma_start3A_533 = arith.constant 0 : i32
        %dma_start3A_534 = tpu.memref_slice %arg26[%dma_start3A_532, %dma_start3A_533] : memref<10016x8xf32, #tpu.memory_space<vmem_shared>> -> memref<10016x8xf32, #tpu.memory_space<vmem_shared>>
        tpu.enqueue_indirect_dma source(%arg22 : memref<128x8xf32, #tpu.memory_space<vmem>>) target(%dma_start3A_534 : memref<10016x8xf32, #tpu.memory_space<vmem_shared>>) offsets(%dma_start3A_531 : memref<128xi32, #tpu.memory_space<vmem>>) semaphore(%arg48 : memref<!tpu.dma_semaphore, #tpu.memory_space<semaphore_mem>>) {add = true}
      } else {
      }
      %dma_start3A_194 = arith.constant 1 : i32
      %dma_start3A_195 = arith.constant 0 : i32
      %dma_start3A_196 = tpu.memref_slice %arg10[%dma_start3A_194, %dma_start3A_195] : memref<2x128xi32, #tpu.memory_space<vmem>> -> memref<1x128xi32, #tpu.memory_space<vmem>>
      %dma_start3A_197 = tpu.memref_squeeze %dma_start3A_196 : memref<1x128xi32, #tpu.memory_space<vmem>> -> memref<128xi32, #tpu.memory_space<vmem>>
      %dma_start3A_198 = arith.constant 0 : i32
      %dma_start3A_199 = arith.constant 0 : i32
      %dma_start3A_200 = tpu.memref_slice %arg25[%dma_start3A_198, %dma_start3A_199] : memref<10016x64xf32, #tpu.memory_space<vmem_shared>> -> memref<10016x64xf32, #tpu.memory_space<vmem_shared>>
      tpu.enqueue_indirect_dma source(%arg18 : memref<128x64xf32, #tpu.memory_space<vmem>>) target(%dma_start3A_200 : memref<10016x64xf32, #tpu.memory_space<vmem_shared>>) offsets(%dma_start3A_197 : memref<128xi32, #tpu.memory_space<vmem>>) semaphore(%arg40 : memref<!tpu.dma_semaphore, #tpu.memory_space<semaphore_mem>>) {add = true}
      %ge3A_201 = arith.constant 1 : i32
      %ge3A_202 = arith.cmpi sge, %scan3A_130, %ge3A_201 : i32
      %convert_element_type3A_203 = arith.extui %ge3A_202 : i1 to i32
      %cond3A_204 = arith.constant 0 : i32
      %cond3A_205 = arith.cmpi ne, %convert_element_type3A_203, %cond3A_204 : i32
      scf.if %cond3A_205 {
        %dma_wait3A_508 = arith.constant 1 : i32
        %dma_wait3A_509 = arith.constant 0 : i32
        %dma_wait3A_510 = tpu.memref_slice %arg16[%dma_wait3A_508, %dma_wait3A_509] : memref<2x128xi32, #tpu.memory_space<vmem>> -> memref<1x128xi32, #tpu.memory_space<vmem>>
        %dma_wait3A_511 = tpu.memref_squeeze %dma_wait3A_510 : memref<1x128xi32, #tpu.memory_space<vmem>> -> memref<128xi32, #tpu.memory_space<vmem>>
        %dma_wait3A_512 = arith.constant 0 : i32
        %dma_wait3A_513 = arith.constant 0 : i32
        %dma_wait3A_514 = tpu.memref_slice %arg25[%dma_wait3A_512, %dma_wait3A_513] : memref<10016x64xf32, #tpu.memory_space<vmem_shared>> -> memref<10016x64xf32, #tpu.memory_space<vmem_shared>>
        tpu.wait_indirect_dma semaphore(%arg42 : memref<!tpu.dma_semaphore, #tpu.memory_space<semaphore_mem>>) src(%arg20 : memref<128x64xf32, #tpu.memory_space<vmem>>) dst(%dma_wait3A_514 : memref<10016x64xf32, #tpu.memory_space<vmem_shared>>)
      } else {
      }
      %add3A_206 = arith.constant 6 : i32
      %add3A_207 = arith.addi %add3A_177, %add3A_206 : i32
      %lt3A_208 = arith.constant 160 : i32
      %lt3A_209 = arith.cmpi slt, %add3A_207, %lt3A_208 : i32
      %convert_element_type3A_210 = arith.extui %lt3A_209 : i1 to i32
      %cond3A_211 = arith.constant 0 : i32
      %cond3A_212 = arith.cmpi ne, %convert_element_type3A_210, %cond3A_211 : i32
      scf.if %cond3A_212 {
        %add3A_508 = arith.constant 6 : i32
        %add3A_509 = arith.addi %add3A_177, %add3A_508 : i32
        %dma_start3A_510 = arith.constant 0 : i32
        %dma_start3A_511 = arith.constant 0 : i32
        %dma_start3A_512 = tpu.memref_slice %arg3[%arg1, %add3A_509, %dma_start3A_510, %dma_start3A_511] : memref<16x160x2x128xi32, #tpu.memory_space<hbm>> -> memref<1x1x2x128xi32, #tpu.memory_space<hbm>>
        %dma_start3A_513 = tpu.memref_squeeze %dma_start3A_512 : memref<1x1x2x128xi32, #tpu.memory_space<hbm>> -> memref<2x128xi32, #tpu.memory_space<hbm>>
        %dma_start3A_514 = arith.constant 0 : i32
        %dma_start3A_515 = arith.constant 0 : i32
        %dma_start3A_516 = tpu.memref_slice %arg3[%arg1, %add3A_509, %dma_start3A_514, %dma_start3A_515] : memref<16x160x2x128xi32, #tpu.memory_space<hbm>> -> memref<1x1x2x128xi32, #tpu.memory_space<hbm>>
        %dma_start3A_517 = tpu.memref_squeeze %dma_start3A_516 : memref<1x1x2x128xi32, #tpu.memory_space<hbm>> -> memref<2x128xi32, #tpu.memory_space<hbm>>
        tpu.enqueue_dma source(%dma_start3A_517 : memref<2x128xi32, #tpu.memory_space<hbm>>) target(%arg16 : memref<2x128xi32, #tpu.memory_space<vmem>>) target_semaphore(%arg34 : memref<!tpu.dma_semaphore, #tpu.memory_space<semaphore_mem>>)
      } else {
      }
      %add3A_213 = arith.constant 2 : i32
      %add3A_214 = arith.addi %add3A_177, %add3A_213 : i32
      %lt3A_215 = arith.constant 160 : i32
      %lt3A_216 = arith.cmpi slt, %add3A_214, %lt3A_215 : i32
      %convert_element_type3A_217 = arith.extui %lt3A_216 : i1 to i32
      %cond3A_218 = arith.constant 0 : i32
      %cond3A_219 = arith.cmpi ne, %convert_element_type3A_217, %cond3A_218 : i32
      scf.if %cond3A_219 {
        %add3A_508 = arith.constant 2 : i32
        %add3A_509 = arith.addi %add3A_177, %add3A_508 : i32
        %dma_wait3A_510 = arith.constant 0 : i32
        %dma_wait3A_511 = arith.constant 0 : i32
        %dma_wait3A_512 = tpu.memref_slice %arg3[%arg1, %add3A_509, %dma_wait3A_510, %dma_wait3A_511] : memref<16x160x2x128xi32, #tpu.memory_space<hbm>> -> memref<1x1x2x128xi32, #tpu.memory_space<hbm>>
        %dma_wait3A_513 = tpu.memref_squeeze %dma_wait3A_512 : memref<1x1x2x128xi32, #tpu.memory_space<hbm>> -> memref<2x128xi32, #tpu.memory_space<hbm>>
        %dma_wait3A_514 = arith.constant 0 : i32
        %dma_wait3A_515 = arith.constant 0 : i32
        %dma_wait3A_516 = tpu.memref_slice %arg3[%arg1, %add3A_509, %dma_wait3A_514, %dma_wait3A_515] : memref<16x160x2x128xi32, #tpu.memory_space<hbm>> -> memref<1x1x2x128xi32, #tpu.memory_space<hbm>>
        %dma_wait3A_517 = tpu.memref_squeeze %dma_wait3A_516 : memref<1x1x2x128xi32, #tpu.memory_space<hbm>> -> memref<2x128xi32, #tpu.memory_space<hbm>>
        tpu.wait_dma2 semaphore(%arg30 : memref<!tpu.dma_semaphore, #tpu.memory_space<semaphore_mem>>) src(%dma_wait3A_517 : memref<2x128xi32, #tpu.memory_space<hbm>>) dst(%arg12 : memref<2x128xi32, #tpu.memory_space<vmem>>)
        %dma_start3A_518 = arith.constant 0 : i32
        %dma_start3A_519 = arith.constant 0 : i32
        %dma_start3A_520 = tpu.memref_slice %arg12[%dma_start3A_518, %dma_start3A_519] : memref<2x128xi32, #tpu.memory_space<vmem>> -> memref<1x128xi32, #tpu.memory_space<vmem>>
        %dma_start3A_521 = tpu.memref_squeeze %dma_start3A_520 : memref<1x128xi32, #tpu.memory_space<vmem>> -> memref<128xi32, #tpu.memory_space<vmem>>
        %dma_start3A_522 = arith.constant 0 : i32
        %dma_start3A_523 = arith.constant 0 : i32
        %dma_start3A_524 = tpu.memref_slice %arg2[%arg0, %dma_start3A_522, %dma_start3A_523] : memref<2x10000x64xf32, #tpu.memory_space<hbm>> -> memref<1x10000x64xf32, #tpu.memory_space<hbm>>
        %dma_start3A_525 = tpu.memref_squeeze %dma_start3A_524 : memref<1x10000x64xf32, #tpu.memory_space<hbm>> -> memref<10000x64xf32, #tpu.memory_space<hbm>>
        %dma_start3A_526 = arith.constant 0 : i32
        %dma_start3A_527 = arith.constant 0 : i32
        %dma_start3A_528 = tpu.memref_slice %dma_start3A_525[%dma_start3A_526, %dma_start3A_527] : memref<10000x64xf32, #tpu.memory_space<hbm>> -> memref<10000x64xf32, #tpu.memory_space<hbm>>
        tpu.enqueue_indirect_dma source(%dma_start3A_528 : memref<10000x64xf32, #tpu.memory_space<hbm>>) target(%arg20 : memref<128x64xf32, #tpu.memory_space<vmem>>) offsets(%dma_start3A_521 : memref<128xi32, #tpu.memory_space<vmem>>) semaphore(%arg38 : memref<!tpu.dma_semaphore, #tpu.memory_space<semaphore_mem>>)
      } else {
      }
      %mul3A_220 = arith.constant 8 : i32
      %mul3A_221 = arith.muli %scan3A_130, %mul3A_220 : i32
      %add3A_222 = arith.constant 2 : i32
      %add3A_223 = arith.addi %mul3A_221, %add3A_222 : i32
      %dma_wait3A_224 = arith.constant 0 : i32
      %dma_wait3A_225 = arith.constant 0 : i32
      %dma_wait3A_226 = tpu.memref_slice %arg11[%dma_wait3A_224, %dma_wait3A_225] : memref<2x128xi32, #tpu.memory_space<vmem>> -> memref<1x128xi32, #tpu.memory_space<vmem>>
      %dma_wait3A_227 = tpu.memref_squeeze %dma_wait3A_226 : memref<1x128xi32, #tpu.memory_space<vmem>> -> memref<128xi32, #tpu.memory_space<vmem>>
      %dma_wait3A_228 = arith.constant 0 : i32
      %dma_wait3A_229 = arith.constant 0 : i32
      %dma_wait3A_230 = tpu.memref_slice %arg2[%arg0, %dma_wait3A_228, %dma_wait3A_229] : memref<2x10000x64xf32, #tpu.memory_space<hbm>> -> memref<1x10000x64xf32, #tpu.memory_space<hbm>>
      %dma_wait3A_231 = tpu.memref_squeeze %dma_wait3A_230 : memref<1x10000x64xf32, #tpu.memory_space<hbm>> -> memref<10000x64xf32, #tpu.memory_space<hbm>>
      %dma_wait3A_232 = arith.constant 0 : i32
      %dma_wait3A_233 = arith.constant 0 : i32
      %dma_wait3A_234 = tpu.memref_slice %dma_wait3A_231[%dma_wait3A_232, %dma_wait3A_233] : memref<10000x64xf32, #tpu.memory_space<hbm>> -> memref<10000x64xf32, #tpu.memory_space<hbm>>
      tpu.wait_indirect_dma semaphore(%arg37 : memref<!tpu.dma_semaphore, #tpu.memory_space<semaphore_mem>>) src(%dma_wait3A_234 : memref<10000x64xf32, #tpu.memory_space<hbm>>) dst(%arg19 : memref<128x64xf32, #tpu.memory_space<vmem>>)
      %eq3A_235 = arith.constant 0 : i32
      %eq3A_236 = arith.cmpi eq, %arg0, %eq3A_235 : i32
      %convert_element_type3A_237 = arith.extui %eq3A_236 : i1 to i32
      %cond3A_238 = arith.constant 0 : i32
      %cond3A_239 = arith.cmpi ne, %convert_element_type3A_237, %cond3A_238 : i32
      scf.if %cond3A_239 {
        %dma_wait3A_508 = arith.constant 1 : i32
        %dma_wait3A_509 = arith.constant 0 : i32
        %dma_wait3A_510 = tpu.memref_slice %arg9[%dma_wait3A_508, %dma_wait3A_509] : memref<2x128xi32, #tpu.memory_space<vmem>> -> memref<1x128xi32, #tpu.memory_space<vmem>>
        %dma_wait3A_511 = tpu.memref_squeeze %dma_wait3A_510 : memref<1x128xi32, #tpu.memory_space<vmem>> -> memref<128xi32, #tpu.memory_space<vmem>>
        %dma_wait3A_512 = arith.constant 0 : i32
        %dma_wait3A_513 = arith.constant 0 : i32
        %dma_wait3A_514 = tpu.memref_slice %arg26[%dma_wait3A_512, %dma_wait3A_513] : memref<10016x8xf32, #tpu.memory_space<vmem_shared>> -> memref<10016x8xf32, #tpu.memory_space<vmem_shared>>
        tpu.wait_indirect_dma semaphore(%arg47 : memref<!tpu.dma_semaphore, #tpu.memory_space<semaphore_mem>>) src(%arg21 : memref<128x8xf32, #tpu.memory_space<vmem>>) dst(%dma_wait3A_514 : memref<10016x8xf32, #tpu.memory_space<vmem_shared>>)
        %add3A_515 = arith.constant 2 : i32
        %add3A_516 = arith.addi %add3A_223, %add3A_515 : i32
        %lt3A_517 = arith.constant 160 : i32
        %lt3A_518 = arith.cmpi slt, %add3A_516, %lt3A_517 : i32
        %convert_element_type3A_519 = arith.extui %lt3A_518 : i1 to i32
        %cond3A_520 = arith.constant 0 : i32
        %cond3A_521 = arith.cmpi ne, %convert_element_type3A_519, %cond3A_520 : i32
        scf.if %cond3A_521 {
          %add3A_537 = arith.constant 2 : i32
          %add3A_538 = arith.addi %add3A_223, %add3A_537 : i32
          %dma_start3A_539 = arith.constant 0 : i32
          %dma_start3A_540 = arith.constant 0 : i32
          %dma_start3A_541 = tpu.memref_slice %arg4[%arg1, %add3A_538, %dma_start3A_539, %dma_start3A_540] : memref<16x160x128x8xf32, #tpu.memory_space<hbm>> -> memref<1x1x128x8xf32, #tpu.memory_space<hbm>>
          %dma_start3A_542 = tpu.memref_squeeze %dma_start3A_541 : memref<1x1x128x8xf32, #tpu.memory_space<hbm>> -> memref<128x8xf32, #tpu.memory_space<hbm>>
          %dma_start3A_543 = arith.constant 0 : i32
          %dma_start3A_544 = arith.constant 0 : i32
          %dma_start3A_545 = tpu.memref_slice %arg4[%arg1, %add3A_538, %dma_start3A_543, %dma_start3A_544] : memref<16x160x128x8xf32, #tpu.memory_space<hbm>> -> memref<1x1x128x8xf32, #tpu.memory_space<hbm>>
          %dma_start3A_546 = tpu.memref_squeeze %dma_start3A_545 : memref<1x1x128x8xf32, #tpu.memory_space<hbm>> -> memref<128x8xf32, #tpu.memory_space<hbm>>
          tpu.enqueue_dma source(%dma_start3A_546 : memref<128x8xf32, #tpu.memory_space<hbm>>) target(%arg21 : memref<128x8xf32, #tpu.memory_space<vmem>>) target_semaphore(%arg43 : memref<!tpu.dma_semaphore, #tpu.memory_space<semaphore_mem>>)
        } else {
        }
        %dma_wait3A_522 = arith.constant 0 : i32
        %dma_wait3A_523 = arith.constant 0 : i32
        %dma_wait3A_524 = tpu.memref_slice %arg4[%arg1, %add3A_223, %dma_wait3A_522, %dma_wait3A_523] : memref<16x160x128x8xf32, #tpu.memory_space<hbm>> -> memref<1x1x128x8xf32, #tpu.memory_space<hbm>>
        %dma_wait3A_525 = tpu.memref_squeeze %dma_wait3A_524 : memref<1x1x128x8xf32, #tpu.memory_space<hbm>> -> memref<128x8xf32, #tpu.memory_space<hbm>>
        %dma_wait3A_526 = arith.constant 0 : i32
        %dma_wait3A_527 = arith.constant 0 : i32
        %dma_wait3A_528 = tpu.memref_slice %arg4[%arg1, %add3A_223, %dma_wait3A_526, %dma_wait3A_527] : memref<16x160x128x8xf32, #tpu.memory_space<hbm>> -> memref<1x1x128x8xf32, #tpu.memory_space<hbm>>
        %dma_wait3A_529 = tpu.memref_squeeze %dma_wait3A_528 : memref<1x1x128x8xf32, #tpu.memory_space<hbm>> -> memref<128x8xf32, #tpu.memory_space<hbm>>
        tpu.wait_dma2 semaphore(%arg45 : memref<!tpu.dma_semaphore, #tpu.memory_space<semaphore_mem>>) src(%dma_wait3A_529 : memref<128x8xf32, #tpu.memory_space<hbm>>) dst(%arg23 : memref<128x8xf32, #tpu.memory_space<vmem>>)
        %dma_start3A_530 = arith.constant 1 : i32
        %dma_start3A_531 = arith.constant 0 : i32
        %dma_start3A_532 = tpu.memref_slice %arg11[%dma_start3A_530, %dma_start3A_531] : memref<2x128xi32, #tpu.memory_space<vmem>> -> memref<1x128xi32, #tpu.memory_space<vmem>>
        %dma_start3A_533 = tpu.memref_squeeze %dma_start3A_532 : memref<1x128xi32, #tpu.memory_space<vmem>> -> memref<128xi32, #tpu.memory_space<vmem>>
        %dma_start3A_534 = arith.constant 0 : i32
        %dma_start3A_535 = arith.constant 0 : i32
        %dma_start3A_536 = tpu.memref_slice %arg26[%dma_start3A_534, %dma_start3A_535] : memref<10016x8xf32, #tpu.memory_space<vmem_shared>> -> memref<10016x8xf32, #tpu.memory_space<vmem_shared>>
        tpu.enqueue_indirect_dma source(%arg23 : memref<128x8xf32, #tpu.memory_space<vmem>>) target(%dma_start3A_536 : memref<10016x8xf32, #tpu.memory_space<vmem_shared>>) offsets(%dma_start3A_533 : memref<128xi32, #tpu.memory_space<vmem>>) semaphore(%arg49 : memref<!tpu.dma_semaphore, #tpu.memory_space<semaphore_mem>>) {add = true}
      } else {
      }
      %dma_start3A_240 = arith.constant 1 : i32
      %dma_start3A_241 = arith.constant 0 : i32
      %dma_start3A_242 = tpu.memref_slice %arg11[%dma_start3A_240, %dma_start3A_241] : memref<2x128xi32, #tpu.memory_space<vmem>> -> memref<1x128xi32, #tpu.memory_space<vmem>>
      %dma_start3A_243 = tpu.memref_squeeze %dma_start3A_242 : memref<1x128xi32, #tpu.memory_space<vmem>> -> memref<128xi32, #tpu.memory_space<vmem>>
      %dma_start3A_244 = arith.constant 0 : i32
      %dma_start3A_245 = arith.constant 0 : i32
      %dma_start3A_246 = tpu.memref_slice %arg25[%dma_start3A_244, %dma_start3A_245] : memref<10016x64xf32, #tpu.memory_space<vmem_shared>> -> memref<10016x64xf32, #tpu.memory_space<vmem_shared>>
      tpu.enqueue_indirect_dma source(%arg19 : memref<128x64xf32, #tpu.memory_space<vmem>>) target(%dma_start3A_246 : memref<10016x64xf32, #tpu.memory_space<vmem_shared>>) offsets(%dma_start3A_243 : memref<128xi32, #tpu.memory_space<vmem>>) semaphore(%arg41 : memref<!tpu.dma_semaphore, #tpu.memory_space<semaphore_mem>>) {add = true}
      %dma_wait3A_247 = arith.constant 1 : i32
      %dma_wait3A_248 = arith.constant 0 : i32
      %dma_wait3A_249 = tpu.memref_slice %arg9[%dma_wait3A_247, %dma_wait3A_248] : memref<2x128xi32, #tpu.memory_space<vmem>> -> memref<1x128xi32, #tpu.memory_space<vmem>>
      %dma_wait3A_250 = tpu.memref_squeeze %dma_wait3A_249 : memref<1x128xi32, #tpu.memory_space<vmem>> -> memref<128xi32, #tpu.memory_space<vmem>>
      %dma_wait3A_251 = arith.constant 0 : i32
      %dma_wait3A_252 = arith.constant 0 : i32
      %dma_wait3A_253 = tpu.memref_slice %arg25[%dma_wait3A_251, %dma_wait3A_252] : memref<10016x64xf32, #tpu.memory_space<vmem_shared>> -> memref<10016x64xf32, #tpu.memory_space<vmem_shared>>
      tpu.wait_indirect_dma semaphore(%arg39 : memref<!tpu.dma_semaphore, #tpu.memory_space<semaphore_mem>>) src(%arg17 : memref<128x64xf32, #tpu.memory_space<vmem>>) dst(%dma_wait3A_253 : memref<10016x64xf32, #tpu.memory_space<vmem_shared>>)
      %add3A_254 = arith.constant 6 : i32
      %add3A_255 = arith.addi %add3A_223, %add3A_254 : i32
      %lt3A_256 = arith.constant 160 : i32
      %lt3A_257 = arith.cmpi slt, %add3A_255, %lt3A_256 : i32
      %convert_element_type3A_258 = arith.extui %lt3A_257 : i1 to i32
      %cond3A_259 = arith.constant 0 : i32
      %cond3A_260 = arith.cmpi ne, %convert_element_type3A_258, %cond3A_259 : i32
      scf.if %cond3A_260 {
        %add3A_508 = arith.constant 6 : i32
        %add3A_509 = arith.addi %add3A_223, %add3A_508 : i32
        %dma_start3A_510 = arith.constant 0 : i32
        %dma_start3A_511 = arith.constant 0 : i32
        %dma_start3A_512 = tpu.memref_slice %arg3[%arg1, %add3A_509, %dma_start3A_510, %dma_start3A_511] : memref<16x160x2x128xi32, #tpu.memory_space<hbm>> -> memref<1x1x2x128xi32, #tpu.memory_space<hbm>>
        %dma_start3A_513 = tpu.memref_squeeze %dma_start3A_512 : memref<1x1x2x128xi32, #tpu.memory_space<hbm>> -> memref<2x128xi32, #tpu.memory_space<hbm>>
        %dma_start3A_514 = arith.constant 0 : i32
        %dma_start3A_515 = arith.constant 0 : i32
        %dma_start3A_516 = tpu.memref_slice %arg3[%arg1, %add3A_509, %dma_start3A_514, %dma_start3A_515] : memref<16x160x2x128xi32, #tpu.memory_space<hbm>> -> memref<1x1x2x128xi32, #tpu.memory_space<hbm>>
        %dma_start3A_517 = tpu.memref_squeeze %dma_start3A_516 : memref<1x1x2x128xi32, #tpu.memory_space<hbm>> -> memref<2x128xi32, #tpu.memory_space<hbm>>
        tpu.enqueue_dma source(%dma_start3A_517 : memref<2x128xi32, #tpu.memory_space<hbm>>) target(%arg9 : memref<2x128xi32, #tpu.memory_space<vmem>>) target_semaphore(%arg27 : memref<!tpu.dma_semaphore, #tpu.memory_space<semaphore_mem>>)
      } else {
      }
      %add3A_261 = arith.constant 2 : i32
      %add3A_262 = arith.addi %add3A_223, %add3A_261 : i32
      %lt3A_263 = arith.constant 160 : i32
      %lt3A_264 = arith.cmpi slt, %add3A_262, %lt3A_263 : i32
      %convert_element_type3A_265 = arith.extui %lt3A_264 : i1 to i32
      %cond3A_266 = arith.constant 0 : i32
      %cond3A_267 = arith.cmpi ne, %convert_element_type3A_265, %cond3A_266 : i32
      scf.if %cond3A_267 {
        %add3A_508 = arith.constant 2 : i32
        %add3A_509 = arith.addi %add3A_223, %add3A_508 : i32
        %dma_wait3A_510 = arith.constant 0 : i32
        %dma_wait3A_511 = arith.constant 0 : i32
        %dma_wait3A_512 = tpu.memref_slice %arg3[%arg1, %add3A_509, %dma_wait3A_510, %dma_wait3A_511] : memref<16x160x2x128xi32, #tpu.memory_space<hbm>> -> memref<1x1x2x128xi32, #tpu.memory_space<hbm>>
        %dma_wait3A_513 = tpu.memref_squeeze %dma_wait3A_512 : memref<1x1x2x128xi32, #tpu.memory_space<hbm>> -> memref<2x128xi32, #tpu.memory_space<hbm>>
        %dma_wait3A_514 = arith.constant 0 : i32
        %dma_wait3A_515 = arith.constant 0 : i32
        %dma_wait3A_516 = tpu.memref_slice %arg3[%arg1, %add3A_509, %dma_wait3A_514, %dma_wait3A_515] : memref<16x160x2x128xi32, #tpu.memory_space<hbm>> -> memref<1x1x2x128xi32, #tpu.memory_space<hbm>>
        %dma_wait3A_517 = tpu.memref_squeeze %dma_wait3A_516 : memref<1x1x2x128xi32, #tpu.memory_space<hbm>> -> memref<2x128xi32, #tpu.memory_space<hbm>>
        tpu.wait_dma2 semaphore(%arg31 : memref<!tpu.dma_semaphore, #tpu.memory_space<semaphore_mem>>) src(%dma_wait3A_517 : memref<2x128xi32, #tpu.memory_space<hbm>>) dst(%arg13 : memref<2x128xi32, #tpu.memory_space<vmem>>)
        %dma_start3A_518 = arith.constant 0 : i32
        %dma_start3A_519 = arith.constant 0 : i32
        %dma_start3A_520 = tpu.memref_slice %arg13[%dma_start3A_518, %dma_start3A_519] : memref<2x128xi32, #tpu.memory_space<vmem>> -> memref<1x128xi32, #tpu.memory_space<vmem>>
        %dma_start3A_521 = tpu.memref_squeeze %dma_start3A_520 : memref<1x128xi32, #tpu.memory_space<vmem>> -> memref<128xi32, #tpu.memory_space<vmem>>
        %dma_start3A_522 = arith.constant 0 : i32
        %dma_start3A_523 = arith.constant 0 : i32
        %dma_start3A_524 = tpu.memref_slice %arg2[%arg0, %dma_start3A_522, %dma_start3A_523] : memref<2x10000x64xf32, #tpu.memory_space<hbm>> -> memref<1x10000x64xf32, #tpu.memory_space<hbm>>
        %dma_start3A_525 = tpu.memref_squeeze %dma_start3A_524 : memref<1x10000x64xf32, #tpu.memory_space<hbm>> -> memref<10000x64xf32, #tpu.memory_space<hbm>>
        %dma_start3A_526 = arith.constant 0 : i32
        %dma_start3A_527 = arith.constant 0 : i32
        %dma_start3A_528 = tpu.memref_slice %dma_start3A_525[%dma_start3A_526, %dma_start3A_527] : memref<10000x64xf32, #tpu.memory_space<hbm>> -> memref<10000x64xf32, #tpu.memory_space<hbm>>
        tpu.enqueue_indirect_dma source(%dma_start3A_528 : memref<10000x64xf32, #tpu.memory_space<hbm>>) target(%arg17 : memref<128x64xf32, #tpu.memory_space<vmem>>) offsets(%dma_start3A_521 : memref<128xi32, #tpu.memory_space<vmem>>) semaphore(%arg35 : memref<!tpu.dma_semaphore, #tpu.memory_space<semaphore_mem>>)
      } else {
      }
      %mul3A_268 = arith.constant 8 : i32
      %mul3A_269 = arith.muli %scan3A_130, %mul3A_268 : i32
      %add3A_270 = arith.constant 3 : i32
      %add3A_271 = arith.addi %mul3A_269, %add3A_270 : i32
      %dma_wait3A_272 = arith.constant 0 : i32
      %dma_wait3A_273 = arith.constant 0 : i32
      %dma_wait3A_274 = tpu.memref_slice %arg12[%dma_wait3A_272, %dma_wait3A_273] : memref<2x128xi32, #tpu.memory_space<vmem>> -> memref<1x128xi32, #tpu.memory_space<vmem>>
      %dma_wait3A_275 = tpu.memref_squeeze %dma_wait3A_274 : memref<1x128xi32, #tpu.memory_space<vmem>> -> memref<128xi32, #tpu.memory_space<vmem>>
      %dma_wait3A_276 = arith.constant 0 : i32
      %dma_wait3A_277 = arith.constant 0 : i32
      %dma_wait3A_278 = tpu.memref_slice %arg2[%arg0, %dma_wait3A_276, %dma_wait3A_277] : memref<2x10000x64xf32, #tpu.memory_space<hbm>> -> memref<1x10000x64xf32, #tpu.memory_space<hbm>>
      %dma_wait3A_279 = tpu.memref_squeeze %dma_wait3A_278 : memref<1x10000x64xf32, #tpu.memory_space<hbm>> -> memref<10000x64xf32, #tpu.memory_space<hbm>>
      %dma_wait3A_280 = arith.constant 0 : i32
      %dma_wait3A_281 = arith.constant 0 : i32
      %dma_wait3A_282 = tpu.memref_slice %dma_wait3A_279[%dma_wait3A_280, %dma_wait3A_281] : memref<10000x64xf32, #tpu.memory_space<hbm>> -> memref<10000x64xf32, #tpu.memory_space<hbm>>
      tpu.wait_indirect_dma semaphore(%arg38 : memref<!tpu.dma_semaphore, #tpu.memory_space<semaphore_mem>>) src(%dma_wait3A_282 : memref<10000x64xf32, #tpu.memory_space<hbm>>) dst(%arg20 : memref<128x64xf32, #tpu.memory_space<vmem>>)
      %eq3A_283 = arith.constant 0 : i32
      %eq3A_284 = arith.cmpi eq, %arg0, %eq3A_283 : i32
      %convert_element_type3A_285 = arith.extui %eq3A_284 : i1 to i32
      %cond3A_286 = arith.constant 0 : i32
      %cond3A_287 = arith.cmpi ne, %convert_element_type3A_285, %cond3A_286 : i32
      scf.if %cond3A_287 {
        %dma_wait3A_508 = arith.constant 1 : i32
        %dma_wait3A_509 = arith.constant 0 : i32
        %dma_wait3A_510 = tpu.memref_slice %arg10[%dma_wait3A_508, %dma_wait3A_509] : memref<2x128xi32, #tpu.memory_space<vmem>> -> memref<1x128xi32, #tpu.memory_space<vmem>>
        %dma_wait3A_511 = tpu.memref_squeeze %dma_wait3A_510 : memref<1x128xi32, #tpu.memory_space<vmem>> -> memref<128xi32, #tpu.memory_space<vmem>>
        %dma_wait3A_512 = arith.constant 0 : i32
        %dma_wait3A_513 = arith.constant 0 : i32
        %dma_wait3A_514 = tpu.memref_slice %arg26[%dma_wait3A_512, %dma_wait3A_513] : memref<10016x8xf32, #tpu.memory_space<vmem_shared>> -> memref<10016x8xf32, #tpu.memory_space<vmem_shared>>
        tpu.wait_indirect_dma semaphore(%arg48 : memref<!tpu.dma_semaphore, #tpu.memory_space<semaphore_mem>>) src(%arg22 : memref<128x8xf32, #tpu.memory_space<vmem>>) dst(%dma_wait3A_514 : memref<10016x8xf32, #tpu.memory_space<vmem_shared>>)
        %add3A_515 = arith.constant 2 : i32
        %add3A_516 = arith.addi %add3A_271, %add3A_515 : i32
        %lt3A_517 = arith.constant 160 : i32
        %lt3A_518 = arith.cmpi slt, %add3A_516, %lt3A_517 : i32
        %convert_element_type3A_519 = arith.extui %lt3A_518 : i1 to i32
        %cond3A_520 = arith.constant 0 : i32
        %cond3A_521 = arith.cmpi ne, %convert_element_type3A_519, %cond3A_520 : i32
        scf.if %cond3A_521 {
          %add3A_537 = arith.constant 2 : i32
          %add3A_538 = arith.addi %add3A_271, %add3A_537 : i32
          %dma_start3A_539 = arith.constant 0 : i32
          %dma_start3A_540 = arith.constant 0 : i32
          %dma_start3A_541 = tpu.memref_slice %arg4[%arg1, %add3A_538, %dma_start3A_539, %dma_start3A_540] : memref<16x160x128x8xf32, #tpu.memory_space<hbm>> -> memref<1x1x128x8xf32, #tpu.memory_space<hbm>>
          %dma_start3A_542 = tpu.memref_squeeze %dma_start3A_541 : memref<1x1x128x8xf32, #tpu.memory_space<hbm>> -> memref<128x8xf32, #tpu.memory_space<hbm>>
          %dma_start3A_543 = arith.constant 0 : i32
          %dma_start3A_544 = arith.constant 0 : i32
          %dma_start3A_545 = tpu.memref_slice %arg4[%arg1, %add3A_538, %dma_start3A_543, %dma_start3A_544] : memref<16x160x128x8xf32, #tpu.memory_space<hbm>> -> memref<1x1x128x8xf32, #tpu.memory_space<hbm>>
          %dma_start3A_546 = tpu.memref_squeeze %dma_start3A_545 : memref<1x1x128x8xf32, #tpu.memory_space<hbm>> -> memref<128x8xf32, #tpu.memory_space<hbm>>
          tpu.enqueue_dma source(%dma_start3A_546 : memref<128x8xf32, #tpu.memory_space<hbm>>) target(%arg22 : memref<128x8xf32, #tpu.memory_space<vmem>>) target_semaphore(%arg44 : memref<!tpu.dma_semaphore, #tpu.memory_space<semaphore_mem>>)
        } else {
        }
        %dma_wait3A_522 = arith.constant 0 : i32
        %dma_wait3A_523 = arith.constant 0 : i32
        %dma_wait3A_524 = tpu.memref_slice %arg4[%arg1, %add3A_271, %dma_wait3A_522, %dma_wait3A_523] : memref<16x160x128x8xf32, #tpu.memory_space<hbm>> -> memref<1x1x128x8xf32, #tpu.memory_space<hbm>>
        %dma_wait3A_525 = tpu.memref_squeeze %dma_wait3A_524 : memref<1x1x128x8xf32, #tpu.memory_space<hbm>> -> memref<128x8xf32, #tpu.memory_space<hbm>>
        %dma_wait3A_526 = arith.constant 0 : i32
        %dma_wait3A_527 = arith.constant 0 : i32
        %dma_wait3A_528 = tpu.memref_slice %arg4[%arg1, %add3A_271, %dma_wait3A_526, %dma_wait3A_527] : memref<16x160x128x8xf32, #tpu.memory_space<hbm>> -> memref<1x1x128x8xf32, #tpu.memory_space<hbm>>
        %dma_wait3A_529 = tpu.memref_squeeze %dma_wait3A_528 : memref<1x1x128x8xf32, #tpu.memory_space<hbm>> -> memref<128x8xf32, #tpu.memory_space<hbm>>
        tpu.wait_dma2 semaphore(%arg46 : memref<!tpu.dma_semaphore, #tpu.memory_space<semaphore_mem>>) src(%dma_wait3A_529 : memref<128x8xf32, #tpu.memory_space<hbm>>) dst(%arg24 : memref<128x8xf32, #tpu.memory_space<vmem>>)
        %dma_start3A_530 = arith.constant 1 : i32
        %dma_start3A_531 = arith.constant 0 : i32
        %dma_start3A_532 = tpu.memref_slice %arg12[%dma_start3A_530, %dma_start3A_531] : memref<2x128xi32, #tpu.memory_space<vmem>> -> memref<1x128xi32, #tpu.memory_space<vmem>>
        %dma_start3A_533 = tpu.memref_squeeze %dma_start3A_532 : memref<1x128xi32, #tpu.memory_space<vmem>> -> memref<128xi32, #tpu.memory_space<vmem>>
        %dma_start3A_534 = arith.constant 0 : i32
        %dma_start3A_535 = arith.constant 0 : i32
        %dma_start3A_536 = tpu.memref_slice %arg26[%dma_start3A_534, %dma_start3A_535] : memref<10016x8xf32, #tpu.memory_space<vmem_shared>> -> memref<10016x8xf32, #tpu.memory_space<vmem_shared>>
        tpu.enqueue_indirect_dma source(%arg24 : memref<128x8xf32, #tpu.memory_space<vmem>>) target(%dma_start3A_536 : memref<10016x8xf32, #tpu.memory_space<vmem_shared>>) offsets(%dma_start3A_533 : memref<128xi32, #tpu.memory_space<vmem>>) semaphore(%arg50 : memref<!tpu.dma_semaphore, #tpu.memory_space<semaphore_mem>>) {add = true}
      } else {
      }
      %dma_start3A_288 = arith.constant 1 : i32
      %dma_start3A_289 = arith.constant 0 : i32
      %dma_start3A_290 = tpu.memref_slice %arg12[%dma_start3A_288, %dma_start3A_289] : memref<2x128xi32, #tpu.memory_space<vmem>> -> memref<1x128xi32, #tpu.memory_space<vmem>>
      %dma_start3A_291 = tpu.memref_squeeze %dma_start3A_290 : memref<1x128xi32, #tpu.memory_space<vmem>> -> memref<128xi32, #tpu.memory_space<vmem>>
      %dma_start3A_292 = arith.constant 0 : i32
      %dma_start3A_293 = arith.constant 0 : i32
      %dma_start3A_294 = tpu.memref_slice %arg25[%dma_start3A_292, %dma_start3A_293] : memref<10016x64xf32, #tpu.memory_space<vmem_shared>> -> memref<10016x64xf32, #tpu.memory_space<vmem_shared>>
      tpu.enqueue_indirect_dma source(%arg20 : memref<128x64xf32, #tpu.memory_space<vmem>>) target(%dma_start3A_294 : memref<10016x64xf32, #tpu.memory_space<vmem_shared>>) offsets(%dma_start3A_291 : memref<128xi32, #tpu.memory_space<vmem>>) semaphore(%arg42 : memref<!tpu.dma_semaphore, #tpu.memory_space<semaphore_mem>>) {add = true}
      %dma_wait3A_295 = arith.constant 1 : i32
      %dma_wait3A_296 = arith.constant 0 : i32
      %dma_wait3A_297 = tpu.memref_slice %arg10[%dma_wait3A_295, %dma_wait3A_296] : memref<2x128xi32, #tpu.memory_space<vmem>> -> memref<1x128xi32, #tpu.memory_space<vmem>>
      %dma_wait3A_298 = tpu.memref_squeeze %dma_wait3A_297 : memref<1x128xi32, #tpu.memory_space<vmem>> -> memref<128xi32, #tpu.memory_space<vmem>>
      %dma_wait3A_299 = arith.constant 0 : i32
      %dma_wait3A_300 = arith.constant 0 : i32
      %dma_wait3A_301 = tpu.memref_slice %arg25[%dma_wait3A_299, %dma_wait3A_300] : memref<10016x64xf32, #tpu.memory_space<vmem_shared>> -> memref<10016x64xf32, #tpu.memory_space<vmem_shared>>
      tpu.wait_indirect_dma semaphore(%arg40 : memref<!tpu.dma_semaphore, #tpu.memory_space<semaphore_mem>>) src(%arg18 : memref<128x64xf32, #tpu.memory_space<vmem>>) dst(%dma_wait3A_301 : memref<10016x64xf32, #tpu.memory_space<vmem_shared>>)
      %add3A_302 = arith.constant 6 : i32
      %add3A_303 = arith.addi %add3A_271, %add3A_302 : i32
      %lt3A_304 = arith.constant 160 : i32
      %lt3A_305 = arith.cmpi slt, %add3A_303, %lt3A_304 : i32
      %convert_element_type3A_306 = arith.extui %lt3A_305 : i1 to i32
      %cond3A_307 = arith.constant 0 : i32
      %cond3A_308 = arith.cmpi ne, %convert_element_type3A_306, %cond3A_307 : i32
      scf.if %cond3A_308 {
        %add3A_508 = arith.constant 6 : i32
        %add3A_509 = arith.addi %add3A_271, %add3A_508 : i32
        %dma_start3A_510 = arith.constant 0 : i32
        %dma_start3A_511 = arith.constant 0 : i32
        %dma_start3A_512 = tpu.memref_slice %arg3[%arg1, %add3A_509, %dma_start3A_510, %dma_start3A_511] : memref<16x160x2x128xi32, #tpu.memory_space<hbm>> -> memref<1x1x2x128xi32, #tpu.memory_space<hbm>>
        %dma_start3A_513 = tpu.memref_squeeze %dma_start3A_512 : memref<1x1x2x128xi32, #tpu.memory_space<hbm>> -> memref<2x128xi32, #tpu.memory_space<hbm>>
        %dma_start3A_514 = arith.constant 0 : i32
        %dma_start3A_515 = arith.constant 0 : i32
        %dma_start3A_516 = tpu.memref_slice %arg3[%arg1, %add3A_509, %dma_start3A_514, %dma_start3A_515] : memref<16x160x2x128xi32, #tpu.memory_space<hbm>> -> memref<1x1x2x128xi32, #tpu.memory_space<hbm>>
        %dma_start3A_517 = tpu.memref_squeeze %dma_start3A_516 : memref<1x1x2x128xi32, #tpu.memory_space<hbm>> -> memref<2x128xi32, #tpu.memory_space<hbm>>
        tpu.enqueue_dma source(%dma_start3A_517 : memref<2x128xi32, #tpu.memory_space<hbm>>) target(%arg10 : memref<2x128xi32, #tpu.memory_space<vmem>>) target_semaphore(%arg28 : memref<!tpu.dma_semaphore, #tpu.memory_space<semaphore_mem>>)
      } else {
      }
      %add3A_309 = arith.constant 2 : i32
      %add3A_310 = arith.addi %add3A_271, %add3A_309 : i32
      %lt3A_311 = arith.constant 160 : i32
      %lt3A_312 = arith.cmpi slt, %add3A_310, %lt3A_311 : i32
      %convert_element_type3A_313 = arith.extui %lt3A_312 : i1 to i32
      %cond3A_314 = arith.constant 0 : i32
      %cond3A_315 = arith.cmpi ne, %convert_element_type3A_313, %cond3A_314 : i32
      scf.if %cond3A_315 {
        %add3A_508 = arith.constant 2 : i32
        %add3A_509 = arith.addi %add3A_271, %add3A_508 : i32
        %dma_wait3A_510 = arith.constant 0 : i32
        %dma_wait3A_511 = arith.constant 0 : i32
        %dma_wait3A_512 = tpu.memref_slice %arg3[%arg1, %add3A_509, %dma_wait3A_510, %dma_wait3A_511] : memref<16x160x2x128xi32, #tpu.memory_space<hbm>> -> memref<1x1x2x128xi32, #tpu.memory_space<hbm>>
        %dma_wait3A_513 = tpu.memref_squeeze %dma_wait3A_512 : memref<1x1x2x128xi32, #tpu.memory_space<hbm>> -> memref<2x128xi32, #tpu.memory_space<hbm>>
        %dma_wait3A_514 = arith.constant 0 : i32
        %dma_wait3A_515 = arith.constant 0 : i32
        %dma_wait3A_516 = tpu.memref_slice %arg3[%arg1, %add3A_509, %dma_wait3A_514, %dma_wait3A_515] : memref<16x160x2x128xi32, #tpu.memory_space<hbm>> -> memref<1x1x2x128xi32, #tpu.memory_space<hbm>>
        %dma_wait3A_517 = tpu.memref_squeeze %dma_wait3A_516 : memref<1x1x2x128xi32, #tpu.memory_space<hbm>> -> memref<2x128xi32, #tpu.memory_space<hbm>>
        tpu.wait_dma2 semaphore(%arg32 : memref<!tpu.dma_semaphore, #tpu.memory_space<semaphore_mem>>) src(%dma_wait3A_517 : memref<2x128xi32, #tpu.memory_space<hbm>>) dst(%arg14 : memref<2x128xi32, #tpu.memory_space<vmem>>)
        %dma_start3A_518 = arith.constant 0 : i32
        %dma_start3A_519 = arith.constant 0 : i32
        %dma_start3A_520 = tpu.memref_slice %arg14[%dma_start3A_518, %dma_start3A_519] : memref<2x128xi32, #tpu.memory_space<vmem>> -> memref<1x128xi32, #tpu.memory_space<vmem>>
        %dma_start3A_521 = tpu.memref_squeeze %dma_start3A_520 : memref<1x128xi32, #tpu.memory_space<vmem>> -> memref<128xi32, #tpu.memory_space<vmem>>
        %dma_start3A_522 = arith.constant 0 : i32
        %dma_start3A_523 = arith.constant 0 : i32
        %dma_start3A_524 = tpu.memref_slice %arg2[%arg0, %dma_start3A_522, %dma_start3A_523] : memref<2x10000x64xf32, #tpu.memory_space<hbm>> -> memref<1x10000x64xf32, #tpu.memory_space<hbm>>
        %dma_start3A_525 = tpu.memref_squeeze %dma_start3A_524 : memref<1x10000x64xf32, #tpu.memory_space<hbm>> -> memref<10000x64xf32, #tpu.memory_space<hbm>>
        %dma_start3A_526 = arith.constant 0 : i32
        %dma_start3A_527 = arith.constant 0 : i32
        %dma_start3A_528 = tpu.memref_slice %dma_start3A_525[%dma_start3A_526, %dma_start3A_527] : memref<10000x64xf32, #tpu.memory_space<hbm>> -> memref<10000x64xf32, #tpu.memory_space<hbm>>
        tpu.enqueue_indirect_dma source(%dma_start3A_528 : memref<10000x64xf32, #tpu.memory_space<hbm>>) target(%arg18 : memref<128x64xf32, #tpu.memory_space<vmem>>) offsets(%dma_start3A_521 : memref<128xi32, #tpu.memory_space<vmem>>) semaphore(%arg36 : memref<!tpu.dma_semaphore, #tpu.memory_space<semaphore_mem>>)
      } else {
      }
      %mul3A_316 = arith.constant 8 : i32
      %mul3A_317 = arith.muli %scan3A_130, %mul3A_316 : i32
      %add3A_318 = arith.constant 4 : i32
      %add3A_319 = arith.addi %mul3A_317, %add3A_318 : i32
      %dma_wait3A_320 = arith.constant 0 : i32
      %dma_wait3A_321 = arith.constant 0 : i32
      %dma_wait3A_322 = tpu.memref_slice %arg13[%dma_wait3A_320, %dma_wait3A_321] : memref<2x128xi32, #tpu.memory_space<vmem>> -> memref<1x128xi32, #tpu.memory_space<vmem>>
      %dma_wait3A_323 = tpu.memref_squeeze %dma_wait3A_322 : memref<1x128xi32, #tpu.memory_space<vmem>> -> memref<128xi32, #tpu.memory_space<vmem>>
      %dma_wait3A_324 = arith.constant 0 : i32
      %dma_wait3A_325 = arith.constant 0 : i32
      %dma_wait3A_326 = tpu.memref_slice %arg2[%arg0, %dma_wait3A_324, %dma_wait3A_325] : memref<2x10000x64xf32, #tpu.memory_space<hbm>> -> memref<1x10000x64xf32, #tpu.memory_space<hbm>>
      %dma_wait3A_327 = tpu.memref_squeeze %dma_wait3A_326 : memref<1x10000x64xf32, #tpu.memory_space<hbm>> -> memref<10000x64xf32, #tpu.memory_space<hbm>>
      %dma_wait3A_328 = arith.constant 0 : i32
      %dma_wait3A_329 = arith.constant 0 : i32
      %dma_wait3A_330 = tpu.memref_slice %dma_wait3A_327[%dma_wait3A_328, %dma_wait3A_329] : memref<10000x64xf32, #tpu.memory_space<hbm>> -> memref<10000x64xf32, #tpu.memory_space<hbm>>
      tpu.wait_indirect_dma semaphore(%arg35 : memref<!tpu.dma_semaphore, #tpu.memory_space<semaphore_mem>>) src(%dma_wait3A_330 : memref<10000x64xf32, #tpu.memory_space<hbm>>) dst(%arg17 : memref<128x64xf32, #tpu.memory_space<vmem>>)
      %eq3A_331 = arith.constant 0 : i32
      %eq3A_332 = arith.cmpi eq, %arg0, %eq3A_331 : i32
      %convert_element_type3A_333 = arith.extui %eq3A_332 : i1 to i32
      %cond3A_334 = arith.constant 0 : i32
      %cond3A_335 = arith.cmpi ne, %convert_element_type3A_333, %cond3A_334 : i32
      scf.if %cond3A_335 {
        %dma_wait3A_508 = arith.constant 1 : i32
        %dma_wait3A_509 = arith.constant 0 : i32
        %dma_wait3A_510 = tpu.memref_slice %arg11[%dma_wait3A_508, %dma_wait3A_509] : memref<2x128xi32, #tpu.memory_space<vmem>> -> memref<1x128xi32, #tpu.memory_space<vmem>>
        %dma_wait3A_511 = tpu.memref_squeeze %dma_wait3A_510 : memref<1x128xi32, #tpu.memory_space<vmem>> -> memref<128xi32, #tpu.memory_space<vmem>>
        %dma_wait3A_512 = arith.constant 0 : i32
        %dma_wait3A_513 = arith.constant 0 : i32
        %dma_wait3A_514 = tpu.memref_slice %arg26[%dma_wait3A_512, %dma_wait3A_513] : memref<10016x8xf32, #tpu.memory_space<vmem_shared>> -> memref<10016x8xf32, #tpu.memory_space<vmem_shared>>
        tpu.wait_indirect_dma semaphore(%arg49 : memref<!tpu.dma_semaphore, #tpu.memory_space<semaphore_mem>>) src(%arg23 : memref<128x8xf32, #tpu.memory_space<vmem>>) dst(%dma_wait3A_514 : memref<10016x8xf32, #tpu.memory_space<vmem_shared>>)
        %add3A_515 = arith.constant 2 : i32
        %add3A_516 = arith.addi %add3A_319, %add3A_515 : i32
        %lt3A_517 = arith.constant 160 : i32
        %lt3A_518 = arith.cmpi slt, %add3A_516, %lt3A_517 : i32
        %convert_element_type3A_519 = arith.extui %lt3A_518 : i1 to i32
        %cond3A_520 = arith.constant 0 : i32
        %cond3A_521 = arith.cmpi ne, %convert_element_type3A_519, %cond3A_520 : i32
        scf.if %cond3A_521 {
          %add3A_537 = arith.constant 2 : i32
          %add3A_538 = arith.addi %add3A_319, %add3A_537 : i32
          %dma_start3A_539 = arith.constant 0 : i32
          %dma_start3A_540 = arith.constant 0 : i32
          %dma_start3A_541 = tpu.memref_slice %arg4[%arg1, %add3A_538, %dma_start3A_539, %dma_start3A_540] : memref<16x160x128x8xf32, #tpu.memory_space<hbm>> -> memref<1x1x128x8xf32, #tpu.memory_space<hbm>>
          %dma_start3A_542 = tpu.memref_squeeze %dma_start3A_541 : memref<1x1x128x8xf32, #tpu.memory_space<hbm>> -> memref<128x8xf32, #tpu.memory_space<hbm>>
          %dma_start3A_543 = arith.constant 0 : i32
          %dma_start3A_544 = arith.constant 0 : i32
          %dma_start3A_545 = tpu.memref_slice %arg4[%arg1, %add3A_538, %dma_start3A_543, %dma_start3A_544] : memref<16x160x128x8xf32, #tpu.memory_space<hbm>> -> memref<1x1x128x8xf32, #tpu.memory_space<hbm>>
          %dma_start3A_546 = tpu.memref_squeeze %dma_start3A_545 : memref<1x1x128x8xf32, #tpu.memory_space<hbm>> -> memref<128x8xf32, #tpu.memory_space<hbm>>
          tpu.enqueue_dma source(%dma_start3A_546 : memref<128x8xf32, #tpu.memory_space<hbm>>) target(%arg23 : memref<128x8xf32, #tpu.memory_space<vmem>>) target_semaphore(%arg45 : memref<!tpu.dma_semaphore, #tpu.memory_space<semaphore_mem>>)
        } else {
        }
        %dma_wait3A_522 = arith.constant 0 : i32
        %dma_wait3A_523 = arith.constant 0 : i32
        %dma_wait3A_524 = tpu.memref_slice %arg4[%arg1, %add3A_319, %dma_wait3A_522, %dma_wait3A_523] : memref<16x160x128x8xf32, #tpu.memory_space<hbm>> -> memref<1x1x128x8xf32, #tpu.memory_space<hbm>>
        %dma_wait3A_525 = tpu.memref_squeeze %dma_wait3A_524 : memref<1x1x128x8xf32, #tpu.memory_space<hbm>> -> memref<128x8xf32, #tpu.memory_space<hbm>>
        %dma_wait3A_526 = arith.constant 0 : i32
        %dma_wait3A_527 = arith.constant 0 : i32
        %dma_wait3A_528 = tpu.memref_slice %arg4[%arg1, %add3A_319, %dma_wait3A_526, %dma_wait3A_527] : memref<16x160x128x8xf32, #tpu.memory_space<hbm>> -> memref<1x1x128x8xf32, #tpu.memory_space<hbm>>
        %dma_wait3A_529 = tpu.memref_squeeze %dma_wait3A_528 : memref<1x1x128x8xf32, #tpu.memory_space<hbm>> -> memref<128x8xf32, #tpu.memory_space<hbm>>
        tpu.wait_dma2 semaphore(%arg43 : memref<!tpu.dma_semaphore, #tpu.memory_space<semaphore_mem>>) src(%dma_wait3A_529 : memref<128x8xf32, #tpu.memory_space<hbm>>) dst(%arg21 : memref<128x8xf32, #tpu.memory_space<vmem>>)
        %dma_start3A_530 = arith.constant 1 : i32
        %dma_start3A_531 = arith.constant 0 : i32
        %dma_start3A_532 = tpu.memref_slice %arg13[%dma_start3A_530, %dma_start3A_531] : memref<2x128xi32, #tpu.memory_space<vmem>> -> memref<1x128xi32, #tpu.memory_space<vmem>>
        %dma_start3A_533 = tpu.memref_squeeze %dma_start3A_532 : memref<1x128xi32, #tpu.memory_space<vmem>> -> memref<128xi32, #tpu.memory_space<vmem>>
        %dma_start3A_534 = arith.constant 0 : i32
        %dma_start3A_535 = arith.constant 0 : i32
        %dma_start3A_536 = tpu.memref_slice %arg26[%dma_start3A_534, %dma_start3A_535] : memref<10016x8xf32, #tpu.memory_space<vmem_shared>> -> memref<10016x8xf32, #tpu.memory_space<vmem_shared>>
        tpu.enqueue_indirect_dma source(%arg21 : memref<128x8xf32, #tpu.memory_space<vmem>>) target(%dma_start3A_536 : memref<10016x8xf32, #tpu.memory_space<vmem_shared>>) offsets(%dma_start3A_533 : memref<128xi32, #tpu.memory_space<vmem>>) semaphore(%arg47 : memref<!tpu.dma_semaphore, #tpu.memory_space<semaphore_mem>>) {add = true}
      } else {
      }
      %dma_start3A_336 = arith.constant 1 : i32
      %dma_start3A_337 = arith.constant 0 : i32
      %dma_start3A_338 = tpu.memref_slice %arg13[%dma_start3A_336, %dma_start3A_337] : memref<2x128xi32, #tpu.memory_space<vmem>> -> memref<1x128xi32, #tpu.memory_space<vmem>>
      %dma_start3A_339 = tpu.memref_squeeze %dma_start3A_338 : memref<1x128xi32, #tpu.memory_space<vmem>> -> memref<128xi32, #tpu.memory_space<vmem>>
      %dma_start3A_340 = arith.constant 0 : i32
      %dma_start3A_341 = arith.constant 0 : i32
      %dma_start3A_342 = tpu.memref_slice %arg25[%dma_start3A_340, %dma_start3A_341] : memref<10016x64xf32, #tpu.memory_space<vmem_shared>> -> memref<10016x64xf32, #tpu.memory_space<vmem_shared>>
      tpu.enqueue_indirect_dma source(%arg17 : memref<128x64xf32, #tpu.memory_space<vmem>>) target(%dma_start3A_342 : memref<10016x64xf32, #tpu.memory_space<vmem_shared>>) offsets(%dma_start3A_339 : memref<128xi32, #tpu.memory_space<vmem>>) semaphore(%arg39 : memref<!tpu.dma_semaphore, #tpu.memory_space<semaphore_mem>>) {add = true}
      %dma_wait3A_343 = arith.constant 1 : i32
      %dma_wait3A_344 = arith.constant 0 : i32
      %dma_wait3A_345 = tpu.memref_slice %arg11[%dma_wait3A_343, %dma_wait3A_344] : memref<2x128xi32, #tpu.memory_space<vmem>> -> memref<1x128xi32, #tpu.memory_space<vmem>>
      %dma_wait3A_346 = tpu.memref_squeeze %dma_wait3A_345 : memref<1x128xi32, #tpu.memory_space<vmem>> -> memref<128xi32, #tpu.memory_space<vmem>>
      %dma_wait3A_347 = arith.constant 0 : i32
      %dma_wait3A_348 = arith.constant 0 : i32
      %dma_wait3A_349 = tpu.memref_slice %arg25[%dma_wait3A_347, %dma_wait3A_348] : memref<10016x64xf32, #tpu.memory_space<vmem_shared>> -> memref<10016x64xf32, #tpu.memory_space<vmem_shared>>
      tpu.wait_indirect_dma semaphore(%arg41 : memref<!tpu.dma_semaphore, #tpu.memory_space<semaphore_mem>>) src(%arg19 : memref<128x64xf32, #tpu.memory_space<vmem>>) dst(%dma_wait3A_349 : memref<10016x64xf32, #tpu.memory_space<vmem_shared>>)
      %add3A_350 = arith.constant 6 : i32
      %add3A_351 = arith.addi %add3A_319, %add3A_350 : i32
      %lt3A_352 = arith.constant 160 : i32
      %lt3A_353 = arith.cmpi slt, %add3A_351, %lt3A_352 : i32
      %convert_element_type3A_354 = arith.extui %lt3A_353 : i1 to i32
      %cond3A_355 = arith.constant 0 : i32
      %cond3A_356 = arith.cmpi ne, %convert_element_type3A_354, %cond3A_355 : i32
      scf.if %cond3A_356 {
        %add3A_508 = arith.constant 6 : i32
        %add3A_509 = arith.addi %add3A_319, %add3A_508 : i32
        %dma_start3A_510 = arith.constant 0 : i32
        %dma_start3A_511 = arith.constant 0 : i32
        %dma_start3A_512 = tpu.memref_slice %arg3[%arg1, %add3A_509, %dma_start3A_510, %dma_start3A_511] : memref<16x160x2x128xi32, #tpu.memory_space<hbm>> -> memref<1x1x2x128xi32, #tpu.memory_space<hbm>>
        %dma_start3A_513 = tpu.memref_squeeze %dma_start3A_512 : memref<1x1x2x128xi32, #tpu.memory_space<hbm>> -> memref<2x128xi32, #tpu.memory_space<hbm>>
        %dma_start3A_514 = arith.constant 0 : i32
        %dma_start3A_515 = arith.constant 0 : i32
        %dma_start3A_516 = tpu.memref_slice %arg3[%arg1, %add3A_509, %dma_start3A_514, %dma_start3A_515] : memref<16x160x2x128xi32, #tpu.memory_space<hbm>> -> memref<1x1x2x128xi32, #tpu.memory_space<hbm>>
        %dma_start3A_517 = tpu.memref_squeeze %dma_start3A_516 : memref<1x1x2x128xi32, #tpu.memory_space<hbm>> -> memref<2x128xi32, #tpu.memory_space<hbm>>
        tpu.enqueue_dma source(%dma_start3A_517 : memref<2x128xi32, #tpu.memory_space<hbm>>) target(%arg11 : memref<2x128xi32, #tpu.memory_space<vmem>>) target_semaphore(%arg29 : memref<!tpu.dma_semaphore, #tpu.memory_space<semaphore_mem>>)
      } else {
      }
      %add3A_357 = arith.constant 2 : i32
      %add3A_358 = arith.addi %add3A_319, %add3A_357 : i32
      %lt3A_359 = arith.constant 160 : i32
      %lt3A_360 = arith.cmpi slt, %add3A_358, %lt3A_359 : i32
      %convert_element_type3A_361 = arith.extui %lt3A_360 : i1 to i32
      %cond3A_362 = arith.constant 0 : i32
      %cond3A_363 = arith.cmpi ne, %convert_element_type3A_361, %cond3A_362 : i32
      scf.if %cond3A_363 {
        %add3A_508 = arith.constant 2 : i32
        %add3A_509 = arith.addi %add3A_319, %add3A_508 : i32
        %dma_wait3A_510 = arith.constant 0 : i32
        %dma_wait3A_511 = arith.constant 0 : i32
        %dma_wait3A_512 = tpu.memref_slice %arg3[%arg1, %add3A_509, %dma_wait3A_510, %dma_wait3A_511] : memref<16x160x2x128xi32, #tpu.memory_space<hbm>> -> memref<1x1x2x128xi32, #tpu.memory_space<hbm>>
        %dma_wait3A_513 = tpu.memref_squeeze %dma_wait3A_512 : memref<1x1x2x128xi32, #tpu.memory_space<hbm>> -> memref<2x128xi32, #tpu.memory_space<hbm>>
        %dma_wait3A_514 = arith.constant 0 : i32
        %dma_wait3A_515 = arith.constant 0 : i32
        %dma_wait3A_516 = tpu.memref_slice %arg3[%arg1, %add3A_509, %dma_wait3A_514, %dma_wait3A_515] : memref<16x160x2x128xi32, #tpu.memory_space<hbm>> -> memref<1x1x2x128xi32, #tpu.memory_space<hbm>>
        %dma_wait3A_517 = tpu.memref_squeeze %dma_wait3A_516 : memref<1x1x2x128xi32, #tpu.memory_space<hbm>> -> memref<2x128xi32, #tpu.memory_space<hbm>>
        tpu.wait_dma2 semaphore(%arg33 : memref<!tpu.dma_semaphore, #tpu.memory_space<semaphore_mem>>) src(%dma_wait3A_517 : memref<2x128xi32, #tpu.memory_space<hbm>>) dst(%arg15 : memref<2x128xi32, #tpu.memory_space<vmem>>)
        %dma_start3A_518 = arith.constant 0 : i32
        %dma_start3A_519 = arith.constant 0 : i32
        %dma_start3A_520 = tpu.memref_slice %arg15[%dma_start3A_518, %dma_start3A_519] : memref<2x128xi32, #tpu.memory_space<vmem>> -> memref<1x128xi32, #tpu.memory_space<vmem>>
        %dma_start3A_521 = tpu.memref_squeeze %dma_start3A_520 : memref<1x128xi32, #tpu.memory_space<vmem>> -> memref<128xi32, #tpu.memory_space<vmem>>
        %dma_start3A_522 = arith.constant 0 : i32
        %dma_start3A_523 = arith.constant 0 : i32
        %dma_start3A_524 = tpu.memref_slice %arg2[%arg0, %dma_start3A_522, %dma_start3A_523] : memref<2x10000x64xf32, #tpu.memory_space<hbm>> -> memref<1x10000x64xf32, #tpu.memory_space<hbm>>
        %dma_start3A_525 = tpu.memref_squeeze %dma_start3A_524 : memref<1x10000x64xf32, #tpu.memory_space<hbm>> -> memref<10000x64xf32, #tpu.memory_space<hbm>>
        %dma_start3A_526 = arith.constant 0 : i32
        %dma_start3A_527 = arith.constant 0 : i32
        %dma_start3A_528 = tpu.memref_slice %dma_start3A_525[%dma_start3A_526, %dma_start3A_527] : memref<10000x64xf32, #tpu.memory_space<hbm>> -> memref<10000x64xf32, #tpu.memory_space<hbm>>
        tpu.enqueue_indirect_dma source(%dma_start3A_528 : memref<10000x64xf32, #tpu.memory_space<hbm>>) target(%arg19 : memref<128x64xf32, #tpu.memory_space<vmem>>) offsets(%dma_start3A_521 : memref<128xi32, #tpu.memory_space<vmem>>) semaphore(%arg37 : memref<!tpu.dma_semaphore, #tpu.memory_space<semaphore_mem>>)
      } else {
      }
      %mul3A_364 = arith.constant 8 : i32
      %mul3A_365 = arith.muli %scan3A_130, %mul3A_364 : i32
      %add3A_366 = arith.constant 5 : i32
      %add3A_367 = arith.addi %mul3A_365, %add3A_366 : i32
      %dma_wait3A_368 = arith.constant 0 : i32
      %dma_wait3A_369 = arith.constant 0 : i32
      %dma_wait3A_370 = tpu.memref_slice %arg14[%dma_wait3A_368, %dma_wait3A_369] : memref<2x128xi32, #tpu.memory_space<vmem>> -> memref<1x128xi32, #tpu.memory_space<vmem>>
      %dma_wait3A_371 = tpu.memref_squeeze %dma_wait3A_370 : memref<1x128xi32, #tpu.memory_space<vmem>> -> memref<128xi32, #tpu.memory_space<vmem>>
      %dma_wait3A_372 = arith.constant 0 : i32
      %dma_wait3A_373 = arith.constant 0 : i32
      %dma_wait3A_374 = tpu.memref_slice %arg2[%arg0, %dma_wait3A_372, %dma_wait3A_373] : memref<2x10000x64xf32, #tpu.memory_space<hbm>> -> memref<1x10000x64xf32, #tpu.memory_space<hbm>>
      %dma_wait3A_375 = tpu.memref_squeeze %dma_wait3A_374 : memref<1x10000x64xf32, #tpu.memory_space<hbm>> -> memref<10000x64xf32, #tpu.memory_space<hbm>>
      %dma_wait3A_376 = arith.constant 0 : i32
      %dma_wait3A_377 = arith.constant 0 : i32
      %dma_wait3A_378 = tpu.memref_slice %dma_wait3A_375[%dma_wait3A_376, %dma_wait3A_377] : memref<10000x64xf32, #tpu.memory_space<hbm>> -> memref<10000x64xf32, #tpu.memory_space<hbm>>
      tpu.wait_indirect_dma semaphore(%arg36 : memref<!tpu.dma_semaphore, #tpu.memory_space<semaphore_mem>>) src(%dma_wait3A_378 : memref<10000x64xf32, #tpu.memory_space<hbm>>) dst(%arg18 : memref<128x64xf32, #tpu.memory_space<vmem>>)
      %eq3A_379 = arith.constant 0 : i32
      %eq3A_380 = arith.cmpi eq, %arg0, %eq3A_379 : i32
      %convert_element_type3A_381 = arith.extui %eq3A_380 : i1 to i32
      %cond3A_382 = arith.constant 0 : i32
      %cond3A_383 = arith.cmpi ne, %convert_element_type3A_381, %cond3A_382 : i32
      scf.if %cond3A_383 {
        %dma_wait3A_508 = arith.constant 1 : i32
        %dma_wait3A_509 = arith.constant 0 : i32
        %dma_wait3A_510 = tpu.memref_slice %arg12[%dma_wait3A_508, %dma_wait3A_509] : memref<2x128xi32, #tpu.memory_space<vmem>> -> memref<1x128xi32, #tpu.memory_space<vmem>>
        %dma_wait3A_511 = tpu.memref_squeeze %dma_wait3A_510 : memref<1x128xi32, #tpu.memory_space<vmem>> -> memref<128xi32, #tpu.memory_space<vmem>>
        %dma_wait3A_512 = arith.constant 0 : i32
        %dma_wait3A_513 = arith.constant 0 : i32
        %dma_wait3A_514 = tpu.memref_slice %arg26[%dma_wait3A_512, %dma_wait3A_513] : memref<10016x8xf32, #tpu.memory_space<vmem_shared>> -> memref<10016x8xf32, #tpu.memory_space<vmem_shared>>
        tpu.wait_indirect_dma semaphore(%arg50 : memref<!tpu.dma_semaphore, #tpu.memory_space<semaphore_mem>>) src(%arg24 : memref<128x8xf32, #tpu.memory_space<vmem>>) dst(%dma_wait3A_514 : memref<10016x8xf32, #tpu.memory_space<vmem_shared>>)
        %add3A_515 = arith.constant 2 : i32
        %add3A_516 = arith.addi %add3A_367, %add3A_515 : i32
        %lt3A_517 = arith.constant 160 : i32
        %lt3A_518 = arith.cmpi slt, %add3A_516, %lt3A_517 : i32
        %convert_element_type3A_519 = arith.extui %lt3A_518 : i1 to i32
        %cond3A_520 = arith.constant 0 : i32
        %cond3A_521 = arith.cmpi ne, %convert_element_type3A_519, %cond3A_520 : i32
        scf.if %cond3A_521 {
          %add3A_537 = arith.constant 2 : i32
          %add3A_538 = arith.addi %add3A_367, %add3A_537 : i32
          %dma_start3A_539 = arith.constant 0 : i32
          %dma_start3A_540 = arith.constant 0 : i32
          %dma_start3A_541 = tpu.memref_slice %arg4[%arg1, %add3A_538, %dma_start3A_539, %dma_start3A_540] : memref<16x160x128x8xf32, #tpu.memory_space<hbm>> -> memref<1x1x128x8xf32, #tpu.memory_space<hbm>>
          %dma_start3A_542 = tpu.memref_squeeze %dma_start3A_541 : memref<1x1x128x8xf32, #tpu.memory_space<hbm>> -> memref<128x8xf32, #tpu.memory_space<hbm>>
          %dma_start3A_543 = arith.constant 0 : i32
          %dma_start3A_544 = arith.constant 0 : i32
          %dma_start3A_545 = tpu.memref_slice %arg4[%arg1, %add3A_538, %dma_start3A_543, %dma_start3A_544] : memref<16x160x128x8xf32, #tpu.memory_space<hbm>> -> memref<1x1x128x8xf32, #tpu.memory_space<hbm>>
          %dma_start3A_546 = tpu.memref_squeeze %dma_start3A_545 : memref<1x1x128x8xf32, #tpu.memory_space<hbm>> -> memref<128x8xf32, #tpu.memory_space<hbm>>
          tpu.enqueue_dma source(%dma_start3A_546 : memref<128x8xf32, #tpu.memory_space<hbm>>) target(%arg24 : memref<128x8xf32, #tpu.memory_space<vmem>>) target_semaphore(%arg46 : memref<!tpu.dma_semaphore, #tpu.memory_space<semaphore_mem>>)
        } else {
        }
        %dma_wait3A_522 = arith.constant 0 : i32
        %dma_wait3A_523 = arith.constant 0 : i32
        %dma_wait3A_524 = tpu.memref_slice %arg4[%arg1, %add3A_367, %dma_wait3A_522, %dma_wait3A_523] : memref<16x160x128x8xf32, #tpu.memory_space<hbm>> -> memref<1x1x128x8xf32, #tpu.memory_space<hbm>>
        %dma_wait3A_525 = tpu.memref_squeeze %dma_wait3A_524 : memref<1x1x128x8xf32, #tpu.memory_space<hbm>> -> memref<128x8xf32, #tpu.memory_space<hbm>>
        %dma_wait3A_526 = arith.constant 0 : i32
        %dma_wait3A_527 = arith.constant 0 : i32
        %dma_wait3A_528 = tpu.memref_slice %arg4[%arg1, %add3A_367, %dma_wait3A_526, %dma_wait3A_527] : memref<16x160x128x8xf32, #tpu.memory_space<hbm>> -> memref<1x1x128x8xf32, #tpu.memory_space<hbm>>
        %dma_wait3A_529 = tpu.memref_squeeze %dma_wait3A_528 : memref<1x1x128x8xf32, #tpu.memory_space<hbm>> -> memref<128x8xf32, #tpu.memory_space<hbm>>
        tpu.wait_dma2 semaphore(%arg44 : memref<!tpu.dma_semaphore, #tpu.memory_space<semaphore_mem>>) src(%dma_wait3A_529 : memref<128x8xf32, #tpu.memory_space<hbm>>) dst(%arg22 : memref<128x8xf32, #tpu.memory_space<vmem>>)
        %dma_start3A_530 = arith.constant 1 : i32
        %dma_start3A_531 = arith.constant 0 : i32
        %dma_start3A_532 = tpu.memref_slice %arg14[%dma_start3A_530, %dma_start3A_531] : memref<2x128xi32, #tpu.memory_space<vmem>> -> memref<1x128xi32, #tpu.memory_space<vmem>>
        %dma_start3A_533 = tpu.memref_squeeze %dma_start3A_532 : memref<1x128xi32, #tpu.memory_space<vmem>> -> memref<128xi32, #tpu.memory_space<vmem>>
        %dma_start3A_534 = arith.constant 0 : i32
        %dma_start3A_535 = arith.constant 0 : i32
        %dma_start3A_536 = tpu.memref_slice %arg26[%dma_start3A_534, %dma_start3A_535] : memref<10016x8xf32, #tpu.memory_space<vmem_shared>> -> memref<10016x8xf32, #tpu.memory_space<vmem_shared>>
        tpu.enqueue_indirect_dma source(%arg22 : memref<128x8xf32, #tpu.memory_space<vmem>>) target(%dma_start3A_536 : memref<10016x8xf32, #tpu.memory_space<vmem_shared>>) offsets(%dma_start3A_533 : memref<128xi32, #tpu.memory_space<vmem>>) semaphore(%arg48 : memref<!tpu.dma_semaphore, #tpu.memory_space<semaphore_mem>>) {add = true}
      } else {
      }
      %dma_start3A_384 = arith.constant 1 : i32
      %dma_start3A_385 = arith.constant 0 : i32
      %dma_start3A_386 = tpu.memref_slice %arg14[%dma_start3A_384, %dma_start3A_385] : memref<2x128xi32, #tpu.memory_space<vmem>> -> memref<1x128xi32, #tpu.memory_space<vmem>>
      %dma_start3A_387 = tpu.memref_squeeze %dma_start3A_386 : memref<1x128xi32, #tpu.memory_space<vmem>> -> memref<128xi32, #tpu.memory_space<vmem>>
      %dma_start3A_388 = arith.constant 0 : i32
      %dma_start3A_389 = arith.constant 0 : i32
      %dma_start3A_390 = tpu.memref_slice %arg25[%dma_start3A_388, %dma_start3A_389] : memref<10016x64xf32, #tpu.memory_space<vmem_shared>> -> memref<10016x64xf32, #tpu.memory_space<vmem_shared>>
      tpu.enqueue_indirect_dma source(%arg18 : memref<128x64xf32, #tpu.memory_space<vmem>>) target(%dma_start3A_390 : memref<10016x64xf32, #tpu.memory_space<vmem_shared>>) offsets(%dma_start3A_387 : memref<128xi32, #tpu.memory_space<vmem>>) semaphore(%arg40 : memref<!tpu.dma_semaphore, #tpu.memory_space<semaphore_mem>>) {add = true}
      %dma_wait3A_391 = arith.constant 1 : i32
      %dma_wait3A_392 = arith.constant 0 : i32
      %dma_wait3A_393 = tpu.memref_slice %arg12[%dma_wait3A_391, %dma_wait3A_392] : memref<2x128xi32, #tpu.memory_space<vmem>> -> memref<1x128xi32, #tpu.memory_space<vmem>>
      %dma_wait3A_394 = tpu.memref_squeeze %dma_wait3A_393 : memref<1x128xi32, #tpu.memory_space<vmem>> -> memref<128xi32, #tpu.memory_space<vmem>>
      %dma_wait3A_395 = arith.constant 0 : i32
      %dma_wait3A_396 = arith.constant 0 : i32
      %dma_wait3A_397 = tpu.memref_slice %arg25[%dma_wait3A_395, %dma_wait3A_396] : memref<10016x64xf32, #tpu.memory_space<vmem_shared>> -> memref<10016x64xf32, #tpu.memory_space<vmem_shared>>
      tpu.wait_indirect_dma semaphore(%arg42 : memref<!tpu.dma_semaphore, #tpu.memory_space<semaphore_mem>>) src(%arg20 : memref<128x64xf32, #tpu.memory_space<vmem>>) dst(%dma_wait3A_397 : memref<10016x64xf32, #tpu.memory_space<vmem_shared>>)
      %add3A_398 = arith.constant 6 : i32
      %add3A_399 = arith.addi %add3A_367, %add3A_398 : i32
      %lt3A_400 = arith.constant 160 : i32
      %lt3A_401 = arith.cmpi slt, %add3A_399, %lt3A_400 : i32
      %convert_element_type3A_402 = arith.extui %lt3A_401 : i1 to i32
      %cond3A_403 = arith.constant 0 : i32
      %cond3A_404 = arith.cmpi ne, %convert_element_type3A_402, %cond3A_403 : i32
      scf.if %cond3A_404 {
        %add3A_508 = arith.constant 6 : i32
        %add3A_509 = arith.addi %add3A_367, %add3A_508 : i32
        %dma_start3A_510 = arith.constant 0 : i32
        %dma_start3A_511 = arith.constant 0 : i32
        %dma_start3A_512 = tpu.memref_slice %arg3[%arg1, %add3A_509, %dma_start3A_510, %dma_start3A_511] : memref<16x160x2x128xi32, #tpu.memory_space<hbm>> -> memref<1x1x2x128xi32, #tpu.memory_space<hbm>>
        %dma_start3A_513 = tpu.memref_squeeze %dma_start3A_512 : memref<1x1x2x128xi32, #tpu.memory_space<hbm>> -> memref<2x128xi32, #tpu.memory_space<hbm>>
        %dma_start3A_514 = arith.constant 0 : i32
        %dma_start3A_515 = arith.constant 0 : i32
        %dma_start3A_516 = tpu.memref_slice %arg3[%arg1, %add3A_509, %dma_start3A_514, %dma_start3A_515] : memref<16x160x2x128xi32, #tpu.memory_space<hbm>> -> memref<1x1x2x128xi32, #tpu.memory_space<hbm>>
        %dma_start3A_517 = tpu.memref_squeeze %dma_start3A_516 : memref<1x1x2x128xi32, #tpu.memory_space<hbm>> -> memref<2x128xi32, #tpu.memory_space<hbm>>
        tpu.enqueue_dma source(%dma_start3A_517 : memref<2x128xi32, #tpu.memory_space<hbm>>) target(%arg12 : memref<2x128xi32, #tpu.memory_space<vmem>>) target_semaphore(%arg30 : memref<!tpu.dma_semaphore, #tpu.memory_space<semaphore_mem>>)
      } else {
      }
      %add3A_405 = arith.constant 2 : i32
      %add3A_406 = arith.addi %add3A_367, %add3A_405 : i32
      %lt3A_407 = arith.constant 160 : i32
      %lt3A_408 = arith.cmpi slt, %add3A_406, %lt3A_407 : i32
      %convert_element_type3A_409 = arith.extui %lt3A_408 : i1 to i32
      %cond3A_410 = arith.constant 0 : i32
      %cond3A_411 = arith.cmpi ne, %convert_element_type3A_409, %cond3A_410 : i32
      scf.if %cond3A_411 {
        %add3A_508 = arith.constant 2 : i32
        %add3A_509 = arith.addi %add3A_367, %add3A_508 : i32
        %dma_wait3A_510 = arith.constant 0 : i32
        %dma_wait3A_511 = arith.constant 0 : i32
        %dma_wait3A_512 = tpu.memref_slice %arg3[%arg1, %add3A_509, %dma_wait3A_510, %dma_wait3A_511] : memref<16x160x2x128xi32, #tpu.memory_space<hbm>> -> memref<1x1x2x128xi32, #tpu.memory_space<hbm>>
        %dma_wait3A_513 = tpu.memref_squeeze %dma_wait3A_512 : memref<1x1x2x128xi32, #tpu.memory_space<hbm>> -> memref<2x128xi32, #tpu.memory_space<hbm>>
        %dma_wait3A_514 = arith.constant 0 : i32
        %dma_wait3A_515 = arith.constant 0 : i32
        %dma_wait3A_516 = tpu.memref_slice %arg3[%arg1, %add3A_509, %dma_wait3A_514, %dma_wait3A_515] : memref<16x160x2x128xi32, #tpu.memory_space<hbm>> -> memref<1x1x2x128xi32, #tpu.memory_space<hbm>>
        %dma_wait3A_517 = tpu.memref_squeeze %dma_wait3A_516 : memref<1x1x2x128xi32, #tpu.memory_space<hbm>> -> memref<2x128xi32, #tpu.memory_space<hbm>>
        tpu.wait_dma2 semaphore(%arg34 : memref<!tpu.dma_semaphore, #tpu.memory_space<semaphore_mem>>) src(%dma_wait3A_517 : memref<2x128xi32, #tpu.memory_space<hbm>>) dst(%arg16 : memref<2x128xi32, #tpu.memory_space<vmem>>)
        %dma_start3A_518 = arith.constant 0 : i32
        %dma_start3A_519 = arith.constant 0 : i32
        %dma_start3A_520 = tpu.memref_slice %arg16[%dma_start3A_518, %dma_start3A_519] : memref<2x128xi32, #tpu.memory_space<vmem>> -> memref<1x128xi32, #tpu.memory_space<vmem>>
        %dma_start3A_521 = tpu.memref_squeeze %dma_start3A_520 : memref<1x128xi32, #tpu.memory_space<vmem>> -> memref<128xi32, #tpu.memory_space<vmem>>
        %dma_start3A_522 = arith.constant 0 : i32
        %dma_start3A_523 = arith.constant 0 : i32
        %dma_start3A_524 = tpu.memref_slice %arg2[%arg0, %dma_start3A_522, %dma_start3A_523] : memref<2x10000x64xf32, #tpu.memory_space<hbm>> -> memref<1x10000x64xf32, #tpu.memory_space<hbm>>
        %dma_start3A_525 = tpu.memref_squeeze %dma_start3A_524 : memref<1x10000x64xf32, #tpu.memory_space<hbm>> -> memref<10000x64xf32, #tpu.memory_space<hbm>>
        %dma_start3A_526 = arith.constant 0 : i32
        %dma_start3A_527 = arith.constant 0 : i32
        %dma_start3A_528 = tpu.memref_slice %dma_start3A_525[%dma_start3A_526, %dma_start3A_527] : memref<10000x64xf32, #tpu.memory_space<hbm>> -> memref<10000x64xf32, #tpu.memory_space<hbm>>
        tpu.enqueue_indirect_dma source(%dma_start3A_528 : memref<10000x64xf32, #tpu.memory_space<hbm>>) target(%arg20 : memref<128x64xf32, #tpu.memory_space<vmem>>) offsets(%dma_start3A_521 : memref<128xi32, #tpu.memory_space<vmem>>) semaphore(%arg38 : memref<!tpu.dma_semaphore, #tpu.memory_space<semaphore_mem>>)
      } else {
      }
      %mul3A_412 = arith.constant 8 : i32
      %mul3A_413 = arith.muli %scan3A_130, %mul3A_412 : i32
      %add3A_414 = arith.constant 6 : i32
      %add3A_415 = arith.addi %mul3A_413, %add3A_414 : i32
      %dma_wait3A_416 = arith.constant 0 : i32
      %dma_wait3A_417 = arith.constant 0 : i32
      %dma_wait3A_418 = tpu.memref_slice %arg15[%dma_wait3A_416, %dma_wait3A_417] : memref<2x128xi32, #tpu.memory_space<vmem>> -> memref<1x128xi32, #tpu.memory_space<vmem>>
      %dma_wait3A_419 = tpu.memref_squeeze %dma_wait3A_418 : memref<1x128xi32, #tpu.memory_space<vmem>> -> memref<128xi32, #tpu.memory_space<vmem>>
      %dma_wait3A_420 = arith.constant 0 : i32
      %dma_wait3A_421 = arith.constant 0 : i32
      %dma_wait3A_422 = tpu.memref_slice %arg2[%arg0, %dma_wait3A_420, %dma_wait3A_421] : memref<2x10000x64xf32, #tpu.memory_space<hbm>> -> memref<1x10000x64xf32, #tpu.memory_space<hbm>>
      %dma_wait3A_423 = tpu.memref_squeeze %dma_wait3A_422 : memref<1x10000x64xf32, #tpu.memory_space<hbm>> -> memref<10000x64xf32, #tpu.memory_space<hbm>>
      %dma_wait3A_424 = arith.constant 0 : i32
      %dma_wait3A_425 = arith.constant 0 : i32
      %dma_wait3A_426 = tpu.memref_slice %dma_wait3A_423[%dma_wait3A_424, %dma_wait3A_425] : memref<10000x64xf32, #tpu.memory_space<hbm>> -> memref<10000x64xf32, #tpu.memory_space<hbm>>
      tpu.wait_indirect_dma semaphore(%arg37 : memref<!tpu.dma_semaphore, #tpu.memory_space<semaphore_mem>>) src(%dma_wait3A_426 : memref<10000x64xf32, #tpu.memory_space<hbm>>) dst(%arg19 : memref<128x64xf32, #tpu.memory_space<vmem>>)
      %eq3A_427 = arith.constant 0 : i32
      %eq3A_428 = arith.cmpi eq, %arg0, %eq3A_427 : i32
      %convert_element_type3A_429 = arith.extui %eq3A_428 : i1 to i32
      %cond3A_430 = arith.constant 0 : i32
      %cond3A_431 = arith.cmpi ne, %convert_element_type3A_429, %cond3A_430 : i32
      scf.if %cond3A_431 {
        %dma_wait3A_508 = arith.constant 1 : i32
        %dma_wait3A_509 = arith.constant 0 : i32
        %dma_wait3A_510 = tpu.memref_slice %arg13[%dma_wait3A_508, %dma_wait3A_509] : memref<2x128xi32, #tpu.memory_space<vmem>> -> memref<1x128xi32, #tpu.memory_space<vmem>>
        %dma_wait3A_511 = tpu.memref_squeeze %dma_wait3A_510 : memref<1x128xi32, #tpu.memory_space<vmem>> -> memref<128xi32, #tpu.memory_space<vmem>>
        %dma_wait3A_512 = arith.constant 0 : i32
        %dma_wait3A_513 = arith.constant 0 : i32
        %dma_wait3A_514 = tpu.memref_slice %arg26[%dma_wait3A_512, %dma_wait3A_513] : memref<10016x8xf32, #tpu.memory_space<vmem_shared>> -> memref<10016x8xf32, #tpu.memory_space<vmem_shared>>
        tpu.wait_indirect_dma semaphore(%arg47 : memref<!tpu.dma_semaphore, #tpu.memory_space<semaphore_mem>>) src(%arg21 : memref<128x8xf32, #tpu.memory_space<vmem>>) dst(%dma_wait3A_514 : memref<10016x8xf32, #tpu.memory_space<vmem_shared>>)
        %add3A_515 = arith.constant 2 : i32
        %add3A_516 = arith.addi %add3A_415, %add3A_515 : i32
        %lt3A_517 = arith.constant 160 : i32
        %lt3A_518 = arith.cmpi slt, %add3A_516, %lt3A_517 : i32
        %convert_element_type3A_519 = arith.extui %lt3A_518 : i1 to i32
        %cond3A_520 = arith.constant 0 : i32
        %cond3A_521 = arith.cmpi ne, %convert_element_type3A_519, %cond3A_520 : i32
        scf.if %cond3A_521 {
          %add3A_537 = arith.constant 2 : i32
          %add3A_538 = arith.addi %add3A_415, %add3A_537 : i32
          %dma_start3A_539 = arith.constant 0 : i32
          %dma_start3A_540 = arith.constant 0 : i32
          %dma_start3A_541 = tpu.memref_slice %arg4[%arg1, %add3A_538, %dma_start3A_539, %dma_start3A_540] : memref<16x160x128x8xf32, #tpu.memory_space<hbm>> -> memref<1x1x128x8xf32, #tpu.memory_space<hbm>>
          %dma_start3A_542 = tpu.memref_squeeze %dma_start3A_541 : memref<1x1x128x8xf32, #tpu.memory_space<hbm>> -> memref<128x8xf32, #tpu.memory_space<hbm>>
          %dma_start3A_543 = arith.constant 0 : i32
          %dma_start3A_544 = arith.constant 0 : i32
          %dma_start3A_545 = tpu.memref_slice %arg4[%arg1, %add3A_538, %dma_start3A_543, %dma_start3A_544] : memref<16x160x128x8xf32, #tpu.memory_space<hbm>> -> memref<1x1x128x8xf32, #tpu.memory_space<hbm>>
          %dma_start3A_546 = tpu.memref_squeeze %dma_start3A_545 : memref<1x1x128x8xf32, #tpu.memory_space<hbm>> -> memref<128x8xf32, #tpu.memory_space<hbm>>
          tpu.enqueue_dma source(%dma_start3A_546 : memref<128x8xf32, #tpu.memory_space<hbm>>) target(%arg21 : memref<128x8xf32, #tpu.memory_space<vmem>>) target_semaphore(%arg43 : memref<!tpu.dma_semaphore, #tpu.memory_space<semaphore_mem>>)
        } else {
        }
        %dma_wait3A_522 = arith.constant 0 : i32
        %dma_wait3A_523 = arith.constant 0 : i32
        %dma_wait3A_524 = tpu.memref_slice %arg4[%arg1, %add3A_415, %dma_wait3A_522, %dma_wait3A_523] : memref<16x160x128x8xf32, #tpu.memory_space<hbm>> -> memref<1x1x128x8xf32, #tpu.memory_space<hbm>>
        %dma_wait3A_525 = tpu.memref_squeeze %dma_wait3A_524 : memref<1x1x128x8xf32, #tpu.memory_space<hbm>> -> memref<128x8xf32, #tpu.memory_space<hbm>>
        %dma_wait3A_526 = arith.constant 0 : i32
        %dma_wait3A_527 = arith.constant 0 : i32
        %dma_wait3A_528 = tpu.memref_slice %arg4[%arg1, %add3A_415, %dma_wait3A_526, %dma_wait3A_527] : memref<16x160x128x8xf32, #tpu.memory_space<hbm>> -> memref<1x1x128x8xf32, #tpu.memory_space<hbm>>
        %dma_wait3A_529 = tpu.memref_squeeze %dma_wait3A_528 : memref<1x1x128x8xf32, #tpu.memory_space<hbm>> -> memref<128x8xf32, #tpu.memory_space<hbm>>
        tpu.wait_dma2 semaphore(%arg45 : memref<!tpu.dma_semaphore, #tpu.memory_space<semaphore_mem>>) src(%dma_wait3A_529 : memref<128x8xf32, #tpu.memory_space<hbm>>) dst(%arg23 : memref<128x8xf32, #tpu.memory_space<vmem>>)
        %dma_start3A_530 = arith.constant 1 : i32
        %dma_start3A_531 = arith.constant 0 : i32
        %dma_start3A_532 = tpu.memref_slice %arg15[%dma_start3A_530, %dma_start3A_531] : memref<2x128xi32, #tpu.memory_space<vmem>> -> memref<1x128xi32, #tpu.memory_space<vmem>>
        %dma_start3A_533 = tpu.memref_squeeze %dma_start3A_532 : memref<1x128xi32, #tpu.memory_space<vmem>> -> memref<128xi32, #tpu.memory_space<vmem>>
        %dma_start3A_534 = arith.constant 0 : i32
        %dma_start3A_535 = arith.constant 0 : i32
        %dma_start3A_536 = tpu.memref_slice %arg26[%dma_start3A_534, %dma_start3A_535] : memref<10016x8xf32, #tpu.memory_space<vmem_shared>> -> memref<10016x8xf32, #tpu.memory_space<vmem_shared>>
        tpu.enqueue_indirect_dma source(%arg23 : memref<128x8xf32, #tpu.memory_space<vmem>>) target(%dma_start3A_536 : memref<10016x8xf32, #tpu.memory_space<vmem_shared>>) offsets(%dma_start3A_533 : memref<128xi32, #tpu.memory_space<vmem>>) semaphore(%arg49 : memref<!tpu.dma_semaphore, #tpu.memory_space<semaphore_mem>>) {add = true}
      } else {
      }
      %dma_start3A_432 = arith.constant 1 : i32
      %dma_start3A_433 = arith.constant 0 : i32
      %dma_start3A_434 = tpu.memref_slice %arg15[%dma_start3A_432, %dma_start3A_433] : memref<2x128xi32, #tpu.memory_space<vmem>> -> memref<1x128xi32, #tpu.memory_space<vmem>>
      %dma_start3A_435 = tpu.memref_squeeze %dma_start3A_434 : memref<1x128xi32, #tpu.memory_space<vmem>> -> memref<128xi32, #tpu.memory_space<vmem>>
      %dma_start3A_436 = arith.constant 0 : i32
      %dma_start3A_437 = arith.constant 0 : i32
      %dma_start3A_438 = tpu.memref_slice %arg25[%dma_start3A_436, %dma_start3A_437] : memref<10016x64xf32, #tpu.memory_space<vmem_shared>> -> memref<10016x64xf32, #tpu.memory_space<vmem_shared>>
      tpu.enqueue_indirect_dma source(%arg19 : memref<128x64xf32, #tpu.memory_space<vmem>>) target(%dma_start3A_438 : memref<10016x64xf32, #tpu.memory_space<vmem_shared>>) offsets(%dma_start3A_435 : memref<128xi32, #tpu.memory_space<vmem>>) semaphore(%arg41 : memref<!tpu.dma_semaphore, #tpu.memory_space<semaphore_mem>>) {add = true}
      %dma_wait3A_439 = arith.constant 1 : i32
      %dma_wait3A_440 = arith.constant 0 : i32
      %dma_wait3A_441 = tpu.memref_slice %arg13[%dma_wait3A_439, %dma_wait3A_440] : memref<2x128xi32, #tpu.memory_space<vmem>> -> memref<1x128xi32, #tpu.memory_space<vmem>>
      %dma_wait3A_442 = tpu.memref_squeeze %dma_wait3A_441 : memref<1x128xi32, #tpu.memory_space<vmem>> -> memref<128xi32, #tpu.memory_space<vmem>>
      %dma_wait3A_443 = arith.constant 0 : i32
      %dma_wait3A_444 = arith.constant 0 : i32
      %dma_wait3A_445 = tpu.memref_slice %arg25[%dma_wait3A_443, %dma_wait3A_444] : memref<10016x64xf32, #tpu.memory_space<vmem_shared>> -> memref<10016x64xf32, #tpu.memory_space<vmem_shared>>
      tpu.wait_indirect_dma semaphore(%arg39 : memref<!tpu.dma_semaphore, #tpu.memory_space<semaphore_mem>>) src(%arg17 : memref<128x64xf32, #tpu.memory_space<vmem>>) dst(%dma_wait3A_445 : memref<10016x64xf32, #tpu.memory_space<vmem_shared>>)
      %add3A_446 = arith.constant 6 : i32
      %add3A_447 = arith.addi %add3A_415, %add3A_446 : i32
      %lt3A_448 = arith.constant 160 : i32
      %lt3A_449 = arith.cmpi slt, %add3A_447, %lt3A_448 : i32
      %convert_element_type3A_450 = arith.extui %lt3A_449 : i1 to i32
      %cond3A_451 = arith.constant 0 : i32
      %cond3A_452 = arith.cmpi ne, %convert_element_type3A_450, %cond3A_451 : i32
      scf.if %cond3A_452 {
        %add3A_508 = arith.constant 6 : i32
        %add3A_509 = arith.addi %add3A_415, %add3A_508 : i32
        %dma_start3A_510 = arith.constant 0 : i32
        %dma_start3A_511 = arith.constant 0 : i32
        %dma_start3A_512 = tpu.memref_slice %arg3[%arg1, %add3A_509, %dma_start3A_510, %dma_start3A_511] : memref<16x160x2x128xi32, #tpu.memory_space<hbm>> -> memref<1x1x2x128xi32, #tpu.memory_space<hbm>>
        %dma_start3A_513 = tpu.memref_squeeze %dma_start3A_512 : memref<1x1x2x128xi32, #tpu.memory_space<hbm>> -> memref<2x128xi32, #tpu.memory_space<hbm>>
        %dma_start3A_514 = arith.constant 0 : i32
        %dma_start3A_515 = arith.constant 0 : i32
        %dma_start3A_516 = tpu.memref_slice %arg3[%arg1, %add3A_509, %dma_start3A_514, %dma_start3A_515] : memref<16x160x2x128xi32, #tpu.memory_space<hbm>> -> memref<1x1x2x128xi32, #tpu.memory_space<hbm>>
        %dma_start3A_517 = tpu.memref_squeeze %dma_start3A_516 : memref<1x1x2x128xi32, #tpu.memory_space<hbm>> -> memref<2x128xi32, #tpu.memory_space<hbm>>
        tpu.enqueue_dma source(%dma_start3A_517 : memref<2x128xi32, #tpu.memory_space<hbm>>) target(%arg13 : memref<2x128xi32, #tpu.memory_space<vmem>>) target_semaphore(%arg31 : memref<!tpu.dma_semaphore, #tpu.memory_space<semaphore_mem>>)
      } else {
      }
      %add3A_453 = arith.constant 2 : i32
      %add3A_454 = arith.addi %add3A_415, %add3A_453 : i32
      %lt3A_455 = arith.constant 160 : i32
      %lt3A_456 = arith.cmpi slt, %add3A_454, %lt3A_455 : i32
      %convert_element_type3A_457 = arith.extui %lt3A_456 : i1 to i32
      %cond3A_458 = arith.constant 0 : i32
      %cond3A_459 = arith.cmpi ne, %convert_element_type3A_457, %cond3A_458 : i32
      scf.if %cond3A_459 {
        %add3A_508 = arith.constant 2 : i32
        %add3A_509 = arith.addi %add3A_415, %add3A_508 : i32
        %dma_wait3A_510 = arith.constant 0 : i32
        %dma_wait3A_511 = arith.constant 0 : i32
        %dma_wait3A_512 = tpu.memref_slice %arg3[%arg1, %add3A_509, %dma_wait3A_510, %dma_wait3A_511] : memref<16x160x2x128xi32, #tpu.memory_space<hbm>> -> memref<1x1x2x128xi32, #tpu.memory_space<hbm>>
        %dma_wait3A_513 = tpu.memref_squeeze %dma_wait3A_512 : memref<1x1x2x128xi32, #tpu.memory_space<hbm>> -> memref<2x128xi32, #tpu.memory_space<hbm>>
        %dma_wait3A_514 = arith.constant 0 : i32
        %dma_wait3A_515 = arith.constant 0 : i32
        %dma_wait3A_516 = tpu.memref_slice %arg3[%arg1, %add3A_509, %dma_wait3A_514, %dma_wait3A_515] : memref<16x160x2x128xi32, #tpu.memory_space<hbm>> -> memref<1x1x2x128xi32, #tpu.memory_space<hbm>>
        %dma_wait3A_517 = tpu.memref_squeeze %dma_wait3A_516 : memref<1x1x2x128xi32, #tpu.memory_space<hbm>> -> memref<2x128xi32, #tpu.memory_space<hbm>>
        tpu.wait_dma2 semaphore(%arg27 : memref<!tpu.dma_semaphore, #tpu.memory_space<semaphore_mem>>) src(%dma_wait3A_517 : memref<2x128xi32, #tpu.memory_space<hbm>>) dst(%arg9 : memref<2x128xi32, #tpu.memory_space<vmem>>)
        %dma_start3A_518 = arith.constant 0 : i32
        %dma_start3A_519 = arith.constant 0 : i32
        %dma_start3A_520 = tpu.memref_slice %arg9[%dma_start3A_518, %dma_start3A_519] : memref<2x128xi32, #tpu.memory_space<vmem>> -> memref<1x128xi32, #tpu.memory_space<vmem>>
        %dma_start3A_521 = tpu.memref_squeeze %dma_start3A_520 : memref<1x128xi32, #tpu.memory_space<vmem>> -> memref<128xi32, #tpu.memory_space<vmem>>
        %dma_start3A_522 = arith.constant 0 : i32
        %dma_start3A_523 = arith.constant 0 : i32
        %dma_start3A_524 = tpu.memref_slice %arg2[%arg0, %dma_start3A_522, %dma_start3A_523] : memref<2x10000x64xf32, #tpu.memory_space<hbm>> -> memref<1x10000x64xf32, #tpu.memory_space<hbm>>
        %dma_start3A_525 = tpu.memref_squeeze %dma_start3A_524 : memref<1x10000x64xf32, #tpu.memory_space<hbm>> -> memref<10000x64xf32, #tpu.memory_space<hbm>>
        %dma_start3A_526 = arith.constant 0 : i32
        %dma_start3A_527 = arith.constant 0 : i32
        %dma_start3A_528 = tpu.memref_slice %dma_start3A_525[%dma_start3A_526, %dma_start3A_527] : memref<10000x64xf32, #tpu.memory_space<hbm>> -> memref<10000x64xf32, #tpu.memory_space<hbm>>
        tpu.enqueue_indirect_dma source(%dma_start3A_528 : memref<10000x64xf32, #tpu.memory_space<hbm>>) target(%arg17 : memref<128x64xf32, #tpu.memory_space<vmem>>) offsets(%dma_start3A_521 : memref<128xi32, #tpu.memory_space<vmem>>) semaphore(%arg35 : memref<!tpu.dma_semaphore, #tpu.memory_space<semaphore_mem>>)
      } else {
      }
      %mul3A_460 = arith.constant 8 : i32
      %mul3A_461 = arith.muli %scan3A_130, %mul3A_460 : i32
      %add3A_462 = arith.constant 7 : i32
      %add3A_463 = arith.addi %mul3A_461, %add3A_462 : i32
      %dma_wait3A_464 = arith.constant 0 : i32
      %dma_wait3A_465 = arith.constant 0 : i32
      %dma_wait3A_466 = tpu.memref_slice %arg16[%dma_wait3A_464, %dma_wait3A_465] : memref<2x128xi32, #tpu.memory_space<vmem>> -> memref<1x128xi32, #tpu.memory_space<vmem>>
      %dma_wait3A_467 = tpu.memref_squeeze %dma_wait3A_466 : memref<1x128xi32, #tpu.memory_space<vmem>> -> memref<128xi32, #tpu.memory_space<vmem>>
      %dma_wait3A_468 = arith.constant 0 : i32
      %dma_wait3A_469 = arith.constant 0 : i32
      %dma_wait3A_470 = tpu.memref_slice %arg2[%arg0, %dma_wait3A_468, %dma_wait3A_469] : memref<2x10000x64xf32, #tpu.memory_space<hbm>> -> memref<1x10000x64xf32, #tpu.memory_space<hbm>>
      %dma_wait3A_471 = tpu.memref_squeeze %dma_wait3A_470 : memref<1x10000x64xf32, #tpu.memory_space<hbm>> -> memref<10000x64xf32, #tpu.memory_space<hbm>>
      %dma_wait3A_472 = arith.constant 0 : i32
      %dma_wait3A_473 = arith.constant 0 : i32
      %dma_wait3A_474 = tpu.memref_slice %dma_wait3A_471[%dma_wait3A_472, %dma_wait3A_473] : memref<10000x64xf32, #tpu.memory_space<hbm>> -> memref<10000x64xf32, #tpu.memory_space<hbm>>
      tpu.wait_indirect_dma semaphore(%arg38 : memref<!tpu.dma_semaphore, #tpu.memory_space<semaphore_mem>>) src(%dma_wait3A_474 : memref<10000x64xf32, #tpu.memory_space<hbm>>) dst(%arg20 : memref<128x64xf32, #tpu.memory_space<vmem>>)
      %eq3A_475 = arith.constant 0 : i32
      %eq3A_476 = arith.cmpi eq, %arg0, %eq3A_475 : i32
      %convert_element_type3A_477 = arith.extui %eq3A_476 : i1 to i32
      %cond3A_478 = arith.constant 0 : i32
      %cond3A_479 = arith.cmpi ne, %convert_element_type3A_477, %cond3A_478 : i32
      scf.if %cond3A_479 {
        %dma_wait3A_508 = arith.constant 1 : i32
        %dma_wait3A_509 = arith.constant 0 : i32
        %dma_wait3A_510 = tpu.memref_slice %arg14[%dma_wait3A_508, %dma_wait3A_509] : memref<2x128xi32, #tpu.memory_space<vmem>> -> memref<1x128xi32, #tpu.memory_space<vmem>>
        %dma_wait3A_511 = tpu.memref_squeeze %dma_wait3A_510 : memref<1x128xi32, #tpu.memory_space<vmem>> -> memref<128xi32, #tpu.memory_space<vmem>>
        %dma_wait3A_512 = arith.constant 0 : i32
        %dma_wait3A_513 = arith.constant 0 : i32
        %dma_wait3A_514 = tpu.memref_slice %arg26[%dma_wait3A_512, %dma_wait3A_513] : memref<10016x8xf32, #tpu.memory_space<vmem_shared>> -> memref<10016x8xf32, #tpu.memory_space<vmem_shared>>
        tpu.wait_indirect_dma semaphore(%arg48 : memref<!tpu.dma_semaphore, #tpu.memory_space<semaphore_mem>>) src(%arg22 : memref<128x8xf32, #tpu.memory_space<vmem>>) dst(%dma_wait3A_514 : memref<10016x8xf32, #tpu.memory_space<vmem_shared>>)
        %add3A_515 = arith.constant 2 : i32
        %add3A_516 = arith.addi %add3A_463, %add3A_515 : i32
        %lt3A_517 = arith.constant 160 : i32
        %lt3A_518 = arith.cmpi slt, %add3A_516, %lt3A_517 : i32
        %convert_element_type3A_519 = arith.extui %lt3A_518 : i1 to i32
        %cond3A_520 = arith.constant 0 : i32
        %cond3A_521 = arith.cmpi ne, %convert_element_type3A_519, %cond3A_520 : i32
        scf.if %cond3A_521 {
          %add3A_537 = arith.constant 2 : i32
          %add3A_538 = arith.addi %add3A_463, %add3A_537 : i32
          %dma_start3A_539 = arith.constant 0 : i32
          %dma_start3A_540 = arith.constant 0 : i32
          %dma_start3A_541 = tpu.memref_slice %arg4[%arg1, %add3A_538, %dma_start3A_539, %dma_start3A_540] : memref<16x160x128x8xf32, #tpu.memory_space<hbm>> -> memref<1x1x128x8xf32, #tpu.memory_space<hbm>>
          %dma_start3A_542 = tpu.memref_squeeze %dma_start3A_541 : memref<1x1x128x8xf32, #tpu.memory_space<hbm>> -> memref<128x8xf32, #tpu.memory_space<hbm>>
          %dma_start3A_543 = arith.constant 0 : i32
          %dma_start3A_544 = arith.constant 0 : i32
          %dma_start3A_545 = tpu.memref_slice %arg4[%arg1, %add3A_538, %dma_start3A_543, %dma_start3A_544] : memref<16x160x128x8xf32, #tpu.memory_space<hbm>> -> memref<1x1x128x8xf32, #tpu.memory_space<hbm>>
          %dma_start3A_546 = tpu.memref_squeeze %dma_start3A_545 : memref<1x1x128x8xf32, #tpu.memory_space<hbm>> -> memref<128x8xf32, #tpu.memory_space<hbm>>
          tpu.enqueue_dma source(%dma_start3A_546 : memref<128x8xf32, #tpu.memory_space<hbm>>) target(%arg22 : memref<128x8xf32, #tpu.memory_space<vmem>>) target_semaphore(%arg44 : memref<!tpu.dma_semaphore, #tpu.memory_space<semaphore_mem>>)
        } else {
        }
        %dma_wait3A_522 = arith.constant 0 : i32
        %dma_wait3A_523 = arith.constant 0 : i32
        %dma_wait3A_524 = tpu.memref_slice %arg4[%arg1, %add3A_463, %dma_wait3A_522, %dma_wait3A_523] : memref<16x160x128x8xf32, #tpu.memory_space<hbm>> -> memref<1x1x128x8xf32, #tpu.memory_space<hbm>>
        %dma_wait3A_525 = tpu.memref_squeeze %dma_wait3A_524 : memref<1x1x128x8xf32, #tpu.memory_space<hbm>> -> memref<128x8xf32, #tpu.memory_space<hbm>>
        %dma_wait3A_526 = arith.constant 0 : i32
        %dma_wait3A_527 = arith.constant 0 : i32
        %dma_wait3A_528 = tpu.memref_slice %arg4[%arg1, %add3A_463, %dma_wait3A_526, %dma_wait3A_527] : memref<16x160x128x8xf32, #tpu.memory_space<hbm>> -> memref<1x1x128x8xf32, #tpu.memory_space<hbm>>
        %dma_wait3A_529 = tpu.memref_squeeze %dma_wait3A_528 : memref<1x1x128x8xf32, #tpu.memory_space<hbm>> -> memref<128x8xf32, #tpu.memory_space<hbm>>
        tpu.wait_dma2 semaphore(%arg46 : memref<!tpu.dma_semaphore, #tpu.memory_space<semaphore_mem>>) src(%dma_wait3A_529 : memref<128x8xf32, #tpu.memory_space<hbm>>) dst(%arg24 : memref<128x8xf32, #tpu.memory_space<vmem>>)
        %dma_start3A_530 = arith.constant 1 : i32
        %dma_start3A_531 = arith.constant 0 : i32
        %dma_start3A_532 = tpu.memref_slice %arg16[%dma_start3A_530, %dma_start3A_531] : memref<2x128xi32, #tpu.memory_space<vmem>> -> memref<1x128xi32, #tpu.memory_space<vmem>>
        %dma_start3A_533 = tpu.memref_squeeze %dma_start3A_532 : memref<1x128xi32, #tpu.memory_space<vmem>> -> memref<128xi32, #tpu.memory_space<vmem>>
        %dma_start3A_534 = arith.constant 0 : i32
        %dma_start3A_535 = arith.constant 0 : i32
        %dma_start3A_536 = tpu.memref_slice %arg26[%dma_start3A_534, %dma_start3A_535] : memref<10016x8xf32, #tpu.memory_space<vmem_shared>> -> memref<10016x8xf32, #tpu.memory_space<vmem_shared>>
        tpu.enqueue_indirect_dma source(%arg24 : memref<128x8xf32, #tpu.memory_space<vmem>>) target(%dma_start3A_536 : memref<10016x8xf32, #tpu.memory_space<vmem_shared>>) offsets(%dma_start3A_533 : memref<128xi32, #tpu.memory_space<vmem>>) semaphore(%arg50 : memref<!tpu.dma_semaphore, #tpu.memory_space<semaphore_mem>>) {add = true}
      } else {
      }
      %dma_start3A_480 = arith.constant 1 : i32
      %dma_start3A_481 = arith.constant 0 : i32
      %dma_start3A_482 = tpu.memref_slice %arg16[%dma_start3A_480, %dma_start3A_481] : memref<2x128xi32, #tpu.memory_space<vmem>> -> memref<1x128xi32, #tpu.memory_space<vmem>>
      %dma_start3A_483 = tpu.memref_squeeze %dma_start3A_482 : memref<1x128xi32, #tpu.memory_space<vmem>> -> memref<128xi32, #tpu.memory_space<vmem>>
      %dma_start3A_484 = arith.constant 0 : i32
      %dma_start3A_485 = arith.constant 0 : i32
      %dma_start3A_486 = tpu.memref_slice %arg25[%dma_start3A_484, %dma_start3A_485] : memref<10016x64xf32, #tpu.memory_space<vmem_shared>> -> memref<10016x64xf32, #tpu.memory_space<vmem_shared>>
      tpu.enqueue_indirect_dma source(%arg20 : memref<128x64xf32, #tpu.memory_space<vmem>>) target(%dma_start3A_486 : memref<10016x64xf32, #tpu.memory_space<vmem_shared>>) offsets(%dma_start3A_483 : memref<128xi32, #tpu.memory_space<vmem>>) semaphore(%arg42 : memref<!tpu.dma_semaphore, #tpu.memory_space<semaphore_mem>>) {add = true}
      %dma_wait3A_487 = arith.constant 1 : i32
      %dma_wait3A_488 = arith.constant 0 : i32
      %dma_wait3A_489 = tpu.memref_slice %arg14[%dma_wait3A_487, %dma_wait3A_488] : memref<2x128xi32, #tpu.memory_space<vmem>> -> memref<1x128xi32, #tpu.memory_space<vmem>>
      %dma_wait3A_490 = tpu.memref_squeeze %dma_wait3A_489 : memref<1x128xi32, #tpu.memory_space<vmem>> -> memref<128xi32, #tpu.memory_space<vmem>>
      %dma_wait3A_491 = arith.constant 0 : i32
      %dma_wait3A_492 = arith.constant 0 : i32
      %dma_wait3A_493 = tpu.memref_slice %arg25[%dma_wait3A_491, %dma_wait3A_492] : memref<10016x64xf32, #tpu.memory_space<vmem_shared>> -> memref<10016x64xf32, #tpu.memory_space<vmem_shared>>
      tpu.wait_indirect_dma semaphore(%arg40 : memref<!tpu.dma_semaphore, #tpu.memory_space<semaphore_mem>>) src(%arg18 : memref<128x64xf32, #tpu.memory_space<vmem>>) dst(%dma_wait3A_493 : memref<10016x64xf32, #tpu.memory_space<vmem_shared>>)
      %add3A_494 = arith.constant 6 : i32
      %add3A_495 = arith.addi %add3A_463, %add3A_494 : i32
      %lt3A_496 = arith.constant 160 : i32
      %lt3A_497 = arith.cmpi slt, %add3A_495, %lt3A_496 : i32
      %convert_element_type3A_498 = arith.extui %lt3A_497 : i1 to i32
      %cond3A_499 = arith.constant 0 : i32
      %cond3A_500 = arith.cmpi ne, %convert_element_type3A_498, %cond3A_499 : i32
      scf.if %cond3A_500 {
        %add3A_508 = arith.constant 6 : i32
        %add3A_509 = arith.addi %add3A_463, %add3A_508 : i32
        %dma_start3A_510 = arith.constant 0 : i32
        %dma_start3A_511 = arith.constant 0 : i32
        %dma_start3A_512 = tpu.memref_slice %arg3[%arg1, %add3A_509, %dma_start3A_510, %dma_start3A_511] : memref<16x160x2x128xi32, #tpu.memory_space<hbm>> -> memref<1x1x2x128xi32, #tpu.memory_space<hbm>>
        %dma_start3A_513 = tpu.memref_squeeze %dma_start3A_512 : memref<1x1x2x128xi32, #tpu.memory_space<hbm>> -> memref<2x128xi32, #tpu.memory_space<hbm>>
        %dma_start3A_514 = arith.constant 0 : i32
        %dma_start3A_515 = arith.constant 0 : i32
        %dma_start3A_516 = tpu.memref_slice %arg3[%arg1, %add3A_509, %dma_start3A_514, %dma_start3A_515] : memref<16x160x2x128xi32, #tpu.memory_space<hbm>> -> memref<1x1x2x128xi32, #tpu.memory_space<hbm>>
        %dma_start3A_517 = tpu.memref_squeeze %dma_start3A_516 : memref<1x1x2x128xi32, #tpu.memory_space<hbm>> -> memref<2x128xi32, #tpu.memory_space<hbm>>
        tpu.enqueue_dma source(%dma_start3A_517 : memref<2x128xi32, #tpu.memory_space<hbm>>) target(%arg14 : memref<2x128xi32, #tpu.memory_space<vmem>>) target_semaphore(%arg32 : memref<!tpu.dma_semaphore, #tpu.memory_space<semaphore_mem>>)
      } else {
      }
      %add3A_501 = arith.constant 2 : i32
      %add3A_502 = arith.addi %add3A_463, %add3A_501 : i32
      %lt3A_503 = arith.constant 160 : i32
      %lt3A_504 = arith.cmpi slt, %add3A_502, %lt3A_503 : i32
      %convert_element_type3A_505 = arith.extui %lt3A_504 : i1 to i32
      %cond3A_506 = arith.constant 0 : i32
      %cond3A_507 = arith.cmpi ne, %convert_element_type3A_505, %cond3A_506 : i32
      scf.if %cond3A_507 {
        %add3A_508 = arith.constant 2 : i32
        %add3A_509 = arith.addi %add3A_463, %add3A_508 : i32
        %dma_wait3A_510 = arith.constant 0 : i32
        %dma_wait3A_511 = arith.constant 0 : i32
        %dma_wait3A_512 = tpu.memref_slice %arg3[%arg1, %add3A_509, %dma_wait3A_510, %dma_wait3A_511] : memref<16x160x2x128xi32, #tpu.memory_space<hbm>> -> memref<1x1x2x128xi32, #tpu.memory_space<hbm>>
        %dma_wait3A_513 = tpu.memref_squeeze %dma_wait3A_512 : memref<1x1x2x128xi32, #tpu.memory_space<hbm>> -> memref<2x128xi32, #tpu.memory_space<hbm>>
        %dma_wait3A_514 = arith.constant 0 : i32
        %dma_wait3A_515 = arith.constant 0 : i32
        %dma_wait3A_516 = tpu.memref_slice %arg3[%arg1, %add3A_509, %dma_wait3A_514, %dma_wait3A_515] : memref<16x160x2x128xi32, #tpu.memory_space<hbm>> -> memref<1x1x2x128xi32, #tpu.memory_space<hbm>>
        %dma_wait3A_517 = tpu.memref_squeeze %dma_wait3A_516 : memref<1x1x2x128xi32, #tpu.memory_space<hbm>> -> memref<2x128xi32, #tpu.memory_space<hbm>>
        tpu.wait_dma2 semaphore(%arg28 : memref<!tpu.dma_semaphore, #tpu.memory_space<semaphore_mem>>) src(%dma_wait3A_517 : memref<2x128xi32, #tpu.memory_space<hbm>>) dst(%arg10 : memref<2x128xi32, #tpu.memory_space<vmem>>)
        %dma_start3A_518 = arith.constant 0 : i32
        %dma_start3A_519 = arith.constant 0 : i32
        %dma_start3A_520 = tpu.memref_slice %arg10[%dma_start3A_518, %dma_start3A_519] : memref<2x128xi32, #tpu.memory_space<vmem>> -> memref<1x128xi32, #tpu.memory_space<vmem>>
        %dma_start3A_521 = tpu.memref_squeeze %dma_start3A_520 : memref<1x128xi32, #tpu.memory_space<vmem>> -> memref<128xi32, #tpu.memory_space<vmem>>
        %dma_start3A_522 = arith.constant 0 : i32
        %dma_start3A_523 = arith.constant 0 : i32
        %dma_start3A_524 = tpu.memref_slice %arg2[%arg0, %dma_start3A_522, %dma_start3A_523] : memref<2x10000x64xf32, #tpu.memory_space<hbm>> -> memref<1x10000x64xf32, #tpu.memory_space<hbm>>
        %dma_start3A_525 = tpu.memref_squeeze %dma_start3A_524 : memref<1x10000x64xf32, #tpu.memory_space<hbm>> -> memref<10000x64xf32, #tpu.memory_space<hbm>>
        %dma_start3A_526 = arith.constant 0 : i32
        %dma_start3A_527 = arith.constant 0 : i32
        %dma_start3A_528 = tpu.memref_slice %dma_start3A_525[%dma_start3A_526, %dma_start3A_527] : memref<10000x64xf32, #tpu.memory_space<hbm>> -> memref<10000x64xf32, #tpu.memory_space<hbm>>
        tpu.enqueue_indirect_dma source(%dma_start3A_528 : memref<10000x64xf32, #tpu.memory_space<hbm>>) target(%arg18 : memref<128x64xf32, #tpu.memory_space<vmem>>) offsets(%dma_start3A_521 : memref<128xi32, #tpu.memory_space<vmem>>) semaphore(%arg36 : memref<!tpu.dma_semaphore, #tpu.memory_space<semaphore_mem>>)
      } else {
      }
    }
    %scan3A_104 = arith.constant 20 : i32
    %dma_wait3A_105 = arith.constant 1 : i32
    %dma_wait3A_106 = arith.constant 0 : i32
    %dma_wait3A_107 = tpu.memref_slice %arg15[%dma_wait3A_105, %dma_wait3A_106] : memref<2x128xi32, #tpu.memory_space<vmem>> -> memref<1x128xi32, #tpu.memory_space<vmem>>
    %dma_wait3A_108 = tpu.memref_squeeze %dma_wait3A_107 : memref<1x128xi32, #tpu.memory_space<vmem>> -> memref<128xi32, #tpu.memory_space<vmem>>
    %dma_wait3A_109 = arith.constant 0 : i32
    %dma_wait3A_110 = arith.constant 0 : i32
    %dma_wait3A_111 = tpu.memref_slice %arg25[%dma_wait3A_109, %dma_wait3A_110] : memref<10016x64xf32, #tpu.memory_space<vmem_shared>> -> memref<10016x64xf32, #tpu.memory_space<vmem_shared>>
    tpu.wait_indirect_dma semaphore(%arg41 : memref<!tpu.dma_semaphore, #tpu.memory_space<semaphore_mem>>) src(%arg19 : memref<128x64xf32, #tpu.memory_space<vmem>>) dst(%dma_wait3A_111 : memref<10016x64xf32, #tpu.memory_space<vmem_shared>>)
    %dma_wait3A_112 = arith.constant 1 : i32
    %dma_wait3A_113 = arith.constant 0 : i32
    %dma_wait3A_114 = tpu.memref_slice %arg16[%dma_wait3A_112, %dma_wait3A_113] : memref<2x128xi32, #tpu.memory_space<vmem>> -> memref<1x128xi32, #tpu.memory_space<vmem>>
    %dma_wait3A_115 = tpu.memref_squeeze %dma_wait3A_114 : memref<1x128xi32, #tpu.memory_space<vmem>> -> memref<128xi32, #tpu.memory_space<vmem>>
    %dma_wait3A_116 = arith.constant 0 : i32
    %dma_wait3A_117 = arith.constant 0 : i32
    %dma_wait3A_118 = tpu.memref_slice %arg25[%dma_wait3A_116, %dma_wait3A_117] : memref<10016x64xf32, #tpu.memory_space<vmem_shared>> -> memref<10016x64xf32, #tpu.memory_space<vmem_shared>>
    tpu.wait_indirect_dma semaphore(%arg42 : memref<!tpu.dma_semaphore, #tpu.memory_space<semaphore_mem>>) src(%arg20 : memref<128x64xf32, #tpu.memory_space<vmem>>) dst(%dma_wait3A_118 : memref<10016x64xf32, #tpu.memory_space<vmem_shared>>)
    %eq3A_119 = arith.constant 0 : i32
    %eq3A_120 = arith.cmpi eq, %arg0, %eq3A_119 : i32
    %convert_element_type3A_121 = arith.extui %eq3A_120 : i1 to i32
    %cond3A_122 = arith.constant 0 : i32
    %cond3A_123 = arith.cmpi ne, %convert_element_type3A_121, %cond3A_122 : i32
    scf.if %cond3A_123 {
      %dma_wait3A_130 = arith.constant 1 : i32
      %dma_wait3A_131 = arith.constant 0 : i32
      %dma_wait3A_132 = tpu.memref_slice %arg15[%dma_wait3A_130, %dma_wait3A_131] : memref<2x128xi32, #tpu.memory_space<vmem>> -> memref<1x128xi32, #tpu.memory_space<vmem>>
      %dma_wait3A_133 = tpu.memref_squeeze %dma_wait3A_132 : memref<1x128xi32, #tpu.memory_space<vmem>> -> memref<128xi32, #tpu.memory_space<vmem>>
      %dma_wait3A_134 = arith.constant 0 : i32
      %dma_wait3A_135 = arith.constant 0 : i32
      %dma_wait3A_136 = tpu.memref_slice %arg26[%dma_wait3A_134, %dma_wait3A_135] : memref<10016x8xf32, #tpu.memory_space<vmem_shared>> -> memref<10016x8xf32, #tpu.memory_space<vmem_shared>>
      tpu.wait_indirect_dma semaphore(%arg49 : memref<!tpu.dma_semaphore, #tpu.memory_space<semaphore_mem>>) src(%arg23 : memref<128x8xf32, #tpu.memory_space<vmem>>) dst(%dma_wait3A_136 : memref<10016x8xf32, #tpu.memory_space<vmem_shared>>)
      %dma_wait3A_137 = arith.constant 1 : i32
      %dma_wait3A_138 = arith.constant 0 : i32
      %dma_wait3A_139 = tpu.memref_slice %arg16[%dma_wait3A_137, %dma_wait3A_138] : memref<2x128xi32, #tpu.memory_space<vmem>> -> memref<1x128xi32, #tpu.memory_space<vmem>>
      %dma_wait3A_140 = tpu.memref_squeeze %dma_wait3A_139 : memref<1x128xi32, #tpu.memory_space<vmem>> -> memref<128xi32, #tpu.memory_space<vmem>>
      %dma_wait3A_141 = arith.constant 0 : i32
      %dma_wait3A_142 = arith.constant 0 : i32
      %dma_wait3A_143 = tpu.memref_slice %arg26[%dma_wait3A_141, %dma_wait3A_142] : memref<10016x8xf32, #tpu.memory_space<vmem_shared>> -> memref<10016x8xf32, #tpu.memory_space<vmem_shared>>
      tpu.wait_indirect_dma semaphore(%arg50 : memref<!tpu.dma_semaphore, #tpu.memory_space<semaphore_mem>>) src(%arg24 : memref<128x8xf32, #tpu.memory_space<vmem>>) dst(%dma_wait3A_143 : memref<10016x8xf32, #tpu.memory_space<vmem_shared>>)
    } else {
    }
    %barrier3A_124 = arith.constant 0 : index
    tpu.barrier barrier_id(%barrier3A_124)
    "tpu.region"() ({
      %run_scoped3A = tpu.sem_alloc : memref<!tpu.dma_semaphore, #tpu.memory_space<semaphore_mem>>
      %dma_start3A_130 = arith.constant 0 : i32
      %dma_start3A_131 = arith.constant 0 : i32
      %dma_start3A_132 = tpu.memref_slice %arg7[%arg0, %dma_start3A_130, %dma_start3A_131] : memref<2x10016x64xf32, #tpu.memory_space<hbm>> -> memref<1x10016x64xf32, #tpu.memory_space<hbm>>
      %dma_start3A_133 = tpu.memref_squeeze %dma_start3A_132 : memref<1x10016x64xf32, #tpu.memory_space<hbm>> -> memref<10016x64xf32, #tpu.memory_space<hbm>>
      %dma_start3A_134 = arith.constant 0 : i32
      %dma_start3A_135 = tpu.memref_slice %dma_start3A_133[%mul3A_0, %dma_start3A_134] : memref<10016x64xf32, #tpu.memory_space<hbm>> -> memref<626x64xf32, #tpu.memory_space<hbm>>
      %dma_start3A_136 = arith.constant 0 : i32
      %dma_start3A_137 = tpu.memref_slice %arg25[%mul3A_0, %dma_start3A_136] : memref<10016x64xf32, #tpu.memory_space<vmem_shared>> -> memref<626x64xf32, #tpu.memory_space<vmem_shared>>
      tpu.enqueue_dma source(%dma_start3A_137 : memref<626x64xf32, #tpu.memory_space<vmem_shared>>) target(%dma_start3A_135 : memref<626x64xf32, #tpu.memory_space<hbm>>) target_semaphore(%run_scoped3A : memref<!tpu.dma_semaphore, #tpu.memory_space<semaphore_mem>>)
      %dma_wait3A_138 = arith.constant 0 : i32
      %dma_wait3A_139 = arith.constant 0 : i32
      %dma_wait3A_140 = tpu.memref_slice %arg7[%arg0, %dma_wait3A_138, %dma_wait3A_139] : memref<2x10016x64xf32, #tpu.memory_space<hbm>> -> memref<1x10016x64xf32, #tpu.memory_space<hbm>>
      %dma_wait3A_141 = tpu.memref_squeeze %dma_wait3A_140 : memref<1x10016x64xf32, #tpu.memory_space<hbm>> -> memref<10016x64xf32, #tpu.memory_space<hbm>>
      %dma_wait3A_142 = arith.constant 0 : i32
      %dma_wait3A_143 = tpu.memref_slice %dma_wait3A_141[%mul3A_0, %dma_wait3A_142] : memref<10016x64xf32, #tpu.memory_space<hbm>> -> memref<626x64xf32, #tpu.memory_space<hbm>>
      %dma_wait3A_144 = arith.constant 0 : i32
      %dma_wait3A_145 = tpu.memref_slice %arg25[%mul3A_0, %dma_wait3A_144] : memref<10016x64xf32, #tpu.memory_space<vmem_shared>> -> memref<626x64xf32, #tpu.memory_space<vmem_shared>>
      tpu.wait_dma2 semaphore(%run_scoped3A : memref<!tpu.dma_semaphore, #tpu.memory_space<semaphore_mem>>) src(%dma_wait3A_145 : memref<626x64xf32, #tpu.memory_space<vmem_shared>>) dst(%dma_wait3A_143 : memref<626x64xf32, #tpu.memory_space<hbm>>)
      tpu.yield
    }) : () -> ()
    %eq3A_125 = arith.constant 0 : i32
    %eq3A_126 = arith.cmpi eq, %arg0, %eq3A_125 : i32
    %convert_element_type3A_127 = arith.extui %eq3A_126 : i1 to i32
    %cond3A_128 = arith.constant 0 : i32
    %cond3A_129 = arith.cmpi ne, %convert_element_type3A_127, %cond3A_128 : i32
    scf.if %cond3A_129 {
      "tpu.region"() ({
        %run_scoped3A = tpu.sem_alloc : memref<!tpu.dma_semaphore, #tpu.memory_space<semaphore_mem>>
        %dma_start3A_130 = arith.constant 0 : i32
        %dma_start3A_131 = tpu.memref_slice %arg8[%mul3A_0, %dma_start3A_130] : memref<10016x8xf32, #tpu.memory_space<hbm>> -> memref<626x8xf32, #tpu.memory_space<hbm>>
        %dma_start3A_132 = arith.constant 0 : i32
        %dma_start3A_133 = tpu.memref_slice %arg26[%mul3A_0, %dma_start3A_132] : memref<10016x8xf32, #tpu.memory_space<vmem_shared>> -> memref<626x8xf32, #tpu.memory_space<vmem_shared>>
        tpu.enqueue_dma source(%dma_start3A_133 : memref<626x8xf32, #tpu.memory_space<vmem_shared>>) target(%dma_start3A_131 : memref<626x8xf32, #tpu.memory_space<hbm>>) target_semaphore(%run_scoped3A : memref<!tpu.dma_semaphore, #tpu.memory_space<semaphore_mem>>)
        %dma_wait3A_134 = arith.constant 0 : i32
        %dma_wait3A_135 = tpu.memref_slice %arg8[%mul3A_0, %dma_wait3A_134] : memref<10016x8xf32, #tpu.memory_space<hbm>> -> memref<626x8xf32, #tpu.memory_space<hbm>>
        %dma_wait3A_136 = arith.constant 0 : i32
        %dma_wait3A_137 = tpu.memref_slice %arg26[%mul3A_0, %dma_wait3A_136] : memref<10016x8xf32, #tpu.memory_space<vmem_shared>> -> memref<626x8xf32, #tpu.memory_space<vmem_shared>>
        tpu.wait_dma2 semaphore(%run_scoped3A : memref<!tpu.dma_semaphore, #tpu.memory_space<semaphore_mem>>) src(%dma_wait3A_137 : memref<626x8xf32, #tpu.memory_space<vmem_shared>>) dst(%dma_wait3A_135 : memref<626x8xf32, #tpu.memory_space<hbm>>)
        tpu.yield
      }) : () -> ()
    } else {
    }
    return
  }
}

#map = affine_map<(d0, d1) -> (0, 0, 0)>
#map1 = affine_map<(d0, d1) -> (0, 0, 0, 0)>
#map2 = affine_map<(d0, d1) -> (0, 0)>
module attributes {stable_mosaic.version = 14 : i64} {
  func.func @_spmm_body(%arg0: i32, %arg1: i32, %arg2: memref<2x10000x96xf32, #tpu.memory_space<hbm>>, %arg3: memref<16x160x2x128xi32, #tpu.memory_space<hbm>>, %arg4: memref<10016x96xf32, #tpu.memory_space<hbm>>, %arg5: memref<2x10016x96xf32, #tpu.memory_space<hbm>>, %arg6: memref<2x128xi32, #tpu.memory_space<vmem>>, %arg7: memref<2x128xi32, #tpu.memory_space<vmem>>, %arg8: memref<2x128xi32, #tpu.memory_space<vmem>>, %arg9: memref<2x128xi32, #tpu.memory_space<vmem>>, %arg10: memref<2x128xi32, #tpu.memory_space<vmem>>, %arg11: memref<2x128xi32, #tpu.memory_space<vmem>>, %arg12: memref<2x128xi32, #tpu.memory_space<vmem>>, %arg13: memref<2x128xi32, #tpu.memory_space<vmem>>, %arg14: memref<128x96xf32, #tpu.memory_space<vmem>>, %arg15: memref<128x96xf32, #tpu.memory_space<vmem>>, %arg16: memref<128x96xf32, #tpu.memory_space<vmem>>, %arg17: memref<128x96xf32, #tpu.memory_space<vmem>>, %arg18: memref<10016x96xf32, #tpu.memory_space<vmem_shared>>, %arg19: memref<!tpu.dma_semaphore, #tpu.memory_space<semaphore_mem>>, %arg20: memref<!tpu.dma_semaphore, #tpu.memory_space<semaphore_mem>>, %arg21: memref<!tpu.dma_semaphore, #tpu.memory_space<semaphore_mem>>, %arg22: memref<!tpu.dma_semaphore, #tpu.memory_space<semaphore_mem>>, %arg23: memref<!tpu.dma_semaphore, #tpu.memory_space<semaphore_mem>>, %arg24: memref<!tpu.dma_semaphore, #tpu.memory_space<semaphore_mem>>, %arg25: memref<!tpu.dma_semaphore, #tpu.memory_space<semaphore_mem>>, %arg26: memref<!tpu.dma_semaphore, #tpu.memory_space<semaphore_mem>>, %arg27: memref<!tpu.dma_semaphore, #tpu.memory_space<semaphore_mem>>, %arg28: memref<!tpu.dma_semaphore, #tpu.memory_space<semaphore_mem>>, %arg29: memref<!tpu.dma_semaphore, #tpu.memory_space<semaphore_mem>>, %arg30: memref<!tpu.dma_semaphore, #tpu.memory_space<semaphore_mem>>, %arg31: memref<!tpu.dma_semaphore, #tpu.memory_space<semaphore_mem>>, %arg32: memref<!tpu.dma_semaphore, #tpu.memory_space<semaphore_mem>>, %arg33: memref<!tpu.dma_semaphore, #tpu.memory_space<semaphore_mem>>, %arg34: memref<!tpu.dma_semaphore, #tpu.memory_space<semaphore_mem>>) attributes {dimension_semantics = [#tpu.dimension_semantics<core_parallel>, #tpu.dimension_semantics<subcore_parallel>], iteration_bounds = array<i64: 2, 16>, scalar_prefetch = 0 : i64, scratch_operands = 29 : i64, tpu.core_type = #tpu.core_type<sc_vector_subcore>, window_params = [{transform_indices = #map}, {transform_indices = #map1}, {transform_indices = #map2}, {transform_indices = #map}]} {
    %mul3A = arith.constant 626 : i32
    %mul3A_0 = arith.muli %arg1, %mul3A : i32
    "tpu.region"() ({
      %run_scoped3A = tpu.sem_alloc : memref<!tpu.dma_semaphore, #tpu.memory_space<semaphore_mem>>
      %dma_start3A_113 = arith.constant 0 : i32
      %dma_start3A_114 = tpu.memref_slice %arg18[%mul3A_0, %dma_start3A_113] : memref<10016x96xf32, #tpu.memory_space<vmem_shared>> -> memref<626x96xf32, #tpu.memory_space<vmem_shared>>
      %dma_start3A_115 = arith.constant 0 : i32
      %dma_start3A_116 = tpu.memref_slice %arg4[%mul3A_0, %dma_start3A_115] : memref<10016x96xf32, #tpu.memory_space<hbm>> -> memref<626x96xf32, #tpu.memory_space<hbm>>
      tpu.enqueue_dma source(%dma_start3A_116 : memref<626x96xf32, #tpu.memory_space<hbm>>) target(%dma_start3A_114 : memref<626x96xf32, #tpu.memory_space<vmem_shared>>) target_semaphore(%run_scoped3A : memref<!tpu.dma_semaphore, #tpu.memory_space<semaphore_mem>>)
      %dma_wait3A_117 = arith.constant 0 : i32
      %dma_wait3A_118 = tpu.memref_slice %arg18[%mul3A_0, %dma_wait3A_117] : memref<10016x96xf32, #tpu.memory_space<vmem_shared>> -> memref<626x96xf32, #tpu.memory_space<vmem_shared>>
      %dma_wait3A_119 = arith.constant 0 : i32
      %dma_wait3A_120 = tpu.memref_slice %arg4[%mul3A_0, %dma_wait3A_119] : memref<10016x96xf32, #tpu.memory_space<hbm>> -> memref<626x96xf32, #tpu.memory_space<hbm>>
      tpu.wait_dma2 semaphore(%run_scoped3A : memref<!tpu.dma_semaphore, #tpu.memory_space<semaphore_mem>>) src(%dma_wait3A_120 : memref<626x96xf32, #tpu.memory_space<hbm>>) dst(%dma_wait3A_118 : memref<626x96xf32, #tpu.memory_space<vmem_shared>>)
      tpu.yield
    }) : () -> ()
    %barrier3A = arith.constant 0 : index
    tpu.barrier barrier_id(%barrier3A)
    %dma_start3A = arith.constant 0 : i32
    %dma_start3A_1 = arith.constant 0 : i32
    %dma_start3A_2 = arith.constant 0 : i32
    %dma_start3A_3 = tpu.memref_slice %arg3[%arg1, %dma_start3A, %dma_start3A_1, %dma_start3A_2] : memref<16x160x2x128xi32, #tpu.memory_space<hbm>> -> memref<1x1x2x128xi32, #tpu.memory_space<hbm>>
    %dma_start3A_4 = tpu.memref_squeeze %dma_start3A_3 : memref<1x1x2x128xi32, #tpu.memory_space<hbm>> -> memref<2x128xi32, #tpu.memory_space<hbm>>
    %dma_start3A_5 = arith.constant 0 : i32
    %dma_start3A_6 = arith.constant 0 : i32
    %dma_start3A_7 = tpu.memref_slice %arg3[%arg1, %dma_start3A, %dma_start3A_5, %dma_start3A_6] : memref<16x160x2x128xi32, #tpu.memory_space<hbm>> -> memref<1x1x2x128xi32, #tpu.memory_space<hbm>>
    %dma_start3A_8 = tpu.memref_squeeze %dma_start3A_7 : memref<1x1x2x128xi32, #tpu.memory_space<hbm>> -> memref<2x128xi32, #tpu.memory_space<hbm>>
    tpu.enqueue_dma source(%dma_start3A_8 : memref<2x128xi32, #tpu.memory_space<hbm>>) target(%arg6 : memref<2x128xi32, #tpu.memory_space<vmem>>) target_semaphore(%arg19 : memref<!tpu.dma_semaphore, #tpu.memory_space<semaphore_mem>>)
    %dma_start3A_9 = arith.constant 1 : i32
    %dma_start3A_10 = arith.constant 0 : i32
    %dma_start3A_11 = arith.constant 0 : i32
    %dma_start3A_12 = tpu.memref_slice %arg3[%arg1, %dma_start3A_9, %dma_start3A_10, %dma_start3A_11] : memref<16x160x2x128xi32, #tpu.memory_space<hbm>> -> memref<1x1x2x128xi32, #tpu.memory_space<hbm>>
    %dma_start3A_13 = tpu.memref_squeeze %dma_start3A_12 : memref<1x1x2x128xi32, #tpu.memory_space<hbm>> -> memref<2x128xi32, #tpu.memory_space<hbm>>
    %dma_start3A_14 = arith.constant 0 : i32
    %dma_start3A_15 = arith.constant 0 : i32
    %dma_start3A_16 = tpu.memref_slice %arg3[%arg1, %dma_start3A_9, %dma_start3A_14, %dma_start3A_15] : memref<16x160x2x128xi32, #tpu.memory_space<hbm>> -> memref<1x1x2x128xi32, #tpu.memory_space<hbm>>
    %dma_start3A_17 = tpu.memref_squeeze %dma_start3A_16 : memref<1x1x2x128xi32, #tpu.memory_space<hbm>> -> memref<2x128xi32, #tpu.memory_space<hbm>>
    tpu.enqueue_dma source(%dma_start3A_17 : memref<2x128xi32, #tpu.memory_space<hbm>>) target(%arg7 : memref<2x128xi32, #tpu.memory_space<vmem>>) target_semaphore(%arg20 : memref<!tpu.dma_semaphore, #tpu.memory_space<semaphore_mem>>)
    %dma_start3A_18 = arith.constant 2 : i32
    %dma_start3A_19 = arith.constant 0 : i32
    %dma_start3A_20 = arith.constant 0 : i32
    %dma_start3A_21 = tpu.memref_slice %arg3[%arg1, %dma_start3A_18, %dma_start3A_19, %dma_start3A_20] : memref<16x160x2x128xi32, #tpu.memory_space<hbm>> -> memref<1x1x2x128xi32, #tpu.memory_space<hbm>>
    %dma_start3A_22 = tpu.memref_squeeze %dma_start3A_21 : memref<1x1x2x128xi32, #tpu.memory_space<hbm>> -> memref<2x128xi32, #tpu.memory_space<hbm>>
    %dma_start3A_23 = arith.constant 0 : i32
    %dma_start3A_24 = arith.constant 0 : i32
    %dma_start3A_25 = tpu.memref_slice %arg3[%arg1, %dma_start3A_18, %dma_start3A_23, %dma_start3A_24] : memref<16x160x2x128xi32, #tpu.memory_space<hbm>> -> memref<1x1x2x128xi32, #tpu.memory_space<hbm>>
    %dma_start3A_26 = tpu.memref_squeeze %dma_start3A_25 : memref<1x1x2x128xi32, #tpu.memory_space<hbm>> -> memref<2x128xi32, #tpu.memory_space<hbm>>
    tpu.enqueue_dma source(%dma_start3A_26 : memref<2x128xi32, #tpu.memory_space<hbm>>) target(%arg8 : memref<2x128xi32, #tpu.memory_space<vmem>>) target_semaphore(%arg21 : memref<!tpu.dma_semaphore, #tpu.memory_space<semaphore_mem>>)
    %dma_start3A_27 = arith.constant 3 : i32
    %dma_start3A_28 = arith.constant 0 : i32
    %dma_start3A_29 = arith.constant 0 : i32
    %dma_start3A_30 = tpu.memref_slice %arg3[%arg1, %dma_start3A_27, %dma_start3A_28, %dma_start3A_29] : memref<16x160x2x128xi32, #tpu.memory_space<hbm>> -> memref<1x1x2x128xi32, #tpu.memory_space<hbm>>
    %dma_start3A_31 = tpu.memref_squeeze %dma_start3A_30 : memref<1x1x2x128xi32, #tpu.memory_space<hbm>> -> memref<2x128xi32, #tpu.memory_space<hbm>>
    %dma_start3A_32 = arith.constant 0 : i32
    %dma_start3A_33 = arith.constant 0 : i32
    %dma_start3A_34 = tpu.memref_slice %arg3[%arg1, %dma_start3A_27, %dma_start3A_32, %dma_start3A_33] : memref<16x160x2x128xi32, #tpu.memory_space<hbm>> -> memref<1x1x2x128xi32, #tpu.memory_space<hbm>>
    %dma_start3A_35 = tpu.memref_squeeze %dma_start3A_34 : memref<1x1x2x128xi32, #tpu.memory_space<hbm>> -> memref<2x128xi32, #tpu.memory_space<hbm>>
    tpu.enqueue_dma source(%dma_start3A_35 : memref<2x128xi32, #tpu.memory_space<hbm>>) target(%arg9 : memref<2x128xi32, #tpu.memory_space<vmem>>) target_semaphore(%arg22 : memref<!tpu.dma_semaphore, #tpu.memory_space<semaphore_mem>>)
    %dma_start3A_36 = arith.constant 4 : i32
    %dma_start3A_37 = arith.constant 0 : i32
    %dma_start3A_38 = arith.constant 0 : i32
    %dma_start3A_39 = tpu.memref_slice %arg3[%arg1, %dma_start3A_36, %dma_start3A_37, %dma_start3A_38] : memref<16x160x2x128xi32, #tpu.memory_space<hbm>> -> memref<1x1x2x128xi32, #tpu.memory_space<hbm>>
    %dma_start3A_40 = tpu.memref_squeeze %dma_start3A_39 : memref<1x1x2x128xi32, #tpu.memory_space<hbm>> -> memref<2x128xi32, #tpu.memory_space<hbm>>
    %dma_start3A_41 = arith.constant 0 : i32
    %dma_start3A_42 = arith.constant 0 : i32
    %dma_start3A_43 = tpu.memref_slice %arg3[%arg1, %dma_start3A_36, %dma_start3A_41, %dma_start3A_42] : memref<16x160x2x128xi32, #tpu.memory_space<hbm>> -> memref<1x1x2x128xi32, #tpu.memory_space<hbm>>
    %dma_start3A_44 = tpu.memref_squeeze %dma_start3A_43 : memref<1x1x2x128xi32, #tpu.memory_space<hbm>> -> memref<2x128xi32, #tpu.memory_space<hbm>>
    tpu.enqueue_dma source(%dma_start3A_44 : memref<2x128xi32, #tpu.memory_space<hbm>>) target(%arg10 : memref<2x128xi32, #tpu.memory_space<vmem>>) target_semaphore(%arg23 : memref<!tpu.dma_semaphore, #tpu.memory_space<semaphore_mem>>)
    %dma_start3A_45 = arith.constant 5 : i32
    %dma_start3A_46 = arith.constant 0 : i32
    %dma_start3A_47 = arith.constant 0 : i32
    %dma_start3A_48 = tpu.memref_slice %arg3[%arg1, %dma_start3A_45, %dma_start3A_46, %dma_start3A_47] : memref<16x160x2x128xi32, #tpu.memory_space<hbm>> -> memref<1x1x2x128xi32, #tpu.memory_space<hbm>>
    %dma_start3A_49 = tpu.memref_squeeze %dma_start3A_48 : memref<1x1x2x128xi32, #tpu.memory_space<hbm>> -> memref<2x128xi32, #tpu.memory_space<hbm>>
    %dma_start3A_50 = arith.constant 0 : i32
    %dma_start3A_51 = arith.constant 0 : i32
    %dma_start3A_52 = tpu.memref_slice %arg3[%arg1, %dma_start3A_45, %dma_start3A_50, %dma_start3A_51] : memref<16x160x2x128xi32, #tpu.memory_space<hbm>> -> memref<1x1x2x128xi32, #tpu.memory_space<hbm>>
    %dma_start3A_53 = tpu.memref_squeeze %dma_start3A_52 : memref<1x1x2x128xi32, #tpu.memory_space<hbm>> -> memref<2x128xi32, #tpu.memory_space<hbm>>
    tpu.enqueue_dma source(%dma_start3A_53 : memref<2x128xi32, #tpu.memory_space<hbm>>) target(%arg11 : memref<2x128xi32, #tpu.memory_space<vmem>>) target_semaphore(%arg24 : memref<!tpu.dma_semaphore, #tpu.memory_space<semaphore_mem>>)
    %dma_wait3A = arith.constant 0 : i32
    %dma_wait3A_54 = arith.constant 0 : i32
    %dma_wait3A_55 = arith.constant 0 : i32
    %dma_wait3A_56 = tpu.memref_slice %arg3[%arg1, %dma_wait3A, %dma_wait3A_54, %dma_wait3A_55] : memref<16x160x2x128xi32, #tpu.memory_space<hbm>> -> memref<1x1x2x128xi32, #tpu.memory_space<hbm>>
    %dma_wait3A_57 = tpu.memref_squeeze %dma_wait3A_56 : memref<1x1x2x128xi32, #tpu.memory_space<hbm>> -> memref<2x128xi32, #tpu.memory_space<hbm>>
    %dma_wait3A_58 = arith.constant 0 : i32
    %dma_wait3A_59 = arith.constant 0 : i32
    %dma_wait3A_60 = tpu.memref_slice %arg3[%arg1, %dma_wait3A, %dma_wait3A_58, %dma_wait3A_59] : memref<16x160x2x128xi32, #tpu.memory_space<hbm>> -> memref<1x1x2x128xi32, #tpu.memory_space<hbm>>
    %dma_wait3A_61 = tpu.memref_squeeze %dma_wait3A_60 : memref<1x1x2x128xi32, #tpu.memory_space<hbm>> -> memref<2x128xi32, #tpu.memory_space<hbm>>
    tpu.wait_dma2 semaphore(%arg19 : memref<!tpu.dma_semaphore, #tpu.memory_space<semaphore_mem>>) src(%dma_wait3A_61 : memref<2x128xi32, #tpu.memory_space<hbm>>) dst(%arg6 : memref<2x128xi32, #tpu.memory_space<vmem>>)
    %dma_start3A_62 = arith.constant 0 : i32
    %dma_start3A_63 = arith.constant 0 : i32
    %dma_start3A_64 = tpu.memref_slice %arg6[%dma_start3A_62, %dma_start3A_63] : memref<2x128xi32, #tpu.memory_space<vmem>> -> memref<1x128xi32, #tpu.memory_space<vmem>>
    %dma_start3A_65 = tpu.memref_squeeze %dma_start3A_64 : memref<1x128xi32, #tpu.memory_space<vmem>> -> memref<128xi32, #tpu.memory_space<vmem>>
    %dma_start3A_66 = arith.constant 0 : i32
    %dma_start3A_67 = arith.constant 0 : i32
    %dma_start3A_68 = tpu.memref_slice %arg2[%arg0, %dma_start3A_66, %dma_start3A_67] : memref<2x10000x96xf32, #tpu.memory_space<hbm>> -> memref<1x10000x96xf32, #tpu.memory_space<hbm>>
    %dma_start3A_69 = tpu.memref_squeeze %dma_start3A_68 : memref<1x10000x96xf32, #tpu.memory_space<hbm>> -> memref<10000x96xf32, #tpu.memory_space<hbm>>
    %dma_start3A_70 = arith.constant 0 : i32
    %dma_start3A_71 = arith.constant 0 : i32
    %dma_start3A_72 = tpu.memref_slice %dma_start3A_69[%dma_start3A_70, %dma_start3A_71] : memref<10000x96xf32, #tpu.memory_space<hbm>> -> memref<10000x96xf32, #tpu.memory_space<hbm>>
    tpu.enqueue_indirect_dma source(%dma_start3A_72 : memref<10000x96xf32, #tpu.memory_space<hbm>>) target(%arg14 : memref<128x96xf32, #tpu.memory_space<vmem>>) offsets(%dma_start3A_65 : memref<128xi32, #tpu.memory_space<vmem>>) semaphore(%arg27 : memref<!tpu.dma_semaphore, #tpu.memory_space<semaphore_mem>>)
    %dma_wait3A_73 = arith.constant 1 : i32
    %dma_wait3A_74 = arith.constant 0 : i32
    %dma_wait3A_75 = arith.constant 0 : i32
    %dma_wait3A_76 = tpu.memref_slice %arg3[%arg1, %dma_wait3A_73, %dma_wait3A_74, %dma_wait3A_75] : memref<16x160x2x128xi32, #tpu.memory_space<hbm>> -> memref<1x1x2x128xi32, #tpu.memory_space<hbm>>
    %dma_wait3A_77 = tpu.memref_squeeze %dma_wait3A_76 : memref<1x1x2x128xi32, #tpu.memory_space<hbm>> -> memref<2x128xi32, #tpu.memory_space<hbm>>
    %dma_wait3A_78 = arith.constant 0 : i32
    %dma_wait3A_79 = arith.constant 0 : i32
    %dma_wait3A_80 = tpu.memref_slice %arg3[%arg1, %dma_wait3A_73, %dma_wait3A_78, %dma_wait3A_79] : memref<16x160x2x128xi32, #tpu.memory_space<hbm>> -> memref<1x1x2x128xi32, #tpu.memory_space<hbm>>
    %dma_wait3A_81 = tpu.memref_squeeze %dma_wait3A_80 : memref<1x1x2x128xi32, #tpu.memory_space<hbm>> -> memref<2x128xi32, #tpu.memory_space<hbm>>
    tpu.wait_dma2 semaphore(%arg20 : memref<!tpu.dma_semaphore, #tpu.memory_space<semaphore_mem>>) src(%dma_wait3A_81 : memref<2x128xi32, #tpu.memory_space<hbm>>) dst(%arg7 : memref<2x128xi32, #tpu.memory_space<vmem>>)
    %dma_start3A_82 = arith.constant 0 : i32
    %dma_start3A_83 = arith.constant 0 : i32
    %dma_start3A_84 = tpu.memref_slice %arg7[%dma_start3A_82, %dma_start3A_83] : memref<2x128xi32, #tpu.memory_space<vmem>> -> memref<1x128xi32, #tpu.memory_space<vmem>>
    %dma_start3A_85 = tpu.memref_squeeze %dma_start3A_84 : memref<1x128xi32, #tpu.memory_space<vmem>> -> memref<128xi32, #tpu.memory_space<vmem>>
    %dma_start3A_86 = arith.constant 0 : i32
    %dma_start3A_87 = arith.constant 0 : i32
    %dma_start3A_88 = tpu.memref_slice %arg2[%arg0, %dma_start3A_86, %dma_start3A_87] : memref<2x10000x96xf32, #tpu.memory_space<hbm>> -> memref<1x10000x96xf32, #tpu.memory_space<hbm>>
    %dma_start3A_89 = tpu.memref_squeeze %dma_start3A_88 : memref<1x10000x96xf32, #tpu.memory_space<hbm>> -> memref<10000x96xf32, #tpu.memory_space<hbm>>
    %dma_start3A_90 = arith.constant 0 : i32
    %dma_start3A_91 = arith.constant 0 : i32
    %dma_start3A_92 = tpu.memref_slice %dma_start3A_89[%dma_start3A_90, %dma_start3A_91] : memref<10000x96xf32, #tpu.memory_space<hbm>> -> memref<10000x96xf32, #tpu.memory_space<hbm>>
    tpu.enqueue_indirect_dma source(%dma_start3A_92 : memref<10000x96xf32, #tpu.memory_space<hbm>>) target(%arg15 : memref<128x96xf32, #tpu.memory_space<vmem>>) offsets(%dma_start3A_85 : memref<128xi32, #tpu.memory_space<vmem>>) semaphore(%arg28 : memref<!tpu.dma_semaphore, #tpu.memory_space<semaphore_mem>>)
    %scan3A = arith.constant 0 : i32
    %scan3A_93 = arith.constant 0 : i32
    %scan3A_94 = arith.constant 20 : i32
    %scan3A_95 = arith.addi %scan3A_93, %scan3A_94 : i32
    %scan3A_96 = arith.constant 1 : i32
    scf.for %scan3A_113 = %scan3A_93 to %scan3A_95 step %scan3A_96  : i32 {
      %mul3A_114 = arith.constant 8 : i32
      %mul3A_115 = arith.muli %scan3A_113, %mul3A_114 : i32
      %add3A = arith.constant 0 : i32
      %add3A_116 = arith.addi %mul3A_115, %add3A : i32
      %dma_wait3A_117 = arith.constant 0 : i32
      %dma_wait3A_118 = arith.constant 0 : i32
      %dma_wait3A_119 = tpu.memref_slice %arg6[%dma_wait3A_117, %dma_wait3A_118] : memref<2x128xi32, #tpu.memory_space<vmem>> -> memref<1x128xi32, #tpu.memory_space<vmem>>
      %dma_wait3A_120 = tpu.memref_squeeze %dma_wait3A_119 : memref<1x128xi32, #tpu.memory_space<vmem>> -> memref<128xi32, #tpu.memory_space<vmem>>
      %dma_wait3A_121 = arith.constant 0 : i32
      %dma_wait3A_122 = arith.constant 0 : i32
      %dma_wait3A_123 = tpu.memref_slice %arg2[%arg0, %dma_wait3A_121, %dma_wait3A_122] : memref<2x10000x96xf32, #tpu.memory_space<hbm>> -> memref<1x10000x96xf32, #tpu.memory_space<hbm>>
      %dma_wait3A_124 = tpu.memref_squeeze %dma_wait3A_123 : memref<1x10000x96xf32, #tpu.memory_space<hbm>> -> memref<10000x96xf32, #tpu.memory_space<hbm>>
      %dma_wait3A_125 = arith.constant 0 : i32
      %dma_wait3A_126 = arith.constant 0 : i32
      %dma_wait3A_127 = tpu.memref_slice %dma_wait3A_124[%dma_wait3A_125, %dma_wait3A_126] : memref<10000x96xf32, #tpu.memory_space<hbm>> -> memref<10000x96xf32, #tpu.memory_space<hbm>>
      tpu.wait_indirect_dma semaphore(%arg27 : memref<!tpu.dma_semaphore, #tpu.memory_space<semaphore_mem>>) src(%dma_wait3A_127 : memref<10000x96xf32, #tpu.memory_space<hbm>>) dst(%arg14 : memref<128x96xf32, #tpu.memory_space<vmem>>)
      %dma_start3A_128 = arith.constant 1 : i32
      %dma_start3A_129 = arith.constant 0 : i32
      %dma_start3A_130 = tpu.memref_slice %arg6[%dma_start3A_128, %dma_start3A_129] : memref<2x128xi32, #tpu.memory_space<vmem>> -> memref<1x128xi32, #tpu.memory_space<vmem>>
      %dma_start3A_131 = tpu.memref_squeeze %dma_start3A_130 : memref<1x128xi32, #tpu.memory_space<vmem>> -> memref<128xi32, #tpu.memory_space<vmem>>
      %dma_start3A_132 = arith.constant 0 : i32
      %dma_start3A_133 = arith.constant 0 : i32
      %dma_start3A_134 = tpu.memref_slice %arg18[%dma_start3A_132, %dma_start3A_133] : memref<10016x96xf32, #tpu.memory_space<vmem_shared>> -> memref<10016x96xf32, #tpu.memory_space<vmem_shared>>
      tpu.enqueue_indirect_dma source(%arg14 : memref<128x96xf32, #tpu.memory_space<vmem>>) target(%dma_start3A_134 : memref<10016x96xf32, #tpu.memory_space<vmem_shared>>) offsets(%dma_start3A_131 : memref<128xi32, #tpu.memory_space<vmem>>) semaphore(%arg31 : memref<!tpu.dma_semaphore, #tpu.memory_space<semaphore_mem>>) {add = true}
      %ge3A = arith.constant 1 : i32
      %ge3A_135 = arith.cmpi sge, %scan3A_113, %ge3A : i32
      %convert_element_type3A = arith.extui %ge3A_135 : i1 to i32
      %cond3A = arith.constant 0 : i32
      %cond3A_136 = arith.cmpi ne, %convert_element_type3A, %cond3A : i32
      scf.if %cond3A_136 {
        %dma_wait3A_449 = arith.constant 1 : i32
        %dma_wait3A_450 = arith.constant 0 : i32
        %dma_wait3A_451 = tpu.memref_slice %arg12[%dma_wait3A_449, %dma_wait3A_450] : memref<2x128xi32, #tpu.memory_space<vmem>> -> memref<1x128xi32, #tpu.memory_space<vmem>>
        %dma_wait3A_452 = tpu.memref_squeeze %dma_wait3A_451 : memref<1x128xi32, #tpu.memory_space<vmem>> -> memref<128xi32, #tpu.memory_space<vmem>>
        %dma_wait3A_453 = arith.constant 0 : i32
        %dma_wait3A_454 = arith.constant 0 : i32
        %dma_wait3A_455 = tpu.memref_slice %arg18[%dma_wait3A_453, %dma_wait3A_454] : memref<10016x96xf32, #tpu.memory_space<vmem_shared>> -> memref<10016x96xf32, #tpu.memory_space<vmem_shared>>
        tpu.wait_indirect_dma semaphore(%arg33 : memref<!tpu.dma_semaphore, #tpu.memory_space<semaphore_mem>>) src(%arg16 : memref<128x96xf32, #tpu.memory_space<vmem>>) dst(%dma_wait3A_455 : memref<10016x96xf32, #tpu.memory_space<vmem_shared>>)
      } else {
      }
      %add3A_137 = arith.constant 6 : i32
      %add3A_138 = arith.addi %add3A_116, %add3A_137 : i32
      %lt3A = arith.constant 160 : i32
      %lt3A_139 = arith.cmpi slt, %add3A_138, %lt3A : i32
      %convert_element_type3A_140 = arith.extui %lt3A_139 : i1 to i32
      %cond3A_141 = arith.constant 0 : i32
      %cond3A_142 = arith.cmpi ne, %convert_element_type3A_140, %cond3A_141 : i32
      scf.if %cond3A_142 {
        %add3A_449 = arith.constant 6 : i32
        %add3A_450 = arith.addi %add3A_116, %add3A_449 : i32
        %dma_start3A_451 = arith.constant 0 : i32
        %dma_start3A_452 = arith.constant 0 : i32
        %dma_start3A_453 = tpu.memref_slice %arg3[%arg1, %add3A_450, %dma_start3A_451, %dma_start3A_452] : memref<16x160x2x128xi32, #tpu.memory_space<hbm>> -> memref<1x1x2x128xi32, #tpu.memory_space<hbm>>
        %dma_start3A_454 = tpu.memref_squeeze %dma_start3A_453 : memref<1x1x2x128xi32, #tpu.memory_space<hbm>> -> memref<2x128xi32, #tpu.memory_space<hbm>>
        %dma_start3A_455 = arith.constant 0 : i32
        %dma_start3A_456 = arith.constant 0 : i32
        %dma_start3A_457 = tpu.memref_slice %arg3[%arg1, %add3A_450, %dma_start3A_455, %dma_start3A_456] : memref<16x160x2x128xi32, #tpu.memory_space<hbm>> -> memref<1x1x2x128xi32, #tpu.memory_space<hbm>>
        %dma_start3A_458 = tpu.memref_squeeze %dma_start3A_457 : memref<1x1x2x128xi32, #tpu.memory_space<hbm>> -> memref<2x128xi32, #tpu.memory_space<hbm>>
        tpu.enqueue_dma source(%dma_start3A_458 : memref<2x128xi32, #tpu.memory_space<hbm>>) target(%arg12 : memref<2x128xi32, #tpu.memory_space<vmem>>) target_semaphore(%arg25 : memref<!tpu.dma_semaphore, #tpu.memory_space<semaphore_mem>>)
      } else {
      }
      %add3A_143 = arith.constant 2 : i32
      %add3A_144 = arith.addi %add3A_116, %add3A_143 : i32
      %lt3A_145 = arith.constant 160 : i32
      %lt3A_146 = arith.cmpi slt, %add3A_144, %lt3A_145 : i32
      %convert_element_type3A_147 = arith.extui %lt3A_146 : i1 to i32
      %cond3A_148 = arith.constant 0 : i32
      %cond3A_149 = arith.cmpi ne, %convert_element_type3A_147, %cond3A_148 : i32
      scf.if %cond3A_149 {
        %add3A_449 = arith.constant 2 : i32
        %add3A_450 = arith.addi %add3A_116, %add3A_449 : i32
        %dma_wait3A_451 = arith.constant 0 : i32
        %dma_wait3A_452 = arith.constant 0 : i32
        %dma_wait3A_453 = tpu.memref_slice %arg3[%arg1, %add3A_450, %dma_wait3A_451, %dma_wait3A_452] : memref<16x160x2x128xi32, #tpu.memory_space<hbm>> -> memref<1x1x2x128xi32, #tpu.memory_space<hbm>>
        %dma_wait3A_454 = tpu.memref_squeeze %dma_wait3A_453 : memref<1x1x2x128xi32, #tpu.memory_space<hbm>> -> memref<2x128xi32, #tpu.memory_space<hbm>>
        %dma_wait3A_455 = arith.constant 0 : i32
        %dma_wait3A_456 = arith.constant 0 : i32
        %dma_wait3A_457 = tpu.memref_slice %arg3[%arg1, %add3A_450, %dma_wait3A_455, %dma_wait3A_456] : memref<16x160x2x128xi32, #tpu.memory_space<hbm>> -> memref<1x1x2x128xi32, #tpu.memory_space<hbm>>
        %dma_wait3A_458 = tpu.memref_squeeze %dma_wait3A_457 : memref<1x1x2x128xi32, #tpu.memory_space<hbm>> -> memref<2x128xi32, #tpu.memory_space<hbm>>
        tpu.wait_dma2 semaphore(%arg21 : memref<!tpu.dma_semaphore, #tpu.memory_space<semaphore_mem>>) src(%dma_wait3A_458 : memref<2x128xi32, #tpu.memory_space<hbm>>) dst(%arg8 : memref<2x128xi32, #tpu.memory_space<vmem>>)
        %dma_start3A_459 = arith.constant 0 : i32
        %dma_start3A_460 = arith.constant 0 : i32
        %dma_start3A_461 = tpu.memref_slice %arg8[%dma_start3A_459, %dma_start3A_460] : memref<2x128xi32, #tpu.memory_space<vmem>> -> memref<1x128xi32, #tpu.memory_space<vmem>>
        %dma_start3A_462 = tpu.memref_squeeze %dma_start3A_461 : memref<1x128xi32, #tpu.memory_space<vmem>> -> memref<128xi32, #tpu.memory_space<vmem>>
        %dma_start3A_463 = arith.constant 0 : i32
        %dma_start3A_464 = arith.constant 0 : i32
        %dma_start3A_465 = tpu.memref_slice %arg2[%arg0, %dma_start3A_463, %dma_start3A_464] : memref<2x10000x96xf32, #tpu.memory_space<hbm>> -> memref<1x10000x96xf32, #tpu.memory_space<hbm>>
        %dma_start3A_466 = tpu.memref_squeeze %dma_start3A_465 : memref<1x10000x96xf32, #tpu.memory_space<hbm>> -> memref<10000x96xf32, #tpu.memory_space<hbm>>
        %dma_start3A_467 = arith.constant 0 : i32
        %dma_start3A_468 = arith.constant 0 : i32
        %dma_start3A_469 = tpu.memref_slice %dma_start3A_466[%dma_start3A_467, %dma_start3A_468] : memref<10000x96xf32, #tpu.memory_space<hbm>> -> memref<10000x96xf32, #tpu.memory_space<hbm>>
        tpu.enqueue_indirect_dma source(%dma_start3A_469 : memref<10000x96xf32, #tpu.memory_space<hbm>>) target(%arg16 : memref<128x96xf32, #tpu.memory_space<vmem>>) offsets(%dma_start3A_462 : memref<128xi32, #tpu.memory_space<vmem>>) semaphore(%arg29 : memref<!tpu.dma_semaphore, #tpu.memory_space<semaphore_mem>>)
      } else {
      }
      %mul3A_150 = arith.constant 8 : i32
      %mul3A_151 = arith.muli %scan3A_113, %mul3A_150 : i32
      %add3A_152 = arith.constant 1 : i32
      %add3A_153 = arith.addi %mul3A_151, %add3A_152 : i32
      %dma_wait3A_154 = arith.constant 0 : i32
      %dma_wait3A_155 = arith.constant 0 : i32
      %dma_wait3A_156 = tpu.memref_slice %arg7[%dma_wait3A_154, %dma_wait3A_155] : memref<2x128xi32, #tpu.memory_space<vmem>> -> memref<1x128xi32, #tpu.memory_space<vmem>>
      %dma_wait3A_157 = tpu.memref_squeeze %dma_wait3A_156 : memref<1x128xi32, #tpu.memory_space<vmem>> -> memref<128xi32, #tpu.memory_space<vmem>>
      %dma_wait3A_158 = arith.constant 0 : i32
      %dma_wait3A_159 = arith.constant 0 : i32
      %dma_wait3A_160 = tpu.memref_slice %arg2[%arg0, %dma_wait3A_158, %dma_wait3A_159] : memref<2x10000x96xf32, #tpu.memory_space<hbm>> -> memref<1x10000x96xf32, #tpu.memory_space<hbm>>
      %dma_wait3A_161 = tpu.memref_squeeze %dma_wait3A_160 : memref<1x10000x96xf32, #tpu.memory_space<hbm>> -> memref<10000x96xf32, #tpu.memory_space<hbm>>
      %dma_wait3A_162 = arith.constant 0 : i32
      %dma_wait3A_163 = arith.constant 0 : i32
      %dma_wait3A_164 = tpu.memref_slice %dma_wait3A_161[%dma_wait3A_162, %dma_wait3A_163] : memref<10000x96xf32, #tpu.memory_space<hbm>> -> memref<10000x96xf32, #tpu.memory_space<hbm>>
      tpu.wait_indirect_dma semaphore(%arg28 : memref<!tpu.dma_semaphore, #tpu.memory_space<semaphore_mem>>) src(%dma_wait3A_164 : memref<10000x96xf32, #tpu.memory_space<hbm>>) dst(%arg15 : memref<128x96xf32, #tpu.memory_space<vmem>>)
      %dma_start3A_165 = arith.constant 1 : i32
      %dma_start3A_166 = arith.constant 0 : i32
      %dma_start3A_167 = tpu.memref_slice %arg7[%dma_start3A_165, %dma_start3A_166] : memref<2x128xi32, #tpu.memory_space<vmem>> -> memref<1x128xi32, #tpu.memory_space<vmem>>
      %dma_start3A_168 = tpu.memref_squeeze %dma_start3A_167 : memref<1x128xi32, #tpu.memory_space<vmem>> -> memref<128xi32, #tpu.memory_space<vmem>>
      %dma_start3A_169 = arith.constant 0 : i32
      %dma_start3A_170 = arith.constant 0 : i32
      %dma_start3A_171 = tpu.memref_slice %arg18[%dma_start3A_169, %dma_start3A_170] : memref<10016x96xf32, #tpu.memory_space<vmem_shared>> -> memref<10016x96xf32, #tpu.memory_space<vmem_shared>>
      tpu.enqueue_indirect_dma source(%arg15 : memref<128x96xf32, #tpu.memory_space<vmem>>) target(%dma_start3A_171 : memref<10016x96xf32, #tpu.memory_space<vmem_shared>>) offsets(%dma_start3A_168 : memref<128xi32, #tpu.memory_space<vmem>>) semaphore(%arg32 : memref<!tpu.dma_semaphore, #tpu.memory_space<semaphore_mem>>) {add = true}
      %ge3A_172 = arith.constant 1 : i32
      %ge3A_173 = arith.cmpi sge, %scan3A_113, %ge3A_172 : i32
      %convert_element_type3A_174 = arith.extui %ge3A_173 : i1 to i32
      %cond3A_175 = arith.constant 0 : i32
      %cond3A_176 = arith.cmpi ne, %convert_element_type3A_174, %cond3A_175 : i32
      scf.if %cond3A_176 {
        %dma_wait3A_449 = arith.constant 1 : i32
        %dma_wait3A_450 = arith.constant 0 : i32
        %dma_wait3A_451 = tpu.memref_slice %arg13[%dma_wait3A_449, %dma_wait3A_450] : memref<2x128xi32, #tpu.memory_space<vmem>> -> memref<1x128xi32, #tpu.memory_space<vmem>>
        %dma_wait3A_452 = tpu.memref_squeeze %dma_wait3A_451 : memref<1x128xi32, #tpu.memory_space<vmem>> -> memref<128xi32, #tpu.memory_space<vmem>>
        %dma_wait3A_453 = arith.constant 0 : i32
        %dma_wait3A_454 = arith.constant 0 : i32
        %dma_wait3A_455 = tpu.memref_slice %arg18[%dma_wait3A_453, %dma_wait3A_454] : memref<10016x96xf32, #tpu.memory_space<vmem_shared>> -> memref<10016x96xf32, #tpu.memory_space<vmem_shared>>
        tpu.wait_indirect_dma semaphore(%arg34 : memref<!tpu.dma_semaphore, #tpu.memory_space<semaphore_mem>>) src(%arg17 : memref<128x96xf32, #tpu.memory_space<vmem>>) dst(%dma_wait3A_455 : memref<10016x96xf32, #tpu.memory_space<vmem_shared>>)
      } else {
      }
      %add3A_177 = arith.constant 6 : i32
      %add3A_178 = arith.addi %add3A_153, %add3A_177 : i32
      %lt3A_179 = arith.constant 160 : i32
      %lt3A_180 = arith.cmpi slt, %add3A_178, %lt3A_179 : i32
      %convert_element_type3A_181 = arith.extui %lt3A_180 : i1 to i32
      %cond3A_182 = arith.constant 0 : i32
      %cond3A_183 = arith.cmpi ne, %convert_element_type3A_181, %cond3A_182 : i32
      scf.if %cond3A_183 {
        %add3A_449 = arith.constant 6 : i32
        %add3A_450 = arith.addi %add3A_153, %add3A_449 : i32
        %dma_start3A_451 = arith.constant 0 : i32
        %dma_start3A_452 = arith.constant 0 : i32
        %dma_start3A_453 = tpu.memref_slice %arg3[%arg1, %add3A_450, %dma_start3A_451, %dma_start3A_452] : memref<16x160x2x128xi32, #tpu.memory_space<hbm>> -> memref<1x1x2x128xi32, #tpu.memory_space<hbm>>
        %dma_start3A_454 = tpu.memref_squeeze %dma_start3A_453 : memref<1x1x2x128xi32, #tpu.memory_space<hbm>> -> memref<2x128xi32, #tpu.memory_space<hbm>>
        %dma_start3A_455 = arith.constant 0 : i32
        %dma_start3A_456 = arith.constant 0 : i32
        %dma_start3A_457 = tpu.memref_slice %arg3[%arg1, %add3A_450, %dma_start3A_455, %dma_start3A_456] : memref<16x160x2x128xi32, #tpu.memory_space<hbm>> -> memref<1x1x2x128xi32, #tpu.memory_space<hbm>>
        %dma_start3A_458 = tpu.memref_squeeze %dma_start3A_457 : memref<1x1x2x128xi32, #tpu.memory_space<hbm>> -> memref<2x128xi32, #tpu.memory_space<hbm>>
        tpu.enqueue_dma source(%dma_start3A_458 : memref<2x128xi32, #tpu.memory_space<hbm>>) target(%arg13 : memref<2x128xi32, #tpu.memory_space<vmem>>) target_semaphore(%arg26 : memref<!tpu.dma_semaphore, #tpu.memory_space<semaphore_mem>>)
      } else {
      }
      %add3A_184 = arith.constant 2 : i32
      %add3A_185 = arith.addi %add3A_153, %add3A_184 : i32
      %lt3A_186 = arith.constant 160 : i32
      %lt3A_187 = arith.cmpi slt, %add3A_185, %lt3A_186 : i32
      %convert_element_type3A_188 = arith.extui %lt3A_187 : i1 to i32
      %cond3A_189 = arith.constant 0 : i32
      %cond3A_190 = arith.cmpi ne, %convert_element_type3A_188, %cond3A_189 : i32
      scf.if %cond3A_190 {
        %add3A_449 = arith.constant 2 : i32
        %add3A_450 = arith.addi %add3A_153, %add3A_449 : i32
        %dma_wait3A_451 = arith.constant 0 : i32
        %dma_wait3A_452 = arith.constant 0 : i32
        %dma_wait3A_453 = tpu.memref_slice %arg3[%arg1, %add3A_450, %dma_wait3A_451, %dma_wait3A_452] : memref<16x160x2x128xi32, #tpu.memory_space<hbm>> -> memref<1x1x2x128xi32, #tpu.memory_space<hbm>>
        %dma_wait3A_454 = tpu.memref_squeeze %dma_wait3A_453 : memref<1x1x2x128xi32, #tpu.memory_space<hbm>> -> memref<2x128xi32, #tpu.memory_space<hbm>>
        %dma_wait3A_455 = arith.constant 0 : i32
        %dma_wait3A_456 = arith.constant 0 : i32
        %dma_wait3A_457 = tpu.memref_slice %arg3[%arg1, %add3A_450, %dma_wait3A_455, %dma_wait3A_456] : memref<16x160x2x128xi32, #tpu.memory_space<hbm>> -> memref<1x1x2x128xi32, #tpu.memory_space<hbm>>
        %dma_wait3A_458 = tpu.memref_squeeze %dma_wait3A_457 : memref<1x1x2x128xi32, #tpu.memory_space<hbm>> -> memref<2x128xi32, #tpu.memory_space<hbm>>
        tpu.wait_dma2 semaphore(%arg22 : memref<!tpu.dma_semaphore, #tpu.memory_space<semaphore_mem>>) src(%dma_wait3A_458 : memref<2x128xi32, #tpu.memory_space<hbm>>) dst(%arg9 : memref<2x128xi32, #tpu.memory_space<vmem>>)
        %dma_start3A_459 = arith.constant 0 : i32
        %dma_start3A_460 = arith.constant 0 : i32
        %dma_start3A_461 = tpu.memref_slice %arg9[%dma_start3A_459, %dma_start3A_460] : memref<2x128xi32, #tpu.memory_space<vmem>> -> memref<1x128xi32, #tpu.memory_space<vmem>>
        %dma_start3A_462 = tpu.memref_squeeze %dma_start3A_461 : memref<1x128xi32, #tpu.memory_space<vmem>> -> memref<128xi32, #tpu.memory_space<vmem>>
        %dma_start3A_463 = arith.constant 0 : i32
        %dma_start3A_464 = arith.constant 0 : i32
        %dma_start3A_465 = tpu.memref_slice %arg2[%arg0, %dma_start3A_463, %dma_start3A_464] : memref<2x10000x96xf32, #tpu.memory_space<hbm>> -> memref<1x10000x96xf32, #tpu.memory_space<hbm>>
        %dma_start3A_466 = tpu.memref_squeeze %dma_start3A_465 : memref<1x10000x96xf32, #tpu.memory_space<hbm>> -> memref<10000x96xf32, #tpu.memory_space<hbm>>
        %dma_start3A_467 = arith.constant 0 : i32
        %dma_start3A_468 = arith.constant 0 : i32
        %dma_start3A_469 = tpu.memref_slice %dma_start3A_466[%dma_start3A_467, %dma_start3A_468] : memref<10000x96xf32, #tpu.memory_space<hbm>> -> memref<10000x96xf32, #tpu.memory_space<hbm>>
        tpu.enqueue_indirect_dma source(%dma_start3A_469 : memref<10000x96xf32, #tpu.memory_space<hbm>>) target(%arg17 : memref<128x96xf32, #tpu.memory_space<vmem>>) offsets(%dma_start3A_462 : memref<128xi32, #tpu.memory_space<vmem>>) semaphore(%arg30 : memref<!tpu.dma_semaphore, #tpu.memory_space<semaphore_mem>>)
      } else {
      }
      %mul3A_191 = arith.constant 8 : i32
      %mul3A_192 = arith.muli %scan3A_113, %mul3A_191 : i32
      %add3A_193 = arith.constant 2 : i32
      %add3A_194 = arith.addi %mul3A_192, %add3A_193 : i32
      %dma_wait3A_195 = arith.constant 0 : i32
      %dma_wait3A_196 = arith.constant 0 : i32
      %dma_wait3A_197 = tpu.memref_slice %arg8[%dma_wait3A_195, %dma_wait3A_196] : memref<2x128xi32, #tpu.memory_space<vmem>> -> memref<1x128xi32, #tpu.memory_space<vmem>>
      %dma_wait3A_198 = tpu.memref_squeeze %dma_wait3A_197 : memref<1x128xi32, #tpu.memory_space<vmem>> -> memref<128xi32, #tpu.memory_space<vmem>>
      %dma_wait3A_199 = arith.constant 0 : i32
      %dma_wait3A_200 = arith.constant 0 : i32
      %dma_wait3A_201 = tpu.memref_slice %arg2[%arg0, %dma_wait3A_199, %dma_wait3A_200] : memref<2x10000x96xf32, #tpu.memory_space<hbm>> -> memref<1x10000x96xf32, #tpu.memory_space<hbm>>
      %dma_wait3A_202 = tpu.memref_squeeze %dma_wait3A_201 : memref<1x10000x96xf32, #tpu.memory_space<hbm>> -> memref<10000x96xf32, #tpu.memory_space<hbm>>
      %dma_wait3A_203 = arith.constant 0 : i32
      %dma_wait3A_204 = arith.constant 0 : i32
      %dma_wait3A_205 = tpu.memref_slice %dma_wait3A_202[%dma_wait3A_203, %dma_wait3A_204] : memref<10000x96xf32, #tpu.memory_space<hbm>> -> memref<10000x96xf32, #tpu.memory_space<hbm>>
      tpu.wait_indirect_dma semaphore(%arg29 : memref<!tpu.dma_semaphore, #tpu.memory_space<semaphore_mem>>) src(%dma_wait3A_205 : memref<10000x96xf32, #tpu.memory_space<hbm>>) dst(%arg16 : memref<128x96xf32, #tpu.memory_space<vmem>>)
      %dma_start3A_206 = arith.constant 1 : i32
      %dma_start3A_207 = arith.constant 0 : i32
      %dma_start3A_208 = tpu.memref_slice %arg8[%dma_start3A_206, %dma_start3A_207] : memref<2x128xi32, #tpu.memory_space<vmem>> -> memref<1x128xi32, #tpu.memory_space<vmem>>
      %dma_start3A_209 = tpu.memref_squeeze %dma_start3A_208 : memref<1x128xi32, #tpu.memory_space<vmem>> -> memref<128xi32, #tpu.memory_space<vmem>>
      %dma_start3A_210 = arith.constant 0 : i32
      %dma_start3A_211 = arith.constant 0 : i32
      %dma_start3A_212 = tpu.memref_slice %arg18[%dma_start3A_210, %dma_start3A_211] : memref<10016x96xf32, #tpu.memory_space<vmem_shared>> -> memref<10016x96xf32, #tpu.memory_space<vmem_shared>>
      tpu.enqueue_indirect_dma source(%arg16 : memref<128x96xf32, #tpu.memory_space<vmem>>) target(%dma_start3A_212 : memref<10016x96xf32, #tpu.memory_space<vmem_shared>>) offsets(%dma_start3A_209 : memref<128xi32, #tpu.memory_space<vmem>>) semaphore(%arg33 : memref<!tpu.dma_semaphore, #tpu.memory_space<semaphore_mem>>) {add = true}
      %dma_wait3A_213 = arith.constant 1 : i32
      %dma_wait3A_214 = arith.constant 0 : i32
      %dma_wait3A_215 = tpu.memref_slice %arg6[%dma_wait3A_213, %dma_wait3A_214] : memref<2x128xi32, #tpu.memory_space<vmem>> -> memref<1x128xi32, #tpu.memory_space<vmem>>
      %dma_wait3A_216 = tpu.memref_squeeze %dma_wait3A_215 : memref<1x128xi32, #tpu.memory_space<vmem>> -> memref<128xi32, #tpu.memory_space<vmem>>
      %dma_wait3A_217 = arith.constant 0 : i32
      %dma_wait3A_218 = arith.constant 0 : i32
      %dma_wait3A_219 = tpu.memref_slice %arg18[%dma_wait3A_217, %dma_wait3A_218] : memref<10016x96xf32, #tpu.memory_space<vmem_shared>> -> memref<10016x96xf32, #tpu.memory_space<vmem_shared>>
      tpu.wait_indirect_dma semaphore(%arg31 : memref<!tpu.dma_semaphore, #tpu.memory_space<semaphore_mem>>) src(%arg14 : memref<128x96xf32, #tpu.memory_space<vmem>>) dst(%dma_wait3A_219 : memref<10016x96xf32, #tpu.memory_space<vmem_shared>>)
      %add3A_220 = arith.constant 6 : i32
      %add3A_221 = arith.addi %add3A_194, %add3A_220 : i32
      %lt3A_222 = arith.constant 160 : i32
      %lt3A_223 = arith.cmpi slt, %add3A_221, %lt3A_222 : i32
      %convert_element_type3A_224 = arith.extui %lt3A_223 : i1 to i32
      %cond3A_225 = arith.constant 0 : i32
      %cond3A_226 = arith.cmpi ne, %convert_element_type3A_224, %cond3A_225 : i32
      scf.if %cond3A_226 {
        %add3A_449 = arith.constant 6 : i32
        %add3A_450 = arith.addi %add3A_194, %add3A_449 : i32
        %dma_start3A_451 = arith.constant 0 : i32
        %dma_start3A_452 = arith.constant 0 : i32
        %dma_start3A_453 = tpu.memref_slice %arg3[%arg1, %add3A_450, %dma_start3A_451, %dma_start3A_452] : memref<16x160x2x128xi32, #tpu.memory_space<hbm>> -> memref<1x1x2x128xi32, #tpu.memory_space<hbm>>
        %dma_start3A_454 = tpu.memref_squeeze %dma_start3A_453 : memref<1x1x2x128xi32, #tpu.memory_space<hbm>> -> memref<2x128xi32, #tpu.memory_space<hbm>>
        %dma_start3A_455 = arith.constant 0 : i32
        %dma_start3A_456 = arith.constant 0 : i32
        %dma_start3A_457 = tpu.memref_slice %arg3[%arg1, %add3A_450, %dma_start3A_455, %dma_start3A_456] : memref<16x160x2x128xi32, #tpu.memory_space<hbm>> -> memref<1x1x2x128xi32, #tpu.memory_space<hbm>>
        %dma_start3A_458 = tpu.memref_squeeze %dma_start3A_457 : memref<1x1x2x128xi32, #tpu.memory_space<hbm>> -> memref<2x128xi32, #tpu.memory_space<hbm>>
        tpu.enqueue_dma source(%dma_start3A_458 : memref<2x128xi32, #tpu.memory_space<hbm>>) target(%arg6 : memref<2x128xi32, #tpu.memory_space<vmem>>) target_semaphore(%arg19 : memref<!tpu.dma_semaphore, #tpu.memory_space<semaphore_mem>>)
      } else {
      }
      %add3A_227 = arith.constant 2 : i32
      %add3A_228 = arith.addi %add3A_194, %add3A_227 : i32
      %lt3A_229 = arith.constant 160 : i32
      %lt3A_230 = arith.cmpi slt, %add3A_228, %lt3A_229 : i32
      %convert_element_type3A_231 = arith.extui %lt3A_230 : i1 to i32
      %cond3A_232 = arith.constant 0 : i32
      %cond3A_233 = arith.cmpi ne, %convert_element_type3A_231, %cond3A_232 : i32
      scf.if %cond3A_233 {
        %add3A_449 = arith.constant 2 : i32
        %add3A_450 = arith.addi %add3A_194, %add3A_449 : i32
        %dma_wait3A_451 = arith.constant 0 : i32
        %dma_wait3A_452 = arith.constant 0 : i32
        %dma_wait3A_453 = tpu.memref_slice %arg3[%arg1, %add3A_450, %dma_wait3A_451, %dma_wait3A_452] : memref<16x160x2x128xi32, #tpu.memory_space<hbm>> -> memref<1x1x2x128xi32, #tpu.memory_space<hbm>>
        %dma_wait3A_454 = tpu.memref_squeeze %dma_wait3A_453 : memref<1x1x2x128xi32, #tpu.memory_space<hbm>> -> memref<2x128xi32, #tpu.memory_space<hbm>>
        %dma_wait3A_455 = arith.constant 0 : i32
        %dma_wait3A_456 = arith.constant 0 : i32
        %dma_wait3A_457 = tpu.memref_slice %arg3[%arg1, %add3A_450, %dma_wait3A_455, %dma_wait3A_456] : memref<16x160x2x128xi32, #tpu.memory_space<hbm>> -> memref<1x1x2x128xi32, #tpu.memory_space<hbm>>
        %dma_wait3A_458 = tpu.memref_squeeze %dma_wait3A_457 : memref<1x1x2x128xi32, #tpu.memory_space<hbm>> -> memref<2x128xi32, #tpu.memory_space<hbm>>
        tpu.wait_dma2 semaphore(%arg23 : memref<!tpu.dma_semaphore, #tpu.memory_space<semaphore_mem>>) src(%dma_wait3A_458 : memref<2x128xi32, #tpu.memory_space<hbm>>) dst(%arg10 : memref<2x128xi32, #tpu.memory_space<vmem>>)
        %dma_start3A_459 = arith.constant 0 : i32
        %dma_start3A_460 = arith.constant 0 : i32
        %dma_start3A_461 = tpu.memref_slice %arg10[%dma_start3A_459, %dma_start3A_460] : memref<2x128xi32, #tpu.memory_space<vmem>> -> memref<1x128xi32, #tpu.memory_space<vmem>>
        %dma_start3A_462 = tpu.memref_squeeze %dma_start3A_461 : memref<1x128xi32, #tpu.memory_space<vmem>> -> memref<128xi32, #tpu.memory_space<vmem>>
        %dma_start3A_463 = arith.constant 0 : i32
        %dma_start3A_464 = arith.constant 0 : i32
        %dma_start3A_465 = tpu.memref_slice %arg2[%arg0, %dma_start3A_463, %dma_start3A_464] : memref<2x10000x96xf32, #tpu.memory_space<hbm>> -> memref<1x10000x96xf32, #tpu.memory_space<hbm>>
        %dma_start3A_466 = tpu.memref_squeeze %dma_start3A_465 : memref<1x10000x96xf32, #tpu.memory_space<hbm>> -> memref<10000x96xf32, #tpu.memory_space<hbm>>
        %dma_start3A_467 = arith.constant 0 : i32
        %dma_start3A_468 = arith.constant 0 : i32
        %dma_start3A_469 = tpu.memref_slice %dma_start3A_466[%dma_start3A_467, %dma_start3A_468] : memref<10000x96xf32, #tpu.memory_space<hbm>> -> memref<10000x96xf32, #tpu.memory_space<hbm>>
        tpu.enqueue_indirect_dma source(%dma_start3A_469 : memref<10000x96xf32, #tpu.memory_space<hbm>>) target(%arg14 : memref<128x96xf32, #tpu.memory_space<vmem>>) offsets(%dma_start3A_462 : memref<128xi32, #tpu.memory_space<vmem>>) semaphore(%arg27 : memref<!tpu.dma_semaphore, #tpu.memory_space<semaphore_mem>>)
      } else {
      }
      %mul3A_234 = arith.constant 8 : i32
      %mul3A_235 = arith.muli %scan3A_113, %mul3A_234 : i32
      %add3A_236 = arith.constant 3 : i32
      %add3A_237 = arith.addi %mul3A_235, %add3A_236 : i32
      %dma_wait3A_238 = arith.constant 0 : i32
      %dma_wait3A_239 = arith.constant 0 : i32
      %dma_wait3A_240 = tpu.memref_slice %arg9[%dma_wait3A_238, %dma_wait3A_239] : memref<2x128xi32, #tpu.memory_space<vmem>> -> memref<1x128xi32, #tpu.memory_space<vmem>>
      %dma_wait3A_241 = tpu.memref_squeeze %dma_wait3A_240 : memref<1x128xi32, #tpu.memory_space<vmem>> -> memref<128xi32, #tpu.memory_space<vmem>>
      %dma_wait3A_242 = arith.constant 0 : i32
      %dma_wait3A_243 = arith.constant 0 : i32
      %dma_wait3A_244 = tpu.memref_slice %arg2[%arg0, %dma_wait3A_242, %dma_wait3A_243] : memref<2x10000x96xf32, #tpu.memory_space<hbm>> -> memref<1x10000x96xf32, #tpu.memory_space<hbm>>
      %dma_wait3A_245 = tpu.memref_squeeze %dma_wait3A_244 : memref<1x10000x96xf32, #tpu.memory_space<hbm>> -> memref<10000x96xf32, #tpu.memory_space<hbm>>
      %dma_wait3A_246 = arith.constant 0 : i32
      %dma_wait3A_247 = arith.constant 0 : i32
      %dma_wait3A_248 = tpu.memref_slice %dma_wait3A_245[%dma_wait3A_246, %dma_wait3A_247] : memref<10000x96xf32, #tpu.memory_space<hbm>> -> memref<10000x96xf32, #tpu.memory_space<hbm>>
      tpu.wait_indirect_dma semaphore(%arg30 : memref<!tpu.dma_semaphore, #tpu.memory_space<semaphore_mem>>) src(%dma_wait3A_248 : memref<10000x96xf32, #tpu.memory_space<hbm>>) dst(%arg17 : memref<128x96xf32, #tpu.memory_space<vmem>>)
      %dma_start3A_249 = arith.constant 1 : i32
      %dma_start3A_250 = arith.constant 0 : i32
      %dma_start3A_251 = tpu.memref_slice %arg9[%dma_start3A_249, %dma_start3A_250] : memref<2x128xi32, #tpu.memory_space<vmem>> -> memref<1x128xi32, #tpu.memory_space<vmem>>
      %dma_start3A_252 = tpu.memref_squeeze %dma_start3A_251 : memref<1x128xi32, #tpu.memory_space<vmem>> -> memref<128xi32, #tpu.memory_space<vmem>>
      %dma_start3A_253 = arith.constant 0 : i32
      %dma_start3A_254 = arith.constant 0 : i32
      %dma_start3A_255 = tpu.memref_slice %arg18[%dma_start3A_253, %dma_start3A_254] : memref<10016x96xf32, #tpu.memory_space<vmem_shared>> -> memref<10016x96xf32, #tpu.memory_space<vmem_shared>>
      tpu.enqueue_indirect_dma source(%arg17 : memref<128x96xf32, #tpu.memory_space<vmem>>) target(%dma_start3A_255 : memref<10016x96xf32, #tpu.memory_space<vmem_shared>>) offsets(%dma_start3A_252 : memref<128xi32, #tpu.memory_space<vmem>>) semaphore(%arg34 : memref<!tpu.dma_semaphore, #tpu.memory_space<semaphore_mem>>) {add = true}
      %dma_wait3A_256 = arith.constant 1 : i32
      %dma_wait3A_257 = arith.constant 0 : i32
      %dma_wait3A_258 = tpu.memref_slice %arg7[%dma_wait3A_256, %dma_wait3A_257] : memref<2x128xi32, #tpu.memory_space<vmem>> -> memref<1x128xi32, #tpu.memory_space<vmem>>
      %dma_wait3A_259 = tpu.memref_squeeze %dma_wait3A_258 : memref<1x128xi32, #tpu.memory_space<vmem>> -> memref<128xi32, #tpu.memory_space<vmem>>
      %dma_wait3A_260 = arith.constant 0 : i32
      %dma_wait3A_261 = arith.constant 0 : i32
      %dma_wait3A_262 = tpu.memref_slice %arg18[%dma_wait3A_260, %dma_wait3A_261] : memref<10016x96xf32, #tpu.memory_space<vmem_shared>> -> memref<10016x96xf32, #tpu.memory_space<vmem_shared>>
      tpu.wait_indirect_dma semaphore(%arg32 : memref<!tpu.dma_semaphore, #tpu.memory_space<semaphore_mem>>) src(%arg15 : memref<128x96xf32, #tpu.memory_space<vmem>>) dst(%dma_wait3A_262 : memref<10016x96xf32, #tpu.memory_space<vmem_shared>>)
      %add3A_263 = arith.constant 6 : i32
      %add3A_264 = arith.addi %add3A_237, %add3A_263 : i32
      %lt3A_265 = arith.constant 160 : i32
      %lt3A_266 = arith.cmpi slt, %add3A_264, %lt3A_265 : i32
      %convert_element_type3A_267 = arith.extui %lt3A_266 : i1 to i32
      %cond3A_268 = arith.constant 0 : i32
      %cond3A_269 = arith.cmpi ne, %convert_element_type3A_267, %cond3A_268 : i32
      scf.if %cond3A_269 {
        %add3A_449 = arith.constant 6 : i32
        %add3A_450 = arith.addi %add3A_237, %add3A_449 : i32
        %dma_start3A_451 = arith.constant 0 : i32
        %dma_start3A_452 = arith.constant 0 : i32
        %dma_start3A_453 = tpu.memref_slice %arg3[%arg1, %add3A_450, %dma_start3A_451, %dma_start3A_452] : memref<16x160x2x128xi32, #tpu.memory_space<hbm>> -> memref<1x1x2x128xi32, #tpu.memory_space<hbm>>
        %dma_start3A_454 = tpu.memref_squeeze %dma_start3A_453 : memref<1x1x2x128xi32, #tpu.memory_space<hbm>> -> memref<2x128xi32, #tpu.memory_space<hbm>>
        %dma_start3A_455 = arith.constant 0 : i32
        %dma_start3A_456 = arith.constant 0 : i32
        %dma_start3A_457 = tpu.memref_slice %arg3[%arg1, %add3A_450, %dma_start3A_455, %dma_start3A_456] : memref<16x160x2x128xi32, #tpu.memory_space<hbm>> -> memref<1x1x2x128xi32, #tpu.memory_space<hbm>>
        %dma_start3A_458 = tpu.memref_squeeze %dma_start3A_457 : memref<1x1x2x128xi32, #tpu.memory_space<hbm>> -> memref<2x128xi32, #tpu.memory_space<hbm>>
        tpu.enqueue_dma source(%dma_start3A_458 : memref<2x128xi32, #tpu.memory_space<hbm>>) target(%arg7 : memref<2x128xi32, #tpu.memory_space<vmem>>) target_semaphore(%arg20 : memref<!tpu.dma_semaphore, #tpu.memory_space<semaphore_mem>>)
      } else {
      }
      %add3A_270 = arith.constant 2 : i32
      %add3A_271 = arith.addi %add3A_237, %add3A_270 : i32
      %lt3A_272 = arith.constant 160 : i32
      %lt3A_273 = arith.cmpi slt, %add3A_271, %lt3A_272 : i32
      %convert_element_type3A_274 = arith.extui %lt3A_273 : i1 to i32
      %cond3A_275 = arith.constant 0 : i32
      %cond3A_276 = arith.cmpi ne, %convert_element_type3A_274, %cond3A_275 : i32
      scf.if %cond3A_276 {
        %add3A_449 = arith.constant 2 : i32
        %add3A_450 = arith.addi %add3A_237, %add3A_449 : i32
        %dma_wait3A_451 = arith.constant 0 : i32
        %dma_wait3A_452 = arith.constant 0 : i32
        %dma_wait3A_453 = tpu.memref_slice %arg3[%arg1, %add3A_450, %dma_wait3A_451, %dma_wait3A_452] : memref<16x160x2x128xi32, #tpu.memory_space<hbm>> -> memref<1x1x2x128xi32, #tpu.memory_space<hbm>>
        %dma_wait3A_454 = tpu.memref_squeeze %dma_wait3A_453 : memref<1x1x2x128xi32, #tpu.memory_space<hbm>> -> memref<2x128xi32, #tpu.memory_space<hbm>>
        %dma_wait3A_455 = arith.constant 0 : i32
        %dma_wait3A_456 = arith.constant 0 : i32
        %dma_wait3A_457 = tpu.memref_slice %arg3[%arg1, %add3A_450, %dma_wait3A_455, %dma_wait3A_456] : memref<16x160x2x128xi32, #tpu.memory_space<hbm>> -> memref<1x1x2x128xi32, #tpu.memory_space<hbm>>
        %dma_wait3A_458 = tpu.memref_squeeze %dma_wait3A_457 : memref<1x1x2x128xi32, #tpu.memory_space<hbm>> -> memref<2x128xi32, #tpu.memory_space<hbm>>
        tpu.wait_dma2 semaphore(%arg24 : memref<!tpu.dma_semaphore, #tpu.memory_space<semaphore_mem>>) src(%dma_wait3A_458 : memref<2x128xi32, #tpu.memory_space<hbm>>) dst(%arg11 : memref<2x128xi32, #tpu.memory_space<vmem>>)
        %dma_start3A_459 = arith.constant 0 : i32
        %dma_start3A_460 = arith.constant 0 : i32
        %dma_start3A_461 = tpu.memref_slice %arg11[%dma_start3A_459, %dma_start3A_460] : memref<2x128xi32, #tpu.memory_space<vmem>> -> memref<1x128xi32, #tpu.memory_space<vmem>>
        %dma_start3A_462 = tpu.memref_squeeze %dma_start3A_461 : memref<1x128xi32, #tpu.memory_space<vmem>> -> memref<128xi32, #tpu.memory_space<vmem>>
        %dma_start3A_463 = arith.constant 0 : i32
        %dma_start3A_464 = arith.constant 0 : i32
        %dma_start3A_465 = tpu.memref_slice %arg2[%arg0, %dma_start3A_463, %dma_start3A_464] : memref<2x10000x96xf32, #tpu.memory_space<hbm>> -> memref<1x10000x96xf32, #tpu.memory_space<hbm>>
        %dma_start3A_466 = tpu.memref_squeeze %dma_start3A_465 : memref<1x10000x96xf32, #tpu.memory_space<hbm>> -> memref<10000x96xf32, #tpu.memory_space<hbm>>
        %dma_start3A_467 = arith.constant 0 : i32
        %dma_start3A_468 = arith.constant 0 : i32
        %dma_start3A_469 = tpu.memref_slice %dma_start3A_466[%dma_start3A_467, %dma_start3A_468] : memref<10000x96xf32, #tpu.memory_space<hbm>> -> memref<10000x96xf32, #tpu.memory_space<hbm>>
        tpu.enqueue_indirect_dma source(%dma_start3A_469 : memref<10000x96xf32, #tpu.memory_space<hbm>>) target(%arg15 : memref<128x96xf32, #tpu.memory_space<vmem>>) offsets(%dma_start3A_462 : memref<128xi32, #tpu.memory_space<vmem>>) semaphore(%arg28 : memref<!tpu.dma_semaphore, #tpu.memory_space<semaphore_mem>>)
      } else {
      }
      %mul3A_277 = arith.constant 8 : i32
      %mul3A_278 = arith.muli %scan3A_113, %mul3A_277 : i32
      %add3A_279 = arith.constant 4 : i32
      %add3A_280 = arith.addi %mul3A_278, %add3A_279 : i32
      %dma_wait3A_281 = arith.constant 0 : i32
      %dma_wait3A_282 = arith.constant 0 : i32
      %dma_wait3A_283 = tpu.memref_slice %arg10[%dma_wait3A_281, %dma_wait3A_282] : memref<2x128xi32, #tpu.memory_space<vmem>> -> memref<1x128xi32, #tpu.memory_space<vmem>>
      %dma_wait3A_284 = tpu.memref_squeeze %dma_wait3A_283 : memref<1x128xi32, #tpu.memory_space<vmem>> -> memref<128xi32, #tpu.memory_space<vmem>>
      %dma_wait3A_285 = arith.constant 0 : i32
      %dma_wait3A_286 = arith.constant 0 : i32
      %dma_wait3A_287 = tpu.memref_slice %arg2[%arg0, %dma_wait3A_285, %dma_wait3A_286] : memref<2x10000x96xf32, #tpu.memory_space<hbm>> -> memref<1x10000x96xf32, #tpu.memory_space<hbm>>
      %dma_wait3A_288 = tpu.memref_squeeze %dma_wait3A_287 : memref<1x10000x96xf32, #tpu.memory_space<hbm>> -> memref<10000x96xf32, #tpu.memory_space<hbm>>
      %dma_wait3A_289 = arith.constant 0 : i32
      %dma_wait3A_290 = arith.constant 0 : i32
      %dma_wait3A_291 = tpu.memref_slice %dma_wait3A_288[%dma_wait3A_289, %dma_wait3A_290] : memref<10000x96xf32, #tpu.memory_space<hbm>> -> memref<10000x96xf32, #tpu.memory_space<hbm>>
      tpu.wait_indirect_dma semaphore(%arg27 : memref<!tpu.dma_semaphore, #tpu.memory_space<semaphore_mem>>) src(%dma_wait3A_291 : memref<10000x96xf32, #tpu.memory_space<hbm>>) dst(%arg14 : memref<128x96xf32, #tpu.memory_space<vmem>>)
      %dma_start3A_292 = arith.constant 1 : i32
      %dma_start3A_293 = arith.constant 0 : i32
      %dma_start3A_294 = tpu.memref_slice %arg10[%dma_start3A_292, %dma_start3A_293] : memref<2x128xi32, #tpu.memory_space<vmem>> -> memref<1x128xi32, #tpu.memory_space<vmem>>
      %dma_start3A_295 = tpu.memref_squeeze %dma_start3A_294 : memref<1x128xi32, #tpu.memory_space<vmem>> -> memref<128xi32, #tpu.memory_space<vmem>>
      %dma_start3A_296 = arith.constant 0 : i32
      %dma_start3A_297 = arith.constant 0 : i32
      %dma_start3A_298 = tpu.memref_slice %arg18[%dma_start3A_296, %dma_start3A_297] : memref<10016x96xf32, #tpu.memory_space<vmem_shared>> -> memref<10016x96xf32, #tpu.memory_space<vmem_shared>>
      tpu.enqueue_indirect_dma source(%arg14 : memref<128x96xf32, #tpu.memory_space<vmem>>) target(%dma_start3A_298 : memref<10016x96xf32, #tpu.memory_space<vmem_shared>>) offsets(%dma_start3A_295 : memref<128xi32, #tpu.memory_space<vmem>>) semaphore(%arg31 : memref<!tpu.dma_semaphore, #tpu.memory_space<semaphore_mem>>) {add = true}
      %dma_wait3A_299 = arith.constant 1 : i32
      %dma_wait3A_300 = arith.constant 0 : i32
      %dma_wait3A_301 = tpu.memref_slice %arg8[%dma_wait3A_299, %dma_wait3A_300] : memref<2x128xi32, #tpu.memory_space<vmem>> -> memref<1x128xi32, #tpu.memory_space<vmem>>
      %dma_wait3A_302 = tpu.memref_squeeze %dma_wait3A_301 : memref<1x128xi32, #tpu.memory_space<vmem>> -> memref<128xi32, #tpu.memory_space<vmem>>
      %dma_wait3A_303 = arith.constant 0 : i32
      %dma_wait3A_304 = arith.constant 0 : i32
      %dma_wait3A_305 = tpu.memref_slice %arg18[%dma_wait3A_303, %dma_wait3A_304] : memref<10016x96xf32, #tpu.memory_space<vmem_shared>> -> memref<10016x96xf32, #tpu.memory_space<vmem_shared>>
      tpu.wait_indirect_dma semaphore(%arg33 : memref<!tpu.dma_semaphore, #tpu.memory_space<semaphore_mem>>) src(%arg16 : memref<128x96xf32, #tpu.memory_space<vmem>>) dst(%dma_wait3A_305 : memref<10016x96xf32, #tpu.memory_space<vmem_shared>>)
      %add3A_306 = arith.constant 6 : i32
      %add3A_307 = arith.addi %add3A_280, %add3A_306 : i32
      %lt3A_308 = arith.constant 160 : i32
      %lt3A_309 = arith.cmpi slt, %add3A_307, %lt3A_308 : i32
      %convert_element_type3A_310 = arith.extui %lt3A_309 : i1 to i32
      %cond3A_311 = arith.constant 0 : i32
      %cond3A_312 = arith.cmpi ne, %convert_element_type3A_310, %cond3A_311 : i32
      scf.if %cond3A_312 {
        %add3A_449 = arith.constant 6 : i32
        %add3A_450 = arith.addi %add3A_280, %add3A_449 : i32
        %dma_start3A_451 = arith.constant 0 : i32
        %dma_start3A_452 = arith.constant 0 : i32
        %dma_start3A_453 = tpu.memref_slice %arg3[%arg1, %add3A_450, %dma_start3A_451, %dma_start3A_452] : memref<16x160x2x128xi32, #tpu.memory_space<hbm>> -> memref<1x1x2x128xi32, #tpu.memory_space<hbm>>
        %dma_start3A_454 = tpu.memref_squeeze %dma_start3A_453 : memref<1x1x2x128xi32, #tpu.memory_space<hbm>> -> memref<2x128xi32, #tpu.memory_space<hbm>>
        %dma_start3A_455 = arith.constant 0 : i32
        %dma_start3A_456 = arith.constant 0 : i32
        %dma_start3A_457 = tpu.memref_slice %arg3[%arg1, %add3A_450, %dma_start3A_455, %dma_start3A_456] : memref<16x160x2x128xi32, #tpu.memory_space<hbm>> -> memref<1x1x2x128xi32, #tpu.memory_space<hbm>>
        %dma_start3A_458 = tpu.memref_squeeze %dma_start3A_457 : memref<1x1x2x128xi32, #tpu.memory_space<hbm>> -> memref<2x128xi32, #tpu.memory_space<hbm>>
        tpu.enqueue_dma source(%dma_start3A_458 : memref<2x128xi32, #tpu.memory_space<hbm>>) target(%arg8 : memref<2x128xi32, #tpu.memory_space<vmem>>) target_semaphore(%arg21 : memref<!tpu.dma_semaphore, #tpu.memory_space<semaphore_mem>>)
      } else {
      }
      %add3A_313 = arith.constant 2 : i32
      %add3A_314 = arith.addi %add3A_280, %add3A_313 : i32
      %lt3A_315 = arith.constant 160 : i32
      %lt3A_316 = arith.cmpi slt, %add3A_314, %lt3A_315 : i32
      %convert_element_type3A_317 = arith.extui %lt3A_316 : i1 to i32
      %cond3A_318 = arith.constant 0 : i32
      %cond3A_319 = arith.cmpi ne, %convert_element_type3A_317, %cond3A_318 : i32
      scf.if %cond3A_319 {
        %add3A_449 = arith.constant 2 : i32
        %add3A_450 = arith.addi %add3A_280, %add3A_449 : i32
        %dma_wait3A_451 = arith.constant 0 : i32
        %dma_wait3A_452 = arith.constant 0 : i32
        %dma_wait3A_453 = tpu.memref_slice %arg3[%arg1, %add3A_450, %dma_wait3A_451, %dma_wait3A_452] : memref<16x160x2x128xi32, #tpu.memory_space<hbm>> -> memref<1x1x2x128xi32, #tpu.memory_space<hbm>>
        %dma_wait3A_454 = tpu.memref_squeeze %dma_wait3A_453 : memref<1x1x2x128xi32, #tpu.memory_space<hbm>> -> memref<2x128xi32, #tpu.memory_space<hbm>>
        %dma_wait3A_455 = arith.constant 0 : i32
        %dma_wait3A_456 = arith.constant 0 : i32
        %dma_wait3A_457 = tpu.memref_slice %arg3[%arg1, %add3A_450, %dma_wait3A_455, %dma_wait3A_456] : memref<16x160x2x128xi32, #tpu.memory_space<hbm>> -> memref<1x1x2x128xi32, #tpu.memory_space<hbm>>
        %dma_wait3A_458 = tpu.memref_squeeze %dma_wait3A_457 : memref<1x1x2x128xi32, #tpu.memory_space<hbm>> -> memref<2x128xi32, #tpu.memory_space<hbm>>
        tpu.wait_dma2 semaphore(%arg25 : memref<!tpu.dma_semaphore, #tpu.memory_space<semaphore_mem>>) src(%dma_wait3A_458 : memref<2x128xi32, #tpu.memory_space<hbm>>) dst(%arg12 : memref<2x128xi32, #tpu.memory_space<vmem>>)
        %dma_start3A_459 = arith.constant 0 : i32
        %dma_start3A_460 = arith.constant 0 : i32
        %dma_start3A_461 = tpu.memref_slice %arg12[%dma_start3A_459, %dma_start3A_460] : memref<2x128xi32, #tpu.memory_space<vmem>> -> memref<1x128xi32, #tpu.memory_space<vmem>>
        %dma_start3A_462 = tpu.memref_squeeze %dma_start3A_461 : memref<1x128xi32, #tpu.memory_space<vmem>> -> memref<128xi32, #tpu.memory_space<vmem>>
        %dma_start3A_463 = arith.constant 0 : i32
        %dma_start3A_464 = arith.constant 0 : i32
        %dma_start3A_465 = tpu.memref_slice %arg2[%arg0, %dma_start3A_463, %dma_start3A_464] : memref<2x10000x96xf32, #tpu.memory_space<hbm>> -> memref<1x10000x96xf32, #tpu.memory_space<hbm>>
        %dma_start3A_466 = tpu.memref_squeeze %dma_start3A_465 : memref<1x10000x96xf32, #tpu.memory_space<hbm>> -> memref<10000x96xf32, #tpu.memory_space<hbm>>
        %dma_start3A_467 = arith.constant 0 : i32
        %dma_start3A_468 = arith.constant 0 : i32
        %dma_start3A_469 = tpu.memref_slice %dma_start3A_466[%dma_start3A_467, %dma_start3A_468] : memref<10000x96xf32, #tpu.memory_space<hbm>> -> memref<10000x96xf32, #tpu.memory_space<hbm>>
        tpu.enqueue_indirect_dma source(%dma_start3A_469 : memref<10000x96xf32, #tpu.memory_space<hbm>>) target(%arg16 : memref<128x96xf32, #tpu.memory_space<vmem>>) offsets(%dma_start3A_462 : memref<128xi32, #tpu.memory_space<vmem>>) semaphore(%arg29 : memref<!tpu.dma_semaphore, #tpu.memory_space<semaphore_mem>>)
      } else {
      }
      %mul3A_320 = arith.constant 8 : i32
      %mul3A_321 = arith.muli %scan3A_113, %mul3A_320 : i32
      %add3A_322 = arith.constant 5 : i32
      %add3A_323 = arith.addi %mul3A_321, %add3A_322 : i32
      %dma_wait3A_324 = arith.constant 0 : i32
      %dma_wait3A_325 = arith.constant 0 : i32
      %dma_wait3A_326 = tpu.memref_slice %arg11[%dma_wait3A_324, %dma_wait3A_325] : memref<2x128xi32, #tpu.memory_space<vmem>> -> memref<1x128xi32, #tpu.memory_space<vmem>>
      %dma_wait3A_327 = tpu.memref_squeeze %dma_wait3A_326 : memref<1x128xi32, #tpu.memory_space<vmem>> -> memref<128xi32, #tpu.memory_space<vmem>>
      %dma_wait3A_328 = arith.constant 0 : i32
      %dma_wait3A_329 = arith.constant 0 : i32
      %dma_wait3A_330 = tpu.memref_slice %arg2[%arg0, %dma_wait3A_328, %dma_wait3A_329] : memref<2x10000x96xf32, #tpu.memory_space<hbm>> -> memref<1x10000x96xf32, #tpu.memory_space<hbm>>
      %dma_wait3A_331 = tpu.memref_squeeze %dma_wait3A_330 : memref<1x10000x96xf32, #tpu.memory_space<hbm>> -> memref<10000x96xf32, #tpu.memory_space<hbm>>
      %dma_wait3A_332 = arith.constant 0 : i32
      %dma_wait3A_333 = arith.constant 0 : i32
      %dma_wait3A_334 = tpu.memref_slice %dma_wait3A_331[%dma_wait3A_332, %dma_wait3A_333] : memref<10000x96xf32, #tpu.memory_space<hbm>> -> memref<10000x96xf32, #tpu.memory_space<hbm>>
      tpu.wait_indirect_dma semaphore(%arg28 : memref<!tpu.dma_semaphore, #tpu.memory_space<semaphore_mem>>) src(%dma_wait3A_334 : memref<10000x96xf32, #tpu.memory_space<hbm>>) dst(%arg15 : memref<128x96xf32, #tpu.memory_space<vmem>>)
      %dma_start3A_335 = arith.constant 1 : i32
      %dma_start3A_336 = arith.constant 0 : i32
      %dma_start3A_337 = tpu.memref_slice %arg11[%dma_start3A_335, %dma_start3A_336] : memref<2x128xi32, #tpu.memory_space<vmem>> -> memref<1x128xi32, #tpu.memory_space<vmem>>
      %dma_start3A_338 = tpu.memref_squeeze %dma_start3A_337 : memref<1x128xi32, #tpu.memory_space<vmem>> -> memref<128xi32, #tpu.memory_space<vmem>>
      %dma_start3A_339 = arith.constant 0 : i32
      %dma_start3A_340 = arith.constant 0 : i32
      %dma_start3A_341 = tpu.memref_slice %arg18[%dma_start3A_339, %dma_start3A_340] : memref<10016x96xf32, #tpu.memory_space<vmem_shared>> -> memref<10016x96xf32, #tpu.memory_space<vmem_shared>>
      tpu.enqueue_indirect_dma source(%arg15 : memref<128x96xf32, #tpu.memory_space<vmem>>) target(%dma_start3A_341 : memref<10016x96xf32, #tpu.memory_space<vmem_shared>>) offsets(%dma_start3A_338 : memref<128xi32, #tpu.memory_space<vmem>>) semaphore(%arg32 : memref<!tpu.dma_semaphore, #tpu.memory_space<semaphore_mem>>) {add = true}
      %dma_wait3A_342 = arith.constant 1 : i32
      %dma_wait3A_343 = arith.constant 0 : i32
      %dma_wait3A_344 = tpu.memref_slice %arg9[%dma_wait3A_342, %dma_wait3A_343] : memref<2x128xi32, #tpu.memory_space<vmem>> -> memref<1x128xi32, #tpu.memory_space<vmem>>
      %dma_wait3A_345 = tpu.memref_squeeze %dma_wait3A_344 : memref<1x128xi32, #tpu.memory_space<vmem>> -> memref<128xi32, #tpu.memory_space<vmem>>
      %dma_wait3A_346 = arith.constant 0 : i32
      %dma_wait3A_347 = arith.constant 0 : i32
      %dma_wait3A_348 = tpu.memref_slice %arg18[%dma_wait3A_346, %dma_wait3A_347] : memref<10016x96xf32, #tpu.memory_space<vmem_shared>> -> memref<10016x96xf32, #tpu.memory_space<vmem_shared>>
      tpu.wait_indirect_dma semaphore(%arg34 : memref<!tpu.dma_semaphore, #tpu.memory_space<semaphore_mem>>) src(%arg17 : memref<128x96xf32, #tpu.memory_space<vmem>>) dst(%dma_wait3A_348 : memref<10016x96xf32, #tpu.memory_space<vmem_shared>>)
      %add3A_349 = arith.constant 6 : i32
      %add3A_350 = arith.addi %add3A_323, %add3A_349 : i32
      %lt3A_351 = arith.constant 160 : i32
      %lt3A_352 = arith.cmpi slt, %add3A_350, %lt3A_351 : i32
      %convert_element_type3A_353 = arith.extui %lt3A_352 : i1 to i32
      %cond3A_354 = arith.constant 0 : i32
      %cond3A_355 = arith.cmpi ne, %convert_element_type3A_353, %cond3A_354 : i32
      scf.if %cond3A_355 {
        %add3A_449 = arith.constant 6 : i32
        %add3A_450 = arith.addi %add3A_323, %add3A_449 : i32
        %dma_start3A_451 = arith.constant 0 : i32
        %dma_start3A_452 = arith.constant 0 : i32
        %dma_start3A_453 = tpu.memref_slice %arg3[%arg1, %add3A_450, %dma_start3A_451, %dma_start3A_452] : memref<16x160x2x128xi32, #tpu.memory_space<hbm>> -> memref<1x1x2x128xi32, #tpu.memory_space<hbm>>
        %dma_start3A_454 = tpu.memref_squeeze %dma_start3A_453 : memref<1x1x2x128xi32, #tpu.memory_space<hbm>> -> memref<2x128xi32, #tpu.memory_space<hbm>>
        %dma_start3A_455 = arith.constant 0 : i32
        %dma_start3A_456 = arith.constant 0 : i32
        %dma_start3A_457 = tpu.memref_slice %arg3[%arg1, %add3A_450, %dma_start3A_455, %dma_start3A_456] : memref<16x160x2x128xi32, #tpu.memory_space<hbm>> -> memref<1x1x2x128xi32, #tpu.memory_space<hbm>>
        %dma_start3A_458 = tpu.memref_squeeze %dma_start3A_457 : memref<1x1x2x128xi32, #tpu.memory_space<hbm>> -> memref<2x128xi32, #tpu.memory_space<hbm>>
        tpu.enqueue_dma source(%dma_start3A_458 : memref<2x128xi32, #tpu.memory_space<hbm>>) target(%arg9 : memref<2x128xi32, #tpu.memory_space<vmem>>) target_semaphore(%arg22 : memref<!tpu.dma_semaphore, #tpu.memory_space<semaphore_mem>>)
      } else {
      }
      %add3A_356 = arith.constant 2 : i32
      %add3A_357 = arith.addi %add3A_323, %add3A_356 : i32
      %lt3A_358 = arith.constant 160 : i32
      %lt3A_359 = arith.cmpi slt, %add3A_357, %lt3A_358 : i32
      %convert_element_type3A_360 = arith.extui %lt3A_359 : i1 to i32
      %cond3A_361 = arith.constant 0 : i32
      %cond3A_362 = arith.cmpi ne, %convert_element_type3A_360, %cond3A_361 : i32
      scf.if %cond3A_362 {
        %add3A_449 = arith.constant 2 : i32
        %add3A_450 = arith.addi %add3A_323, %add3A_449 : i32
        %dma_wait3A_451 = arith.constant 0 : i32
        %dma_wait3A_452 = arith.constant 0 : i32
        %dma_wait3A_453 = tpu.memref_slice %arg3[%arg1, %add3A_450, %dma_wait3A_451, %dma_wait3A_452] : memref<16x160x2x128xi32, #tpu.memory_space<hbm>> -> memref<1x1x2x128xi32, #tpu.memory_space<hbm>>
        %dma_wait3A_454 = tpu.memref_squeeze %dma_wait3A_453 : memref<1x1x2x128xi32, #tpu.memory_space<hbm>> -> memref<2x128xi32, #tpu.memory_space<hbm>>
        %dma_wait3A_455 = arith.constant 0 : i32
        %dma_wait3A_456 = arith.constant 0 : i32
        %dma_wait3A_457 = tpu.memref_slice %arg3[%arg1, %add3A_450, %dma_wait3A_455, %dma_wait3A_456] : memref<16x160x2x128xi32, #tpu.memory_space<hbm>> -> memref<1x1x2x128xi32, #tpu.memory_space<hbm>>
        %dma_wait3A_458 = tpu.memref_squeeze %dma_wait3A_457 : memref<1x1x2x128xi32, #tpu.memory_space<hbm>> -> memref<2x128xi32, #tpu.memory_space<hbm>>
        tpu.wait_dma2 semaphore(%arg26 : memref<!tpu.dma_semaphore, #tpu.memory_space<semaphore_mem>>) src(%dma_wait3A_458 : memref<2x128xi32, #tpu.memory_space<hbm>>) dst(%arg13 : memref<2x128xi32, #tpu.memory_space<vmem>>)
        %dma_start3A_459 = arith.constant 0 : i32
        %dma_start3A_460 = arith.constant 0 : i32
        %dma_start3A_461 = tpu.memref_slice %arg13[%dma_start3A_459, %dma_start3A_460] : memref<2x128xi32, #tpu.memory_space<vmem>> -> memref<1x128xi32, #tpu.memory_space<vmem>>
        %dma_start3A_462 = tpu.memref_squeeze %dma_start3A_461 : memref<1x128xi32, #tpu.memory_space<vmem>> -> memref<128xi32, #tpu.memory_space<vmem>>
        %dma_start3A_463 = arith.constant 0 : i32
        %dma_start3A_464 = arith.constant 0 : i32
        %dma_start3A_465 = tpu.memref_slice %arg2[%arg0, %dma_start3A_463, %dma_start3A_464] : memref<2x10000x96xf32, #tpu.memory_space<hbm>> -> memref<1x10000x96xf32, #tpu.memory_space<hbm>>
        %dma_start3A_466 = tpu.memref_squeeze %dma_start3A_465 : memref<1x10000x96xf32, #tpu.memory_space<hbm>> -> memref<10000x96xf32, #tpu.memory_space<hbm>>
        %dma_start3A_467 = arith.constant 0 : i32
        %dma_start3A_468 = arith.constant 0 : i32
        %dma_start3A_469 = tpu.memref_slice %dma_start3A_466[%dma_start3A_467, %dma_start3A_468] : memref<10000x96xf32, #tpu.memory_space<hbm>> -> memref<10000x96xf32, #tpu.memory_space<hbm>>
        tpu.enqueue_indirect_dma source(%dma_start3A_469 : memref<10000x96xf32, #tpu.memory_space<hbm>>) target(%arg17 : memref<128x96xf32, #tpu.memory_space<vmem>>) offsets(%dma_start3A_462 : memref<128xi32, #tpu.memory_space<vmem>>) semaphore(%arg30 : memref<!tpu.dma_semaphore, #tpu.memory_space<semaphore_mem>>)
      } else {
      }
      %mul3A_363 = arith.constant 8 : i32
      %mul3A_364 = arith.muli %scan3A_113, %mul3A_363 : i32
      %add3A_365 = arith.constant 6 : i32
      %add3A_366 = arith.addi %mul3A_364, %add3A_365 : i32
      %dma_wait3A_367 = arith.constant 0 : i32
      %dma_wait3A_368 = arith.constant 0 : i32
      %dma_wait3A_369 = tpu.memref_slice %arg12[%dma_wait3A_367, %dma_wait3A_368] : memref<2x128xi32, #tpu.memory_space<vmem>> -> memref<1x128xi32, #tpu.memory_space<vmem>>
      %dma_wait3A_370 = tpu.memref_squeeze %dma_wait3A_369 : memref<1x128xi32, #tpu.memory_space<vmem>> -> memref<128xi32, #tpu.memory_space<vmem>>
      %dma_wait3A_371 = arith.constant 0 : i32
      %dma_wait3A_372 = arith.constant 0 : i32
      %dma_wait3A_373 = tpu.memref_slice %arg2[%arg0, %dma_wait3A_371, %dma_wait3A_372] : memref<2x10000x96xf32, #tpu.memory_space<hbm>> -> memref<1x10000x96xf32, #tpu.memory_space<hbm>>
      %dma_wait3A_374 = tpu.memref_squeeze %dma_wait3A_373 : memref<1x10000x96xf32, #tpu.memory_space<hbm>> -> memref<10000x96xf32, #tpu.memory_space<hbm>>
      %dma_wait3A_375 = arith.constant 0 : i32
      %dma_wait3A_376 = arith.constant 0 : i32
      %dma_wait3A_377 = tpu.memref_slice %dma_wait3A_374[%dma_wait3A_375, %dma_wait3A_376] : memref<10000x96xf32, #tpu.memory_space<hbm>> -> memref<10000x96xf32, #tpu.memory_space<hbm>>
      tpu.wait_indirect_dma semaphore(%arg29 : memref<!tpu.dma_semaphore, #tpu.memory_space<semaphore_mem>>) src(%dma_wait3A_377 : memref<10000x96xf32, #tpu.memory_space<hbm>>) dst(%arg16 : memref<128x96xf32, #tpu.memory_space<vmem>>)
      %dma_start3A_378 = arith.constant 1 : i32
      %dma_start3A_379 = arith.constant 0 : i32
      %dma_start3A_380 = tpu.memref_slice %arg12[%dma_start3A_378, %dma_start3A_379] : memref<2x128xi32, #tpu.memory_space<vmem>> -> memref<1x128xi32, #tpu.memory_space<vmem>>
      %dma_start3A_381 = tpu.memref_squeeze %dma_start3A_380 : memref<1x128xi32, #tpu.memory_space<vmem>> -> memref<128xi32, #tpu.memory_space<vmem>>
      %dma_start3A_382 = arith.constant 0 : i32
      %dma_start3A_383 = arith.constant 0 : i32
      %dma_start3A_384 = tpu.memref_slice %arg18[%dma_start3A_382, %dma_start3A_383] : memref<10016x96xf32, #tpu.memory_space<vmem_shared>> -> memref<10016x96xf32, #tpu.memory_space<vmem_shared>>
      tpu.enqueue_indirect_dma source(%arg16 : memref<128x96xf32, #tpu.memory_space<vmem>>) target(%dma_start3A_384 : memref<10016x96xf32, #tpu.memory_space<vmem_shared>>) offsets(%dma_start3A_381 : memref<128xi32, #tpu.memory_space<vmem>>) semaphore(%arg33 : memref<!tpu.dma_semaphore, #tpu.memory_space<semaphore_mem>>) {add = true}
      %dma_wait3A_385 = arith.constant 1 : i32
      %dma_wait3A_386 = arith.constant 0 : i32
      %dma_wait3A_387 = tpu.memref_slice %arg10[%dma_wait3A_385, %dma_wait3A_386] : memref<2x128xi32, #tpu.memory_space<vmem>> -> memref<1x128xi32, #tpu.memory_space<vmem>>
      %dma_wait3A_388 = tpu.memref_squeeze %dma_wait3A_387 : memref<1x128xi32, #tpu.memory_space<vmem>> -> memref<128xi32, #tpu.memory_space<vmem>>
      %dma_wait3A_389 = arith.constant 0 : i32
      %dma_wait3A_390 = arith.constant 0 : i32
      %dma_wait3A_391 = tpu.memref_slice %arg18[%dma_wait3A_389, %dma_wait3A_390] : memref<10016x96xf32, #tpu.memory_space<vmem_shared>> -> memref<10016x96xf32, #tpu.memory_space<vmem_shared>>
      tpu.wait_indirect_dma semaphore(%arg31 : memref<!tpu.dma_semaphore, #tpu.memory_space<semaphore_mem>>) src(%arg14 : memref<128x96xf32, #tpu.memory_space<vmem>>) dst(%dma_wait3A_391 : memref<10016x96xf32, #tpu.memory_space<vmem_shared>>)
      %add3A_392 = arith.constant 6 : i32
      %add3A_393 = arith.addi %add3A_366, %add3A_392 : i32
      %lt3A_394 = arith.constant 160 : i32
      %lt3A_395 = arith.cmpi slt, %add3A_393, %lt3A_394 : i32
      %convert_element_type3A_396 = arith.extui %lt3A_395 : i1 to i32
      %cond3A_397 = arith.constant 0 : i32
      %cond3A_398 = arith.cmpi ne, %convert_element_type3A_396, %cond3A_397 : i32
      scf.if %cond3A_398 {
        %add3A_449 = arith.constant 6 : i32
        %add3A_450 = arith.addi %add3A_366, %add3A_449 : i32
        %dma_start3A_451 = arith.constant 0 : i32
        %dma_start3A_452 = arith.constant 0 : i32
        %dma_start3A_453 = tpu.memref_slice %arg3[%arg1, %add3A_450, %dma_start3A_451, %dma_start3A_452] : memref<16x160x2x128xi32, #tpu.memory_space<hbm>> -> memref<1x1x2x128xi32, #tpu.memory_space<hbm>>
        %dma_start3A_454 = tpu.memref_squeeze %dma_start3A_453 : memref<1x1x2x128xi32, #tpu.memory_space<hbm>> -> memref<2x128xi32, #tpu.memory_space<hbm>>
        %dma_start3A_455 = arith.constant 0 : i32
        %dma_start3A_456 = arith.constant 0 : i32
        %dma_start3A_457 = tpu.memref_slice %arg3[%arg1, %add3A_450, %dma_start3A_455, %dma_start3A_456] : memref<16x160x2x128xi32, #tpu.memory_space<hbm>> -> memref<1x1x2x128xi32, #tpu.memory_space<hbm>>
        %dma_start3A_458 = tpu.memref_squeeze %dma_start3A_457 : memref<1x1x2x128xi32, #tpu.memory_space<hbm>> -> memref<2x128xi32, #tpu.memory_space<hbm>>
        tpu.enqueue_dma source(%dma_start3A_458 : memref<2x128xi32, #tpu.memory_space<hbm>>) target(%arg10 : memref<2x128xi32, #tpu.memory_space<vmem>>) target_semaphore(%arg23 : memref<!tpu.dma_semaphore, #tpu.memory_space<semaphore_mem>>)
      } else {
      }
      %add3A_399 = arith.constant 2 : i32
      %add3A_400 = arith.addi %add3A_366, %add3A_399 : i32
      %lt3A_401 = arith.constant 160 : i32
      %lt3A_402 = arith.cmpi slt, %add3A_400, %lt3A_401 : i32
      %convert_element_type3A_403 = arith.extui %lt3A_402 : i1 to i32
      %cond3A_404 = arith.constant 0 : i32
      %cond3A_405 = arith.cmpi ne, %convert_element_type3A_403, %cond3A_404 : i32
      scf.if %cond3A_405 {
        %add3A_449 = arith.constant 2 : i32
        %add3A_450 = arith.addi %add3A_366, %add3A_449 : i32
        %dma_wait3A_451 = arith.constant 0 : i32
        %dma_wait3A_452 = arith.constant 0 : i32
        %dma_wait3A_453 = tpu.memref_slice %arg3[%arg1, %add3A_450, %dma_wait3A_451, %dma_wait3A_452] : memref<16x160x2x128xi32, #tpu.memory_space<hbm>> -> memref<1x1x2x128xi32, #tpu.memory_space<hbm>>
        %dma_wait3A_454 = tpu.memref_squeeze %dma_wait3A_453 : memref<1x1x2x128xi32, #tpu.memory_space<hbm>> -> memref<2x128xi32, #tpu.memory_space<hbm>>
        %dma_wait3A_455 = arith.constant 0 : i32
        %dma_wait3A_456 = arith.constant 0 : i32
        %dma_wait3A_457 = tpu.memref_slice %arg3[%arg1, %add3A_450, %dma_wait3A_455, %dma_wait3A_456] : memref<16x160x2x128xi32, #tpu.memory_space<hbm>> -> memref<1x1x2x128xi32, #tpu.memory_space<hbm>>
        %dma_wait3A_458 = tpu.memref_squeeze %dma_wait3A_457 : memref<1x1x2x128xi32, #tpu.memory_space<hbm>> -> memref<2x128xi32, #tpu.memory_space<hbm>>
        tpu.wait_dma2 semaphore(%arg19 : memref<!tpu.dma_semaphore, #tpu.memory_space<semaphore_mem>>) src(%dma_wait3A_458 : memref<2x128xi32, #tpu.memory_space<hbm>>) dst(%arg6 : memref<2x128xi32, #tpu.memory_space<vmem>>)
        %dma_start3A_459 = arith.constant 0 : i32
        %dma_start3A_460 = arith.constant 0 : i32
        %dma_start3A_461 = tpu.memref_slice %arg6[%dma_start3A_459, %dma_start3A_460] : memref<2x128xi32, #tpu.memory_space<vmem>> -> memref<1x128xi32, #tpu.memory_space<vmem>>
        %dma_start3A_462 = tpu.memref_squeeze %dma_start3A_461 : memref<1x128xi32, #tpu.memory_space<vmem>> -> memref<128xi32, #tpu.memory_space<vmem>>
        %dma_start3A_463 = arith.constant 0 : i32
        %dma_start3A_464 = arith.constant 0 : i32
        %dma_start3A_465 = tpu.memref_slice %arg2[%arg0, %dma_start3A_463, %dma_start3A_464] : memref<2x10000x96xf32, #tpu.memory_space<hbm>> -> memref<1x10000x96xf32, #tpu.memory_space<hbm>>
        %dma_start3A_466 = tpu.memref_squeeze %dma_start3A_465 : memref<1x10000x96xf32, #tpu.memory_space<hbm>> -> memref<10000x96xf32, #tpu.memory_space<hbm>>
        %dma_start3A_467 = arith.constant 0 : i32
        %dma_start3A_468 = arith.constant 0 : i32
        %dma_start3A_469 = tpu.memref_slice %dma_start3A_466[%dma_start3A_467, %dma_start3A_468] : memref<10000x96xf32, #tpu.memory_space<hbm>> -> memref<10000x96xf32, #tpu.memory_space<hbm>>
        tpu.enqueue_indirect_dma source(%dma_start3A_469 : memref<10000x96xf32, #tpu.memory_space<hbm>>) target(%arg14 : memref<128x96xf32, #tpu.memory_space<vmem>>) offsets(%dma_start3A_462 : memref<128xi32, #tpu.memory_space<vmem>>) semaphore(%arg27 : memref<!tpu.dma_semaphore, #tpu.memory_space<semaphore_mem>>)
      } else {
      }
      %mul3A_406 = arith.constant 8 : i32
      %mul3A_407 = arith.muli %scan3A_113, %mul3A_406 : i32
      %add3A_408 = arith.constant 7 : i32
      %add3A_409 = arith.addi %mul3A_407, %add3A_408 : i32
      %dma_wait3A_410 = arith.constant 0 : i32
      %dma_wait3A_411 = arith.constant 0 : i32
      %dma_wait3A_412 = tpu.memref_slice %arg13[%dma_wait3A_410, %dma_wait3A_411] : memref<2x128xi32, #tpu.memory_space<vmem>> -> memref<1x128xi32, #tpu.memory_space<vmem>>
      %dma_wait3A_413 = tpu.memref_squeeze %dma_wait3A_412 : memref<1x128xi32, #tpu.memory_space<vmem>> -> memref<128xi32, #tpu.memory_space<vmem>>
      %dma_wait3A_414 = arith.constant 0 : i32
      %dma_wait3A_415 = arith.constant 0 : i32
      %dma_wait3A_416 = tpu.memref_slice %arg2[%arg0, %dma_wait3A_414, %dma_wait3A_415] : memref<2x10000x96xf32, #tpu.memory_space<hbm>> -> memref<1x10000x96xf32, #tpu.memory_space<hbm>>
      %dma_wait3A_417 = tpu.memref_squeeze %dma_wait3A_416 : memref<1x10000x96xf32, #tpu.memory_space<hbm>> -> memref<10000x96xf32, #tpu.memory_space<hbm>>
      %dma_wait3A_418 = arith.constant 0 : i32
      %dma_wait3A_419 = arith.constant 0 : i32
      %dma_wait3A_420 = tpu.memref_slice %dma_wait3A_417[%dma_wait3A_418, %dma_wait3A_419] : memref<10000x96xf32, #tpu.memory_space<hbm>> -> memref<10000x96xf32, #tpu.memory_space<hbm>>
      tpu.wait_indirect_dma semaphore(%arg30 : memref<!tpu.dma_semaphore, #tpu.memory_space<semaphore_mem>>) src(%dma_wait3A_420 : memref<10000x96xf32, #tpu.memory_space<hbm>>) dst(%arg17 : memref<128x96xf32, #tpu.memory_space<vmem>>)
      %dma_start3A_421 = arith.constant 1 : i32
      %dma_start3A_422 = arith.constant 0 : i32
      %dma_start3A_423 = tpu.memref_slice %arg13[%dma_start3A_421, %dma_start3A_422] : memref<2x128xi32, #tpu.memory_space<vmem>> -> memref<1x128xi32, #tpu.memory_space<vmem>>
      %dma_start3A_424 = tpu.memref_squeeze %dma_start3A_423 : memref<1x128xi32, #tpu.memory_space<vmem>> -> memref<128xi32, #tpu.memory_space<vmem>>
      %dma_start3A_425 = arith.constant 0 : i32
      %dma_start3A_426 = arith.constant 0 : i32
      %dma_start3A_427 = tpu.memref_slice %arg18[%dma_start3A_425, %dma_start3A_426] : memref<10016x96xf32, #tpu.memory_space<vmem_shared>> -> memref<10016x96xf32, #tpu.memory_space<vmem_shared>>
      tpu.enqueue_indirect_dma source(%arg17 : memref<128x96xf32, #tpu.memory_space<vmem>>) target(%dma_start3A_427 : memref<10016x96xf32, #tpu.memory_space<vmem_shared>>) offsets(%dma_start3A_424 : memref<128xi32, #tpu.memory_space<vmem>>) semaphore(%arg34 : memref<!tpu.dma_semaphore, #tpu.memory_space<semaphore_mem>>) {add = true}
      %dma_wait3A_428 = arith.constant 1 : i32
      %dma_wait3A_429 = arith.constant 0 : i32
      %dma_wait3A_430 = tpu.memref_slice %arg11[%dma_wait3A_428, %dma_wait3A_429] : memref<2x128xi32, #tpu.memory_space<vmem>> -> memref<1x128xi32, #tpu.memory_space<vmem>>
      %dma_wait3A_431 = tpu.memref_squeeze %dma_wait3A_430 : memref<1x128xi32, #tpu.memory_space<vmem>> -> memref<128xi32, #tpu.memory_space<vmem>>
      %dma_wait3A_432 = arith.constant 0 : i32
      %dma_wait3A_433 = arith.constant 0 : i32
      %dma_wait3A_434 = tpu.memref_slice %arg18[%dma_wait3A_432, %dma_wait3A_433] : memref<10016x96xf32, #tpu.memory_space<vmem_shared>> -> memref<10016x96xf32, #tpu.memory_space<vmem_shared>>
      tpu.wait_indirect_dma semaphore(%arg32 : memref<!tpu.dma_semaphore, #tpu.memory_space<semaphore_mem>>) src(%arg15 : memref<128x96xf32, #tpu.memory_space<vmem>>) dst(%dma_wait3A_434 : memref<10016x96xf32, #tpu.memory_space<vmem_shared>>)
      %add3A_435 = arith.constant 6 : i32
      %add3A_436 = arith.addi %add3A_409, %add3A_435 : i32
      %lt3A_437 = arith.constant 160 : i32
      %lt3A_438 = arith.cmpi slt, %add3A_436, %lt3A_437 : i32
      %convert_element_type3A_439 = arith.extui %lt3A_438 : i1 to i32
      %cond3A_440 = arith.constant 0 : i32
      %cond3A_441 = arith.cmpi ne, %convert_element_type3A_439, %cond3A_440 : i32
      scf.if %cond3A_441 {
        %add3A_449 = arith.constant 6 : i32
        %add3A_450 = arith.addi %add3A_409, %add3A_449 : i32
        %dma_start3A_451 = arith.constant 0 : i32
        %dma_start3A_452 = arith.constant 0 : i32
        %dma_start3A_453 = tpu.memref_slice %arg3[%arg1, %add3A_450, %dma_start3A_451, %dma_start3A_452] : memref<16x160x2x128xi32, #tpu.memory_space<hbm>> -> memref<1x1x2x128xi32, #tpu.memory_space<hbm>>
        %dma_start3A_454 = tpu.memref_squeeze %dma_start3A_453 : memref<1x1x2x128xi32, #tpu.memory_space<hbm>> -> memref<2x128xi32, #tpu.memory_space<hbm>>
        %dma_start3A_455 = arith.constant 0 : i32
        %dma_start3A_456 = arith.constant 0 : i32
        %dma_start3A_457 = tpu.memref_slice %arg3[%arg1, %add3A_450, %dma_start3A_455, %dma_start3A_456] : memref<16x160x2x128xi32, #tpu.memory_space<hbm>> -> memref<1x1x2x128xi32, #tpu.memory_space<hbm>>
        %dma_start3A_458 = tpu.memref_squeeze %dma_start3A_457 : memref<1x1x2x128xi32, #tpu.memory_space<hbm>> -> memref<2x128xi32, #tpu.memory_space<hbm>>
        tpu.enqueue_dma source(%dma_start3A_458 : memref<2x128xi32, #tpu.memory_space<hbm>>) target(%arg11 : memref<2x128xi32, #tpu.memory_space<vmem>>) target_semaphore(%arg24 : memref<!tpu.dma_semaphore, #tpu.memory_space<semaphore_mem>>)
      } else {
      }
      %add3A_442 = arith.constant 2 : i32
      %add3A_443 = arith.addi %add3A_409, %add3A_442 : i32
      %lt3A_444 = arith.constant 160 : i32
      %lt3A_445 = arith.cmpi slt, %add3A_443, %lt3A_444 : i32
      %convert_element_type3A_446 = arith.extui %lt3A_445 : i1 to i32
      %cond3A_447 = arith.constant 0 : i32
      %cond3A_448 = arith.cmpi ne, %convert_element_type3A_446, %cond3A_447 : i32
      scf.if %cond3A_448 {
        %add3A_449 = arith.constant 2 : i32
        %add3A_450 = arith.addi %add3A_409, %add3A_449 : i32
        %dma_wait3A_451 = arith.constant 0 : i32
        %dma_wait3A_452 = arith.constant 0 : i32
        %dma_wait3A_453 = tpu.memref_slice %arg3[%arg1, %add3A_450, %dma_wait3A_451, %dma_wait3A_452] : memref<16x160x2x128xi32, #tpu.memory_space<hbm>> -> memref<1x1x2x128xi32, #tpu.memory_space<hbm>>
        %dma_wait3A_454 = tpu.memref_squeeze %dma_wait3A_453 : memref<1x1x2x128xi32, #tpu.memory_space<hbm>> -> memref<2x128xi32, #tpu.memory_space<hbm>>
        %dma_wait3A_455 = arith.constant 0 : i32
        %dma_wait3A_456 = arith.constant 0 : i32
        %dma_wait3A_457 = tpu.memref_slice %arg3[%arg1, %add3A_450, %dma_wait3A_455, %dma_wait3A_456] : memref<16x160x2x128xi32, #tpu.memory_space<hbm>> -> memref<1x1x2x128xi32, #tpu.memory_space<hbm>>
        %dma_wait3A_458 = tpu.memref_squeeze %dma_wait3A_457 : memref<1x1x2x128xi32, #tpu.memory_space<hbm>> -> memref<2x128xi32, #tpu.memory_space<hbm>>
        tpu.wait_dma2 semaphore(%arg20 : memref<!tpu.dma_semaphore, #tpu.memory_space<semaphore_mem>>) src(%dma_wait3A_458 : memref<2x128xi32, #tpu.memory_space<hbm>>) dst(%arg7 : memref<2x128xi32, #tpu.memory_space<vmem>>)
        %dma_start3A_459 = arith.constant 0 : i32
        %dma_start3A_460 = arith.constant 0 : i32
        %dma_start3A_461 = tpu.memref_slice %arg7[%dma_start3A_459, %dma_start3A_460] : memref<2x128xi32, #tpu.memory_space<vmem>> -> memref<1x128xi32, #tpu.memory_space<vmem>>
        %dma_start3A_462 = tpu.memref_squeeze %dma_start3A_461 : memref<1x128xi32, #tpu.memory_space<vmem>> -> memref<128xi32, #tpu.memory_space<vmem>>
        %dma_start3A_463 = arith.constant 0 : i32
        %dma_start3A_464 = arith.constant 0 : i32
        %dma_start3A_465 = tpu.memref_slice %arg2[%arg0, %dma_start3A_463, %dma_start3A_464] : memref<2x10000x96xf32, #tpu.memory_space<hbm>> -> memref<1x10000x96xf32, #tpu.memory_space<hbm>>
        %dma_start3A_466 = tpu.memref_squeeze %dma_start3A_465 : memref<1x10000x96xf32, #tpu.memory_space<hbm>> -> memref<10000x96xf32, #tpu.memory_space<hbm>>
        %dma_start3A_467 = arith.constant 0 : i32
        %dma_start3A_468 = arith.constant 0 : i32
        %dma_start3A_469 = tpu.memref_slice %dma_start3A_466[%dma_start3A_467, %dma_start3A_468] : memref<10000x96xf32, #tpu.memory_space<hbm>> -> memref<10000x96xf32, #tpu.memory_space<hbm>>
        tpu.enqueue_indirect_dma source(%dma_start3A_469 : memref<10000x96xf32, #tpu.memory_space<hbm>>) target(%arg15 : memref<128x96xf32, #tpu.memory_space<vmem>>) offsets(%dma_start3A_462 : memref<128xi32, #tpu.memory_space<vmem>>) semaphore(%arg28 : memref<!tpu.dma_semaphore, #tpu.memory_space<semaphore_mem>>)
      } else {
      }
    }
    %scan3A_97 = arith.constant 20 : i32
    %dma_wait3A_98 = arith.constant 1 : i32
    %dma_wait3A_99 = arith.constant 0 : i32
    %dma_wait3A_100 = tpu.memref_slice %arg12[%dma_wait3A_98, %dma_wait3A_99] : memref<2x128xi32, #tpu.memory_space<vmem>> -> memref<1x128xi32, #tpu.memory_space<vmem>>
    %dma_wait3A_101 = tpu.memref_squeeze %dma_wait3A_100 : memref<1x128xi32, #tpu.memory_space<vmem>> -> memref<128xi32, #tpu.memory_space<vmem>>
    %dma_wait3A_102 = arith.constant 0 : i32
    %dma_wait3A_103 = arith.constant 0 : i32
    %dma_wait3A_104 = tpu.memref_slice %arg18[%dma_wait3A_102, %dma_wait3A_103] : memref<10016x96xf32, #tpu.memory_space<vmem_shared>> -> memref<10016x96xf32, #tpu.memory_space<vmem_shared>>
    tpu.wait_indirect_dma semaphore(%arg33 : memref<!tpu.dma_semaphore, #tpu.memory_space<semaphore_mem>>) src(%arg16 : memref<128x96xf32, #tpu.memory_space<vmem>>) dst(%dma_wait3A_104 : memref<10016x96xf32, #tpu.memory_space<vmem_shared>>)
    %dma_wait3A_105 = arith.constant 1 : i32
    %dma_wait3A_106 = arith.constant 0 : i32
    %dma_wait3A_107 = tpu.memref_slice %arg13[%dma_wait3A_105, %dma_wait3A_106] : memref<2x128xi32, #tpu.memory_space<vmem>> -> memref<1x128xi32, #tpu.memory_space<vmem>>
    %dma_wait3A_108 = tpu.memref_squeeze %dma_wait3A_107 : memref<1x128xi32, #tpu.memory_space<vmem>> -> memref<128xi32, #tpu.memory_space<vmem>>
    %dma_wait3A_109 = arith.constant 0 : i32
    %dma_wait3A_110 = arith.constant 0 : i32
    %dma_wait3A_111 = tpu.memref_slice %arg18[%dma_wait3A_109, %dma_wait3A_110] : memref<10016x96xf32, #tpu.memory_space<vmem_shared>> -> memref<10016x96xf32, #tpu.memory_space<vmem_shared>>
    tpu.wait_indirect_dma semaphore(%arg34 : memref<!tpu.dma_semaphore, #tpu.memory_space<semaphore_mem>>) src(%arg17 : memref<128x96xf32, #tpu.memory_space<vmem>>) dst(%dma_wait3A_111 : memref<10016x96xf32, #tpu.memory_space<vmem_shared>>)
    %barrier3A_112 = arith.constant 0 : index
    tpu.barrier barrier_id(%barrier3A_112)
    "tpu.region"() ({
      %run_scoped3A = tpu.sem_alloc : memref<!tpu.dma_semaphore, #tpu.memory_space<semaphore_mem>>
      %dma_start3A_113 = arith.constant 0 : i32
      %dma_start3A_114 = arith.constant 0 : i32
      %dma_start3A_115 = tpu.memref_slice %arg5[%arg0, %dma_start3A_113, %dma_start3A_114] : memref<2x10016x96xf32, #tpu.memory_space<hbm>> -> memref<1x10016x96xf32, #tpu.memory_space<hbm>>
      %dma_start3A_116 = tpu.memref_squeeze %dma_start3A_115 : memref<1x10016x96xf32, #tpu.memory_space<hbm>> -> memref<10016x96xf32, #tpu.memory_space<hbm>>
      %dma_start3A_117 = arith.constant 0 : i32
      %dma_start3A_118 = tpu.memref_slice %dma_start3A_116[%mul3A_0, %dma_start3A_117] : memref<10016x96xf32, #tpu.memory_space<hbm>> -> memref<626x96xf32, #tpu.memory_space<hbm>>
      %dma_start3A_119 = arith.constant 0 : i32
      %dma_start3A_120 = tpu.memref_slice %arg18[%mul3A_0, %dma_start3A_119] : memref<10016x96xf32, #tpu.memory_space<vmem_shared>> -> memref<626x96xf32, #tpu.memory_space<vmem_shared>>
      tpu.enqueue_dma source(%dma_start3A_120 : memref<626x96xf32, #tpu.memory_space<vmem_shared>>) target(%dma_start3A_118 : memref<626x96xf32, #tpu.memory_space<hbm>>) target_semaphore(%run_scoped3A : memref<!tpu.dma_semaphore, #tpu.memory_space<semaphore_mem>>)
      %dma_wait3A_121 = arith.constant 0 : i32
      %dma_wait3A_122 = arith.constant 0 : i32
      %dma_wait3A_123 = tpu.memref_slice %arg5[%arg0, %dma_wait3A_121, %dma_wait3A_122] : memref<2x10016x96xf32, #tpu.memory_space<hbm>> -> memref<1x10016x96xf32, #tpu.memory_space<hbm>>
      %dma_wait3A_124 = tpu.memref_squeeze %dma_wait3A_123 : memref<1x10016x96xf32, #tpu.memory_space<hbm>> -> memref<10016x96xf32, #tpu.memory_space<hbm>>
      %dma_wait3A_125 = arith.constant 0 : i32
      %dma_wait3A_126 = tpu.memref_slice %dma_wait3A_124[%mul3A_0, %dma_wait3A_125] : memref<10016x96xf32, #tpu.memory_space<hbm>> -> memref<626x96xf32, #tpu.memory_space<hbm>>
      %dma_wait3A_127 = arith.constant 0 : i32
      %dma_wait3A_128 = tpu.memref_slice %arg18[%mul3A_0, %dma_wait3A_127] : memref<10016x96xf32, #tpu.memory_space<vmem_shared>> -> memref<626x96xf32, #tpu.memory_space<vmem_shared>>
      tpu.wait_dma2 semaphore(%run_scoped3A : memref<!tpu.dma_semaphore, #tpu.memory_space<semaphore_mem>>) src(%dma_wait3A_128 : memref<626x96xf32, #tpu.memory_space<vmem_shared>>) dst(%dma_wait3A_126 : memref<626x96xf32, #tpu.memory_space<hbm>>)
      tpu.yield
    }) : () -> ()
    return
  }
}

module attributes {stable_mosaic.version = 14 : i64} {
  func.func @_combine1_body(%arg0: i32, %arg1: i32, %arg2: memref<1x1000x64xf32, #tpu.memory_space<vmem>>, %arg3: memref<1x1000x64xf32, #tpu.memory_space<vmem>>, %arg4: memref<1000x8xf32, #tpu.memory_space<vmem>>, %arg5: memref<1000x128xf32, #tpu.memory_space<vmem>>, %arg6: memref<128x192xf32, #tpu.memory_space<vmem>>, %arg7: memref<128x192xf32, #tpu.memory_space<vmem>>, %arg8: memref<1x192xf32, #tpu.memory_space<vmem>>, %arg9: memref<4x192xf32, #tpu.memory_space<vmem>>, %arg10: memref<1x192xf32, #tpu.memory_space<vmem>>, %arg11: memref<1x192xf32, #tpu.memory_space<vmem>>, %arg12: memref<1x192xf32, #tpu.memory_space<vmem>>, %arg13: memref<1x192xf32, #tpu.memory_space<vmem>>, %arg14: memref<1000x320xf32, #tpu.memory_space<vmem>>, %arg15: memref<1000x96xf32, #tpu.memory_space<vmem>>, %arg16: memref<1000x96xf32, #tpu.memory_space<vmem>>, %arg17: memref<10000x192xf32, #tpu.memory_space<vmem>>, %arg18: memref<1x192xf32, #tpu.memory_space<vmem>>, %arg19: memref<1x192xf32, #tpu.memory_space<vmem>>) attributes {dimension_semantics = [#tpu.dimension_semantics<arbitrary>, #tpu.dimension_semantics<arbitrary>], iteration_bounds = array<i64: 2, 10>, scalar_prefetch = 0 : i64, scratch_operands = 3 : i64, tpu.core_type = #tpu.core_type<tc>, window_params = [{transform_indices = @transform_0, window_bounds = array<i64: 1, 1000, 64>}, {transform_indices = @transform_1, window_bounds = array<i64: 1, 1000, 64>}, {transform_indices = @transform_2, window_bounds = array<i64: 1000, 8>}, {transform_indices = @transform_3, window_bounds = array<i64: 1000, 128>}, {pipeline_mode = #tpu.pipeline_mode<synchronous>, transform_indices = @transform_4, window_bounds = array<i64: 128, 192>}, {pipeline_mode = #tpu.pipeline_mode<synchronous>, transform_indices = @transform_5, window_bounds = array<i64: 128, 192>}, {pipeline_mode = #tpu.pipeline_mode<synchronous>, transform_indices = @transform_6, window_bounds = array<i64: 1, 192>}, {pipeline_mode = #tpu.pipeline_mode<synchronous>, transform_indices = @transform_7, window_bounds = array<i64: 4, 192>}, {pipeline_mode = #tpu.pipeline_mode<synchronous>, transform_indices = @transform_8, window_bounds = array<i64: 1, 192>}, {pipeline_mode = #tpu.pipeline_mode<synchronous>, transform_indices = @transform_9, window_bounds = array<i64: 1, 192>}, {pipeline_mode = #tpu.pipeline_mode<synchronous>, transform_indices = @transform_10, window_bounds = array<i64: 1, 192>}, {pipeline_mode = #tpu.pipeline_mode<synchronous>, transform_indices = @transform_11, window_bounds = array<i64: 1, 192>}, {transform_indices = @transform_12, window_bounds = array<i64: 1000, 320>}, {transform_indices = @transform_13, window_bounds = array<i64: 1000, 96>}, {transform_indices = @transform_14, window_bounds = array<i64: 1000, 96>}]} {
    %get3A = arith.constant 0 : index
    %get3A_0 = arith.constant 0 : index
    %get3A_1 = vector.load %arg5[%get3A, %get3A_0] : memref<1000x128xf32, #tpu.memory_space<vmem>>, vector<1000x128xf32>
    %eq3A = arith.constant 0 : i32
    %eq3A_2 = arith.cmpi eq, %arg0, %eq3A : i32
    %convert_element_type3A = arith.extui %eq3A_2 : i1 to i32
    %cond3A = arith.constant 0 : i32
    %cond3A_3 = arith.cmpi ne, %convert_element_type3A, %cond3A : i32
    scf.if %cond3A_3 {
      %get3A_9 = arith.constant 0 : index
      %get3A_10 = arith.constant 0 : index
      %get3A_11 = vector.load %arg4[%get3A_9, %get3A_10] : memref<1000x8xf32, #tpu.memory_space<vmem>>, vector<1000x8xf32>
      %get3A_12 = arith.constant 0 : index
      %get3A_13 = arith.constant 0 : index
      %get3A_14 = arith.constant 0 : index
      %get3A_15 = vector.load %arg2[%get3A_12, %get3A_13, %get3A_14] : memref<1x1000x64xf32, #tpu.memory_space<vmem>>, vector<1x1000x64xf32>
      %get3A_16 = vector.shape_cast %get3A_15 : vector<1x1000x64xf32> to vector<1000x64xf32>
      %get3A_17 = arith.constant 0 : index
      %get3A_18 = arith.constant 0 : index
      %get3A_19 = arith.constant 0 : index
      %get3A_20 = vector.load %arg3[%get3A_17, %get3A_18, %get3A_19] : memref<1x1000x64xf32, #tpu.memory_space<vmem>>, vector<1x1000x64xf32>
      %get3A_21 = vector.shape_cast %get3A_20 : vector<1x1000x64xf32> to vector<1000x64xf32>
      %concatenate3A = tpu.concatenate %get3A_16, %get3A_21 in 1 : vector<1000x64xf32>, vector<1000x64xf32> -> vector<1000x128xf32>
      %get3A_22 = arith.constant 0 : index
      %get3A_23 = arith.constant 0 : index
      %get3A_24 = vector.load %arg6[%get3A_22, %get3A_23] : memref<128x192xf32, #tpu.memory_space<vmem>>, vector<128x192xf32>
      %dot_general3A = arith.constant dense<0.000000e+00> : vector<1000x192xf32>
      %dot_general3A_25 = tpu.matmul %concatenate3A, %get3A_24, %dot_general3A {dimension_numbers = #tpu.dot_dimension_numbers<[1], [0], [0], [1], [0, 0, 1, 1], [], []>, precision = #tpu.contract_precision<fp32>, transpose_lhs_hint = false} : vector<1000x128xf32>, vector<128x192xf32>, vector<1000x192xf32> -> vector<1000x192xf32>
      %slice3A = vector.extract_strided_slice %get3A_11 {offsets = [0, 0], sizes = [1000, 4], strides = [1, 1]} : vector<1000x8xf32> to vector<1000x4xf32>
      %get3A_26 = arith.constant 0 : index
      %get3A_27 = arith.constant 0 : index
      %get3A_28 = vector.load %arg9[%get3A_26, %get3A_27] : memref<4x192xf32, #tpu.memory_space<vmem>>, vector<4x192xf32>
      %dot_general3A_29 = arith.constant dense<0.000000e+00> : vector<1000x192xf32>
      %dot_general3A_30 = tpu.matmul %slice3A, %get3A_28, %dot_general3A_29 {dimension_numbers = #tpu.dot_dimension_numbers<[1], [0], [0], [1], [0, 0, 1, 1], [], []>, precision = #tpu.contract_precision<fp32>, transpose_lhs_hint = false} : vector<1000x4xf32>, vector<4x192xf32>, vector<1000x192xf32> -> vector<1000x192xf32>
      %add3A = arith.addf %dot_general3A_25, %dot_general3A_30 : vector<1000x192xf32>
      %slice3A_31 = vector.extract_strided_slice %get3A_11 {offsets = [0, 4], sizes = [1000, 1], strides = [1, 1]} : vector<1000x8xf32> to vector<1000x1xf32>
      %get3A_32 = arith.constant 0 : index
      %get3A_33 = arith.constant 0 : index
      %get3A_34 = vector.load %arg10[%get3A_32, %get3A_33] : memref<1x192xf32, #tpu.memory_space<vmem>>, vector<1x192xf32>
      %get3A_35 = arith.constant 0 : index
      %get3A_36 = arith.constant 0 : index
      %get3A_37 = vector.load %arg11[%get3A_35, %get3A_36] : memref<1x192xf32, #tpu.memory_space<vmem>>, vector<1x192xf32>
      %add3A_38 = arith.addf %get3A_34, %get3A_37 : vector<1x192xf32>
      %mul3A = vector.broadcast %slice3A_31 : vector<1000x1xf32> to vector<1000x192xf32>
      %mul3A_39 = vector.broadcast %add3A_38 : vector<1x192xf32> to vector<1000x192xf32>
      %mul3A_40 = arith.mulf %mul3A, %mul3A_39 : vector<1000x192xf32>
      %add3A_41 = arith.addf %add3A, %mul3A_40 : vector<1000x192xf32>
      %get3A_42 = arith.constant 0 : index
      %get3A_43 = arith.constant 0 : index
      %get3A_44 = vector.load %arg7[%get3A_42, %get3A_43] : memref<128x192xf32, #tpu.memory_space<vmem>>, vector<128x192xf32>
      %dot_general3A_45 = arith.constant dense<0.000000e+00> : vector<1000x192xf32>
      %dot_general3A_46 = tpu.matmul %get3A_1, %get3A_44, %dot_general3A_45 {dimension_numbers = #tpu.dot_dimension_numbers<[1], [0], [0], [1], [0, 0, 1, 1], [], []>, transpose_lhs_hint = false} : vector<1000x128xf32>, vector<128x192xf32>, vector<1000x192xf32> -> vector<1000x192xf32>
      %add3A_47 = arith.addf %add3A_41, %dot_general3A_46 : vector<1000x192xf32>
      %get3A_48 = arith.constant 0 : index
      %get3A_49 = arith.constant 0 : index
      %get3A_50 = vector.load %arg8[%get3A_48, %get3A_49] : memref<1x192xf32, #tpu.memory_space<vmem>>, vector<1x192xf32>
      %add3A_51 = vector.broadcast %get3A_50 : vector<1x192xf32> to vector<1000x192xf32>
      %add3A_52 = arith.addf %add3A_47, %add3A_51 : vector<1000x192xf32>
      %mul3A_53 = arith.constant 1000 : i32
      %mul3A_54 = arith.muli %arg1, %mul3A_53 : i32
      %swap3A = arith.index_cast %mul3A_54 : i32 to index
      %swap3A_55 = arith.constant 0 : index
      %swap3A_56 = vector.load %arg17[%swap3A, %swap3A_55] : memref<10000x192xf32, #tpu.memory_space<vmem>>, vector<1000x192xf32>
      tpu.vector_store %arg17[%swap3A, %swap3A_55], %add3A_52 {strides = array<i32>} : memref<10000x192xf32, #tpu.memory_space<vmem>>, vector<1000x192xf32>,
      %eq3A_57 = arith.constant 0 : i32
      %eq3A_58 = arith.cmpi eq, %arg1, %eq3A_57 : i32
      %convert_element_type3A_59 = arith.extui %eq3A_58 : i1 to i32
      %cond3A_60 = arith.constant 0 : i32
      %cond3A_61 = arith.cmpi ne, %convert_element_type3A_59, %cond3A_60 : i32
      scf.if %cond3A_61 {
        %broadcast_in_dim3A_81 = arith.constant 0.000000e+00 : f32
        %broadcast_in_dim3A_82 = vector.broadcast %broadcast_in_dim3A_81 : f32 to vector<1x192xf32>
        %swap3A_83 = arith.constant 0 : index
        %swap3A_84 = arith.constant 0 : index
        %swap3A_85 = vector.load %arg18[%swap3A_83, %swap3A_84] : memref<1x192xf32, #tpu.memory_space<vmem>>, vector<1x192xf32>
        tpu.vector_store %arg18[%swap3A_83, %swap3A_84], %broadcast_in_dim3A_82 {strides = array<i32>} : memref<1x192xf32, #tpu.memory_space<vmem>>, vector<1x192xf32>,
        %broadcast_in_dim3A_86 = arith.constant 0.000000e+00 : f32
        %broadcast_in_dim3A_87 = vector.broadcast %broadcast_in_dim3A_86 : f32 to vector<1x192xf32>
        %swap3A_88 = arith.constant 0 : index
        %swap3A_89 = arith.constant 0 : index
        %swap3A_90 = vector.load %arg19[%swap3A_88, %swap3A_89] : memref<1x192xf32, #tpu.memory_space<vmem>>, vector<1x192xf32>
        tpu.vector_store %arg19[%swap3A_88, %swap3A_89], %broadcast_in_dim3A_87 {strides = array<i32>} : memref<1x192xf32, #tpu.memory_space<vmem>>, vector<1x192xf32>,
      } else {
      }
      %get3A_62 = arith.constant 0 : index
      %get3A_63 = arith.constant 0 : index
      %get3A_64 = vector.load %arg18[%get3A_62, %get3A_63] : memref<1x192xf32, #tpu.memory_space<vmem>>, vector<1x192xf32>
      %reduce_sum3A = arith.constant dense<0.000000e+00> : vector<192xf32>
      %reduce_sum3A_65 = vector.multi_reduction <add>, %add3A_52, %reduce_sum3A [0] : vector<1000x192xf32> to vector<192xf32>
      %broadcast_in_dim3A = vector.shape_cast %reduce_sum3A_65 : vector<192xf32> to vector<1x192xf32>
      %add3A_66 = arith.addf %get3A_64, %broadcast_in_dim3A : vector<1x192xf32>
      %swap3A_67 = arith.constant 0 : index
      %swap3A_68 = arith.constant 0 : index
      %swap3A_69 = vector.load %arg18[%swap3A_67, %swap3A_68] : memref<1x192xf32, #tpu.memory_space<vmem>>, vector<1x192xf32>
      tpu.vector_store %arg18[%swap3A_67, %swap3A_68], %add3A_66 {strides = array<i32>} : memref<1x192xf32, #tpu.memory_space<vmem>>, vector<1x192xf32>,
      %get3A_70 = arith.constant 0 : index
      %get3A_71 = arith.constant 0 : index
      %get3A_72 = vector.load %arg19[%get3A_70, %get3A_71] : memref<1x192xf32, #tpu.memory_space<vmem>>, vector<1x192xf32>
      %mul3A_73 = arith.mulf %add3A_52, %add3A_52 : vector<1000x192xf32>
      %reduce_sum3A_74 = arith.constant dense<0.000000e+00> : vector<192xf32>
      %reduce_sum3A_75 = vector.multi_reduction <add>, %mul3A_73, %reduce_sum3A_74 [0] : vector<1000x192xf32> to vector<192xf32>
      %broadcast_in_dim3A_76 = vector.shape_cast %reduce_sum3A_75 : vector<192xf32> to vector<1x192xf32>
      %add3A_77 = arith.addf %get3A_72, %broadcast_in_dim3A_76 : vector<1x192xf32>
      %swap3A_78 = arith.constant 0 : index
      %swap3A_79 = arith.constant 0 : index
      %swap3A_80 = vector.load %arg19[%swap3A_78, %swap3A_79] : memref<1x192xf32, #tpu.memory_space<vmem>>, vector<1x192xf32>
      tpu.vector_store %arg19[%swap3A_78, %swap3A_79], %add3A_77 {strides = array<i32>} : memref<1x192xf32, #tpu.memory_space<vmem>>, vector<1x192xf32>,
    } else {
    }
    %eq3A_4 = arith.constant 1 : i32
    %eq3A_5 = arith.cmpi eq, %arg0, %eq3A_4 : i32
    %convert_element_type3A_6 = arith.extui %eq3A_5 : i1 to i32
    %cond3A_7 = arith.constant 0 : i32
    %cond3A_8 = arith.cmpi ne, %convert_element_type3A_6, %cond3A_7 : i32
    scf.if %cond3A_8 {
      %mul3A = arith.constant 1000 : i32
      %mul3A_9 = arith.muli %arg1, %mul3A : i32
      %get3A_10 = arith.index_cast %mul3A_9 : i32 to index
      %get3A_11 = arith.constant 0 : index
      %get3A_12 = vector.load %arg17[%get3A_10, %get3A_11] : memref<10000x192xf32, #tpu.memory_space<vmem>>, vector<1000x192xf32>
      %get3A_13 = arith.constant 0 : index
      %get3A_14 = arith.constant 0 : index
      %get3A_15 = vector.load %arg18[%get3A_13, %get3A_14] : memref<1x192xf32, #tpu.memory_space<vmem>>, vector<1x192xf32>
      %mul3A_16 = arith.constant 9.99999974E-5 : f32
      %mul3A_17 = vector.broadcast %mul3A_16 : f32 to vector<1x192xf32>
      %mul3A_18 = arith.mulf %get3A_15, %mul3A_17 : vector<1x192xf32>
      %get3A_19 = arith.constant 0 : index
      %get3A_20 = arith.constant 0 : index
      %get3A_21 = vector.load %arg19[%get3A_19, %get3A_20] : memref<1x192xf32, #tpu.memory_space<vmem>>, vector<1x192xf32>
      %mul3A_22 = arith.constant 9.99999974E-5 : f32
      %mul3A_23 = vector.broadcast %mul3A_22 : f32 to vector<1x192xf32>
      %mul3A_24 = arith.mulf %get3A_21, %mul3A_23 : vector<1x192xf32>
      %mul3A_25 = arith.mulf %mul3A_18, %mul3A_18 : vector<1x192xf32>
      %sub3A = arith.subf %mul3A_24, %mul3A_25 : vector<1x192xf32>
      %sub3A_26 = vector.broadcast %mul3A_18 : vector<1x192xf32> to vector<1000x192xf32>
      %sub3A_27 = arith.subf %get3A_12, %sub3A_26 : vector<1000x192xf32>
      %add3A = arith.constant 9.99999974E-6 : f32
      %add3A_28 = vector.broadcast %add3A : f32 to vector<1x192xf32>
      %add3A_29 = arith.addf %sub3A, %add3A_28 : vector<1x192xf32>
      %rsqrt3A = math.rsqrt %add3A_29 : vector<1x192xf32>
      %mul3A_30 = vector.broadcast %rsqrt3A : vector<1x192xf32> to vector<1000x192xf32>
      %mul3A_31 = arith.mulf %sub3A_27, %mul3A_30 : vector<1000x192xf32>
      %get3A_32 = arith.constant 0 : index
      %get3A_33 = arith.constant 0 : index
      %get3A_34 = vector.load %arg12[%get3A_32, %get3A_33] : memref<1x192xf32, #tpu.memory_space<vmem>>, vector<1x192xf32>
      %mul3A_35 = vector.broadcast %get3A_34 : vector<1x192xf32> to vector<1000x192xf32>
      %mul3A_36 = arith.mulf %mul3A_31, %mul3A_35 : vector<1000x192xf32>
      %get3A_37 = arith.constant 0 : index
      %get3A_38 = arith.constant 0 : index
      %get3A_39 = vector.load %arg13[%get3A_37, %get3A_38] : memref<1x192xf32, #tpu.memory_space<vmem>>, vector<1x192xf32>
      %add3A_40 = vector.broadcast %get3A_39 : vector<1x192xf32> to vector<1000x192xf32>
      %add3A_41 = arith.addf %mul3A_36, %add3A_40 : vector<1000x192xf32>
      %concatenate3A = tpu.concatenate %add3A_41, %get3A_1 in 1 : vector<1000x192xf32>, vector<1000x128xf32> -> vector<1000x320xf32>
      %swap3A = arith.constant 0 : index
      %swap3A_42 = arith.constant 0 : index
      %swap3A_43 = vector.load %arg14[%swap3A, %swap3A_42] : memref<1000x320xf32, #tpu.memory_space<vmem>>, vector<1000x320xf32>
      tpu.vector_store %arg14[%swap3A, %swap3A_42], %concatenate3A {strides = array<i32>} : memref<1000x320xf32, #tpu.memory_space<vmem>>, vector<1000x320xf32>,
      %slice3A = vector.extract_strided_slice %add3A_41 {offsets = [0, 0], sizes = [1000, 96], strides = [1, 1]} : vector<1000x192xf32> to vector<1000x96xf32>
      %swap3A_44 = arith.constant 0 : index
      %swap3A_45 = arith.constant 0 : index
      %swap3A_46 = vector.load %arg15[%swap3A_44, %swap3A_45] : memref<1000x96xf32, #tpu.memory_space<vmem>>, vector<1000x96xf32>
      tpu.vector_store %arg15[%swap3A_44, %swap3A_45], %slice3A {strides = array<i32>} : memref<1000x96xf32, #tpu.memory_space<vmem>>, vector<1000x96xf32>,
      %slice3A_47 = vector.extract_strided_slice %add3A_41 {offsets = [0, 96], sizes = [1000, 96], strides = [1, 1]} : vector<1000x192xf32> to vector<1000x96xf32>
      %swap3A_48 = arith.constant 0 : index
      %swap3A_49 = arith.constant 0 : index
      %swap3A_50 = vector.load %arg16[%swap3A_48, %swap3A_49] : memref<1000x96xf32, #tpu.memory_space<vmem>>, vector<1000x96xf32>
      tpu.vector_store %arg16[%swap3A_48, %swap3A_49], %slice3A_47 {strides = array<i32>} : memref<1000x96xf32, #tpu.memory_space<vmem>>, vector<1000x96xf32>,
    } else {
    }
    return
  }
  func.func @transform_0(%arg0: i32, %arg1: i32) -> (i32, i32, i32) {
    %c0_i32 = arith.constant 0 : i32
    %c0_i32_0 = arith.constant 0 : i32
    %c0_i32_1 = arith.constant 0 : i32
    return %c0_i32, %arg1, %c0_i32_0 : i32, i32, i32
  }
  func.func @transform_1(%arg0: i32, %arg1: i32) -> (i32, i32, i32) {
    %c1_i32 = arith.constant 1 : i32
    %c0_i32 = arith.constant 0 : i32
    %c0_i32_0 = arith.constant 0 : i32
    return %c1_i32, %arg1, %c0_i32 : i32, i32, i32
  }
  func.func @transform_2(%arg0: i32, %arg1: i32) -> (i32, i32) {
    %c0_i32 = arith.constant 0 : i32
    %c0_i32_0 = arith.constant 0 : i32
    return %arg1, %c0_i32 : i32, i32
  }
  func.func @transform_3(%arg0: i32, %arg1: i32) -> (i32, i32) {
    %c0_i32 = arith.constant 0 : i32
    %c0_i32_0 = arith.constant 0 : i32
    return %arg1, %c0_i32 : i32, i32
  }
  func.func @transform_4(%arg0: i32, %arg1: i32) -> (i32, i32) {
    %c0_i32 = arith.constant 0 : i32
    %c0_i32_0 = arith.constant 0 : i32
    %c0_i32_1 = arith.constant 0 : i32
    return %c0_i32, %c0_i32_0 : i32, i32
  }
  func.func @transform_5(%arg0: i32, %arg1: i32) -> (i32, i32) {
    %c0_i32 = arith.constant 0 : i32
    %c0_i32_0 = arith.constant 0 : i32
    %c0_i32_1 = arith.constant 0 : i32
    return %c0_i32, %c0_i32_0 : i32, i32
  }
  func.func @transform_6(%arg0: i32, %arg1: i32) -> (i32, i32) {
    %c0_i32 = arith.constant 0 : i32
    %c0_i32_0 = arith.constant 0 : i32
    %c0_i32_1 = arith.constant 0 : i32
    return %c0_i32, %c0_i32_0 : i32, i32
  }
  func.func @transform_7(%arg0: i32, %arg1: i32) -> (i32, i32) {
    %c0_i32 = arith.constant 0 : i32
    %c0_i32_0 = arith.constant 0 : i32
    %c0_i32_1 = arith.constant 0 : i32
    return %c0_i32, %c0_i32_0 : i32, i32
  }
  func.func @transform_8(%arg0: i32, %arg1: i32) -> (i32, i32) {
    %c0_i32 = arith.constant 0 : i32
    %c0_i32_0 = arith.constant 0 : i32
    %c0_i32_1 = arith.constant 0 : i32
    return %c0_i32, %c0_i32_0 : i32, i32
  }
  func.func @transform_9(%arg0: i32, %arg1: i32) -> (i32, i32) {
    %c0_i32 = arith.constant 0 : i32
    %c0_i32_0 = arith.constant 0 : i32
    %c0_i32_1 = arith.constant 0 : i32
    return %c0_i32, %c0_i32_0 : i32, i32
  }
  func.func @transform_10(%arg0: i32, %arg1: i32) -> (i32, i32) {
    %c0_i32 = arith.constant 0 : i32
    %c0_i32_0 = arith.constant 0 : i32
    %c0_i32_1 = arith.constant 0 : i32
    return %c0_i32, %c0_i32_0 : i32, i32
  }
  func.func @transform_11(%arg0: i32, %arg1: i32) -> (i32, i32) {
    %c0_i32 = arith.constant 0 : i32
    %c0_i32_0 = arith.constant 0 : i32
    %c0_i32_1 = arith.constant 0 : i32
    return %c0_i32, %c0_i32_0 : i32, i32
  }
  func.func @transform_12(%arg0: i32, %arg1: i32) -> (i32, i32) {
    %c0_i32 = arith.constant 0 : i32
    %c0_i32_0 = arith.constant 0 : i32
    return %arg1, %c0_i32 : i32, i32
  }
  func.func @transform_13(%arg0: i32, %arg1: i32) -> (i32, i32) {
    %c0_i32 = arith.constant 0 : i32
    %c0_i32_0 = arith.constant 0 : i32
    return %arg1, %c0_i32 : i32, i32
  }
  func.func @transform_14(%arg0: i32, %arg1: i32) -> (i32, i32) {
    %c0_i32 = arith.constant 0 : i32
    %c0_i32_0 = arith.constant 0 : i32
    return %arg1, %c0_i32 : i32, i32
  }
}

module attributes {stable_mosaic.version = 14 : i64} {
  func.func @_final_body(%arg0: i32, %arg1: i32, %arg2: memref<1x1000x96xf32, #tpu.memory_space<vmem>>, %arg3: memref<1x1000x96xf32, #tpu.memory_space<vmem>>, %arg4: memref<1x1000x64xf32, #tpu.memory_space<vmem>>, %arg5: memref<1x1000x64xf32, #tpu.memory_space<vmem>>, %arg6: memref<1000x8xf32, #tpu.memory_space<vmem>>, %arg7: memref<1000x320xf32, #tpu.memory_space<vmem>>, %arg8: memref<320x320xf32, #tpu.memory_space<vmem>>, %arg9: memref<4x320xf32, #tpu.memory_space<vmem>>, %arg10: memref<1x320xf32, #tpu.memory_space<vmem>>, %arg11: memref<1x320xf32, #tpu.memory_space<vmem>>, %arg12: memref<1x320xf32, #tpu.memory_space<vmem>>, %arg13: memref<1x320xf32, #tpu.memory_space<vmem>>, %arg14: memref<1000x1xi32, #tpu.memory_space<vmem>>, %arg15: memref<1920x960xf32, #tpu.memory_space<vmem>>, %arg16: memref<1x960xf32, #tpu.memory_space<vmem>>, %arg17: memref<1x1xf32, #tpu.memory_space<vmem>>, %arg18: memref<960x2xf32, #tpu.memory_space<vmem>>, %arg19: memref<1x2xf32, #tpu.memory_space<vmem>>, %arg20: memref<16x2xf32, #tpu.memory_space<vmem>>, %arg21: memref<10000x320xf32, #tpu.memory_space<vmem>>, %arg22: memref<1x320xf32, #tpu.memory_space<vmem>>, %arg23: memref<1x320xf32, #tpu.memory_space<vmem>>, %arg24: memref<16x320xf32, #tpu.memory_space<vmem>>, %arg25: memref<16x320xf32, #tpu.memory_space<vmem>>, %arg26: memref<16x320xf32, #tpu.memory_space<vmem>>, %arg27: memref<16x320xf32, #tpu.memory_space<vmem>>, %arg28: memref<16x1xf32, #tpu.memory_space<vmem>>) attributes {dimension_semantics = [#tpu.dimension_semantics<arbitrary>, #tpu.dimension_semantics<arbitrary>], iteration_bounds = array<i64: 2, 10>, scalar_prefetch = 0 : i64, scratch_operands = 8 : i64, tpu.core_type = #tpu.core_type<tc>, window_params = [{transform_indices = @transform_0, window_bounds = array<i64: 1, 1000, 96>}, {transform_indices = @transform_1, window_bounds = array<i64: 1, 1000, 96>}, {transform_indices = @transform_2, window_bounds = array<i64: 1, 1000, 64>}, {transform_indices = @transform_3, window_bounds = array<i64: 1, 1000, 64>}, {transform_indices = @transform_4, window_bounds = array<i64: 1000, 8>}, {transform_indices = @transform_5, window_bounds = array<i64: 1000, 320>}, {pipeline_mode = #tpu.pipeline_mode<synchronous>, transform_indices = @transform_6, window_bounds = array<i64: 320, 320>}, {pipeline_mode = #tpu.pipeline_mode<synchronous>, transform_indices = @transform_7, window_bounds = array<i64: 4, 320>}, {pipeline_mode = #tpu.pipeline_mode<synchronous>, transform_indices = @transform_8, window_bounds = array<i64: 1, 320>}, {pipeline_mode = #tpu.pipeline_mode<synchronous>, transform_indices = @transform_9, window_bounds = array<i64: 1, 320>}, {pipeline_mode = #tpu.pipeline_mode<synchronous>, transform_indices = @transform_10, window_bounds = array<i64: 1, 320>}, {pipeline_mode = #tpu.pipeline_mode<synchronous>, transform_indices = @transform_11, window_bounds = array<i64: 1, 320>}, {transform_indices = @transform_12, window_bounds = array<i64: 1000, 1>}, {pipeline_mode = #tpu.pipeline_mode<synchronous>, transform_indices = @transform_13, window_bounds = array<i64: 1920, 960>}, {pipeline_mode = #tpu.pipeline_mode<synchronous>, transform_indices = @transform_14, window_bounds = array<i64: 1, 960>}, {pipeline_mode = #tpu.pipeline_mode<synchronous>, transform_indices = @transform_15, window_bounds = array<i64: 1, 1>}, {pipeline_mode = #tpu.pipeline_mode<synchronous>, transform_indices = @transform_16, window_bounds = array<i64: 960, 2>}, {pipeline_mode = #tpu.pipeline_mode<synchronous>, transform_indices = @transform_17, window_bounds = array<i64: 1, 2>}, {pipeline_mode = #tpu.pipeline_mode<synchronous>, transform_indices = @transform_18, window_bounds = array<i64: 16, 2>}]} {
    %get3A = arith.constant 0 : index
    %get3A_0 = arith.constant 0 : index
    %get3A_1 = vector.load %arg7[%get3A, %get3A_0] : memref<1000x320xf32, #tpu.memory_space<vmem>>, vector<1000x320xf32>
    %eq3A = arith.constant 0 : i32
    %eq3A_2 = arith.cmpi eq, %arg0, %eq3A : i32
    %convert_element_type3A = arith.extui %eq3A_2 : i1 to i32
    %cond3A = arith.constant 0 : i32
    %cond3A_3 = arith.cmpi ne, %convert_element_type3A, %cond3A : i32
    scf.if %cond3A_3 {
      %get3A_9 = arith.constant 0 : index
      %get3A_10 = arith.constant 0 : index
      %get3A_11 = vector.load %arg6[%get3A_9, %get3A_10] : memref<1000x8xf32, #tpu.memory_space<vmem>>, vector<1000x8xf32>
      %get3A_12 = arith.constant 0 : index
      %get3A_13 = arith.constant 0 : index
      %get3A_14 = arith.constant 0 : index
      %get3A_15 = vector.load %arg2[%get3A_12, %get3A_13, %get3A_14] : memref<1x1000x96xf32, #tpu.memory_space<vmem>>, vector<1x1000x96xf32>
      %get3A_16 = vector.shape_cast %get3A_15 : vector<1x1000x96xf32> to vector<1000x96xf32>
      %get3A_17 = arith.constant 0 : index
      %get3A_18 = arith.constant 0 : index
      %get3A_19 = arith.constant 0 : index
      %get3A_20 = vector.load %arg3[%get3A_17, %get3A_18, %get3A_19] : memref<1x1000x96xf32, #tpu.memory_space<vmem>>, vector<1x1000x96xf32>
      %get3A_21 = vector.shape_cast %get3A_20 : vector<1x1000x96xf32> to vector<1000x96xf32>
      %get3A_22 = arith.constant 0 : index
      %get3A_23 = arith.constant 0 : index
      %get3A_24 = arith.constant 0 : index
      %get3A_25 = vector.load %arg4[%get3A_22, %get3A_23, %get3A_24] : memref<1x1000x64xf32, #tpu.memory_space<vmem>>, vector<1x1000x64xf32>
      %get3A_26 = vector.shape_cast %get3A_25 : vector<1x1000x64xf32> to vector<1000x64xf32>
      %get3A_27 = arith.constant 0 : index
      %get3A_28 = arith.constant 0 : index
      %get3A_29 = arith.constant 0 : index
      %get3A_30 = vector.load %arg5[%get3A_27, %get3A_28, %get3A_29] : memref<1x1000x64xf32, #tpu.memory_space<vmem>>, vector<1x1000x64xf32>
      %get3A_31 = vector.shape_cast %get3A_30 : vector<1x1000x64xf32> to vector<1000x64xf32>
      %concatenate3A = tpu.concatenate %get3A_16, %get3A_21, %get3A_26, %get3A_31 in 1 : vector<1000x96xf32>, vector<1000x96xf32>, vector<1000x64xf32>, vector<1000x64xf32> -> vector<1000x320xf32>
      %get3A_32 = arith.constant 0 : index
      %get3A_33 = arith.constant 0 : index
      %get3A_34 = vector.load %arg8[%get3A_32, %get3A_33] : memref<320x320xf32, #tpu.memory_space<vmem>>, vector<320x320xf32>
      %dot_general3A = arith.constant dense<0.000000e+00> : vector<1000x320xf32>
      %dot_general3A_35 = tpu.matmul %concatenate3A, %get3A_34, %dot_general3A {dimension_numbers = #tpu.dot_dimension_numbers<[1], [0], [0], [1], [0, 0, 1, 1], [], []>, precision = #tpu.contract_precision<fp32>, transpose_lhs_hint = false} : vector<1000x320xf32>, vector<320x320xf32>, vector<1000x320xf32> -> vector<1000x320xf32>
      %slice3A = vector.extract_strided_slice %get3A_11 {offsets = [0, 0], sizes = [1000, 4], strides = [1, 1]} : vector<1000x8xf32> to vector<1000x4xf32>
      %get3A_36 = arith.constant 0 : index
      %get3A_37 = arith.constant 0 : index
      %get3A_38 = vector.load %arg9[%get3A_36, %get3A_37] : memref<4x320xf32, #tpu.memory_space<vmem>>, vector<4x320xf32>
      %dot_general3A_39 = arith.constant dense<0.000000e+00> : vector<1000x320xf32>
      %dot_general3A_40 = tpu.matmul %slice3A, %get3A_38, %dot_general3A_39 {dimension_numbers = #tpu.dot_dimension_numbers<[1], [0], [0], [1], [0, 0, 1, 1], [], []>, precision = #tpu.contract_precision<fp32>, transpose_lhs_hint = false} : vector<1000x4xf32>, vector<4x320xf32>, vector<1000x320xf32> -> vector<1000x320xf32>
      %add3A = arith.addf %dot_general3A_35, %dot_general3A_40 : vector<1000x320xf32>
      %slice3A_41 = vector.extract_strided_slice %get3A_11 {offsets = [0, 4], sizes = [1000, 1], strides = [1, 1]} : vector<1000x8xf32> to vector<1000x1xf32>
      %get3A_42 = arith.constant 0 : index
      %get3A_43 = arith.constant 0 : index
      %get3A_44 = vector.load %arg10[%get3A_42, %get3A_43] : memref<1x320xf32, #tpu.memory_space<vmem>>, vector<1x320xf32>
      %get3A_45 = arith.constant 0 : index
      %get3A_46 = arith.constant 0 : index
      %get3A_47 = vector.load %arg11[%get3A_45, %get3A_46] : memref<1x320xf32, #tpu.memory_space<vmem>>, vector<1x320xf32>
      %add3A_48 = arith.addf %get3A_44, %get3A_47 : vector<1x320xf32>
      %mul3A = vector.broadcast %slice3A_41 : vector<1000x1xf32> to vector<1000x320xf32>
      %mul3A_49 = vector.broadcast %add3A_48 : vector<1x320xf32> to vector<1000x320xf32>
      %mul3A_50 = arith.mulf %mul3A, %mul3A_49 : vector<1000x320xf32>
      %add3A_51 = arith.addf %add3A, %mul3A_50 : vector<1000x320xf32>
      %add3A_52 = arith.addf %add3A_51, %get3A_1 : vector<1000x320xf32>
      %mul3A_53 = arith.constant 1000 : i32
      %mul3A_54 = arith.muli %arg1, %mul3A_53 : i32
      %swap3A = arith.index_cast %mul3A_54 : i32 to index
      %swap3A_55 = arith.constant 0 : index
      %swap3A_56 = vector.load %arg21[%swap3A, %swap3A_55] : memref<10000x320xf32, #tpu.memory_space<vmem>>, vector<1000x320xf32>
      tpu.vector_store %arg21[%swap3A, %swap3A_55], %add3A_52 {strides = array<i32>} : memref<10000x320xf32, #tpu.memory_space<vmem>>, vector<1000x320xf32>,
      %eq3A_57 = arith.constant 0 : i32
      %eq3A_58 = arith.cmpi eq, %arg1, %eq3A_57 : i32
      %convert_element_type3A_59 = arith.extui %eq3A_58 : i1 to i32
      %cond3A_60 = arith.constant 0 : i32
      %cond3A_61 = arith.cmpi ne, %convert_element_type3A_59, %cond3A_60 : i32
      scf.if %cond3A_61 {
        %broadcast_in_dim3A_81 = arith.constant 0.000000e+00 : f32
        %broadcast_in_dim3A_82 = vector.broadcast %broadcast_in_dim3A_81 : f32 to vector<1x320xf32>
        %swap3A_83 = arith.constant 0 : index
        %swap3A_84 = arith.constant 0 : index
        %swap3A_85 = vector.load %arg22[%swap3A_83, %swap3A_84] : memref<1x320xf32, #tpu.memory_space<vmem>>, vector<1x320xf32>
        tpu.vector_store %arg22[%swap3A_83, %swap3A_84], %broadcast_in_dim3A_82 {strides = array<i32>} : memref<1x320xf32, #tpu.memory_space<vmem>>, vector<1x320xf32>,
        %broadcast_in_dim3A_86 = arith.constant 0.000000e+00 : f32
        %broadcast_in_dim3A_87 = vector.broadcast %broadcast_in_dim3A_86 : f32 to vector<1x320xf32>
        %swap3A_88 = arith.constant 0 : index
        %swap3A_89 = arith.constant 0 : index
        %swap3A_90 = vector.load %arg23[%swap3A_88, %swap3A_89] : memref<1x320xf32, #tpu.memory_space<vmem>>, vector<1x320xf32>
        tpu.vector_store %arg23[%swap3A_88, %swap3A_89], %broadcast_in_dim3A_87 {strides = array<i32>} : memref<1x320xf32, #tpu.memory_space<vmem>>, vector<1x320xf32>,
      } else {
      }
      %get3A_62 = arith.constant 0 : index
      %get3A_63 = arith.constant 0 : index
      %get3A_64 = vector.load %arg22[%get3A_62, %get3A_63] : memref<1x320xf32, #tpu.memory_space<vmem>>, vector<1x320xf32>
      %reduce_sum3A = arith.constant dense<0.000000e+00> : vector<320xf32>
      %reduce_sum3A_65 = vector.multi_reduction <add>, %add3A_52, %reduce_sum3A [0] : vector<1000x320xf32> to vector<320xf32>
      %broadcast_in_dim3A = vector.shape_cast %reduce_sum3A_65 : vector<320xf32> to vector<1x320xf32>
      %add3A_66 = arith.addf %get3A_64, %broadcast_in_dim3A : vector<1x320xf32>
      %swap3A_67 = arith.constant 0 : index
      %swap3A_68 = arith.constant 0 : index
      %swap3A_69 = vector.load %arg22[%swap3A_67, %swap3A_68] : memref<1x320xf32, #tpu.memory_space<vmem>>, vector<1x320xf32>
      tpu.vector_store %arg22[%swap3A_67, %swap3A_68], %add3A_66 {strides = array<i32>} : memref<1x320xf32, #tpu.memory_space<vmem>>, vector<1x320xf32>,
      %get3A_70 = arith.constant 0 : index
      %get3A_71 = arith.constant 0 : index
      %get3A_72 = vector.load %arg23[%get3A_70, %get3A_71] : memref<1x320xf32, #tpu.memory_space<vmem>>, vector<1x320xf32>
      %mul3A_73 = arith.mulf %add3A_52, %add3A_52 : vector<1000x320xf32>
      %reduce_sum3A_74 = arith.constant dense<0.000000e+00> : vector<320xf32>
      %reduce_sum3A_75 = vector.multi_reduction <add>, %mul3A_73, %reduce_sum3A_74 [0] : vector<1000x320xf32> to vector<320xf32>
      %broadcast_in_dim3A_76 = vector.shape_cast %reduce_sum3A_75 : vector<320xf32> to vector<1x320xf32>
      %add3A_77 = arith.addf %get3A_72, %broadcast_in_dim3A_76 : vector<1x320xf32>
      %swap3A_78 = arith.constant 0 : index
      %swap3A_79 = arith.constant 0 : index
      %swap3A_80 = vector.load %arg23[%swap3A_78, %swap3A_79] : memref<1x320xf32, #tpu.memory_space<vmem>>, vector<1x320xf32>
      tpu.vector_store %arg23[%swap3A_78, %swap3A_79], %add3A_77 {strides = array<i32>} : memref<1x320xf32, #tpu.memory_space<vmem>>, vector<1x320xf32>,
    } else {
    }
    %eq3A_4 = arith.constant 1 : i32
    %eq3A_5 = arith.cmpi eq, %arg0, %eq3A_4 : i32
    %convert_element_type3A_6 = arith.extui %eq3A_5 : i1 to i32
    %cond3A_7 = arith.constant 0 : i32
    %cond3A_8 = arith.cmpi ne, %convert_element_type3A_6, %cond3A_7 : i32
    scf.if %cond3A_8 {
      %mul3A = arith.constant 1000 : i32
      %mul3A_9 = arith.muli %arg1, %mul3A : i32
      %get3A_10 = arith.index_cast %mul3A_9 : i32 to index
      %get3A_11 = arith.constant 0 : index
      %get3A_12 = vector.load %arg21[%get3A_10, %get3A_11] : memref<10000x320xf32, #tpu.memory_space<vmem>>, vector<1000x320xf32>
      %get3A_13 = arith.constant 0 : index
      %get3A_14 = arith.constant 0 : index
      %get3A_15 = vector.load %arg22[%get3A_13, %get3A_14] : memref<1x320xf32, #tpu.memory_space<vmem>>, vector<1x320xf32>
      %mul3A_16 = arith.constant 9.99999974E-5 : f32
      %mul3A_17 = vector.broadcast %mul3A_16 : f32 to vector<1x320xf32>
      %mul3A_18 = arith.mulf %get3A_15, %mul3A_17 : vector<1x320xf32>
      %get3A_19 = arith.constant 0 : index
      %get3A_20 = arith.constant 0 : index
      %get3A_21 = vector.load %arg23[%get3A_19, %get3A_20] : memref<1x320xf32, #tpu.memory_space<vmem>>, vector<1x320xf32>
      %mul3A_22 = arith.constant 9.99999974E-5 : f32
      %mul3A_23 = vector.broadcast %mul3A_22 : f32 to vector<1x320xf32>
      %mul3A_24 = arith.mulf %get3A_21, %mul3A_23 : vector<1x320xf32>
      %mul3A_25 = arith.mulf %mul3A_18, %mul3A_18 : vector<1x320xf32>
      %sub3A = arith.subf %mul3A_24, %mul3A_25 : vector<1x320xf32>
      %sub3A_26 = vector.broadcast %mul3A_18 : vector<1x320xf32> to vector<1000x320xf32>
      %sub3A_27 = arith.subf %get3A_12, %sub3A_26 : vector<1000x320xf32>
      %add3A = arith.constant 9.99999974E-6 : f32
      %add3A_28 = vector.broadcast %add3A : f32 to vector<1x320xf32>
      %add3A_29 = arith.addf %sub3A, %add3A_28 : vector<1x320xf32>
      %rsqrt3A = math.rsqrt %add3A_29 : vector<1x320xf32>
      %mul3A_30 = vector.broadcast %rsqrt3A : vector<1x320xf32> to vector<1000x320xf32>
      %mul3A_31 = arith.mulf %sub3A_27, %mul3A_30 : vector<1000x320xf32>
      %get3A_32 = arith.constant 0 : index
      %get3A_33 = arith.constant 0 : index
      %get3A_34 = vector.load %arg12[%get3A_32, %get3A_33] : memref<1x320xf32, #tpu.memory_space<vmem>>, vector<1x320xf32>
      %mul3A_35 = vector.broadcast %get3A_34 : vector<1x320xf32> to vector<1000x320xf32>
      %mul3A_36 = arith.mulf %mul3A_31, %mul3A_35 : vector<1000x320xf32>
      %get3A_37 = arith.constant 0 : index
      %get3A_38 = arith.constant 0 : index
      %get3A_39 = vector.load %arg13[%get3A_37, %get3A_38] : memref<1x320xf32, #tpu.memory_space<vmem>>, vector<1x320xf32>
      %add3A_40 = vector.broadcast %get3A_39 : vector<1x320xf32> to vector<1000x320xf32>
      %add3A_41 = arith.addf %mul3A_36, %add3A_40 : vector<1000x320xf32>
      %eq3A_42 = arith.constant 0 : i32
      %eq3A_43 = arith.cmpi eq, %arg1, %eq3A_42 : i32
      %convert_element_type3A_44 = arith.extui %eq3A_43 : i1 to i32
      %cond3A_45 = arith.constant 0 : i32
      %cond3A_46 = arith.cmpi ne, %convert_element_type3A_44, %cond3A_45 : i32
      scf.if %cond3A_46 {
        %broadcast_in_dim3A = arith.constant 0.000000e+00 : f32
        %broadcast_in_dim3A_188 = vector.broadcast %broadcast_in_dim3A : f32 to vector<16x320xf32>
        %swap3A = arith.constant 0 : index
        %swap3A_189 = arith.constant 0 : index
        %swap3A_190 = vector.load %arg24[%swap3A, %swap3A_189] : memref<16x320xf32, #tpu.memory_space<vmem>>, vector<16x320xf32>
        tpu.vector_store %arg24[%swap3A, %swap3A_189], %broadcast_in_dim3A_188 {strides = array<i32>} : memref<16x320xf32, #tpu.memory_space<vmem>>, vector<16x320xf32>,
        %broadcast_in_dim3A_191 = arith.constant 0.000000e+00 : f32
        %broadcast_in_dim3A_192 = vector.broadcast %broadcast_in_dim3A_191 : f32 to vector<16x320xf32>
        %swap3A_193 = arith.constant 0 : index
        %swap3A_194 = arith.constant 0 : index
        %swap3A_195 = vector.load %arg25[%swap3A_193, %swap3A_194] : memref<16x320xf32, #tpu.memory_space<vmem>>, vector<16x320xf32>
        tpu.vector_store %arg25[%swap3A_193, %swap3A_194], %broadcast_in_dim3A_192 {strides = array<i32>} : memref<16x320xf32, #tpu.memory_space<vmem>>, vector<16x320xf32>,
        %broadcast_in_dim3A_196 = arith.constant 0xFF800000 : f32
        %broadcast_in_dim3A_197 = vector.broadcast %broadcast_in_dim3A_196 : f32 to vector<16x320xf32>
        %swap3A_198 = arith.constant 0 : index
        %swap3A_199 = arith.constant 0 : index
        %swap3A_200 = vector.load %arg26[%swap3A_198, %swap3A_199] : memref<16x320xf32, #tpu.memory_space<vmem>>, vector<16x320xf32>
        tpu.vector_store %arg26[%swap3A_198, %swap3A_199], %broadcast_in_dim3A_197 {strides = array<i32>} : memref<16x320xf32, #tpu.memory_space<vmem>>, vector<16x320xf32>,
        %broadcast_in_dim3A_201 = arith.constant 0xFF800000 : f32
        %broadcast_in_dim3A_202 = vector.broadcast %broadcast_in_dim3A_201 : f32 to vector<16x320xf32>
        %swap3A_203 = arith.constant 0 : index
        %swap3A_204 = arith.constant 0 : index
        %swap3A_205 = vector.load %arg27[%swap3A_203, %swap3A_204] : memref<16x320xf32, #tpu.memory_space<vmem>>, vector<16x320xf32>
        tpu.vector_store %arg27[%swap3A_203, %swap3A_204], %broadcast_in_dim3A_202 {strides = array<i32>} : memref<16x320xf32, #tpu.memory_space<vmem>>, vector<16x320xf32>,
        %broadcast_in_dim3A_206 = arith.constant 0.000000e+00 : f32
        %broadcast_in_dim3A_207 = vector.broadcast %broadcast_in_dim3A_206 : f32 to vector<16x1xf32>
        %swap3A_208 = arith.constant 0 : index
        %swap3A_209 = arith.constant 0 : index
        %swap3A_210 = vector.load %arg28[%swap3A_208, %swap3A_209] : memref<16x1xf32, #tpu.memory_space<vmem>>, vector<16x1xf32>
        tpu.vector_store %arg28[%swap3A_208, %swap3A_209], %broadcast_in_dim3A_207 {strides = array<i32>} : memref<16x1xf32, #tpu.memory_space<vmem>>, vector<16x1xf32>,
      } else {
      }
      %get3A_47 = arith.constant 0 : index
      %get3A_48 = arith.constant 0 : index
      %get3A_49 = vector.load %arg14[%get3A_47, %get3A_48] : memref<1000x1xi32, #tpu.memory_space<vmem>>, vector<1000x1xi32>
      %get3A_50 = arith.constant 0 : index
      %get3A_51 = arith.constant 0 : index
      %get3A_52 = vector.load %arg14[%get3A_50, %get3A_51] : memref<1000x1xi32, #tpu.memory_space<vmem>>, vector<1x1xi32>
      %get3A_53 = vector.extract %get3A_52[0, 0] : i32 from vector<1x1xi32>
      %get3A_54 = arith.constant 999 : index
      %get3A_55 = arith.constant 0 : index
      %get3A_56 = vector.load %arg14[%get3A_54, %get3A_55] : memref<1000x1xi32, #tpu.memory_space<vmem>>, vector<1x1xi32>
      %get3A_57 = vector.extract %get3A_56[0, 0] : i32 from vector<1x1xi32>
      %le3A = arith.constant 0 : i32
      %le3A_58 = arith.cmpi sle, %get3A_53, %le3A : i32
      %ge3A = arith.constant 0 : i32
      %ge3A_59 = arith.cmpi sge, %get3A_57, %ge3A : i32
      %and3A = arith.andi %le3A_58, %ge3A_59 : i1
      %convert_element_type3A_60 = arith.extui %and3A : i1 to i32
      %cond3A_61 = arith.constant 0 : i32
      %cond3A_62 = arith.cmpi ne, %convert_element_type3A_60, %cond3A_61 : i32
      scf.if %cond3A_62 {
        %eq3A_188 = arith.constant 0 : i32
        %eq3A_189 = vector.broadcast %eq3A_188 : i32 to vector<1000x1xi32>
        %eq3A_190 = arith.cmpi eq, %get3A_49, %eq3A_189 : vector<1000x1xi32>
        %jit3A = arith.constant 0xFF800000 : f32
        %broadcast_in_dim3A = vector.shape_cast %eq3A_190 : vector<1000x1xi1> to vector<1000x1xi1>
        %broadcast_in_dim3A_191 = vector.broadcast %broadcast_in_dim3A : vector<1000x1xi1> to vector<1000x320xi1>
        %broadcast_in_dim3A_192 = vector.broadcast %jit3A : f32 to vector<1000x320xf32>
        %select_n3A = arith.select %broadcast_in_dim3A_191, %add3A_41, %broadcast_in_dim3A_192 : vector<1000x320xi1>, vector<1000x320xf32>
        %jit3A_193 = arith.constant 0xFF800000 : f32
        %broadcast_in_dim3A_194 = vector.shape_cast %eq3A_190 : vector<1000x1xi1> to vector<1000x1xi1>
        %broadcast_in_dim3A_195 = vector.broadcast %broadcast_in_dim3A_194 : vector<1000x1xi1> to vector<1000x320xi1>
        %broadcast_in_dim3A_196 = vector.broadcast %jit3A_193 : f32 to vector<1000x320xf32>
        %select_n3A_197 = arith.select %broadcast_in_dim3A_195, %get3A_1, %broadcast_in_dim3A_196 : vector<1000x320xi1>, vector<1000x320xf32>
        %get3A_198 = arith.constant 0 : index
        %get3A_199 = arith.constant 0 : index
        %get3A_200 = vector.load %arg26[%get3A_198, %get3A_199] : memref<16x320xf32, #tpu.memory_space<vmem>>, vector<1x320xf32>
        %reduce_max3A = arith.constant dense<0xFF800000> : vector<320xf32>
        %reduce_max3A_201 = vector.multi_reduction <maximumf>, %select_n3A, %reduce_max3A [0] : vector<1000x320xf32> to vector<320xf32>
        %broadcast_in_dim3A_202 = vector.shape_cast %reduce_max3A_201 : vector<320xf32> to vector<1x320xf32>
        %max3A = arith.maximumf %get3A_200, %broadcast_in_dim3A_202 : vector<1x320xf32>
        %swap3A = arith.constant 0 : index
        %swap3A_203 = arith.constant 0 : index
        %swap3A_204 = vector.load %arg26[%swap3A, %swap3A_203] : memref<16x320xf32, #tpu.memory_space<vmem>>, vector<1x320xf32>
        tpu.vector_store %arg26[%swap3A, %swap3A_203], %max3A {strides = array<i32>} : memref<16x320xf32, #tpu.memory_space<vmem>>, vector<1x320xf32>,
        %get3A_205 = arith.constant 0 : index
        %get3A_206 = arith.constant 0 : index
        %get3A_207 = vector.load %arg27[%get3A_205, %get3A_206] : memref<16x320xf32, #tpu.memory_space<vmem>>, vector<1x320xf32>
        %reduce_max3A_208 = arith.constant dense<0xFF800000> : vector<320xf32>
        %reduce_max3A_209 = vector.multi_reduction <maximumf>, %select_n3A_197, %reduce_max3A_208 [0] : vector<1000x320xf32> to vector<320xf32>
        %broadcast_in_dim3A_210 = vector.shape_cast %reduce_max3A_209 : vector<320xf32> to vector<1x320xf32>
        %max3A_211 = arith.maximumf %get3A_207, %broadcast_in_dim3A_210 : vector<1x320xf32>
        %swap3A_212 = arith.constant 0 : index
        %swap3A_213 = arith.constant 0 : index
        %swap3A_214 = vector.load %arg27[%swap3A_212, %swap3A_213] : memref<16x320xf32, #tpu.memory_space<vmem>>, vector<1x320xf32>
        tpu.vector_store %arg27[%swap3A_212, %swap3A_213], %max3A_211 {strides = array<i32>} : memref<16x320xf32, #tpu.memory_space<vmem>>, vector<1x320xf32>,
        %get3A_215 = arith.constant 0 : index
        %get3A_216 = arith.constant 0 : index
        %get3A_217 = vector.load %arg24[%get3A_215, %get3A_216] : memref<16x320xf32, #tpu.memory_space<vmem>>, vector<1x320xf32>
        %jit3A_218 = arith.constant 0.000000e+00 : f32
        %broadcast_in_dim3A_219 = vector.shape_cast %eq3A_190 : vector<1000x1xi1> to vector<1000x1xi1>
        %broadcast_in_dim3A_220 = vector.broadcast %broadcast_in_dim3A_219 : vector<1000x1xi1> to vector<1000x320xi1>
        %broadcast_in_dim3A_221 = vector.broadcast %jit3A_218 : f32 to vector<1000x320xf32>
        %select_n3A_222 = arith.select %broadcast_in_dim3A_220, %add3A_41, %broadcast_in_dim3A_221 : vector<1000x320xi1>, vector<1000x320xf32>
        %reduce_sum3A = arith.constant dense<0.000000e+00> : vector<320xf32>
        %reduce_sum3A_223 = vector.multi_reduction <add>, %select_n3A_222, %reduce_sum3A [0] : vector<1000x320xf32> to vector<320xf32>
        %broadcast_in_dim3A_224 = vector.shape_cast %reduce_sum3A_223 : vector<320xf32> to vector<1x320xf32>
        %add3A_225 = arith.addf %get3A_217, %broadcast_in_dim3A_224 : vector<1x320xf32>
        %swap3A_226 = arith.constant 0 : index
        %swap3A_227 = arith.constant 0 : index
        %swap3A_228 = vector.load %arg24[%swap3A_226, %swap3A_227] : memref<16x320xf32, #tpu.memory_space<vmem>>, vector<1x320xf32>
        tpu.vector_store %arg24[%swap3A_226, %swap3A_227], %add3A_225 {strides = array<i32>} : memref<16x320xf32, #tpu.memory_space<vmem>>, vector<1x320xf32>,
        %get3A_229 = arith.constant 0 : index
        %get3A_230 = arith.constant 0 : index
        %get3A_231 = vector.load %arg25[%get3A_229, %get3A_230] : memref<16x320xf32, #tpu.memory_space<vmem>>, vector<1x320xf32>
        %jit3A_232 = arith.constant 0.000000e+00 : f32
        %broadcast_in_dim3A_233 = vector.shape_cast %eq3A_190 : vector<1000x1xi1> to vector<1000x1xi1>
        %broadcast_in_dim3A_234 = vector.broadcast %broadcast_in_dim3A_233 : vector<1000x1xi1> to vector<1000x320xi1>
        %broadcast_in_dim3A_235 = vector.broadcast %jit3A_232 : f32 to vector<1000x320xf32>
        %select_n3A_236 = arith.select %broadcast_in_dim3A_234, %get3A_1, %broadcast_in_dim3A_235 : vector<1000x320xi1>, vector<1000x320xf32>
        %reduce_sum3A_237 = arith.constant dense<0.000000e+00> : vector<320xf32>
        %reduce_sum3A_238 = vector.multi_reduction <add>, %select_n3A_236, %reduce_sum3A_237 [0] : vector<1000x320xf32> to vector<320xf32>
        %broadcast_in_dim3A_239 = vector.shape_cast %reduce_sum3A_238 : vector<320xf32> to vector<1x320xf32>
        %add3A_240 = arith.addf %get3A_231, %broadcast_in_dim3A_239 : vector<1x320xf32>
        %swap3A_241 = arith.constant 0 : index
        %swap3A_242 = arith.constant 0 : index
        %swap3A_243 = vector.load %arg25[%swap3A_241, %swap3A_242] : memref<16x320xf32, #tpu.memory_space<vmem>>, vector<1x320xf32>
        tpu.vector_store %arg25[%swap3A_241, %swap3A_242], %add3A_240 {strides = array<i32>} : memref<16x320xf32, #tpu.memory_space<vmem>>, vector<1x320xf32>,
        %get3A_244 = arith.constant 0 : index
        %get3A_245 = arith.constant 0 : index
        %get3A_246 = vector.load %arg28[%get3A_244, %get3A_245] : memref<16x1xf32, #tpu.memory_space<vmem>>, vector<1x1xf32>
        %convert_element_type3A_247 = arith.extui %eq3A_190 : vector<1000x1xi1> to vector<1000x1xi32>
        %convert_element_type3A_248 = arith.sitofp %convert_element_type3A_247 : vector<1000x1xi32> to vector<1000x1xf32>
        %reduce_sum3A_249 = arith.constant dense<0.000000e+00> : vector<1xf32>
        %reduce_sum3A_250 = vector.multi_reduction <add>, %convert_element_type3A_248, %reduce_sum3A_249 [0] : vector<1000x1xf32> to vector<1xf32>
        %broadcast_in_dim3A_251 = vector.shape_cast %reduce_sum3A_250 : vector<1xf32> to vector<1x1xf32>
        %add3A_252 = arith.addf %get3A_246, %broadcast_in_dim3A_251 : vector<1x1xf32>
        %swap3A_253 = arith.constant 0 : index
        %swap3A_254 = arith.constant 0 : index
        %swap3A_255 = vector.load %arg28[%swap3A_253, %swap3A_254] : memref<16x1xf32, #tpu.memory_space<vmem>>, vector<1x1xf32>
        tpu.vector_store %arg28[%swap3A_253, %swap3A_254], %add3A_252 {strides = array<i32>} : memref<16x1xf32, #tpu.memory_space<vmem>>, vector<1x1xf32>,
      } else {
      }
      %le3A_63 = arith.constant 1 : i32
      %le3A_64 = arith.cmpi sle, %get3A_53, %le3A_63 : i32
      %ge3A_65 = arith.constant 1 : i32
      %ge3A_66 = arith.cmpi sge, %get3A_57, %ge3A_65 : i32
      %and3A_67 = arith.andi %le3A_64, %ge3A_66 : i1
      %convert_element_type3A_68 = arith.extui %and3A_67 : i1 to i32
      %cond3A_69 = arith.constant 0 : i32
      %cond3A_70 = arith.cmpi ne, %convert_element_type3A_68, %cond3A_69 : i32
      scf.if %cond3A_70 {
        %eq3A_188 = arith.constant 1 : i32
        %eq3A_189 = vector.broadcast %eq3A_188 : i32 to vector<1000x1xi32>
        %eq3A_190 = arith.cmpi eq, %get3A_49, %eq3A_189 : vector<1000x1xi32>
        %jit3A = arith.constant 0xFF800000 : f32
        %broadcast_in_dim3A = vector.shape_cast %eq3A_190 : vector<1000x1xi1> to vector<1000x1xi1>
        %broadcast_in_dim3A_191 = vector.broadcast %broadcast_in_dim3A : vector<1000x1xi1> to vector<1000x320xi1>
        %broadcast_in_dim3A_192 = vector.broadcast %jit3A : f32 to vector<1000x320xf32>
        %select_n3A = arith.select %broadcast_in_dim3A_191, %add3A_41, %broadcast_in_dim3A_192 : vector<1000x320xi1>, vector<1000x320xf32>
        %jit3A_193 = arith.constant 0xFF800000 : f32
        %broadcast_in_dim3A_194 = vector.shape_cast %eq3A_190 : vector<1000x1xi1> to vector<1000x1xi1>
        %broadcast_in_dim3A_195 = vector.broadcast %broadcast_in_dim3A_194 : vector<1000x1xi1> to vector<1000x320xi1>
        %broadcast_in_dim3A_196 = vector.broadcast %jit3A_193 : f32 to vector<1000x320xf32>
        %select_n3A_197 = arith.select %broadcast_in_dim3A_195, %get3A_1, %broadcast_in_dim3A_196 : vector<1000x320xi1>, vector<1000x320xf32>
        %get3A_198 = arith.constant 1 : index
        %get3A_199 = arith.constant 0 : index
        %get3A_200 = vector.load %arg26[%get3A_198, %get3A_199] : memref<16x320xf32, #tpu.memory_space<vmem>>, vector<1x320xf32>
        %reduce_max3A = arith.constant dense<0xFF800000> : vector<320xf32>
        %reduce_max3A_201 = vector.multi_reduction <maximumf>, %select_n3A, %reduce_max3A [0] : vector<1000x320xf32> to vector<320xf32>
        %broadcast_in_dim3A_202 = vector.shape_cast %reduce_max3A_201 : vector<320xf32> to vector<1x320xf32>
        %max3A = arith.maximumf %get3A_200, %broadcast_in_dim3A_202 : vector<1x320xf32>
        %swap3A = arith.constant 1 : index
        %swap3A_203 = arith.constant 0 : index
        %swap3A_204 = vector.load %arg26[%swap3A, %swap3A_203] : memref<16x320xf32, #tpu.memory_space<vmem>>, vector<1x320xf32>
        tpu.vector_store %arg26[%swap3A, %swap3A_203], %max3A {strides = array<i32>} : memref<16x320xf32, #tpu.memory_space<vmem>>, vector<1x320xf32>,
        %get3A_205 = arith.constant 1 : index
        %get3A_206 = arith.constant 0 : index
        %get3A_207 = vector.load %arg27[%get3A_205, %get3A_206] : memref<16x320xf32, #tpu.memory_space<vmem>>, vector<1x320xf32>
        %reduce_max3A_208 = arith.constant dense<0xFF800000> : vector<320xf32>
        %reduce_max3A_209 = vector.multi_reduction <maximumf>, %select_n3A_197, %reduce_max3A_208 [0] : vector<1000x320xf32> to vector<320xf32>
        %broadcast_in_dim3A_210 = vector.shape_cast %reduce_max3A_209 : vector<320xf32> to vector<1x320xf32>
        %max3A_211 = arith.maximumf %get3A_207, %broadcast_in_dim3A_210 : vector<1x320xf32>
        %swap3A_212 = arith.constant 1 : index
        %swap3A_213 = arith.constant 0 : index
        %swap3A_214 = vector.load %arg27[%swap3A_212, %swap3A_213] : memref<16x320xf32, #tpu.memory_space<vmem>>, vector<1x320xf32>
        tpu.vector_store %arg27[%swap3A_212, %swap3A_213], %max3A_211 {strides = array<i32>} : memref<16x320xf32, #tpu.memory_space<vmem>>, vector<1x320xf32>,
        %get3A_215 = arith.constant 1 : index
        %get3A_216 = arith.constant 0 : index
        %get3A_217 = vector.load %arg24[%get3A_215, %get3A_216] : memref<16x320xf32, #tpu.memory_space<vmem>>, vector<1x320xf32>
        %jit3A_218 = arith.constant 0.000000e+00 : f32
        %broadcast_in_dim3A_219 = vector.shape_cast %eq3A_190 : vector<1000x1xi1> to vector<1000x1xi1>
        %broadcast_in_dim3A_220 = vector.broadcast %broadcast_in_dim3A_219 : vector<1000x1xi1> to vector<1000x320xi1>
        %broadcast_in_dim3A_221 = vector.broadcast %jit3A_218 : f32 to vector<1000x320xf32>
        %select_n3A_222 = arith.select %broadcast_in_dim3A_220, %add3A_41, %broadcast_in_dim3A_221 : vector<1000x320xi1>, vector<1000x320xf32>
        %reduce_sum3A = arith.constant dense<0.000000e+00> : vector<320xf32>
        %reduce_sum3A_223 = vector.multi_reduction <add>, %select_n3A_222, %reduce_sum3A [0] : vector<1000x320xf32> to vector<320xf32>
        %broadcast_in_dim3A_224 = vector.shape_cast %reduce_sum3A_223 : vector<320xf32> to vector<1x320xf32>
        %add3A_225 = arith.addf %get3A_217, %broadcast_in_dim3A_224 : vector<1x320xf32>
        %swap3A_226 = arith.constant 1 : index
        %swap3A_227 = arith.constant 0 : index
        %swap3A_228 = vector.load %arg24[%swap3A_226, %swap3A_227] : memref<16x320xf32, #tpu.memory_space<vmem>>, vector<1x320xf32>
        tpu.vector_store %arg24[%swap3A_226, %swap3A_227], %add3A_225 {strides = array<i32>} : memref<16x320xf32, #tpu.memory_space<vmem>>, vector<1x320xf32>,
        %get3A_229 = arith.constant 1 : index
        %get3A_230 = arith.constant 0 : index
        %get3A_231 = vector.load %arg25[%get3A_229, %get3A_230] : memref<16x320xf32, #tpu.memory_space<vmem>>, vector<1x320xf32>
        %jit3A_232 = arith.constant 0.000000e+00 : f32
        %broadcast_in_dim3A_233 = vector.shape_cast %eq3A_190 : vector<1000x1xi1> to vector<1000x1xi1>
        %broadcast_in_dim3A_234 = vector.broadcast %broadcast_in_dim3A_233 : vector<1000x1xi1> to vector<1000x320xi1>
        %broadcast_in_dim3A_235 = vector.broadcast %jit3A_232 : f32 to vector<1000x320xf32>
        %select_n3A_236 = arith.select %broadcast_in_dim3A_234, %get3A_1, %broadcast_in_dim3A_235 : vector<1000x320xi1>, vector<1000x320xf32>
        %reduce_sum3A_237 = arith.constant dense<0.000000e+00> : vector<320xf32>
        %reduce_sum3A_238 = vector.multi_reduction <add>, %select_n3A_236, %reduce_sum3A_237 [0] : vector<1000x320xf32> to vector<320xf32>
        %broadcast_in_dim3A_239 = vector.shape_cast %reduce_sum3A_238 : vector<320xf32> to vector<1x320xf32>
        %add3A_240 = arith.addf %get3A_231, %broadcast_in_dim3A_239 : vector<1x320xf32>
        %swap3A_241 = arith.constant 1 : index
        %swap3A_242 = arith.constant 0 : index
        %swap3A_243 = vector.load %arg25[%swap3A_241, %swap3A_242] : memref<16x320xf32, #tpu.memory_space<vmem>>, vector<1x320xf32>
        tpu.vector_store %arg25[%swap3A_241, %swap3A_242], %add3A_240 {strides = array<i32>} : memref<16x320xf32, #tpu.memory_space<vmem>>, vector<1x320xf32>,
        %get3A_244 = arith.constant 1 : index
        %get3A_245 = arith.constant 0 : index
        %get3A_246 = vector.load %arg28[%get3A_244, %get3A_245] : memref<16x1xf32, #tpu.memory_space<vmem>>, vector<1x1xf32>
        %convert_element_type3A_247 = arith.extui %eq3A_190 : vector<1000x1xi1> to vector<1000x1xi32>
        %convert_element_type3A_248 = arith.sitofp %convert_element_type3A_247 : vector<1000x1xi32> to vector<1000x1xf32>
        %reduce_sum3A_249 = arith.constant dense<0.000000e+00> : vector<1xf32>
        %reduce_sum3A_250 = vector.multi_reduction <add>, %convert_element_type3A_248, %reduce_sum3A_249 [0] : vector<1000x1xf32> to vector<1xf32>
        %broadcast_in_dim3A_251 = vector.shape_cast %reduce_sum3A_250 : vector<1xf32> to vector<1x1xf32>
        %add3A_252 = arith.addf %get3A_246, %broadcast_in_dim3A_251 : vector<1x1xf32>
        %swap3A_253 = arith.constant 1 : index
        %swap3A_254 = arith.constant 0 : index
        %swap3A_255 = vector.load %arg28[%swap3A_253, %swap3A_254] : memref<16x1xf32, #tpu.memory_space<vmem>>, vector<1x1xf32>
        tpu.vector_store %arg28[%swap3A_253, %swap3A_254], %add3A_252 {strides = array<i32>} : memref<16x1xf32, #tpu.memory_space<vmem>>, vector<1x1xf32>,
      } else {
      }
      %le3A_71 = arith.constant 2 : i32
      %le3A_72 = arith.cmpi sle, %get3A_53, %le3A_71 : i32
      %ge3A_73 = arith.constant 2 : i32
      %ge3A_74 = arith.cmpi sge, %get3A_57, %ge3A_73 : i32
      %and3A_75 = arith.andi %le3A_72, %ge3A_74 : i1
      %convert_element_type3A_76 = arith.extui %and3A_75 : i1 to i32
      %cond3A_77 = arith.constant 0 : i32
      %cond3A_78 = arith.cmpi ne, %convert_element_type3A_76, %cond3A_77 : i32
      scf.if %cond3A_78 {
        %eq3A_188 = arith.constant 2 : i32
        %eq3A_189 = vector.broadcast %eq3A_188 : i32 to vector<1000x1xi32>
        %eq3A_190 = arith.cmpi eq, %get3A_49, %eq3A_189 : vector<1000x1xi32>
        %jit3A = arith.constant 0xFF800000 : f32
        %broadcast_in_dim3A = vector.shape_cast %eq3A_190 : vector<1000x1xi1> to vector<1000x1xi1>
        %broadcast_in_dim3A_191 = vector.broadcast %broadcast_in_dim3A : vector<1000x1xi1> to vector<1000x320xi1>
        %broadcast_in_dim3A_192 = vector.broadcast %jit3A : f32 to vector<1000x320xf32>
        %select_n3A = arith.select %broadcast_in_dim3A_191, %add3A_41, %broadcast_in_dim3A_192 : vector<1000x320xi1>, vector<1000x320xf32>
        %jit3A_193 = arith.constant 0xFF800000 : f32
        %broadcast_in_dim3A_194 = vector.shape_cast %eq3A_190 : vector<1000x1xi1> to vector<1000x1xi1>
        %broadcast_in_dim3A_195 = vector.broadcast %broadcast_in_dim3A_194 : vector<1000x1xi1> to vector<1000x320xi1>
        %broadcast_in_dim3A_196 = vector.broadcast %jit3A_193 : f32 to vector<1000x320xf32>
        %select_n3A_197 = arith.select %broadcast_in_dim3A_195, %get3A_1, %broadcast_in_dim3A_196 : vector<1000x320xi1>, vector<1000x320xf32>
        %get3A_198 = arith.constant 2 : index
        %get3A_199 = arith.constant 0 : index
        %get3A_200 = vector.load %arg26[%get3A_198, %get3A_199] : memref<16x320xf32, #tpu.memory_space<vmem>>, vector<1x320xf32>
        %reduce_max3A = arith.constant dense<0xFF800000> : vector<320xf32>
        %reduce_max3A_201 = vector.multi_reduction <maximumf>, %select_n3A, %reduce_max3A [0] : vector<1000x320xf32> to vector<320xf32>
        %broadcast_in_dim3A_202 = vector.shape_cast %reduce_max3A_201 : vector<320xf32> to vector<1x320xf32>
        %max3A = arith.maximumf %get3A_200, %broadcast_in_dim3A_202 : vector<1x320xf32>
        %swap3A = arith.constant 2 : index
        %swap3A_203 = arith.constant 0 : index
        %swap3A_204 = vector.load %arg26[%swap3A, %swap3A_203] : memref<16x320xf32, #tpu.memory_space<vmem>>, vector<1x320xf32>
        tpu.vector_store %arg26[%swap3A, %swap3A_203], %max3A {strides = array<i32>} : memref<16x320xf32, #tpu.memory_space<vmem>>, vector<1x320xf32>,
        %get3A_205 = arith.constant 2 : index
        %get3A_206 = arith.constant 0 : index
        %get3A_207 = vector.load %arg27[%get3A_205, %get3A_206] : memref<16x320xf32, #tpu.memory_space<vmem>>, vector<1x320xf32>
        %reduce_max3A_208 = arith.constant dense<0xFF800000> : vector<320xf32>
        %reduce_max3A_209 = vector.multi_reduction <maximumf>, %select_n3A_197, %reduce_max3A_208 [0] : vector<1000x320xf32> to vector<320xf32>
        %broadcast_in_dim3A_210 = vector.shape_cast %reduce_max3A_209 : vector<320xf32> to vector<1x320xf32>
        %max3A_211 = arith.maximumf %get3A_207, %broadcast_in_dim3A_210 : vector<1x320xf32>
        %swap3A_212 = arith.constant 2 : index
        %swap3A_213 = arith.constant 0 : index
        %swap3A_214 = vector.load %arg27[%swap3A_212, %swap3A_213] : memref<16x320xf32, #tpu.memory_space<vmem>>, vector<1x320xf32>
        tpu.vector_store %arg27[%swap3A_212, %swap3A_213], %max3A_211 {strides = array<i32>} : memref<16x320xf32, #tpu.memory_space<vmem>>, vector<1x320xf32>,
        %get3A_215 = arith.constant 2 : index
        %get3A_216 = arith.constant 0 : index
        %get3A_217 = vector.load %arg24[%get3A_215, %get3A_216] : memref<16x320xf32, #tpu.memory_space<vmem>>, vector<1x320xf32>
        %jit3A_218 = arith.constant 0.000000e+00 : f32
        %broadcast_in_dim3A_219 = vector.shape_cast %eq3A_190 : vector<1000x1xi1> to vector<1000x1xi1>
        %broadcast_in_dim3A_220 = vector.broadcast %broadcast_in_dim3A_219 : vector<1000x1xi1> to vector<1000x320xi1>
        %broadcast_in_dim3A_221 = vector.broadcast %jit3A_218 : f32 to vector<1000x320xf32>
        %select_n3A_222 = arith.select %broadcast_in_dim3A_220, %add3A_41, %broadcast_in_dim3A_221 : vector<1000x320xi1>, vector<1000x320xf32>
        %reduce_sum3A = arith.constant dense<0.000000e+00> : vector<320xf32>
        %reduce_sum3A_223 = vector.multi_reduction <add>, %select_n3A_222, %reduce_sum3A [0] : vector<1000x320xf32> to vector<320xf32>
        %broadcast_in_dim3A_224 = vector.shape_cast %reduce_sum3A_223 : vector<320xf32> to vector<1x320xf32>
        %add3A_225 = arith.addf %get3A_217, %broadcast_in_dim3A_224 : vector<1x320xf32>
        %swap3A_226 = arith.constant 2 : index
        %swap3A_227 = arith.constant 0 : index
        %swap3A_228 = vector.load %arg24[%swap3A_226, %swap3A_227] : memref<16x320xf32, #tpu.memory_space<vmem>>, vector<1x320xf32>
        tpu.vector_store %arg24[%swap3A_226, %swap3A_227], %add3A_225 {strides = array<i32>} : memref<16x320xf32, #tpu.memory_space<vmem>>, vector<1x320xf32>,
        %get3A_229 = arith.constant 2 : index
        %get3A_230 = arith.constant 0 : index
        %get3A_231 = vector.load %arg25[%get3A_229, %get3A_230] : memref<16x320xf32, #tpu.memory_space<vmem>>, vector<1x320xf32>
        %jit3A_232 = arith.constant 0.000000e+00 : f32
        %broadcast_in_dim3A_233 = vector.shape_cast %eq3A_190 : vector<1000x1xi1> to vector<1000x1xi1>
        %broadcast_in_dim3A_234 = vector.broadcast %broadcast_in_dim3A_233 : vector<1000x1xi1> to vector<1000x320xi1>
        %broadcast_in_dim3A_235 = vector.broadcast %jit3A_232 : f32 to vector<1000x320xf32>
        %select_n3A_236 = arith.select %broadcast_in_dim3A_234, %get3A_1, %broadcast_in_dim3A_235 : vector<1000x320xi1>, vector<1000x320xf32>
        %reduce_sum3A_237 = arith.constant dense<0.000000e+00> : vector<320xf32>
        %reduce_sum3A_238 = vector.multi_reduction <add>, %select_n3A_236, %reduce_sum3A_237 [0] : vector<1000x320xf32> to vector<320xf32>
        %broadcast_in_dim3A_239 = vector.shape_cast %reduce_sum3A_238 : vector<320xf32> to vector<1x320xf32>
        %add3A_240 = arith.addf %get3A_231, %broadcast_in_dim3A_239 : vector<1x320xf32>
        %swap3A_241 = arith.constant 2 : index
        %swap3A_242 = arith.constant 0 : index
        %swap3A_243 = vector.load %arg25[%swap3A_241, %swap3A_242] : memref<16x320xf32, #tpu.memory_space<vmem>>, vector<1x320xf32>
        tpu.vector_store %arg25[%swap3A_241, %swap3A_242], %add3A_240 {strides = array<i32>} : memref<16x320xf32, #tpu.memory_space<vmem>>, vector<1x320xf32>,
        %get3A_244 = arith.constant 2 : index
        %get3A_245 = arith.constant 0 : index
        %get3A_246 = vector.load %arg28[%get3A_244, %get3A_245] : memref<16x1xf32, #tpu.memory_space<vmem>>, vector<1x1xf32>
        %convert_element_type3A_247 = arith.extui %eq3A_190 : vector<1000x1xi1> to vector<1000x1xi32>
        %convert_element_type3A_248 = arith.sitofp %convert_element_type3A_247 : vector<1000x1xi32> to vector<1000x1xf32>
        %reduce_sum3A_249 = arith.constant dense<0.000000e+00> : vector<1xf32>
        %reduce_sum3A_250 = vector.multi_reduction <add>, %convert_element_type3A_248, %reduce_sum3A_249 [0] : vector<1000x1xf32> to vector<1xf32>
        %broadcast_in_dim3A_251 = vector.shape_cast %reduce_sum3A_250 : vector<1xf32> to vector<1x1xf32>
        %add3A_252 = arith.addf %get3A_246, %broadcast_in_dim3A_251 : vector<1x1xf32>
        %swap3A_253 = arith.constant 2 : index
        %swap3A_254 = arith.constant 0 : index
        %swap3A_255 = vector.load %arg28[%swap3A_253, %swap3A_254] : memref<16x1xf32, #tpu.memory_space<vmem>>, vector<1x1xf32>
        tpu.vector_store %arg28[%swap3A_253, %swap3A_254], %add3A_252 {strides = array<i32>} : memref<16x1xf32, #tpu.memory_space<vmem>>, vector<1x1xf32>,
      } else {
      }
      %le3A_79 = arith.constant 3 : i32
      %le3A_80 = arith.cmpi sle, %get3A_53, %le3A_79 : i32
      %ge3A_81 = arith.constant 3 : i32
      %ge3A_82 = arith.cmpi sge, %get3A_57, %ge3A_81 : i32
      %and3A_83 = arith.andi %le3A_80, %ge3A_82 : i1
      %convert_element_type3A_84 = arith.extui %and3A_83 : i1 to i32
      %cond3A_85 = arith.constant 0 : i32
      %cond3A_86 = arith.cmpi ne, %convert_element_type3A_84, %cond3A_85 : i32
      scf.if %cond3A_86 {
        %eq3A_188 = arith.constant 3 : i32
        %eq3A_189 = vector.broadcast %eq3A_188 : i32 to vector<1000x1xi32>
        %eq3A_190 = arith.cmpi eq, %get3A_49, %eq3A_189 : vector<1000x1xi32>
        %jit3A = arith.constant 0xFF800000 : f32
        %broadcast_in_dim3A = vector.shape_cast %eq3A_190 : vector<1000x1xi1> to vector<1000x1xi1>
        %broadcast_in_dim3A_191 = vector.broadcast %broadcast_in_dim3A : vector<1000x1xi1> to vector<1000x320xi1>
        %broadcast_in_dim3A_192 = vector.broadcast %jit3A : f32 to vector<1000x320xf32>
        %select_n3A = arith.select %broadcast_in_dim3A_191, %add3A_41, %broadcast_in_dim3A_192 : vector<1000x320xi1>, vector<1000x320xf32>
        %jit3A_193 = arith.constant 0xFF800000 : f32
        %broadcast_in_dim3A_194 = vector.shape_cast %eq3A_190 : vector<1000x1xi1> to vector<1000x1xi1>
        %broadcast_in_dim3A_195 = vector.broadcast %broadcast_in_dim3A_194 : vector<1000x1xi1> to vector<1000x320xi1>
        %broadcast_in_dim3A_196 = vector.broadcast %jit3A_193 : f32 to vector<1000x320xf32>
        %select_n3A_197 = arith.select %broadcast_in_dim3A_195, %get3A_1, %broadcast_in_dim3A_196 : vector<1000x320xi1>, vector<1000x320xf32>
        %get3A_198 = arith.constant 3 : index
        %get3A_199 = arith.constant 0 : index
        %get3A_200 = vector.load %arg26[%get3A_198, %get3A_199] : memref<16x320xf32, #tpu.memory_space<vmem>>, vector<1x320xf32>
        %reduce_max3A = arith.constant dense<0xFF800000> : vector<320xf32>
        %reduce_max3A_201 = vector.multi_reduction <maximumf>, %select_n3A, %reduce_max3A [0] : vector<1000x320xf32> to vector<320xf32>
        %broadcast_in_dim3A_202 = vector.shape_cast %reduce_max3A_201 : vector<320xf32> to vector<1x320xf32>
        %max3A = arith.maximumf %get3A_200, %broadcast_in_dim3A_202 : vector<1x320xf32>
        %swap3A = arith.constant 3 : index
        %swap3A_203 = arith.constant 0 : index
        %swap3A_204 = vector.load %arg26[%swap3A, %swap3A_203] : memref<16x320xf32, #tpu.memory_space<vmem>>, vector<1x320xf32>
        tpu.vector_store %arg26[%swap3A, %swap3A_203], %max3A {strides = array<i32>} : memref<16x320xf32, #tpu.memory_space<vmem>>, vector<1x320xf32>,
        %get3A_205 = arith.constant 3 : index
        %get3A_206 = arith.constant 0 : index
        %get3A_207 = vector.load %arg27[%get3A_205, %get3A_206] : memref<16x320xf32, #tpu.memory_space<vmem>>, vector<1x320xf32>
        %reduce_max3A_208 = arith.constant dense<0xFF800000> : vector<320xf32>
        %reduce_max3A_209 = vector.multi_reduction <maximumf>, %select_n3A_197, %reduce_max3A_208 [0] : vector<1000x320xf32> to vector<320xf32>
        %broadcast_in_dim3A_210 = vector.shape_cast %reduce_max3A_209 : vector<320xf32> to vector<1x320xf32>
        %max3A_211 = arith.maximumf %get3A_207, %broadcast_in_dim3A_210 : vector<1x320xf32>
        %swap3A_212 = arith.constant 3 : index
        %swap3A_213 = arith.constant 0 : index
        %swap3A_214 = vector.load %arg27[%swap3A_212, %swap3A_213] : memref<16x320xf32, #tpu.memory_space<vmem>>, vector<1x320xf32>
        tpu.vector_store %arg27[%swap3A_212, %swap3A_213], %max3A_211 {strides = array<i32>} : memref<16x320xf32, #tpu.memory_space<vmem>>, vector<1x320xf32>,
        %get3A_215 = arith.constant 3 : index
        %get3A_216 = arith.constant 0 : index
        %get3A_217 = vector.load %arg24[%get3A_215, %get3A_216] : memref<16x320xf32, #tpu.memory_space<vmem>>, vector<1x320xf32>
        %jit3A_218 = arith.constant 0.000000e+00 : f32
        %broadcast_in_dim3A_219 = vector.shape_cast %eq3A_190 : vector<1000x1xi1> to vector<1000x1xi1>
        %broadcast_in_dim3A_220 = vector.broadcast %broadcast_in_dim3A_219 : vector<1000x1xi1> to vector<1000x320xi1>
        %broadcast_in_dim3A_221 = vector.broadcast %jit3A_218 : f32 to vector<1000x320xf32>
        %select_n3A_222 = arith.select %broadcast_in_dim3A_220, %add3A_41, %broadcast_in_dim3A_221 : vector<1000x320xi1>, vector<1000x320xf32>
        %reduce_sum3A = arith.constant dense<0.000000e+00> : vector<320xf32>
        %reduce_sum3A_223 = vector.multi_reduction <add>, %select_n3A_222, %reduce_sum3A [0] : vector<1000x320xf32> to vector<320xf32>
        %broadcast_in_dim3A_224 = vector.shape_cast %reduce_sum3A_223 : vector<320xf32> to vector<1x320xf32>
        %add3A_225 = arith.addf %get3A_217, %broadcast_in_dim3A_224 : vector<1x320xf32>
        %swap3A_226 = arith.constant 3 : index
        %swap3A_227 = arith.constant 0 : index
        %swap3A_228 = vector.load %arg24[%swap3A_226, %swap3A_227] : memref<16x320xf32, #tpu.memory_space<vmem>>, vector<1x320xf32>
        tpu.vector_store %arg24[%swap3A_226, %swap3A_227], %add3A_225 {strides = array<i32>} : memref<16x320xf32, #tpu.memory_space<vmem>>, vector<1x320xf32>,
        %get3A_229 = arith.constant 3 : index
        %get3A_230 = arith.constant 0 : index
        %get3A_231 = vector.load %arg25[%get3A_229, %get3A_230] : memref<16x320xf32, #tpu.memory_space<vmem>>, vector<1x320xf32>
        %jit3A_232 = arith.constant 0.000000e+00 : f32
        %broadcast_in_dim3A_233 = vector.shape_cast %eq3A_190 : vector<1000x1xi1> to vector<1000x1xi1>
        %broadcast_in_dim3A_234 = vector.broadcast %broadcast_in_dim3A_233 : vector<1000x1xi1> to vector<1000x320xi1>
        %broadcast_in_dim3A_235 = vector.broadcast %jit3A_232 : f32 to vector<1000x320xf32>
        %select_n3A_236 = arith.select %broadcast_in_dim3A_234, %get3A_1, %broadcast_in_dim3A_235 : vector<1000x320xi1>, vector<1000x320xf32>
        %reduce_sum3A_237 = arith.constant dense<0.000000e+00> : vector<320xf32>
        %reduce_sum3A_238 = vector.multi_reduction <add>, %select_n3A_236, %reduce_sum3A_237 [0] : vector<1000x320xf32> to vector<320xf32>
        %broadcast_in_dim3A_239 = vector.shape_cast %reduce_sum3A_238 : vector<320xf32> to vector<1x320xf32>
        %add3A_240 = arith.addf %get3A_231, %broadcast_in_dim3A_239 : vector<1x320xf32>
        %swap3A_241 = arith.constant 3 : index
        %swap3A_242 = arith.constant 0 : index
        %swap3A_243 = vector.load %arg25[%swap3A_241, %swap3A_242] : memref<16x320xf32, #tpu.memory_space<vmem>>, vector<1x320xf32>
        tpu.vector_store %arg25[%swap3A_241, %swap3A_242], %add3A_240 {strides = array<i32>} : memref<16x320xf32, #tpu.memory_space<vmem>>, vector<1x320xf32>,
        %get3A_244 = arith.constant 3 : index
        %get3A_245 = arith.constant 0 : index
        %get3A_246 = vector.load %arg28[%get3A_244, %get3A_245] : memref<16x1xf32, #tpu.memory_space<vmem>>, vector<1x1xf32>
        %convert_element_type3A_247 = arith.extui %eq3A_190 : vector<1000x1xi1> to vector<1000x1xi32>
        %convert_element_type3A_248 = arith.sitofp %convert_element_type3A_247 : vector<1000x1xi32> to vector<1000x1xf32>
        %reduce_sum3A_249 = arith.constant dense<0.000000e+00> : vector<1xf32>
        %reduce_sum3A_250 = vector.multi_reduction <add>, %convert_element_type3A_248, %reduce_sum3A_249 [0] : vector<1000x1xf32> to vector<1xf32>
        %broadcast_in_dim3A_251 = vector.shape_cast %reduce_sum3A_250 : vector<1xf32> to vector<1x1xf32>
        %add3A_252 = arith.addf %get3A_246, %broadcast_in_dim3A_251 : vector<1x1xf32>
        %swap3A_253 = arith.constant 3 : index
        %swap3A_254 = arith.constant 0 : index
        %swap3A_255 = vector.load %arg28[%swap3A_253, %swap3A_254] : memref<16x1xf32, #tpu.memory_space<vmem>>, vector<1x1xf32>
        tpu.vector_store %arg28[%swap3A_253, %swap3A_254], %add3A_252 {strides = array<i32>} : memref<16x1xf32, #tpu.memory_space<vmem>>, vector<1x1xf32>,
      } else {
      }
      %le3A_87 = arith.constant 4 : i32
      %le3A_88 = arith.cmpi sle, %get3A_53, %le3A_87 : i32
      %ge3A_89 = arith.constant 4 : i32
      %ge3A_90 = arith.cmpi sge, %get3A_57, %ge3A_89 : i32
      %and3A_91 = arith.andi %le3A_88, %ge3A_90 : i1
      %convert_element_type3A_92 = arith.extui %and3A_91 : i1 to i32
      %cond3A_93 = arith.constant 0 : i32
      %cond3A_94 = arith.cmpi ne, %convert_element_type3A_92, %cond3A_93 : i32
      scf.if %cond3A_94 {
        %eq3A_188 = arith.constant 4 : i32
        %eq3A_189 = vector.broadcast %eq3A_188 : i32 to vector<1000x1xi32>
        %eq3A_190 = arith.cmpi eq, %get3A_49, %eq3A_189 : vector<1000x1xi32>
        %jit3A = arith.constant 0xFF800000 : f32
        %broadcast_in_dim3A = vector.shape_cast %eq3A_190 : vector<1000x1xi1> to vector<1000x1xi1>
        %broadcast_in_dim3A_191 = vector.broadcast %broadcast_in_dim3A : vector<1000x1xi1> to vector<1000x320xi1>
        %broadcast_in_dim3A_192 = vector.broadcast %jit3A : f32 to vector<1000x320xf32>
        %select_n3A = arith.select %broadcast_in_dim3A_191, %add3A_41, %broadcast_in_dim3A_192 : vector<1000x320xi1>, vector<1000x320xf32>
        %jit3A_193 = arith.constant 0xFF800000 : f32
        %broadcast_in_dim3A_194 = vector.shape_cast %eq3A_190 : vector<1000x1xi1> to vector<1000x1xi1>
        %broadcast_in_dim3A_195 = vector.broadcast %broadcast_in_dim3A_194 : vector<1000x1xi1> to vector<1000x320xi1>
        %broadcast_in_dim3A_196 = vector.broadcast %jit3A_193 : f32 to vector<1000x320xf32>
        %select_n3A_197 = arith.select %broadcast_in_dim3A_195, %get3A_1, %broadcast_in_dim3A_196 : vector<1000x320xi1>, vector<1000x320xf32>
        %get3A_198 = arith.constant 4 : index
        %get3A_199 = arith.constant 0 : index
        %get3A_200 = vector.load %arg26[%get3A_198, %get3A_199] : memref<16x320xf32, #tpu.memory_space<vmem>>, vector<1x320xf32>
        %reduce_max3A = arith.constant dense<0xFF800000> : vector<320xf32>
        %reduce_max3A_201 = vector.multi_reduction <maximumf>, %select_n3A, %reduce_max3A [0] : vector<1000x320xf32> to vector<320xf32>
        %broadcast_in_dim3A_202 = vector.shape_cast %reduce_max3A_201 : vector<320xf32> to vector<1x320xf32>
        %max3A = arith.maximumf %get3A_200, %broadcast_in_dim3A_202 : vector<1x320xf32>
        %swap3A = arith.constant 4 : index
        %swap3A_203 = arith.constant 0 : index
        %swap3A_204 = vector.load %arg26[%swap3A, %swap3A_203] : memref<16x320xf32, #tpu.memory_space<vmem>>, vector<1x320xf32>
        tpu.vector_store %arg26[%swap3A, %swap3A_203], %max3A {strides = array<i32>} : memref<16x320xf32, #tpu.memory_space<vmem>>, vector<1x320xf32>,
        %get3A_205 = arith.constant 4 : index
        %get3A_206 = arith.constant 0 : index
        %get3A_207 = vector.load %arg27[%get3A_205, %get3A_206] : memref<16x320xf32, #tpu.memory_space<vmem>>, vector<1x320xf32>
        %reduce_max3A_208 = arith.constant dense<0xFF800000> : vector<320xf32>
        %reduce_max3A_209 = vector.multi_reduction <maximumf>, %select_n3A_197, %reduce_max3A_208 [0] : vector<1000x320xf32> to vector<320xf32>
        %broadcast_in_dim3A_210 = vector.shape_cast %reduce_max3A_209 : vector<320xf32> to vector<1x320xf32>
        %max3A_211 = arith.maximumf %get3A_207, %broadcast_in_dim3A_210 : vector<1x320xf32>
        %swap3A_212 = arith.constant 4 : index
        %swap3A_213 = arith.constant 0 : index
        %swap3A_214 = vector.load %arg27[%swap3A_212, %swap3A_213] : memref<16x320xf32, #tpu.memory_space<vmem>>, vector<1x320xf32>
        tpu.vector_store %arg27[%swap3A_212, %swap3A_213], %max3A_211 {strides = array<i32>} : memref<16x320xf32, #tpu.memory_space<vmem>>, vector<1x320xf32>,
        %get3A_215 = arith.constant 4 : index
        %get3A_216 = arith.constant 0 : index
        %get3A_217 = vector.load %arg24[%get3A_215, %get3A_216] : memref<16x320xf32, #tpu.memory_space<vmem>>, vector<1x320xf32>
        %jit3A_218 = arith.constant 0.000000e+00 : f32
        %broadcast_in_dim3A_219 = vector.shape_cast %eq3A_190 : vector<1000x1xi1> to vector<1000x1xi1>
        %broadcast_in_dim3A_220 = vector.broadcast %broadcast_in_dim3A_219 : vector<1000x1xi1> to vector<1000x320xi1>
        %broadcast_in_dim3A_221 = vector.broadcast %jit3A_218 : f32 to vector<1000x320xf32>
        %select_n3A_222 = arith.select %broadcast_in_dim3A_220, %add3A_41, %broadcast_in_dim3A_221 : vector<1000x320xi1>, vector<1000x320xf32>
        %reduce_sum3A = arith.constant dense<0.000000e+00> : vector<320xf32>
        %reduce_sum3A_223 = vector.multi_reduction <add>, %select_n3A_222, %reduce_sum3A [0] : vector<1000x320xf32> to vector<320xf32>
        %broadcast_in_dim3A_224 = vector.shape_cast %reduce_sum3A_223 : vector<320xf32> to vector<1x320xf32>
        %add3A_225 = arith.addf %get3A_217, %broadcast_in_dim3A_224 : vector<1x320xf32>
        %swap3A_226 = arith.constant 4 : index
        %swap3A_227 = arith.constant 0 : index
        %swap3A_228 = vector.load %arg24[%swap3A_226, %swap3A_227] : memref<16x320xf32, #tpu.memory_space<vmem>>, vector<1x320xf32>
        tpu.vector_store %arg24[%swap3A_226, %swap3A_227], %add3A_225 {strides = array<i32>} : memref<16x320xf32, #tpu.memory_space<vmem>>, vector<1x320xf32>,
        %get3A_229 = arith.constant 4 : index
        %get3A_230 = arith.constant 0 : index
        %get3A_231 = vector.load %arg25[%get3A_229, %get3A_230] : memref<16x320xf32, #tpu.memory_space<vmem>>, vector<1x320xf32>
        %jit3A_232 = arith.constant 0.000000e+00 : f32
        %broadcast_in_dim3A_233 = vector.shape_cast %eq3A_190 : vector<1000x1xi1> to vector<1000x1xi1>
        %broadcast_in_dim3A_234 = vector.broadcast %broadcast_in_dim3A_233 : vector<1000x1xi1> to vector<1000x320xi1>
        %broadcast_in_dim3A_235 = vector.broadcast %jit3A_232 : f32 to vector<1000x320xf32>
        %select_n3A_236 = arith.select %broadcast_in_dim3A_234, %get3A_1, %broadcast_in_dim3A_235 : vector<1000x320xi1>, vector<1000x320xf32>
        %reduce_sum3A_237 = arith.constant dense<0.000000e+00> : vector<320xf32>
        %reduce_sum3A_238 = vector.multi_reduction <add>, %select_n3A_236, %reduce_sum3A_237 [0] : vector<1000x320xf32> to vector<320xf32>
        %broadcast_in_dim3A_239 = vector.shape_cast %reduce_sum3A_238 : vector<320xf32> to vector<1x320xf32>
        %add3A_240 = arith.addf %get3A_231, %broadcast_in_dim3A_239 : vector<1x320xf32>
        %swap3A_241 = arith.constant 4 : index
        %swap3A_242 = arith.constant 0 : index
        %swap3A_243 = vector.load %arg25[%swap3A_241, %swap3A_242] : memref<16x320xf32, #tpu.memory_space<vmem>>, vector<1x320xf32>
        tpu.vector_store %arg25[%swap3A_241, %swap3A_242], %add3A_240 {strides = array<i32>} : memref<16x320xf32, #tpu.memory_space<vmem>>, vector<1x320xf32>,
        %get3A_244 = arith.constant 4 : index
        %get3A_245 = arith.constant 0 : index
        %get3A_246 = vector.load %arg28[%get3A_244, %get3A_245] : memref<16x1xf32, #tpu.memory_space<vmem>>, vector<1x1xf32>
        %convert_element_type3A_247 = arith.extui %eq3A_190 : vector<1000x1xi1> to vector<1000x1xi32>
        %convert_element_type3A_248 = arith.sitofp %convert_element_type3A_247 : vector<1000x1xi32> to vector<1000x1xf32>
        %reduce_sum3A_249 = arith.constant dense<0.000000e+00> : vector<1xf32>
        %reduce_sum3A_250 = vector.multi_reduction <add>, %convert_element_type3A_248, %reduce_sum3A_249 [0] : vector<1000x1xf32> to vector<1xf32>
        %broadcast_in_dim3A_251 = vector.shape_cast %reduce_sum3A_250 : vector<1xf32> to vector<1x1xf32>
        %add3A_252 = arith.addf %get3A_246, %broadcast_in_dim3A_251 : vector<1x1xf32>
        %swap3A_253 = arith.constant 4 : index
        %swap3A_254 = arith.constant 0 : index
        %swap3A_255 = vector.load %arg28[%swap3A_253, %swap3A_254] : memref<16x1xf32, #tpu.memory_space<vmem>>, vector<1x1xf32>
        tpu.vector_store %arg28[%swap3A_253, %swap3A_254], %add3A_252 {strides = array<i32>} : memref<16x1xf32, #tpu.memory_space<vmem>>, vector<1x1xf32>,
      } else {
      }
      %le3A_95 = arith.constant 5 : i32
      %le3A_96 = arith.cmpi sle, %get3A_53, %le3A_95 : i32
      %ge3A_97 = arith.constant 5 : i32
      %ge3A_98 = arith.cmpi sge, %get3A_57, %ge3A_97 : i32
      %and3A_99 = arith.andi %le3A_96, %ge3A_98 : i1
      %convert_element_type3A_100 = arith.extui %and3A_99 : i1 to i32
      %cond3A_101 = arith.constant 0 : i32
      %cond3A_102 = arith.cmpi ne, %convert_element_type3A_100, %cond3A_101 : i32
      scf.if %cond3A_102 {
        %eq3A_188 = arith.constant 5 : i32
        %eq3A_189 = vector.broadcast %eq3A_188 : i32 to vector<1000x1xi32>
        %eq3A_190 = arith.cmpi eq, %get3A_49, %eq3A_189 : vector<1000x1xi32>
        %jit3A = arith.constant 0xFF800000 : f32
        %broadcast_in_dim3A = vector.shape_cast %eq3A_190 : vector<1000x1xi1> to vector<1000x1xi1>
        %broadcast_in_dim3A_191 = vector.broadcast %broadcast_in_dim3A : vector<1000x1xi1> to vector<1000x320xi1>
        %broadcast_in_dim3A_192 = vector.broadcast %jit3A : f32 to vector<1000x320xf32>
        %select_n3A = arith.select %broadcast_in_dim3A_191, %add3A_41, %broadcast_in_dim3A_192 : vector<1000x320xi1>, vector<1000x320xf32>
        %jit3A_193 = arith.constant 0xFF800000 : f32
        %broadcast_in_dim3A_194 = vector.shape_cast %eq3A_190 : vector<1000x1xi1> to vector<1000x1xi1>
        %broadcast_in_dim3A_195 = vector.broadcast %broadcast_in_dim3A_194 : vector<1000x1xi1> to vector<1000x320xi1>
        %broadcast_in_dim3A_196 = vector.broadcast %jit3A_193 : f32 to vector<1000x320xf32>
        %select_n3A_197 = arith.select %broadcast_in_dim3A_195, %get3A_1, %broadcast_in_dim3A_196 : vector<1000x320xi1>, vector<1000x320xf32>
        %get3A_198 = arith.constant 5 : index
        %get3A_199 = arith.constant 0 : index
        %get3A_200 = vector.load %arg26[%get3A_198, %get3A_199] : memref<16x320xf32, #tpu.memory_space<vmem>>, vector<1x320xf32>
        %reduce_max3A = arith.constant dense<0xFF800000> : vector<320xf32>
        %reduce_max3A_201 = vector.multi_reduction <maximumf>, %select_n3A, %reduce_max3A [0] : vector<1000x320xf32> to vector<320xf32>
        %broadcast_in_dim3A_202 = vector.shape_cast %reduce_max3A_201 : vector<320xf32> to vector<1x320xf32>
        %max3A = arith.maximumf %get3A_200, %broadcast_in_dim3A_202 : vector<1x320xf32>
        %swap3A = arith.constant 5 : index
        %swap3A_203 = arith.constant 0 : index
        %swap3A_204 = vector.load %arg26[%swap3A, %swap3A_203] : memref<16x320xf32, #tpu.memory_space<vmem>>, vector<1x320xf32>
        tpu.vector_store %arg26[%swap3A, %swap3A_203], %max3A {strides = array<i32>} : memref<16x320xf32, #tpu.memory_space<vmem>>, vector<1x320xf32>,
        %get3A_205 = arith.constant 5 : index
        %get3A_206 = arith.constant 0 : index
        %get3A_207 = vector.load %arg27[%get3A_205, %get3A_206] : memref<16x320xf32, #tpu.memory_space<vmem>>, vector<1x320xf32>
        %reduce_max3A_208 = arith.constant dense<0xFF800000> : vector<320xf32>
        %reduce_max3A_209 = vector.multi_reduction <maximumf>, %select_n3A_197, %reduce_max3A_208 [0] : vector<1000x320xf32> to vector<320xf32>
        %broadcast_in_dim3A_210 = vector.shape_cast %reduce_max3A_209 : vector<320xf32> to vector<1x320xf32>
        %max3A_211 = arith.maximumf %get3A_207, %broadcast_in_dim3A_210 : vector<1x320xf32>
        %swap3A_212 = arith.constant 5 : index
        %swap3A_213 = arith.constant 0 : index
        %swap3A_214 = vector.load %arg27[%swap3A_212, %swap3A_213] : memref<16x320xf32, #tpu.memory_space<vmem>>, vector<1x320xf32>
        tpu.vector_store %arg27[%swap3A_212, %swap3A_213], %max3A_211 {strides = array<i32>} : memref<16x320xf32, #tpu.memory_space<vmem>>, vector<1x320xf32>,
        %get3A_215 = arith.constant 5 : index
        %get3A_216 = arith.constant 0 : index
        %get3A_217 = vector.load %arg24[%get3A_215, %get3A_216] : memref<16x320xf32, #tpu.memory_space<vmem>>, vector<1x320xf32>
        %jit3A_218 = arith.constant 0.000000e+00 : f32
        %broadcast_in_dim3A_219 = vector.shape_cast %eq3A_190 : vector<1000x1xi1> to vector<1000x1xi1>
        %broadcast_in_dim3A_220 = vector.broadcast %broadcast_in_dim3A_219 : vector<1000x1xi1> to vector<1000x320xi1>
        %broadcast_in_dim3A_221 = vector.broadcast %jit3A_218 : f32 to vector<1000x320xf32>
        %select_n3A_222 = arith.select %broadcast_in_dim3A_220, %add3A_41, %broadcast_in_dim3A_221 : vector<1000x320xi1>, vector<1000x320xf32>
        %reduce_sum3A = arith.constant dense<0.000000e+00> : vector<320xf32>
        %reduce_sum3A_223 = vector.multi_reduction <add>, %select_n3A_222, %reduce_sum3A [0] : vector<1000x320xf32> to vector<320xf32>
        %broadcast_in_dim3A_224 = vector.shape_cast %reduce_sum3A_223 : vector<320xf32> to vector<1x320xf32>
        %add3A_225 = arith.addf %get3A_217, %broadcast_in_dim3A_224 : vector<1x320xf32>
        %swap3A_226 = arith.constant 5 : index
        %swap3A_227 = arith.constant 0 : index
        %swap3A_228 = vector.load %arg24[%swap3A_226, %swap3A_227] : memref<16x320xf32, #tpu.memory_space<vmem>>, vector<1x320xf32>
        tpu.vector_store %arg24[%swap3A_226, %swap3A_227], %add3A_225 {strides = array<i32>} : memref<16x320xf32, #tpu.memory_space<vmem>>, vector<1x320xf32>,
        %get3A_229 = arith.constant 5 : index
        %get3A_230 = arith.constant 0 : index
        %get3A_231 = vector.load %arg25[%get3A_229, %get3A_230] : memref<16x320xf32, #tpu.memory_space<vmem>>, vector<1x320xf32>
        %jit3A_232 = arith.constant 0.000000e+00 : f32
        %broadcast_in_dim3A_233 = vector.shape_cast %eq3A_190 : vector<1000x1xi1> to vector<1000x1xi1>
        %broadcast_in_dim3A_234 = vector.broadcast %broadcast_in_dim3A_233 : vector<1000x1xi1> to vector<1000x320xi1>
        %broadcast_in_dim3A_235 = vector.broadcast %jit3A_232 : f32 to vector<1000x320xf32>
        %select_n3A_236 = arith.select %broadcast_in_dim3A_234, %get3A_1, %broadcast_in_dim3A_235 : vector<1000x320xi1>, vector<1000x320xf32>
        %reduce_sum3A_237 = arith.constant dense<0.000000e+00> : vector<320xf32>
        %reduce_sum3A_238 = vector.multi_reduction <add>, %select_n3A_236, %reduce_sum3A_237 [0] : vector<1000x320xf32> to vector<320xf32>
        %broadcast_in_dim3A_239 = vector.shape_cast %reduce_sum3A_238 : vector<320xf32> to vector<1x320xf32>
        %add3A_240 = arith.addf %get3A_231, %broadcast_in_dim3A_239 : vector<1x320xf32>
        %swap3A_241 = arith.constant 5 : index
        %swap3A_242 = arith.constant 0 : index
        %swap3A_243 = vector.load %arg25[%swap3A_241, %swap3A_242] : memref<16x320xf32, #tpu.memory_space<vmem>>, vector<1x320xf32>
        tpu.vector_store %arg25[%swap3A_241, %swap3A_242], %add3A_240 {strides = array<i32>} : memref<16x320xf32, #tpu.memory_space<vmem>>, vector<1x320xf32>,
        %get3A_244 = arith.constant 5 : index
        %get3A_245 = arith.constant 0 : index
        %get3A_246 = vector.load %arg28[%get3A_244, %get3A_245] : memref<16x1xf32, #tpu.memory_space<vmem>>, vector<1x1xf32>
        %convert_element_type3A_247 = arith.extui %eq3A_190 : vector<1000x1xi1> to vector<1000x1xi32>
        %convert_element_type3A_248 = arith.sitofp %convert_element_type3A_247 : vector<1000x1xi32> to vector<1000x1xf32>
        %reduce_sum3A_249 = arith.constant dense<0.000000e+00> : vector<1xf32>
        %reduce_sum3A_250 = vector.multi_reduction <add>, %convert_element_type3A_248, %reduce_sum3A_249 [0] : vector<1000x1xf32> to vector<1xf32>
        %broadcast_in_dim3A_251 = vector.shape_cast %reduce_sum3A_250 : vector<1xf32> to vector<1x1xf32>
        %add3A_252 = arith.addf %get3A_246, %broadcast_in_dim3A_251 : vector<1x1xf32>
        %swap3A_253 = arith.constant 5 : index
        %swap3A_254 = arith.constant 0 : index
        %swap3A_255 = vector.load %arg28[%swap3A_253, %swap3A_254] : memref<16x1xf32, #tpu.memory_space<vmem>>, vector<1x1xf32>
        tpu.vector_store %arg28[%swap3A_253, %swap3A_254], %add3A_252 {strides = array<i32>} : memref<16x1xf32, #tpu.memory_space<vmem>>, vector<1x1xf32>,
      } else {
      }
      %le3A_103 = arith.constant 6 : i32
      %le3A_104 = arith.cmpi sle, %get3A_53, %le3A_103 : i32
      %ge3A_105 = arith.constant 6 : i32
      %ge3A_106 = arith.cmpi sge, %get3A_57, %ge3A_105 : i32
      %and3A_107 = arith.andi %le3A_104, %ge3A_106 : i1
      %convert_element_type3A_108 = arith.extui %and3A_107 : i1 to i32
      %cond3A_109 = arith.constant 0 : i32
      %cond3A_110 = arith.cmpi ne, %convert_element_type3A_108, %cond3A_109 : i32
      scf.if %cond3A_110 {
        %eq3A_188 = arith.constant 6 : i32
        %eq3A_189 = vector.broadcast %eq3A_188 : i32 to vector<1000x1xi32>
        %eq3A_190 = arith.cmpi eq, %get3A_49, %eq3A_189 : vector<1000x1xi32>
        %jit3A = arith.constant 0xFF800000 : f32
        %broadcast_in_dim3A = vector.shape_cast %eq3A_190 : vector<1000x1xi1> to vector<1000x1xi1>
        %broadcast_in_dim3A_191 = vector.broadcast %broadcast_in_dim3A : vector<1000x1xi1> to vector<1000x320xi1>
        %broadcast_in_dim3A_192 = vector.broadcast %jit3A : f32 to vector<1000x320xf32>
        %select_n3A = arith.select %broadcast_in_dim3A_191, %add3A_41, %broadcast_in_dim3A_192 : vector<1000x320xi1>, vector<1000x320xf32>
        %jit3A_193 = arith.constant 0xFF800000 : f32
        %broadcast_in_dim3A_194 = vector.shape_cast %eq3A_190 : vector<1000x1xi1> to vector<1000x1xi1>
        %broadcast_in_dim3A_195 = vector.broadcast %broadcast_in_dim3A_194 : vector<1000x1xi1> to vector<1000x320xi1>
        %broadcast_in_dim3A_196 = vector.broadcast %jit3A_193 : f32 to vector<1000x320xf32>
        %select_n3A_197 = arith.select %broadcast_in_dim3A_195, %get3A_1, %broadcast_in_dim3A_196 : vector<1000x320xi1>, vector<1000x320xf32>
        %get3A_198 = arith.constant 6 : index
        %get3A_199 = arith.constant 0 : index
        %get3A_200 = vector.load %arg26[%get3A_198, %get3A_199] : memref<16x320xf32, #tpu.memory_space<vmem>>, vector<1x320xf32>
        %reduce_max3A = arith.constant dense<0xFF800000> : vector<320xf32>
        %reduce_max3A_201 = vector.multi_reduction <maximumf>, %select_n3A, %reduce_max3A [0] : vector<1000x320xf32> to vector<320xf32>
        %broadcast_in_dim3A_202 = vector.shape_cast %reduce_max3A_201 : vector<320xf32> to vector<1x320xf32>
        %max3A = arith.maximumf %get3A_200, %broadcast_in_dim3A_202 : vector<1x320xf32>
        %swap3A = arith.constant 6 : index
        %swap3A_203 = arith.constant 0 : index
        %swap3A_204 = vector.load %arg26[%swap3A, %swap3A_203] : memref<16x320xf32, #tpu.memory_space<vmem>>, vector<1x320xf32>
        tpu.vector_store %arg26[%swap3A, %swap3A_203], %max3A {strides = array<i32>} : memref<16x320xf32, #tpu.memory_space<vmem>>, vector<1x320xf32>,
        %get3A_205 = arith.constant 6 : index
        %get3A_206 = arith.constant 0 : index
        %get3A_207 = vector.load %arg27[%get3A_205, %get3A_206] : memref<16x320xf32, #tpu.memory_space<vmem>>, vector<1x320xf32>
        %reduce_max3A_208 = arith.constant dense<0xFF800000> : vector<320xf32>
        %reduce_max3A_209 = vector.multi_reduction <maximumf>, %select_n3A_197, %reduce_max3A_208 [0] : vector<1000x320xf32> to vector<320xf32>
        %broadcast_in_dim3A_210 = vector.shape_cast %reduce_max3A_209 : vector<320xf32> to vector<1x320xf32>
        %max3A_211 = arith.maximumf %get3A_207, %broadcast_in_dim3A_210 : vector<1x320xf32>
        %swap3A_212 = arith.constant 6 : index
        %swap3A_213 = arith.constant 0 : index
        %swap3A_214 = vector.load %arg27[%swap3A_212, %swap3A_213] : memref<16x320xf32, #tpu.memory_space<vmem>>, vector<1x320xf32>
        tpu.vector_store %arg27[%swap3A_212, %swap3A_213], %max3A_211 {strides = array<i32>} : memref<16x320xf32, #tpu.memory_space<vmem>>, vector<1x320xf32>,
        %get3A_215 = arith.constant 6 : index
        %get3A_216 = arith.constant 0 : index
        %get3A_217 = vector.load %arg24[%get3A_215, %get3A_216] : memref<16x320xf32, #tpu.memory_space<vmem>>, vector<1x320xf32>
        %jit3A_218 = arith.constant 0.000000e+00 : f32
        %broadcast_in_dim3A_219 = vector.shape_cast %eq3A_190 : vector<1000x1xi1> to vector<1000x1xi1>
        %broadcast_in_dim3A_220 = vector.broadcast %broadcast_in_dim3A_219 : vector<1000x1xi1> to vector<1000x320xi1>
        %broadcast_in_dim3A_221 = vector.broadcast %jit3A_218 : f32 to vector<1000x320xf32>
        %select_n3A_222 = arith.select %broadcast_in_dim3A_220, %add3A_41, %broadcast_in_dim3A_221 : vector<1000x320xi1>, vector<1000x320xf32>
        %reduce_sum3A = arith.constant dense<0.000000e+00> : vector<320xf32>
        %reduce_sum3A_223 = vector.multi_reduction <add>, %select_n3A_222, %reduce_sum3A [0] : vector<1000x320xf32> to vector<320xf32>
        %broadcast_in_dim3A_224 = vector.shape_cast %reduce_sum3A_223 : vector<320xf32> to vector<1x320xf32>
        %add3A_225 = arith.addf %get3A_217, %broadcast_in_dim3A_224 : vector<1x320xf32>
        %swap3A_226 = arith.constant 6 : index
        %swap3A_227 = arith.constant 0 : index
        %swap3A_228 = vector.load %arg24[%swap3A_226, %swap3A_227] : memref<16x320xf32, #tpu.memory_space<vmem>>, vector<1x320xf32>
        tpu.vector_store %arg24[%swap3A_226, %swap3A_227], %add3A_225 {strides = array<i32>} : memref<16x320xf32, #tpu.memory_space<vmem>>, vector<1x320xf32>,
        %get3A_229 = arith.constant 6 : index
        %get3A_230 = arith.constant 0 : index
        %get3A_231 = vector.load %arg25[%get3A_229, %get3A_230] : memref<16x320xf32, #tpu.memory_space<vmem>>, vector<1x320xf32>
        %jit3A_232 = arith.constant 0.000000e+00 : f32
        %broadcast_in_dim3A_233 = vector.shape_cast %eq3A_190 : vector<1000x1xi1> to vector<1000x1xi1>
        %broadcast_in_dim3A_234 = vector.broadcast %broadcast_in_dim3A_233 : vector<1000x1xi1> to vector<1000x320xi1>
        %broadcast_in_dim3A_235 = vector.broadcast %jit3A_232 : f32 to vector<1000x320xf32>
        %select_n3A_236 = arith.select %broadcast_in_dim3A_234, %get3A_1, %broadcast_in_dim3A_235 : vector<1000x320xi1>, vector<1000x320xf32>
        %reduce_sum3A_237 = arith.constant dense<0.000000e+00> : vector<320xf32>
        %reduce_sum3A_238 = vector.multi_reduction <add>, %select_n3A_236, %reduce_sum3A_237 [0] : vector<1000x320xf32> to vector<320xf32>
        %broadcast_in_dim3A_239 = vector.shape_cast %reduce_sum3A_238 : vector<320xf32> to vector<1x320xf32>
        %add3A_240 = arith.addf %get3A_231, %broadcast_in_dim3A_239 : vector<1x320xf32>
        %swap3A_241 = arith.constant 6 : index
        %swap3A_242 = arith.constant 0 : index
        %swap3A_243 = vector.load %arg25[%swap3A_241, %swap3A_242] : memref<16x320xf32, #tpu.memory_space<vmem>>, vector<1x320xf32>
        tpu.vector_store %arg25[%swap3A_241, %swap3A_242], %add3A_240 {strides = array<i32>} : memref<16x320xf32, #tpu.memory_space<vmem>>, vector<1x320xf32>,
        %get3A_244 = arith.constant 6 : index
        %get3A_245 = arith.constant 0 : index
        %get3A_246 = vector.load %arg28[%get3A_244, %get3A_245] : memref<16x1xf32, #tpu.memory_space<vmem>>, vector<1x1xf32>
        %convert_element_type3A_247 = arith.extui %eq3A_190 : vector<1000x1xi1> to vector<1000x1xi32>
        %convert_element_type3A_248 = arith.sitofp %convert_element_type3A_247 : vector<1000x1xi32> to vector<1000x1xf32>
        %reduce_sum3A_249 = arith.constant dense<0.000000e+00> : vector<1xf32>
        %reduce_sum3A_250 = vector.multi_reduction <add>, %convert_element_type3A_248, %reduce_sum3A_249 [0] : vector<1000x1xf32> to vector<1xf32>
        %broadcast_in_dim3A_251 = vector.shape_cast %reduce_sum3A_250 : vector<1xf32> to vector<1x1xf32>
        %add3A_252 = arith.addf %get3A_246, %broadcast_in_dim3A_251 : vector<1x1xf32>
        %swap3A_253 = arith.constant 6 : index
        %swap3A_254 = arith.constant 0 : index
        %swap3A_255 = vector.load %arg28[%swap3A_253, %swap3A_254] : memref<16x1xf32, #tpu.memory_space<vmem>>, vector<1x1xf32>
        tpu.vector_store %arg28[%swap3A_253, %swap3A_254], %add3A_252 {strides = array<i32>} : memref<16x1xf32, #tpu.memory_space<vmem>>, vector<1x1xf32>,
      } else {
      }
      %le3A_111 = arith.constant 7 : i32
      %le3A_112 = arith.cmpi sle, %get3A_53, %le3A_111 : i32
      %ge3A_113 = arith.constant 7 : i32
      %ge3A_114 = arith.cmpi sge, %get3A_57, %ge3A_113 : i32
      %and3A_115 = arith.andi %le3A_112, %ge3A_114 : i1
      %convert_element_type3A_116 = arith.extui %and3A_115 : i1 to i32
      %cond3A_117 = arith.constant 0 : i32
      %cond3A_118 = arith.cmpi ne, %convert_element_type3A_116, %cond3A_117 : i32
      scf.if %cond3A_118 {
        %eq3A_188 = arith.constant 7 : i32
        %eq3A_189 = vector.broadcast %eq3A_188 : i32 to vector<1000x1xi32>
        %eq3A_190 = arith.cmpi eq, %get3A_49, %eq3A_189 : vector<1000x1xi32>
        %jit3A = arith.constant 0xFF800000 : f32
        %broadcast_in_dim3A = vector.shape_cast %eq3A_190 : vector<1000x1xi1> to vector<1000x1xi1>
        %broadcast_in_dim3A_191 = vector.broadcast %broadcast_in_dim3A : vector<1000x1xi1> to vector<1000x320xi1>
        %broadcast_in_dim3A_192 = vector.broadcast %jit3A : f32 to vector<1000x320xf32>
        %select_n3A = arith.select %broadcast_in_dim3A_191, %add3A_41, %broadcast_in_dim3A_192 : vector<1000x320xi1>, vector<1000x320xf32>
        %jit3A_193 = arith.constant 0xFF800000 : f32
        %broadcast_in_dim3A_194 = vector.shape_cast %eq3A_190 : vector<1000x1xi1> to vector<1000x1xi1>
        %broadcast_in_dim3A_195 = vector.broadcast %broadcast_in_dim3A_194 : vector<1000x1xi1> to vector<1000x320xi1>
        %broadcast_in_dim3A_196 = vector.broadcast %jit3A_193 : f32 to vector<1000x320xf32>
        %select_n3A_197 = arith.select %broadcast_in_dim3A_195, %get3A_1, %broadcast_in_dim3A_196 : vector<1000x320xi1>, vector<1000x320xf32>
        %get3A_198 = arith.constant 7 : index
        %get3A_199 = arith.constant 0 : index
        %get3A_200 = vector.load %arg26[%get3A_198, %get3A_199] : memref<16x320xf32, #tpu.memory_space<vmem>>, vector<1x320xf32>
        %reduce_max3A = arith.constant dense<0xFF800000> : vector<320xf32>
        %reduce_max3A_201 = vector.multi_reduction <maximumf>, %select_n3A, %reduce_max3A [0] : vector<1000x320xf32> to vector<320xf32>
        %broadcast_in_dim3A_202 = vector.shape_cast %reduce_max3A_201 : vector<320xf32> to vector<1x320xf32>
        %max3A = arith.maximumf %get3A_200, %broadcast_in_dim3A_202 : vector<1x320xf32>
        %swap3A = arith.constant 7 : index
        %swap3A_203 = arith.constant 0 : index
        %swap3A_204 = vector.load %arg26[%swap3A, %swap3A_203] : memref<16x320xf32, #tpu.memory_space<vmem>>, vector<1x320xf32>
        tpu.vector_store %arg26[%swap3A, %swap3A_203], %max3A {strides = array<i32>} : memref<16x320xf32, #tpu.memory_space<vmem>>, vector<1x320xf32>,
        %get3A_205 = arith.constant 7 : index
        %get3A_206 = arith.constant 0 : index
        %get3A_207 = vector.load %arg27[%get3A_205, %get3A_206] : memref<16x320xf32, #tpu.memory_space<vmem>>, vector<1x320xf32>
        %reduce_max3A_208 = arith.constant dense<0xFF800000> : vector<320xf32>
        %reduce_max3A_209 = vector.multi_reduction <maximumf>, %select_n3A_197, %reduce_max3A_208 [0] : vector<1000x320xf32> to vector<320xf32>
        %broadcast_in_dim3A_210 = vector.shape_cast %reduce_max3A_209 : vector<320xf32> to vector<1x320xf32>
        %max3A_211 = arith.maximumf %get3A_207, %broadcast_in_dim3A_210 : vector<1x320xf32>
        %swap3A_212 = arith.constant 7 : index
        %swap3A_213 = arith.constant 0 : index
        %swap3A_214 = vector.load %arg27[%swap3A_212, %swap3A_213] : memref<16x320xf32, #tpu.memory_space<vmem>>, vector<1x320xf32>
        tpu.vector_store %arg27[%swap3A_212, %swap3A_213], %max3A_211 {strides = array<i32>} : memref<16x320xf32, #tpu.memory_space<vmem>>, vector<1x320xf32>,
        %get3A_215 = arith.constant 7 : index
        %get3A_216 = arith.constant 0 : index
        %get3A_217 = vector.load %arg24[%get3A_215, %get3A_216] : memref<16x320xf32, #tpu.memory_space<vmem>>, vector<1x320xf32>
        %jit3A_218 = arith.constant 0.000000e+00 : f32
        %broadcast_in_dim3A_219 = vector.shape_cast %eq3A_190 : vector<1000x1xi1> to vector<1000x1xi1>
        %broadcast_in_dim3A_220 = vector.broadcast %broadcast_in_dim3A_219 : vector<1000x1xi1> to vector<1000x320xi1>
        %broadcast_in_dim3A_221 = vector.broadcast %jit3A_218 : f32 to vector<1000x320xf32>
        %select_n3A_222 = arith.select %broadcast_in_dim3A_220, %add3A_41, %broadcast_in_dim3A_221 : vector<1000x320xi1>, vector<1000x320xf32>
        %reduce_sum3A = arith.constant dense<0.000000e+00> : vector<320xf32>
        %reduce_sum3A_223 = vector.multi_reduction <add>, %select_n3A_222, %reduce_sum3A [0] : vector<1000x320xf32> to vector<320xf32>
        %broadcast_in_dim3A_224 = vector.shape_cast %reduce_sum3A_223 : vector<320xf32> to vector<1x320xf32>
        %add3A_225 = arith.addf %get3A_217, %broadcast_in_dim3A_224 : vector<1x320xf32>
        %swap3A_226 = arith.constant 7 : index
        %swap3A_227 = arith.constant 0 : index
        %swap3A_228 = vector.load %arg24[%swap3A_226, %swap3A_227] : memref<16x320xf32, #tpu.memory_space<vmem>>, vector<1x320xf32>
        tpu.vector_store %arg24[%swap3A_226, %swap3A_227], %add3A_225 {strides = array<i32>} : memref<16x320xf32, #tpu.memory_space<vmem>>, vector<1x320xf32>,
        %get3A_229 = arith.constant 7 : index
        %get3A_230 = arith.constant 0 : index
        %get3A_231 = vector.load %arg25[%get3A_229, %get3A_230] : memref<16x320xf32, #tpu.memory_space<vmem>>, vector<1x320xf32>
        %jit3A_232 = arith.constant 0.000000e+00 : f32
        %broadcast_in_dim3A_233 = vector.shape_cast %eq3A_190 : vector<1000x1xi1> to vector<1000x1xi1>
        %broadcast_in_dim3A_234 = vector.broadcast %broadcast_in_dim3A_233 : vector<1000x1xi1> to vector<1000x320xi1>
        %broadcast_in_dim3A_235 = vector.broadcast %jit3A_232 : f32 to vector<1000x320xf32>
        %select_n3A_236 = arith.select %broadcast_in_dim3A_234, %get3A_1, %broadcast_in_dim3A_235 : vector<1000x320xi1>, vector<1000x320xf32>
        %reduce_sum3A_237 = arith.constant dense<0.000000e+00> : vector<320xf32>
        %reduce_sum3A_238 = vector.multi_reduction <add>, %select_n3A_236, %reduce_sum3A_237 [0] : vector<1000x320xf32> to vector<320xf32>
        %broadcast_in_dim3A_239 = vector.shape_cast %reduce_sum3A_238 : vector<320xf32> to vector<1x320xf32>
        %add3A_240 = arith.addf %get3A_231, %broadcast_in_dim3A_239 : vector<1x320xf32>
        %swap3A_241 = arith.constant 7 : index
        %swap3A_242 = arith.constant 0 : index
        %swap3A_243 = vector.load %arg25[%swap3A_241, %swap3A_242] : memref<16x320xf32, #tpu.memory_space<vmem>>, vector<1x320xf32>
        tpu.vector_store %arg25[%swap3A_241, %swap3A_242], %add3A_240 {strides = array<i32>} : memref<16x320xf32, #tpu.memory_space<vmem>>, vector<1x320xf32>,
        %get3A_244 = arith.constant 7 : index
        %get3A_245 = arith.constant 0 : index
        %get3A_246 = vector.load %arg28[%get3A_244, %get3A_245] : memref<16x1xf32, #tpu.memory_space<vmem>>, vector<1x1xf32>
        %convert_element_type3A_247 = arith.extui %eq3A_190 : vector<1000x1xi1> to vector<1000x1xi32>
        %convert_element_type3A_248 = arith.sitofp %convert_element_type3A_247 : vector<1000x1xi32> to vector<1000x1xf32>
        %reduce_sum3A_249 = arith.constant dense<0.000000e+00> : vector<1xf32>
        %reduce_sum3A_250 = vector.multi_reduction <add>, %convert_element_type3A_248, %reduce_sum3A_249 [0] : vector<1000x1xf32> to vector<1xf32>
        %broadcast_in_dim3A_251 = vector.shape_cast %reduce_sum3A_250 : vector<1xf32> to vector<1x1xf32>
        %add3A_252 = arith.addf %get3A_246, %broadcast_in_dim3A_251 : vector<1x1xf32>
        %swap3A_253 = arith.constant 7 : index
        %swap3A_254 = arith.constant 0 : index
        %swap3A_255 = vector.load %arg28[%swap3A_253, %swap3A_254] : memref<16x1xf32, #tpu.memory_space<vmem>>, vector<1x1xf32>
        tpu.vector_store %arg28[%swap3A_253, %swap3A_254], %add3A_252 {strides = array<i32>} : memref<16x1xf32, #tpu.memory_space<vmem>>, vector<1x1xf32>,
      } else {
      }
      %le3A_119 = arith.constant 8 : i32
      %le3A_120 = arith.cmpi sle, %get3A_53, %le3A_119 : i32
      %ge3A_121 = arith.constant 8 : i32
      %ge3A_122 = arith.cmpi sge, %get3A_57, %ge3A_121 : i32
      %and3A_123 = arith.andi %le3A_120, %ge3A_122 : i1
      %convert_element_type3A_124 = arith.extui %and3A_123 : i1 to i32
      %cond3A_125 = arith.constant 0 : i32
      %cond3A_126 = arith.cmpi ne, %convert_element_type3A_124, %cond3A_125 : i32
      scf.if %cond3A_126 {
        %eq3A_188 = arith.constant 8 : i32
        %eq3A_189 = vector.broadcast %eq3A_188 : i32 to vector<1000x1xi32>
        %eq3A_190 = arith.cmpi eq, %get3A_49, %eq3A_189 : vector<1000x1xi32>
        %jit3A = arith.constant 0xFF800000 : f32
        %broadcast_in_dim3A = vector.shape_cast %eq3A_190 : vector<1000x1xi1> to vector<1000x1xi1>
        %broadcast_in_dim3A_191 = vector.broadcast %broadcast_in_dim3A : vector<1000x1xi1> to vector<1000x320xi1>
        %broadcast_in_dim3A_192 = vector.broadcast %jit3A : f32 to vector<1000x320xf32>
        %select_n3A = arith.select %broadcast_in_dim3A_191, %add3A_41, %broadcast_in_dim3A_192 : vector<1000x320xi1>, vector<1000x320xf32>
        %jit3A_193 = arith.constant 0xFF800000 : f32
        %broadcast_in_dim3A_194 = vector.shape_cast %eq3A_190 : vector<1000x1xi1> to vector<1000x1xi1>
        %broadcast_in_dim3A_195 = vector.broadcast %broadcast_in_dim3A_194 : vector<1000x1xi1> to vector<1000x320xi1>
        %broadcast_in_dim3A_196 = vector.broadcast %jit3A_193 : f32 to vector<1000x320xf32>
        %select_n3A_197 = arith.select %broadcast_in_dim3A_195, %get3A_1, %broadcast_in_dim3A_196 : vector<1000x320xi1>, vector<1000x320xf32>
        %get3A_198 = arith.constant 8 : index
        %get3A_199 = arith.constant 0 : index
        %get3A_200 = vector.load %arg26[%get3A_198, %get3A_199] : memref<16x320xf32, #tpu.memory_space<vmem>>, vector<1x320xf32>
        %reduce_max3A = arith.constant dense<0xFF800000> : vector<320xf32>
        %reduce_max3A_201 = vector.multi_reduction <maximumf>, %select_n3A, %reduce_max3A [0] : vector<1000x320xf32> to vector<320xf32>
        %broadcast_in_dim3A_202 = vector.shape_cast %reduce_max3A_201 : vector<320xf32> to vector<1x320xf32>
        %max3A = arith.maximumf %get3A_200, %broadcast_in_dim3A_202 : vector<1x320xf32>
        %swap3A = arith.constant 8 : index
        %swap3A_203 = arith.constant 0 : index
        %swap3A_204 = vector.load %arg26[%swap3A, %swap3A_203] : memref<16x320xf32, #tpu.memory_space<vmem>>, vector<1x320xf32>
        tpu.vector_store %arg26[%swap3A, %swap3A_203], %max3A {strides = array<i32>} : memref<16x320xf32, #tpu.memory_space<vmem>>, vector<1x320xf32>,
        %get3A_205 = arith.constant 8 : index
        %get3A_206 = arith.constant 0 : index
        %get3A_207 = vector.load %arg27[%get3A_205, %get3A_206] : memref<16x320xf32, #tpu.memory_space<vmem>>, vector<1x320xf32>
        %reduce_max3A_208 = arith.constant dense<0xFF800000> : vector<320xf32>
        %reduce_max3A_209 = vector.multi_reduction <maximumf>, %select_n3A_197, %reduce_max3A_208 [0] : vector<1000x320xf32> to vector<320xf32>
        %broadcast_in_dim3A_210 = vector.shape_cast %reduce_max3A_209 : vector<320xf32> to vector<1x320xf32>
        %max3A_211 = arith.maximumf %get3A_207, %broadcast_in_dim3A_210 : vector<1x320xf32>
        %swap3A_212 = arith.constant 8 : index
        %swap3A_213 = arith.constant 0 : index
        %swap3A_214 = vector.load %arg27[%swap3A_212, %swap3A_213] : memref<16x320xf32, #tpu.memory_space<vmem>>, vector<1x320xf32>
        tpu.vector_store %arg27[%swap3A_212, %swap3A_213], %max3A_211 {strides = array<i32>} : memref<16x320xf32, #tpu.memory_space<vmem>>, vector<1x320xf32>,
        %get3A_215 = arith.constant 8 : index
        %get3A_216 = arith.constant 0 : index
        %get3A_217 = vector.load %arg24[%get3A_215, %get3A_216] : memref<16x320xf32, #tpu.memory_space<vmem>>, vector<1x320xf32>
        %jit3A_218 = arith.constant 0.000000e+00 : f32
        %broadcast_in_dim3A_219 = vector.shape_cast %eq3A_190 : vector<1000x1xi1> to vector<1000x1xi1>
        %broadcast_in_dim3A_220 = vector.broadcast %broadcast_in_dim3A_219 : vector<1000x1xi1> to vector<1000x320xi1>
        %broadcast_in_dim3A_221 = vector.broadcast %jit3A_218 : f32 to vector<1000x320xf32>
        %select_n3A_222 = arith.select %broadcast_in_dim3A_220, %add3A_41, %broadcast_in_dim3A_221 : vector<1000x320xi1>, vector<1000x320xf32>
        %reduce_sum3A = arith.constant dense<0.000000e+00> : vector<320xf32>
        %reduce_sum3A_223 = vector.multi_reduction <add>, %select_n3A_222, %reduce_sum3A [0] : vector<1000x320xf32> to vector<320xf32>
        %broadcast_in_dim3A_224 = vector.shape_cast %reduce_sum3A_223 : vector<320xf32> to vector<1x320xf32>
        %add3A_225 = arith.addf %get3A_217, %broadcast_in_dim3A_224 : vector<1x320xf32>
        %swap3A_226 = arith.constant 8 : index
        %swap3A_227 = arith.constant 0 : index
        %swap3A_228 = vector.load %arg24[%swap3A_226, %swap3A_227] : memref<16x320xf32, #tpu.memory_space<vmem>>, vector<1x320xf32>
        tpu.vector_store %arg24[%swap3A_226, %swap3A_227], %add3A_225 {strides = array<i32>} : memref<16x320xf32, #tpu.memory_space<vmem>>, vector<1x320xf32>,
        %get3A_229 = arith.constant 8 : index
        %get3A_230 = arith.constant 0 : index
        %get3A_231 = vector.load %arg25[%get3A_229, %get3A_230] : memref<16x320xf32, #tpu.memory_space<vmem>>, vector<1x320xf32>
        %jit3A_232 = arith.constant 0.000000e+00 : f32
        %broadcast_in_dim3A_233 = vector.shape_cast %eq3A_190 : vector<1000x1xi1> to vector<1000x1xi1>
        %broadcast_in_dim3A_234 = vector.broadcast %broadcast_in_dim3A_233 : vector<1000x1xi1> to vector<1000x320xi1>
        %broadcast_in_dim3A_235 = vector.broadcast %jit3A_232 : f32 to vector<1000x320xf32>
        %select_n3A_236 = arith.select %broadcast_in_dim3A_234, %get3A_1, %broadcast_in_dim3A_235 : vector<1000x320xi1>, vector<1000x320xf32>
        %reduce_sum3A_237 = arith.constant dense<0.000000e+00> : vector<320xf32>
        %reduce_sum3A_238 = vector.multi_reduction <add>, %select_n3A_236, %reduce_sum3A_237 [0] : vector<1000x320xf32> to vector<320xf32>
        %broadcast_in_dim3A_239 = vector.shape_cast %reduce_sum3A_238 : vector<320xf32> to vector<1x320xf32>
        %add3A_240 = arith.addf %get3A_231, %broadcast_in_dim3A_239 : vector<1x320xf32>
        %swap3A_241 = arith.constant 8 : index
        %swap3A_242 = arith.constant 0 : index
        %swap3A_243 = vector.load %arg25[%swap3A_241, %swap3A_242] : memref<16x320xf32, #tpu.memory_space<vmem>>, vector<1x320xf32>
        tpu.vector_store %arg25[%swap3A_241, %swap3A_242], %add3A_240 {strides = array<i32>} : memref<16x320xf32, #tpu.memory_space<vmem>>, vector<1x320xf32>,
        %get3A_244 = arith.constant 8 : index
        %get3A_245 = arith.constant 0 : index
        %get3A_246 = vector.load %arg28[%get3A_244, %get3A_245] : memref<16x1xf32, #tpu.memory_space<vmem>>, vector<1x1xf32>
        %convert_element_type3A_247 = arith.extui %eq3A_190 : vector<1000x1xi1> to vector<1000x1xi32>
        %convert_element_type3A_248 = arith.sitofp %convert_element_type3A_247 : vector<1000x1xi32> to vector<1000x1xf32>
        %reduce_sum3A_249 = arith.constant dense<0.000000e+00> : vector<1xf32>
        %reduce_sum3A_250 = vector.multi_reduction <add>, %convert_element_type3A_248, %reduce_sum3A_249 [0] : vector<1000x1xf32> to vector<1xf32>
        %broadcast_in_dim3A_251 = vector.shape_cast %reduce_sum3A_250 : vector<1xf32> to vector<1x1xf32>
        %add3A_252 = arith.addf %get3A_246, %broadcast_in_dim3A_251 : vector<1x1xf32>
        %swap3A_253 = arith.constant 8 : index
        %swap3A_254 = arith.constant 0 : index
        %swap3A_255 = vector.load %arg28[%swap3A_253, %swap3A_254] : memref<16x1xf32, #tpu.memory_space<vmem>>, vector<1x1xf32>
        tpu.vector_store %arg28[%swap3A_253, %swap3A_254], %add3A_252 {strides = array<i32>} : memref<16x1xf32, #tpu.memory_space<vmem>>, vector<1x1xf32>,
      } else {
      }
      %le3A_127 = arith.constant 9 : i32
      %le3A_128 = arith.cmpi sle, %get3A_53, %le3A_127 : i32
      %ge3A_129 = arith.constant 9 : i32
      %ge3A_130 = arith.cmpi sge, %get3A_57, %ge3A_129 : i32
      %and3A_131 = arith.andi %le3A_128, %ge3A_130 : i1
      %convert_element_type3A_132 = arith.extui %and3A_131 : i1 to i32
      %cond3A_133 = arith.constant 0 : i32
      %cond3A_134 = arith.cmpi ne, %convert_element_type3A_132, %cond3A_133 : i32
      scf.if %cond3A_134 {
        %eq3A_188 = arith.constant 9 : i32
        %eq3A_189 = vector.broadcast %eq3A_188 : i32 to vector<1000x1xi32>
        %eq3A_190 = arith.cmpi eq, %get3A_49, %eq3A_189 : vector<1000x1xi32>
        %jit3A = arith.constant 0xFF800000 : f32
        %broadcast_in_dim3A = vector.shape_cast %eq3A_190 : vector<1000x1xi1> to vector<1000x1xi1>
        %broadcast_in_dim3A_191 = vector.broadcast %broadcast_in_dim3A : vector<1000x1xi1> to vector<1000x320xi1>
        %broadcast_in_dim3A_192 = vector.broadcast %jit3A : f32 to vector<1000x320xf32>
        %select_n3A = arith.select %broadcast_in_dim3A_191, %add3A_41, %broadcast_in_dim3A_192 : vector<1000x320xi1>, vector<1000x320xf32>
        %jit3A_193 = arith.constant 0xFF800000 : f32
        %broadcast_in_dim3A_194 = vector.shape_cast %eq3A_190 : vector<1000x1xi1> to vector<1000x1xi1>
        %broadcast_in_dim3A_195 = vector.broadcast %broadcast_in_dim3A_194 : vector<1000x1xi1> to vector<1000x320xi1>
        %broadcast_in_dim3A_196 = vector.broadcast %jit3A_193 : f32 to vector<1000x320xf32>
        %select_n3A_197 = arith.select %broadcast_in_dim3A_195, %get3A_1, %broadcast_in_dim3A_196 : vector<1000x320xi1>, vector<1000x320xf32>
        %get3A_198 = arith.constant 9 : index
        %get3A_199 = arith.constant 0 : index
        %get3A_200 = vector.load %arg26[%get3A_198, %get3A_199] : memref<16x320xf32, #tpu.memory_space<vmem>>, vector<1x320xf32>
        %reduce_max3A = arith.constant dense<0xFF800000> : vector<320xf32>
        %reduce_max3A_201 = vector.multi_reduction <maximumf>, %select_n3A, %reduce_max3A [0] : vector<1000x320xf32> to vector<320xf32>
        %broadcast_in_dim3A_202 = vector.shape_cast %reduce_max3A_201 : vector<320xf32> to vector<1x320xf32>
        %max3A = arith.maximumf %get3A_200, %broadcast_in_dim3A_202 : vector<1x320xf32>
        %swap3A = arith.constant 9 : index
        %swap3A_203 = arith.constant 0 : index
        %swap3A_204 = vector.load %arg26[%swap3A, %swap3A_203] : memref<16x320xf32, #tpu.memory_space<vmem>>, vector<1x320xf32>
        tpu.vector_store %arg26[%swap3A, %swap3A_203], %max3A {strides = array<i32>} : memref<16x320xf32, #tpu.memory_space<vmem>>, vector<1x320xf32>,
        %get3A_205 = arith.constant 9 : index
        %get3A_206 = arith.constant 0 : index
        %get3A_207 = vector.load %arg27[%get3A_205, %get3A_206] : memref<16x320xf32, #tpu.memory_space<vmem>>, vector<1x320xf32>
        %reduce_max3A_208 = arith.constant dense<0xFF800000> : vector<320xf32>
        %reduce_max3A_209 = vector.multi_reduction <maximumf>, %select_n3A_197, %reduce_max3A_208 [0] : vector<1000x320xf32> to vector<320xf32>
        %broadcast_in_dim3A_210 = vector.shape_cast %reduce_max3A_209 : vector<320xf32> to vector<1x320xf32>
        %max3A_211 = arith.maximumf %get3A_207, %broadcast_in_dim3A_210 : vector<1x320xf32>
        %swap3A_212 = arith.constant 9 : index
        %swap3A_213 = arith.constant 0 : index
        %swap3A_214 = vector.load %arg27[%swap3A_212, %swap3A_213] : memref<16x320xf32, #tpu.memory_space<vmem>>, vector<1x320xf32>
        tpu.vector_store %arg27[%swap3A_212, %swap3A_213], %max3A_211 {strides = array<i32>} : memref<16x320xf32, #tpu.memory_space<vmem>>, vector<1x320xf32>,
        %get3A_215 = arith.constant 9 : index
        %get3A_216 = arith.constant 0 : index
        %get3A_217 = vector.load %arg24[%get3A_215, %get3A_216] : memref<16x320xf32, #tpu.memory_space<vmem>>, vector<1x320xf32>
        %jit3A_218 = arith.constant 0.000000e+00 : f32
        %broadcast_in_dim3A_219 = vector.shape_cast %eq3A_190 : vector<1000x1xi1> to vector<1000x1xi1>
        %broadcast_in_dim3A_220 = vector.broadcast %broadcast_in_dim3A_219 : vector<1000x1xi1> to vector<1000x320xi1>
        %broadcast_in_dim3A_221 = vector.broadcast %jit3A_218 : f32 to vector<1000x320xf32>
        %select_n3A_222 = arith.select %broadcast_in_dim3A_220, %add3A_41, %broadcast_in_dim3A_221 : vector<1000x320xi1>, vector<1000x320xf32>
        %reduce_sum3A = arith.constant dense<0.000000e+00> : vector<320xf32>
        %reduce_sum3A_223 = vector.multi_reduction <add>, %select_n3A_222, %reduce_sum3A [0] : vector<1000x320xf32> to vector<320xf32>
        %broadcast_in_dim3A_224 = vector.shape_cast %reduce_sum3A_223 : vector<320xf32> to vector<1x320xf32>
        %add3A_225 = arith.addf %get3A_217, %broadcast_in_dim3A_224 : vector<1x320xf32>
        %swap3A_226 = arith.constant 9 : index
        %swap3A_227 = arith.constant 0 : index
        %swap3A_228 = vector.load %arg24[%swap3A_226, %swap3A_227] : memref<16x320xf32, #tpu.memory_space<vmem>>, vector<1x320xf32>
        tpu.vector_store %arg24[%swap3A_226, %swap3A_227], %add3A_225 {strides = array<i32>} : memref<16x320xf32, #tpu.memory_space<vmem>>, vector<1x320xf32>,
        %get3A_229 = arith.constant 9 : index
        %get3A_230 = arith.constant 0 : index
        %get3A_231 = vector.load %arg25[%get3A_229, %get3A_230] : memref<16x320xf32, #tpu.memory_space<vmem>>, vector<1x320xf32>
        %jit3A_232 = arith.constant 0.000000e+00 : f32
        %broadcast_in_dim3A_233 = vector.shape_cast %eq3A_190 : vector<1000x1xi1> to vector<1000x1xi1>
        %broadcast_in_dim3A_234 = vector.broadcast %broadcast_in_dim3A_233 : vector<1000x1xi1> to vector<1000x320xi1>
        %broadcast_in_dim3A_235 = vector.broadcast %jit3A_232 : f32 to vector<1000x320xf32>
        %select_n3A_236 = arith.select %broadcast_in_dim3A_234, %get3A_1, %broadcast_in_dim3A_235 : vector<1000x320xi1>, vector<1000x320xf32>
        %reduce_sum3A_237 = arith.constant dense<0.000000e+00> : vector<320xf32>
        %reduce_sum3A_238 = vector.multi_reduction <add>, %select_n3A_236, %reduce_sum3A_237 [0] : vector<1000x320xf32> to vector<320xf32>
        %broadcast_in_dim3A_239 = vector.shape_cast %reduce_sum3A_238 : vector<320xf32> to vector<1x320xf32>
        %add3A_240 = arith.addf %get3A_231, %broadcast_in_dim3A_239 : vector<1x320xf32>
        %swap3A_241 = arith.constant 9 : index
        %swap3A_242 = arith.constant 0 : index
        %swap3A_243 = vector.load %arg25[%swap3A_241, %swap3A_242] : memref<16x320xf32, #tpu.memory_space<vmem>>, vector<1x320xf32>
        tpu.vector_store %arg25[%swap3A_241, %swap3A_242], %add3A_240 {strides = array<i32>} : memref<16x320xf32, #tpu.memory_space<vmem>>, vector<1x320xf32>,
        %get3A_244 = arith.constant 9 : index
        %get3A_245 = arith.constant 0 : index
        %get3A_246 = vector.load %arg28[%get3A_244, %get3A_245] : memref<16x1xf32, #tpu.memory_space<vmem>>, vector<1x1xf32>
        %convert_element_type3A_247 = arith.extui %eq3A_190 : vector<1000x1xi1> to vector<1000x1xi32>
        %convert_element_type3A_248 = arith.sitofp %convert_element_type3A_247 : vector<1000x1xi32> to vector<1000x1xf32>
        %reduce_sum3A_249 = arith.constant dense<0.000000e+00> : vector<1xf32>
        %reduce_sum3A_250 = vector.multi_reduction <add>, %convert_element_type3A_248, %reduce_sum3A_249 [0] : vector<1000x1xf32> to vector<1xf32>
        %broadcast_in_dim3A_251 = vector.shape_cast %reduce_sum3A_250 : vector<1xf32> to vector<1x1xf32>
        %add3A_252 = arith.addf %get3A_246, %broadcast_in_dim3A_251 : vector<1x1xf32>
        %swap3A_253 = arith.constant 9 : index
        %swap3A_254 = arith.constant 0 : index
        %swap3A_255 = vector.load %arg28[%swap3A_253, %swap3A_254] : memref<16x1xf32, #tpu.memory_space<vmem>>, vector<1x1xf32>
        tpu.vector_store %arg28[%swap3A_253, %swap3A_254], %add3A_252 {strides = array<i32>} : memref<16x1xf32, #tpu.memory_space<vmem>>, vector<1x1xf32>,
      } else {
      }
      %le3A_135 = arith.constant 10 : i32
      %le3A_136 = arith.cmpi sle, %get3A_53, %le3A_135 : i32
      %ge3A_137 = arith.constant 10 : i32
      %ge3A_138 = arith.cmpi sge, %get3A_57, %ge3A_137 : i32
      %and3A_139 = arith.andi %le3A_136, %ge3A_138 : i1
      %convert_element_type3A_140 = arith.extui %and3A_139 : i1 to i32
      %cond3A_141 = arith.constant 0 : i32
      %cond3A_142 = arith.cmpi ne, %convert_element_type3A_140, %cond3A_141 : i32
      scf.if %cond3A_142 {
        %eq3A_188 = arith.constant 10 : i32
        %eq3A_189 = vector.broadcast %eq3A_188 : i32 to vector<1000x1xi32>
        %eq3A_190 = arith.cmpi eq, %get3A_49, %eq3A_189 : vector<1000x1xi32>
        %jit3A = arith.constant 0xFF800000 : f32
        %broadcast_in_dim3A = vector.shape_cast %eq3A_190 : vector<1000x1xi1> to vector<1000x1xi1>
        %broadcast_in_dim3A_191 = vector.broadcast %broadcast_in_dim3A : vector<1000x1xi1> to vector<1000x320xi1>
        %broadcast_in_dim3A_192 = vector.broadcast %jit3A : f32 to vector<1000x320xf32>
        %select_n3A = arith.select %broadcast_in_dim3A_191, %add3A_41, %broadcast_in_dim3A_192 : vector<1000x320xi1>, vector<1000x320xf32>
        %jit3A_193 = arith.constant 0xFF800000 : f32
        %broadcast_in_dim3A_194 = vector.shape_cast %eq3A_190 : vector<1000x1xi1> to vector<1000x1xi1>
        %broadcast_in_dim3A_195 = vector.broadcast %broadcast_in_dim3A_194 : vector<1000x1xi1> to vector<1000x320xi1>
        %broadcast_in_dim3A_196 = vector.broadcast %jit3A_193 : f32 to vector<1000x320xf32>
        %select_n3A_197 = arith.select %broadcast_in_dim3A_195, %get3A_1, %broadcast_in_dim3A_196 : vector<1000x320xi1>, vector<1000x320xf32>
        %get3A_198 = arith.constant 10 : index
        %get3A_199 = arith.constant 0 : index
        %get3A_200 = vector.load %arg26[%get3A_198, %get3A_199] : memref<16x320xf32, #tpu.memory_space<vmem>>, vector<1x320xf32>
        %reduce_max3A = arith.constant dense<0xFF800000> : vector<320xf32>
        %reduce_max3A_201 = vector.multi_reduction <maximumf>, %select_n3A, %reduce_max3A [0] : vector<1000x320xf32> to vector<320xf32>
        %broadcast_in_dim3A_202 = vector.shape_cast %reduce_max3A_201 : vector<320xf32> to vector<1x320xf32>
        %max3A = arith.maximumf %get3A_200, %broadcast_in_dim3A_202 : vector<1x320xf32>
        %swap3A = arith.constant 10 : index
        %swap3A_203 = arith.constant 0 : index
        %swap3A_204 = vector.load %arg26[%swap3A, %swap3A_203] : memref<16x320xf32, #tpu.memory_space<vmem>>, vector<1x320xf32>
        tpu.vector_store %arg26[%swap3A, %swap3A_203], %max3A {strides = array<i32>} : memref<16x320xf32, #tpu.memory_space<vmem>>, vector<1x320xf32>,
        %get3A_205 = arith.constant 10 : index
        %get3A_206 = arith.constant 0 : index
        %get3A_207 = vector.load %arg27[%get3A_205, %get3A_206] : memref<16x320xf32, #tpu.memory_space<vmem>>, vector<1x320xf32>
        %reduce_max3A_208 = arith.constant dense<0xFF800000> : vector<320xf32>
        %reduce_max3A_209 = vector.multi_reduction <maximumf>, %select_n3A_197, %reduce_max3A_208 [0] : vector<1000x320xf32> to vector<320xf32>
        %broadcast_in_dim3A_210 = vector.shape_cast %reduce_max3A_209 : vector<320xf32> to vector<1x320xf32>
        %max3A_211 = arith.maximumf %get3A_207, %broadcast_in_dim3A_210 : vector<1x320xf32>
        %swap3A_212 = arith.constant 10 : index
        %swap3A_213 = arith.constant 0 : index
        %swap3A_214 = vector.load %arg27[%swap3A_212, %swap3A_213] : memref<16x320xf32, #tpu.memory_space<vmem>>, vector<1x320xf32>
        tpu.vector_store %arg27[%swap3A_212, %swap3A_213], %max3A_211 {strides = array<i32>} : memref<16x320xf32, #tpu.memory_space<vmem>>, vector<1x320xf32>,
        %get3A_215 = arith.constant 10 : index
        %get3A_216 = arith.constant 0 : index
        %get3A_217 = vector.load %arg24[%get3A_215, %get3A_216] : memref<16x320xf32, #tpu.memory_space<vmem>>, vector<1x320xf32>
        %jit3A_218 = arith.constant 0.000000e+00 : f32
        %broadcast_in_dim3A_219 = vector.shape_cast %eq3A_190 : vector<1000x1xi1> to vector<1000x1xi1>
        %broadcast_in_dim3A_220 = vector.broadcast %broadcast_in_dim3A_219 : vector<1000x1xi1> to vector<1000x320xi1>
        %broadcast_in_dim3A_221 = vector.broadcast %jit3A_218 : f32 to vector<1000x320xf32>
        %select_n3A_222 = arith.select %broadcast_in_dim3A_220, %add3A_41, %broadcast_in_dim3A_221 : vector<1000x320xi1>, vector<1000x320xf32>
        %reduce_sum3A = arith.constant dense<0.000000e+00> : vector<320xf32>
        %reduce_sum3A_223 = vector.multi_reduction <add>, %select_n3A_222, %reduce_sum3A [0] : vector<1000x320xf32> to vector<320xf32>
        %broadcast_in_dim3A_224 = vector.shape_cast %reduce_sum3A_223 : vector<320xf32> to vector<1x320xf32>
        %add3A_225 = arith.addf %get3A_217, %broadcast_in_dim3A_224 : vector<1x320xf32>
        %swap3A_226 = arith.constant 10 : index
        %swap3A_227 = arith.constant 0 : index
        %swap3A_228 = vector.load %arg24[%swap3A_226, %swap3A_227] : memref<16x320xf32, #tpu.memory_space<vmem>>, vector<1x320xf32>
        tpu.vector_store %arg24[%swap3A_226, %swap3A_227], %add3A_225 {strides = array<i32>} : memref<16x320xf32, #tpu.memory_space<vmem>>, vector<1x320xf32>,
        %get3A_229 = arith.constant 10 : index
        %get3A_230 = arith.constant 0 : index
        %get3A_231 = vector.load %arg25[%get3A_229, %get3A_230] : memref<16x320xf32, #tpu.memory_space<vmem>>, vector<1x320xf32>
        %jit3A_232 = arith.constant 0.000000e+00 : f32
        %broadcast_in_dim3A_233 = vector.shape_cast %eq3A_190 : vector<1000x1xi1> to vector<1000x1xi1>
        %broadcast_in_dim3A_234 = vector.broadcast %broadcast_in_dim3A_233 : vector<1000x1xi1> to vector<1000x320xi1>
        %broadcast_in_dim3A_235 = vector.broadcast %jit3A_232 : f32 to vector<1000x320xf32>
        %select_n3A_236 = arith.select %broadcast_in_dim3A_234, %get3A_1, %broadcast_in_dim3A_235 : vector<1000x320xi1>, vector<1000x320xf32>
        %reduce_sum3A_237 = arith.constant dense<0.000000e+00> : vector<320xf32>
        %reduce_sum3A_238 = vector.multi_reduction <add>, %select_n3A_236, %reduce_sum3A_237 [0] : vector<1000x320xf32> to vector<320xf32>
        %broadcast_in_dim3A_239 = vector.shape_cast %reduce_sum3A_238 : vector<320xf32> to vector<1x320xf32>
        %add3A_240 = arith.addf %get3A_231, %broadcast_in_dim3A_239 : vector<1x320xf32>
        %swap3A_241 = arith.constant 10 : index
        %swap3A_242 = arith.constant 0 : index
        %swap3A_243 = vector.load %arg25[%swap3A_241, %swap3A_242] : memref<16x320xf32, #tpu.memory_space<vmem>>, vector<1x320xf32>
        tpu.vector_store %arg25[%swap3A_241, %swap3A_242], %add3A_240 {strides = array<i32>} : memref<16x320xf32, #tpu.memory_space<vmem>>, vector<1x320xf32>,
        %get3A_244 = arith.constant 10 : index
        %get3A_245 = arith.constant 0 : index
        %get3A_246 = vector.load %arg28[%get3A_244, %get3A_245] : memref<16x1xf32, #tpu.memory_space<vmem>>, vector<1x1xf32>
        %convert_element_type3A_247 = arith.extui %eq3A_190 : vector<1000x1xi1> to vector<1000x1xi32>
        %convert_element_type3A_248 = arith.sitofp %convert_element_type3A_247 : vector<1000x1xi32> to vector<1000x1xf32>
        %reduce_sum3A_249 = arith.constant dense<0.000000e+00> : vector<1xf32>
        %reduce_sum3A_250 = vector.multi_reduction <add>, %convert_element_type3A_248, %reduce_sum3A_249 [0] : vector<1000x1xf32> to vector<1xf32>
        %broadcast_in_dim3A_251 = vector.shape_cast %reduce_sum3A_250 : vector<1xf32> to vector<1x1xf32>
        %add3A_252 = arith.addf %get3A_246, %broadcast_in_dim3A_251 : vector<1x1xf32>
        %swap3A_253 = arith.constant 10 : index
        %swap3A_254 = arith.constant 0 : index
        %swap3A_255 = vector.load %arg28[%swap3A_253, %swap3A_254] : memref<16x1xf32, #tpu.memory_space<vmem>>, vector<1x1xf32>
        tpu.vector_store %arg28[%swap3A_253, %swap3A_254], %add3A_252 {strides = array<i32>} : memref<16x1xf32, #tpu.memory_space<vmem>>, vector<1x1xf32>,
      } else {
      }
      %le3A_143 = arith.constant 11 : i32
      %le3A_144 = arith.cmpi sle, %get3A_53, %le3A_143 : i32
      %ge3A_145 = arith.constant 11 : i32
      %ge3A_146 = arith.cmpi sge, %get3A_57, %ge3A_145 : i32
      %and3A_147 = arith.andi %le3A_144, %ge3A_146 : i1
      %convert_element_type3A_148 = arith.extui %and3A_147 : i1 to i32
      %cond3A_149 = arith.constant 0 : i32
      %cond3A_150 = arith.cmpi ne, %convert_element_type3A_148, %cond3A_149 : i32
      scf.if %cond3A_150 {
        %eq3A_188 = arith.constant 11 : i32
        %eq3A_189 = vector.broadcast %eq3A_188 : i32 to vector<1000x1xi32>
        %eq3A_190 = arith.cmpi eq, %get3A_49, %eq3A_189 : vector<1000x1xi32>
        %jit3A = arith.constant 0xFF800000 : f32
        %broadcast_in_dim3A = vector.shape_cast %eq3A_190 : vector<1000x1xi1> to vector<1000x1xi1>
        %broadcast_in_dim3A_191 = vector.broadcast %broadcast_in_dim3A : vector<1000x1xi1> to vector<1000x320xi1>
        %broadcast_in_dim3A_192 = vector.broadcast %jit3A : f32 to vector<1000x320xf32>
        %select_n3A = arith.select %broadcast_in_dim3A_191, %add3A_41, %broadcast_in_dim3A_192 : vector<1000x320xi1>, vector<1000x320xf32>
        %jit3A_193 = arith.constant 0xFF800000 : f32
        %broadcast_in_dim3A_194 = vector.shape_cast %eq3A_190 : vector<1000x1xi1> to vector<1000x1xi1>
        %broadcast_in_dim3A_195 = vector.broadcast %broadcast_in_dim3A_194 : vector<1000x1xi1> to vector<1000x320xi1>
        %broadcast_in_dim3A_196 = vector.broadcast %jit3A_193 : f32 to vector<1000x320xf32>
        %select_n3A_197 = arith.select %broadcast_in_dim3A_195, %get3A_1, %broadcast_in_dim3A_196 : vector<1000x320xi1>, vector<1000x320xf32>
        %get3A_198 = arith.constant 11 : index
        %get3A_199 = arith.constant 0 : index
        %get3A_200 = vector.load %arg26[%get3A_198, %get3A_199] : memref<16x320xf32, #tpu.memory_space<vmem>>, vector<1x320xf32>
        %reduce_max3A = arith.constant dense<0xFF800000> : vector<320xf32>
        %reduce_max3A_201 = vector.multi_reduction <maximumf>, %select_n3A, %reduce_max3A [0] : vector<1000x320xf32> to vector<320xf32>
        %broadcast_in_dim3A_202 = vector.shape_cast %reduce_max3A_201 : vector<320xf32> to vector<1x320xf32>
        %max3A = arith.maximumf %get3A_200, %broadcast_in_dim3A_202 : vector<1x320xf32>
        %swap3A = arith.constant 11 : index
        %swap3A_203 = arith.constant 0 : index
        %swap3A_204 = vector.load %arg26[%swap3A, %swap3A_203] : memref<16x320xf32, #tpu.memory_space<vmem>>, vector<1x320xf32>
        tpu.vector_store %arg26[%swap3A, %swap3A_203], %max3A {strides = array<i32>} : memref<16x320xf32, #tpu.memory_space<vmem>>, vector<1x320xf32>,
        %get3A_205 = arith.constant 11 : index
        %get3A_206 = arith.constant 0 : index
        %get3A_207 = vector.load %arg27[%get3A_205, %get3A_206] : memref<16x320xf32, #tpu.memory_space<vmem>>, vector<1x320xf32>
        %reduce_max3A_208 = arith.constant dense<0xFF800000> : vector<320xf32>
        %reduce_max3A_209 = vector.multi_reduction <maximumf>, %select_n3A_197, %reduce_max3A_208 [0] : vector<1000x320xf32> to vector<320xf32>
        %broadcast_in_dim3A_210 = vector.shape_cast %reduce_max3A_209 : vector<320xf32> to vector<1x320xf32>
        %max3A_211 = arith.maximumf %get3A_207, %broadcast_in_dim3A_210 : vector<1x320xf32>
        %swap3A_212 = arith.constant 11 : index
        %swap3A_213 = arith.constant 0 : index
        %swap3A_214 = vector.load %arg27[%swap3A_212, %swap3A_213] : memref<16x320xf32, #tpu.memory_space<vmem>>, vector<1x320xf32>
        tpu.vector_store %arg27[%swap3A_212, %swap3A_213], %max3A_211 {strides = array<i32>} : memref<16x320xf32, #tpu.memory_space<vmem>>, vector<1x320xf32>,
        %get3A_215 = arith.constant 11 : index
        %get3A_216 = arith.constant 0 : index
        %get3A_217 = vector.load %arg24[%get3A_215, %get3A_216] : memref<16x320xf32, #tpu.memory_space<vmem>>, vector<1x320xf32>
        %jit3A_218 = arith.constant 0.000000e+00 : f32
        %broadcast_in_dim3A_219 = vector.shape_cast %eq3A_190 : vector<1000x1xi1> to vector<1000x1xi1>
        %broadcast_in_dim3A_220 = vector.broadcast %broadcast_in_dim3A_219 : vector<1000x1xi1> to vector<1000x320xi1>
        %broadcast_in_dim3A_221 = vector.broadcast %jit3A_218 : f32 to vector<1000x320xf32>
        %select_n3A_222 = arith.select %broadcast_in_dim3A_220, %add3A_41, %broadcast_in_dim3A_221 : vector<1000x320xi1>, vector<1000x320xf32>
        %reduce_sum3A = arith.constant dense<0.000000e+00> : vector<320xf32>
        %reduce_sum3A_223 = vector.multi_reduction <add>, %select_n3A_222, %reduce_sum3A [0] : vector<1000x320xf32> to vector<320xf32>
        %broadcast_in_dim3A_224 = vector.shape_cast %reduce_sum3A_223 : vector<320xf32> to vector<1x320xf32>
        %add3A_225 = arith.addf %get3A_217, %broadcast_in_dim3A_224 : vector<1x320xf32>
        %swap3A_226 = arith.constant 11 : index
        %swap3A_227 = arith.constant 0 : index
        %swap3A_228 = vector.load %arg24[%swap3A_226, %swap3A_227] : memref<16x320xf32, #tpu.memory_space<vmem>>, vector<1x320xf32>
        tpu.vector_store %arg24[%swap3A_226, %swap3A_227], %add3A_225 {strides = array<i32>} : memref<16x320xf32, #tpu.memory_space<vmem>>, vector<1x320xf32>,
        %get3A_229 = arith.constant 11 : index
        %get3A_230 = arith.constant 0 : index
        %get3A_231 = vector.load %arg25[%get3A_229, %get3A_230] : memref<16x320xf32, #tpu.memory_space<vmem>>, vector<1x320xf32>
        %jit3A_232 = arith.constant 0.000000e+00 : f32
        %broadcast_in_dim3A_233 = vector.shape_cast %eq3A_190 : vector<1000x1xi1> to vector<1000x1xi1>
        %broadcast_in_dim3A_234 = vector.broadcast %broadcast_in_dim3A_233 : vector<1000x1xi1> to vector<1000x320xi1>
        %broadcast_in_dim3A_235 = vector.broadcast %jit3A_232 : f32 to vector<1000x320xf32>
        %select_n3A_236 = arith.select %broadcast_in_dim3A_234, %get3A_1, %broadcast_in_dim3A_235 : vector<1000x320xi1>, vector<1000x320xf32>
        %reduce_sum3A_237 = arith.constant dense<0.000000e+00> : vector<320xf32>
        %reduce_sum3A_238 = vector.multi_reduction <add>, %select_n3A_236, %reduce_sum3A_237 [0] : vector<1000x320xf32> to vector<320xf32>
        %broadcast_in_dim3A_239 = vector.shape_cast %reduce_sum3A_238 : vector<320xf32> to vector<1x320xf32>
        %add3A_240 = arith.addf %get3A_231, %broadcast_in_dim3A_239 : vector<1x320xf32>
        %swap3A_241 = arith.constant 11 : index
        %swap3A_242 = arith.constant 0 : index
        %swap3A_243 = vector.load %arg25[%swap3A_241, %swap3A_242] : memref<16x320xf32, #tpu.memory_space<vmem>>, vector<1x320xf32>
        tpu.vector_store %arg25[%swap3A_241, %swap3A_242], %add3A_240 {strides = array<i32>} : memref<16x320xf32, #tpu.memory_space<vmem>>, vector<1x320xf32>,
        %get3A_244 = arith.constant 11 : index
        %get3A_245 = arith.constant 0 : index
        %get3A_246 = vector.load %arg28[%get3A_244, %get3A_245] : memref<16x1xf32, #tpu.memory_space<vmem>>, vector<1x1xf32>
        %convert_element_type3A_247 = arith.extui %eq3A_190 : vector<1000x1xi1> to vector<1000x1xi32>
        %convert_element_type3A_248 = arith.sitofp %convert_element_type3A_247 : vector<1000x1xi32> to vector<1000x1xf32>
        %reduce_sum3A_249 = arith.constant dense<0.000000e+00> : vector<1xf32>
        %reduce_sum3A_250 = vector.multi_reduction <add>, %convert_element_type3A_248, %reduce_sum3A_249 [0] : vector<1000x1xf32> to vector<1xf32>
        %broadcast_in_dim3A_251 = vector.shape_cast %reduce_sum3A_250 : vector<1xf32> to vector<1x1xf32>
        %add3A_252 = arith.addf %get3A_246, %broadcast_in_dim3A_251 : vector<1x1xf32>
        %swap3A_253 = arith.constant 11 : index
        %swap3A_254 = arith.constant 0 : index
        %swap3A_255 = vector.load %arg28[%swap3A_253, %swap3A_254] : memref<16x1xf32, #tpu.memory_space<vmem>>, vector<1x1xf32>
        tpu.vector_store %arg28[%swap3A_253, %swap3A_254], %add3A_252 {strides = array<i32>} : memref<16x1xf32, #tpu.memory_space<vmem>>, vector<1x1xf32>,
      } else {
      }
      %le3A_151 = arith.constant 12 : i32
      %le3A_152 = arith.cmpi sle, %get3A_53, %le3A_151 : i32
      %ge3A_153 = arith.constant 12 : i32
      %ge3A_154 = arith.cmpi sge, %get3A_57, %ge3A_153 : i32
      %and3A_155 = arith.andi %le3A_152, %ge3A_154 : i1
      %convert_element_type3A_156 = arith.extui %and3A_155 : i1 to i32
      %cond3A_157 = arith.constant 0 : i32
      %cond3A_158 = arith.cmpi ne, %convert_element_type3A_156, %cond3A_157 : i32
      scf.if %cond3A_158 {
        %eq3A_188 = arith.constant 12 : i32
        %eq3A_189 = vector.broadcast %eq3A_188 : i32 to vector<1000x1xi32>
        %eq3A_190 = arith.cmpi eq, %get3A_49, %eq3A_189 : vector<1000x1xi32>
        %jit3A = arith.constant 0xFF800000 : f32
        %broadcast_in_dim3A = vector.shape_cast %eq3A_190 : vector<1000x1xi1> to vector<1000x1xi1>
        %broadcast_in_dim3A_191 = vector.broadcast %broadcast_in_dim3A : vector<1000x1xi1> to vector<1000x320xi1>
        %broadcast_in_dim3A_192 = vector.broadcast %jit3A : f32 to vector<1000x320xf32>
        %select_n3A = arith.select %broadcast_in_dim3A_191, %add3A_41, %broadcast_in_dim3A_192 : vector<1000x320xi1>, vector<1000x320xf32>
        %jit3A_193 = arith.constant 0xFF800000 : f32
        %broadcast_in_dim3A_194 = vector.shape_cast %eq3A_190 : vector<1000x1xi1> to vector<1000x1xi1>
        %broadcast_in_dim3A_195 = vector.broadcast %broadcast_in_dim3A_194 : vector<1000x1xi1> to vector<1000x320xi1>
        %broadcast_in_dim3A_196 = vector.broadcast %jit3A_193 : f32 to vector<1000x320xf32>
        %select_n3A_197 = arith.select %broadcast_in_dim3A_195, %get3A_1, %broadcast_in_dim3A_196 : vector<1000x320xi1>, vector<1000x320xf32>
        %get3A_198 = arith.constant 12 : index
        %get3A_199 = arith.constant 0 : index
        %get3A_200 = vector.load %arg26[%get3A_198, %get3A_199] : memref<16x320xf32, #tpu.memory_space<vmem>>, vector<1x320xf32>
        %reduce_max3A = arith.constant dense<0xFF800000> : vector<320xf32>
        %reduce_max3A_201 = vector.multi_reduction <maximumf>, %select_n3A, %reduce_max3A [0] : vector<1000x320xf32> to vector<320xf32>
        %broadcast_in_dim3A_202 = vector.shape_cast %reduce_max3A_201 : vector<320xf32> to vector<1x320xf32>
        %max3A = arith.maximumf %get3A_200, %broadcast_in_dim3A_202 : vector<1x320xf32>
        %swap3A = arith.constant 12 : index
        %swap3A_203 = arith.constant 0 : index
        %swap3A_204 = vector.load %arg26[%swap3A, %swap3A_203] : memref<16x320xf32, #tpu.memory_space<vmem>>, vector<1x320xf32>
        tpu.vector_store %arg26[%swap3A, %swap3A_203], %max3A {strides = array<i32>} : memref<16x320xf32, #tpu.memory_space<vmem>>, vector<1x320xf32>,
        %get3A_205 = arith.constant 12 : index
        %get3A_206 = arith.constant 0 : index
        %get3A_207 = vector.load %arg27[%get3A_205, %get3A_206] : memref<16x320xf32, #tpu.memory_space<vmem>>, vector<1x320xf32>
        %reduce_max3A_208 = arith.constant dense<0xFF800000> : vector<320xf32>
        %reduce_max3A_209 = vector.multi_reduction <maximumf>, %select_n3A_197, %reduce_max3A_208 [0] : vector<1000x320xf32> to vector<320xf32>
        %broadcast_in_dim3A_210 = vector.shape_cast %reduce_max3A_209 : vector<320xf32> to vector<1x320xf32>
        %max3A_211 = arith.maximumf %get3A_207, %broadcast_in_dim3A_210 : vector<1x320xf32>
        %swap3A_212 = arith.constant 12 : index
        %swap3A_213 = arith.constant 0 : index
        %swap3A_214 = vector.load %arg27[%swap3A_212, %swap3A_213] : memref<16x320xf32, #tpu.memory_space<vmem>>, vector<1x320xf32>
        tpu.vector_store %arg27[%swap3A_212, %swap3A_213], %max3A_211 {strides = array<i32>} : memref<16x320xf32, #tpu.memory_space<vmem>>, vector<1x320xf32>,
        %get3A_215 = arith.constant 12 : index
        %get3A_216 = arith.constant 0 : index
        %get3A_217 = vector.load %arg24[%get3A_215, %get3A_216] : memref<16x320xf32, #tpu.memory_space<vmem>>, vector<1x320xf32>
        %jit3A_218 = arith.constant 0.000000e+00 : f32
        %broadcast_in_dim3A_219 = vector.shape_cast %eq3A_190 : vector<1000x1xi1> to vector<1000x1xi1>
        %broadcast_in_dim3A_220 = vector.broadcast %broadcast_in_dim3A_219 : vector<1000x1xi1> to vector<1000x320xi1>
        %broadcast_in_dim3A_221 = vector.broadcast %jit3A_218 : f32 to vector<1000x320xf32>
        %select_n3A_222 = arith.select %broadcast_in_dim3A_220, %add3A_41, %broadcast_in_dim3A_221 : vector<1000x320xi1>, vector<1000x320xf32>
        %reduce_sum3A = arith.constant dense<0.000000e+00> : vector<320xf32>
        %reduce_sum3A_223 = vector.multi_reduction <add>, %select_n3A_222, %reduce_sum3A [0] : vector<1000x320xf32> to vector<320xf32>
        %broadcast_in_dim3A_224 = vector.shape_cast %reduce_sum3A_223 : vector<320xf32> to vector<1x320xf32>
        %add3A_225 = arith.addf %get3A_217, %broadcast_in_dim3A_224 : vector<1x320xf32>
        %swap3A_226 = arith.constant 12 : index
        %swap3A_227 = arith.constant 0 : index
        %swap3A_228 = vector.load %arg24[%swap3A_226, %swap3A_227] : memref<16x320xf32, #tpu.memory_space<vmem>>, vector<1x320xf32>
        tpu.vector_store %arg24[%swap3A_226, %swap3A_227], %add3A_225 {strides = array<i32>} : memref<16x320xf32, #tpu.memory_space<vmem>>, vector<1x320xf32>,
        %get3A_229 = arith.constant 12 : index
        %get3A_230 = arith.constant 0 : index
        %get3A_231 = vector.load %arg25[%get3A_229, %get3A_230] : memref<16x320xf32, #tpu.memory_space<vmem>>, vector<1x320xf32>
        %jit3A_232 = arith.constant 0.000000e+00 : f32
        %broadcast_in_dim3A_233 = vector.shape_cast %eq3A_190 : vector<1000x1xi1> to vector<1000x1xi1>
        %broadcast_in_dim3A_234 = vector.broadcast %broadcast_in_dim3A_233 : vector<1000x1xi1> to vector<1000x320xi1>
        %broadcast_in_dim3A_235 = vector.broadcast %jit3A_232 : f32 to vector<1000x320xf32>
        %select_n3A_236 = arith.select %broadcast_in_dim3A_234, %get3A_1, %broadcast_in_dim3A_235 : vector<1000x320xi1>, vector<1000x320xf32>
        %reduce_sum3A_237 = arith.constant dense<0.000000e+00> : vector<320xf32>
        %reduce_sum3A_238 = vector.multi_reduction <add>, %select_n3A_236, %reduce_sum3A_237 [0] : vector<1000x320xf32> to vector<320xf32>
        %broadcast_in_dim3A_239 = vector.shape_cast %reduce_sum3A_238 : vector<320xf32> to vector<1x320xf32>
        %add3A_240 = arith.addf %get3A_231, %broadcast_in_dim3A_239 : vector<1x320xf32>
        %swap3A_241 = arith.constant 12 : index
        %swap3A_242 = arith.constant 0 : index
        %swap3A_243 = vector.load %arg25[%swap3A_241, %swap3A_242] : memref<16x320xf32, #tpu.memory_space<vmem>>, vector<1x320xf32>
        tpu.vector_store %arg25[%swap3A_241, %swap3A_242], %add3A_240 {strides = array<i32>} : memref<16x320xf32, #tpu.memory_space<vmem>>, vector<1x320xf32>,
        %get3A_244 = arith.constant 12 : index
        %get3A_245 = arith.constant 0 : index
        %get3A_246 = vector.load %arg28[%get3A_244, %get3A_245] : memref<16x1xf32, #tpu.memory_space<vmem>>, vector<1x1xf32>
        %convert_element_type3A_247 = arith.extui %eq3A_190 : vector<1000x1xi1> to vector<1000x1xi32>
        %convert_element_type3A_248 = arith.sitofp %convert_element_type3A_247 : vector<1000x1xi32> to vector<1000x1xf32>
        %reduce_sum3A_249 = arith.constant dense<0.000000e+00> : vector<1xf32>
        %reduce_sum3A_250 = vector.multi_reduction <add>, %convert_element_type3A_248, %reduce_sum3A_249 [0] : vector<1000x1xf32> to vector<1xf32>
        %broadcast_in_dim3A_251 = vector.shape_cast %reduce_sum3A_250 : vector<1xf32> to vector<1x1xf32>
        %add3A_252 = arith.addf %get3A_246, %broadcast_in_dim3A_251 : vector<1x1xf32>
        %swap3A_253 = arith.constant 12 : index
        %swap3A_254 = arith.constant 0 : index
        %swap3A_255 = vector.load %arg28[%swap3A_253, %swap3A_254] : memref<16x1xf32, #tpu.memory_space<vmem>>, vector<1x1xf32>
        tpu.vector_store %arg28[%swap3A_253, %swap3A_254], %add3A_252 {strides = array<i32>} : memref<16x1xf32, #tpu.memory_space<vmem>>, vector<1x1xf32>,
      } else {
      }
      %le3A_159 = arith.constant 13 : i32
      %le3A_160 = arith.cmpi sle, %get3A_53, %le3A_159 : i32
      %ge3A_161 = arith.constant 13 : i32
      %ge3A_162 = arith.cmpi sge, %get3A_57, %ge3A_161 : i32
      %and3A_163 = arith.andi %le3A_160, %ge3A_162 : i1
      %convert_element_type3A_164 = arith.extui %and3A_163 : i1 to i32
      %cond3A_165 = arith.constant 0 : i32
      %cond3A_166 = arith.cmpi ne, %convert_element_type3A_164, %cond3A_165 : i32
      scf.if %cond3A_166 {
        %eq3A_188 = arith.constant 13 : i32
        %eq3A_189 = vector.broadcast %eq3A_188 : i32 to vector<1000x1xi32>
        %eq3A_190 = arith.cmpi eq, %get3A_49, %eq3A_189 : vector<1000x1xi32>
        %jit3A = arith.constant 0xFF800000 : f32
        %broadcast_in_dim3A = vector.shape_cast %eq3A_190 : vector<1000x1xi1> to vector<1000x1xi1>
        %broadcast_in_dim3A_191 = vector.broadcast %broadcast_in_dim3A : vector<1000x1xi1> to vector<1000x320xi1>
        %broadcast_in_dim3A_192 = vector.broadcast %jit3A : f32 to vector<1000x320xf32>
        %select_n3A = arith.select %broadcast_in_dim3A_191, %add3A_41, %broadcast_in_dim3A_192 : vector<1000x320xi1>, vector<1000x320xf32>
        %jit3A_193 = arith.constant 0xFF800000 : f32
        %broadcast_in_dim3A_194 = vector.shape_cast %eq3A_190 : vector<1000x1xi1> to vector<1000x1xi1>
        %broadcast_in_dim3A_195 = vector.broadcast %broadcast_in_dim3A_194 : vector<1000x1xi1> to vector<1000x320xi1>
        %broadcast_in_dim3A_196 = vector.broadcast %jit3A_193 : f32 to vector<1000x320xf32>
        %select_n3A_197 = arith.select %broadcast_in_dim3A_195, %get3A_1, %broadcast_in_dim3A_196 : vector<1000x320xi1>, vector<1000x320xf32>
        %get3A_198 = arith.constant 13 : index
        %get3A_199 = arith.constant 0 : index
        %get3A_200 = vector.load %arg26[%get3A_198, %get3A_199] : memref<16x320xf32, #tpu.memory_space<vmem>>, vector<1x320xf32>
        %reduce_max3A = arith.constant dense<0xFF800000> : vector<320xf32>
        %reduce_max3A_201 = vector.multi_reduction <maximumf>, %select_n3A, %reduce_max3A [0] : vector<1000x320xf32> to vector<320xf32>
        %broadcast_in_dim3A_202 = vector.shape_cast %reduce_max3A_201 : vector<320xf32> to vector<1x320xf32>
        %max3A = arith.maximumf %get3A_200, %broadcast_in_dim3A_202 : vector<1x320xf32>
        %swap3A = arith.constant 13 : index
        %swap3A_203 = arith.constant 0 : index
        %swap3A_204 = vector.load %arg26[%swap3A, %swap3A_203] : memref<16x320xf32, #tpu.memory_space<vmem>>, vector<1x320xf32>
        tpu.vector_store %arg26[%swap3A, %swap3A_203], %max3A {strides = array<i32>} : memref<16x320xf32, #tpu.memory_space<vmem>>, vector<1x320xf32>,
        %get3A_205 = arith.constant 13 : index
        %get3A_206 = arith.constant 0 : index
        %get3A_207 = vector.load %arg27[%get3A_205, %get3A_206] : memref<16x320xf32, #tpu.memory_space<vmem>>, vector<1x320xf32>
        %reduce_max3A_208 = arith.constant dense<0xFF800000> : vector<320xf32>
        %reduce_max3A_209 = vector.multi_reduction <maximumf>, %select_n3A_197, %reduce_max3A_208 [0] : vector<1000x320xf32> to vector<320xf32>
        %broadcast_in_dim3A_210 = vector.shape_cast %reduce_max3A_209 : vector<320xf32> to vector<1x320xf32>
        %max3A_211 = arith.maximumf %get3A_207, %broadcast_in_dim3A_210 : vector<1x320xf32>
        %swap3A_212 = arith.constant 13 : index
        %swap3A_213 = arith.constant 0 : index
        %swap3A_214 = vector.load %arg27[%swap3A_212, %swap3A_213] : memref<16x320xf32, #tpu.memory_space<vmem>>, vector<1x320xf32>
        tpu.vector_store %arg27[%swap3A_212, %swap3A_213], %max3A_211 {strides = array<i32>} : memref<16x320xf32, #tpu.memory_space<vmem>>, vector<1x320xf32>,
        %get3A_215 = arith.constant 13 : index
        %get3A_216 = arith.constant 0 : index
        %get3A_217 = vector.load %arg24[%get3A_215, %get3A_216] : memref<16x320xf32, #tpu.memory_space<vmem>>, vector<1x320xf32>
        %jit3A_218 = arith.constant 0.000000e+00 : f32
        %broadcast_in_dim3A_219 = vector.shape_cast %eq3A_190 : vector<1000x1xi1> to vector<1000x1xi1>
        %broadcast_in_dim3A_220 = vector.broadcast %broadcast_in_dim3A_219 : vector<1000x1xi1> to vector<1000x320xi1>
        %broadcast_in_dim3A_221 = vector.broadcast %jit3A_218 : f32 to vector<1000x320xf32>
        %select_n3A_222 = arith.select %broadcast_in_dim3A_220, %add3A_41, %broadcast_in_dim3A_221 : vector<1000x320xi1>, vector<1000x320xf32>
        %reduce_sum3A = arith.constant dense<0.000000e+00> : vector<320xf32>
        %reduce_sum3A_223 = vector.multi_reduction <add>, %select_n3A_222, %reduce_sum3A [0] : vector<1000x320xf32> to vector<320xf32>
        %broadcast_in_dim3A_224 = vector.shape_cast %reduce_sum3A_223 : vector<320xf32> to vector<1x320xf32>
        %add3A_225 = arith.addf %get3A_217, %broadcast_in_dim3A_224 : vector<1x320xf32>
        %swap3A_226 = arith.constant 13 : index
        %swap3A_227 = arith.constant 0 : index
        %swap3A_228 = vector.load %arg24[%swap3A_226, %swap3A_227] : memref<16x320xf32, #tpu.memory_space<vmem>>, vector<1x320xf32>
        tpu.vector_store %arg24[%swap3A_226, %swap3A_227], %add3A_225 {strides = array<i32>} : memref<16x320xf32, #tpu.memory_space<vmem>>, vector<1x320xf32>,
        %get3A_229 = arith.constant 13 : index
        %get3A_230 = arith.constant 0 : index
        %get3A_231 = vector.load %arg25[%get3A_229, %get3A_230] : memref<16x320xf32, #tpu.memory_space<vmem>>, vector<1x320xf32>
        %jit3A_232 = arith.constant 0.000000e+00 : f32
        %broadcast_in_dim3A_233 = vector.shape_cast %eq3A_190 : vector<1000x1xi1> to vector<1000x1xi1>
        %broadcast_in_dim3A_234 = vector.broadcast %broadcast_in_dim3A_233 : vector<1000x1xi1> to vector<1000x320xi1>
        %broadcast_in_dim3A_235 = vector.broadcast %jit3A_232 : f32 to vector<1000x320xf32>
        %select_n3A_236 = arith.select %broadcast_in_dim3A_234, %get3A_1, %broadcast_in_dim3A_235 : vector<1000x320xi1>, vector<1000x320xf32>
        %reduce_sum3A_237 = arith.constant dense<0.000000e+00> : vector<320xf32>
        %reduce_sum3A_238 = vector.multi_reduction <add>, %select_n3A_236, %reduce_sum3A_237 [0] : vector<1000x320xf32> to vector<320xf32>
        %broadcast_in_dim3A_239 = vector.shape_cast %reduce_sum3A_238 : vector<320xf32> to vector<1x320xf32>
        %add3A_240 = arith.addf %get3A_231, %broadcast_in_dim3A_239 : vector<1x320xf32>
        %swap3A_241 = arith.constant 13 : index
        %swap3A_242 = arith.constant 0 : index
        %swap3A_243 = vector.load %arg25[%swap3A_241, %swap3A_242] : memref<16x320xf32, #tpu.memory_space<vmem>>, vector<1x320xf32>
        tpu.vector_store %arg25[%swap3A_241, %swap3A_242], %add3A_240 {strides = array<i32>} : memref<16x320xf32, #tpu.memory_space<vmem>>, vector<1x320xf32>,
        %get3A_244 = arith.constant 13 : index
        %get3A_245 = arith.constant 0 : index
        %get3A_246 = vector.load %arg28[%get3A_244, %get3A_245] : memref<16x1xf32, #tpu.memory_space<vmem>>, vector<1x1xf32>
        %convert_element_type3A_247 = arith.extui %eq3A_190 : vector<1000x1xi1> to vector<1000x1xi32>
        %convert_element_type3A_248 = arith.sitofp %convert_element_type3A_247 : vector<1000x1xi32> to vector<1000x1xf32>
        %reduce_sum3A_249 = arith.constant dense<0.000000e+00> : vector<1xf32>
        %reduce_sum3A_250 = vector.multi_reduction <add>, %convert_element_type3A_248, %reduce_sum3A_249 [0] : vector<1000x1xf32> to vector<1xf32>
        %broadcast_in_dim3A_251 = vector.shape_cast %reduce_sum3A_250 : vector<1xf32> to vector<1x1xf32>
        %add3A_252 = arith.addf %get3A_246, %broadcast_in_dim3A_251 : vector<1x1xf32>
        %swap3A_253 = arith.constant 13 : index
        %swap3A_254 = arith.constant 0 : index
        %swap3A_255 = vector.load %arg28[%swap3A_253, %swap3A_254] : memref<16x1xf32, #tpu.memory_space<vmem>>, vector<1x1xf32>
        tpu.vector_store %arg28[%swap3A_253, %swap3A_254], %add3A_252 {strides = array<i32>} : memref<16x1xf32, #tpu.memory_space<vmem>>, vector<1x1xf32>,
      } else {
      }
      %le3A_167 = arith.constant 14 : i32
      %le3A_168 = arith.cmpi sle, %get3A_53, %le3A_167 : i32
      %ge3A_169 = arith.constant 14 : i32
      %ge3A_170 = arith.cmpi sge, %get3A_57, %ge3A_169 : i32
      %and3A_171 = arith.andi %le3A_168, %ge3A_170 : i1
      %convert_element_type3A_172 = arith.extui %and3A_171 : i1 to i32
      %cond3A_173 = arith.constant 0 : i32
      %cond3A_174 = arith.cmpi ne, %convert_element_type3A_172, %cond3A_173 : i32
      scf.if %cond3A_174 {
        %eq3A_188 = arith.constant 14 : i32
        %eq3A_189 = vector.broadcast %eq3A_188 : i32 to vector<1000x1xi32>
        %eq3A_190 = arith.cmpi eq, %get3A_49, %eq3A_189 : vector<1000x1xi32>
        %jit3A = arith.constant 0xFF800000 : f32
        %broadcast_in_dim3A = vector.shape_cast %eq3A_190 : vector<1000x1xi1> to vector<1000x1xi1>
        %broadcast_in_dim3A_191 = vector.broadcast %broadcast_in_dim3A : vector<1000x1xi1> to vector<1000x320xi1>
        %broadcast_in_dim3A_192 = vector.broadcast %jit3A : f32 to vector<1000x320xf32>
        %select_n3A = arith.select %broadcast_in_dim3A_191, %add3A_41, %broadcast_in_dim3A_192 : vector<1000x320xi1>, vector<1000x320xf32>
        %jit3A_193 = arith.constant 0xFF800000 : f32
        %broadcast_in_dim3A_194 = vector.shape_cast %eq3A_190 : vector<1000x1xi1> to vector<1000x1xi1>
        %broadcast_in_dim3A_195 = vector.broadcast %broadcast_in_dim3A_194 : vector<1000x1xi1> to vector<1000x320xi1>
        %broadcast_in_dim3A_196 = vector.broadcast %jit3A_193 : f32 to vector<1000x320xf32>
        %select_n3A_197 = arith.select %broadcast_in_dim3A_195, %get3A_1, %broadcast_in_dim3A_196 : vector<1000x320xi1>, vector<1000x320xf32>
        %get3A_198 = arith.constant 14 : index
        %get3A_199 = arith.constant 0 : index
        %get3A_200 = vector.load %arg26[%get3A_198, %get3A_199] : memref<16x320xf32, #tpu.memory_space<vmem>>, vector<1x320xf32>
        %reduce_max3A = arith.constant dense<0xFF800000> : vector<320xf32>
        %reduce_max3A_201 = vector.multi_reduction <maximumf>, %select_n3A, %reduce_max3A [0] : vector<1000x320xf32> to vector<320xf32>
        %broadcast_in_dim3A_202 = vector.shape_cast %reduce_max3A_201 : vector<320xf32> to vector<1x320xf32>
        %max3A = arith.maximumf %get3A_200, %broadcast_in_dim3A_202 : vector<1x320xf32>
        %swap3A = arith.constant 14 : index
        %swap3A_203 = arith.constant 0 : index
        %swap3A_204 = vector.load %arg26[%swap3A, %swap3A_203] : memref<16x320xf32, #tpu.memory_space<vmem>>, vector<1x320xf32>
        tpu.vector_store %arg26[%swap3A, %swap3A_203], %max3A {strides = array<i32>} : memref<16x320xf32, #tpu.memory_space<vmem>>, vector<1x320xf32>,
        %get3A_205 = arith.constant 14 : index
        %get3A_206 = arith.constant 0 : index
        %get3A_207 = vector.load %arg27[%get3A_205, %get3A_206] : memref<16x320xf32, #tpu.memory_space<vmem>>, vector<1x320xf32>
        %reduce_max3A_208 = arith.constant dense<0xFF800000> : vector<320xf32>
        %reduce_max3A_209 = vector.multi_reduction <maximumf>, %select_n3A_197, %reduce_max3A_208 [0] : vector<1000x320xf32> to vector<320xf32>
        %broadcast_in_dim3A_210 = vector.shape_cast %reduce_max3A_209 : vector<320xf32> to vector<1x320xf32>
        %max3A_211 = arith.maximumf %get3A_207, %broadcast_in_dim3A_210 : vector<1x320xf32>
        %swap3A_212 = arith.constant 14 : index
        %swap3A_213 = arith.constant 0 : index
        %swap3A_214 = vector.load %arg27[%swap3A_212, %swap3A_213] : memref<16x320xf32, #tpu.memory_space<vmem>>, vector<1x320xf32>
        tpu.vector_store %arg27[%swap3A_212, %swap3A_213], %max3A_211 {strides = array<i32>} : memref<16x320xf32, #tpu.memory_space<vmem>>, vector<1x320xf32>,
        %get3A_215 = arith.constant 14 : index
        %get3A_216 = arith.constant 0 : index
        %get3A_217 = vector.load %arg24[%get3A_215, %get3A_216] : memref<16x320xf32, #tpu.memory_space<vmem>>, vector<1x320xf32>
        %jit3A_218 = arith.constant 0.000000e+00 : f32
        %broadcast_in_dim3A_219 = vector.shape_cast %eq3A_190 : vector<1000x1xi1> to vector<1000x1xi1>
        %broadcast_in_dim3A_220 = vector.broadcast %broadcast_in_dim3A_219 : vector<1000x1xi1> to vector<1000x320xi1>
        %broadcast_in_dim3A_221 = vector.broadcast %jit3A_218 : f32 to vector<1000x320xf32>
        %select_n3A_222 = arith.select %broadcast_in_dim3A_220, %add3A_41, %broadcast_in_dim3A_221 : vector<1000x320xi1>, vector<1000x320xf32>
        %reduce_sum3A = arith.constant dense<0.000000e+00> : vector<320xf32>
        %reduce_sum3A_223 = vector.multi_reduction <add>, %select_n3A_222, %reduce_sum3A [0] : vector<1000x320xf32> to vector<320xf32>
        %broadcast_in_dim3A_224 = vector.shape_cast %reduce_sum3A_223 : vector<320xf32> to vector<1x320xf32>
        %add3A_225 = arith.addf %get3A_217, %broadcast_in_dim3A_224 : vector<1x320xf32>
        %swap3A_226 = arith.constant 14 : index
        %swap3A_227 = arith.constant 0 : index
        %swap3A_228 = vector.load %arg24[%swap3A_226, %swap3A_227] : memref<16x320xf32, #tpu.memory_space<vmem>>, vector<1x320xf32>
        tpu.vector_store %arg24[%swap3A_226, %swap3A_227], %add3A_225 {strides = array<i32>} : memref<16x320xf32, #tpu.memory_space<vmem>>, vector<1x320xf32>,
        %get3A_229 = arith.constant 14 : index
        %get3A_230 = arith.constant 0 : index
        %get3A_231 = vector.load %arg25[%get3A_229, %get3A_230] : memref<16x320xf32, #tpu.memory_space<vmem>>, vector<1x320xf32>
        %jit3A_232 = arith.constant 0.000000e+00 : f32
        %broadcast_in_dim3A_233 = vector.shape_cast %eq3A_190 : vector<1000x1xi1> to vector<1000x1xi1>
        %broadcast_in_dim3A_234 = vector.broadcast %broadcast_in_dim3A_233 : vector<1000x1xi1> to vector<1000x320xi1>
        %broadcast_in_dim3A_235 = vector.broadcast %jit3A_232 : f32 to vector<1000x320xf32>
        %select_n3A_236 = arith.select %broadcast_in_dim3A_234, %get3A_1, %broadcast_in_dim3A_235 : vector<1000x320xi1>, vector<1000x320xf32>
        %reduce_sum3A_237 = arith.constant dense<0.000000e+00> : vector<320xf32>
        %reduce_sum3A_238 = vector.multi_reduction <add>, %select_n3A_236, %reduce_sum3A_237 [0] : vector<1000x320xf32> to vector<320xf32>
        %broadcast_in_dim3A_239 = vector.shape_cast %reduce_sum3A_238 : vector<320xf32> to vector<1x320xf32>
        %add3A_240 = arith.addf %get3A_231, %broadcast_in_dim3A_239 : vector<1x320xf32>
        %swap3A_241 = arith.constant 14 : index
        %swap3A_242 = arith.constant 0 : index
        %swap3A_243 = vector.load %arg25[%swap3A_241, %swap3A_242] : memref<16x320xf32, #tpu.memory_space<vmem>>, vector<1x320xf32>
        tpu.vector_store %arg25[%swap3A_241, %swap3A_242], %add3A_240 {strides = array<i32>} : memref<16x320xf32, #tpu.memory_space<vmem>>, vector<1x320xf32>,
        %get3A_244 = arith.constant 14 : index
        %get3A_245 = arith.constant 0 : index
        %get3A_246 = vector.load %arg28[%get3A_244, %get3A_245] : memref<16x1xf32, #tpu.memory_space<vmem>>, vector<1x1xf32>
        %convert_element_type3A_247 = arith.extui %eq3A_190 : vector<1000x1xi1> to vector<1000x1xi32>
        %convert_element_type3A_248 = arith.sitofp %convert_element_type3A_247 : vector<1000x1xi32> to vector<1000x1xf32>
        %reduce_sum3A_249 = arith.constant dense<0.000000e+00> : vector<1xf32>
        %reduce_sum3A_250 = vector.multi_reduction <add>, %convert_element_type3A_248, %reduce_sum3A_249 [0] : vector<1000x1xf32> to vector<1xf32>
        %broadcast_in_dim3A_251 = vector.shape_cast %reduce_sum3A_250 : vector<1xf32> to vector<1x1xf32>
        %add3A_252 = arith.addf %get3A_246, %broadcast_in_dim3A_251 : vector<1x1xf32>
        %swap3A_253 = arith.constant 14 : index
        %swap3A_254 = arith.constant 0 : index
        %swap3A_255 = vector.load %arg28[%swap3A_253, %swap3A_254] : memref<16x1xf32, #tpu.memory_space<vmem>>, vector<1x1xf32>
        tpu.vector_store %arg28[%swap3A_253, %swap3A_254], %add3A_252 {strides = array<i32>} : memref<16x1xf32, #tpu.memory_space<vmem>>, vector<1x1xf32>,
      } else {
      }
      %le3A_175 = arith.constant 15 : i32
      %le3A_176 = arith.cmpi sle, %get3A_53, %le3A_175 : i32
      %ge3A_177 = arith.constant 15 : i32
      %ge3A_178 = arith.cmpi sge, %get3A_57, %ge3A_177 : i32
      %and3A_179 = arith.andi %le3A_176, %ge3A_178 : i1
      %convert_element_type3A_180 = arith.extui %and3A_179 : i1 to i32
      %cond3A_181 = arith.constant 0 : i32
      %cond3A_182 = arith.cmpi ne, %convert_element_type3A_180, %cond3A_181 : i32
      scf.if %cond3A_182 {
        %eq3A_188 = arith.constant 15 : i32
        %eq3A_189 = vector.broadcast %eq3A_188 : i32 to vector<1000x1xi32>
        %eq3A_190 = arith.cmpi eq, %get3A_49, %eq3A_189 : vector<1000x1xi32>
        %jit3A = arith.constant 0xFF800000 : f32
        %broadcast_in_dim3A = vector.shape_cast %eq3A_190 : vector<1000x1xi1> to vector<1000x1xi1>
        %broadcast_in_dim3A_191 = vector.broadcast %broadcast_in_dim3A : vector<1000x1xi1> to vector<1000x320xi1>
        %broadcast_in_dim3A_192 = vector.broadcast %jit3A : f32 to vector<1000x320xf32>
        %select_n3A = arith.select %broadcast_in_dim3A_191, %add3A_41, %broadcast_in_dim3A_192 : vector<1000x320xi1>, vector<1000x320xf32>
        %jit3A_193 = arith.constant 0xFF800000 : f32
        %broadcast_in_dim3A_194 = vector.shape_cast %eq3A_190 : vector<1000x1xi1> to vector<1000x1xi1>
        %broadcast_in_dim3A_195 = vector.broadcast %broadcast_in_dim3A_194 : vector<1000x1xi1> to vector<1000x320xi1>
        %broadcast_in_dim3A_196 = vector.broadcast %jit3A_193 : f32 to vector<1000x320xf32>
        %select_n3A_197 = arith.select %broadcast_in_dim3A_195, %get3A_1, %broadcast_in_dim3A_196 : vector<1000x320xi1>, vector<1000x320xf32>
        %get3A_198 = arith.constant 15 : index
        %get3A_199 = arith.constant 0 : index
        %get3A_200 = vector.load %arg26[%get3A_198, %get3A_199] : memref<16x320xf32, #tpu.memory_space<vmem>>, vector<1x320xf32>
        %reduce_max3A = arith.constant dense<0xFF800000> : vector<320xf32>
        %reduce_max3A_201 = vector.multi_reduction <maximumf>, %select_n3A, %reduce_max3A [0] : vector<1000x320xf32> to vector<320xf32>
        %broadcast_in_dim3A_202 = vector.shape_cast %reduce_max3A_201 : vector<320xf32> to vector<1x320xf32>
        %max3A = arith.maximumf %get3A_200, %broadcast_in_dim3A_202 : vector<1x320xf32>
        %swap3A = arith.constant 15 : index
        %swap3A_203 = arith.constant 0 : index
        %swap3A_204 = vector.load %arg26[%swap3A, %swap3A_203] : memref<16x320xf32, #tpu.memory_space<vmem>>, vector<1x320xf32>
        tpu.vector_store %arg26[%swap3A, %swap3A_203], %max3A {strides = array<i32>} : memref<16x320xf32, #tpu.memory_space<vmem>>, vector<1x320xf32>,
        %get3A_205 = arith.constant 15 : index
        %get3A_206 = arith.constant 0 : index
        %get3A_207 = vector.load %arg27[%get3A_205, %get3A_206] : memref<16x320xf32, #tpu.memory_space<vmem>>, vector<1x320xf32>
        %reduce_max3A_208 = arith.constant dense<0xFF800000> : vector<320xf32>
        %reduce_max3A_209 = vector.multi_reduction <maximumf>, %select_n3A_197, %reduce_max3A_208 [0] : vector<1000x320xf32> to vector<320xf32>
        %broadcast_in_dim3A_210 = vector.shape_cast %reduce_max3A_209 : vector<320xf32> to vector<1x320xf32>
        %max3A_211 = arith.maximumf %get3A_207, %broadcast_in_dim3A_210 : vector<1x320xf32>
        %swap3A_212 = arith.constant 15 : index
        %swap3A_213 = arith.constant 0 : index
        %swap3A_214 = vector.load %arg27[%swap3A_212, %swap3A_213] : memref<16x320xf32, #tpu.memory_space<vmem>>, vector<1x320xf32>
        tpu.vector_store %arg27[%swap3A_212, %swap3A_213], %max3A_211 {strides = array<i32>} : memref<16x320xf32, #tpu.memory_space<vmem>>, vector<1x320xf32>,
        %get3A_215 = arith.constant 15 : index
        %get3A_216 = arith.constant 0 : index
        %get3A_217 = vector.load %arg24[%get3A_215, %get3A_216] : memref<16x320xf32, #tpu.memory_space<vmem>>, vector<1x320xf32>
        %jit3A_218 = arith.constant 0.000000e+00 : f32
        %broadcast_in_dim3A_219 = vector.shape_cast %eq3A_190 : vector<1000x1xi1> to vector<1000x1xi1>
        %broadcast_in_dim3A_220 = vector.broadcast %broadcast_in_dim3A_219 : vector<1000x1xi1> to vector<1000x320xi1>
        %broadcast_in_dim3A_221 = vector.broadcast %jit3A_218 : f32 to vector<1000x320xf32>
        %select_n3A_222 = arith.select %broadcast_in_dim3A_220, %add3A_41, %broadcast_in_dim3A_221 : vector<1000x320xi1>, vector<1000x320xf32>
        %reduce_sum3A = arith.constant dense<0.000000e+00> : vector<320xf32>
        %reduce_sum3A_223 = vector.multi_reduction <add>, %select_n3A_222, %reduce_sum3A [0] : vector<1000x320xf32> to vector<320xf32>
        %broadcast_in_dim3A_224 = vector.shape_cast %reduce_sum3A_223 : vector<320xf32> to vector<1x320xf32>
        %add3A_225 = arith.addf %get3A_217, %broadcast_in_dim3A_224 : vector<1x320xf32>
        %swap3A_226 = arith.constant 15 : index
        %swap3A_227 = arith.constant 0 : index
        %swap3A_228 = vector.load %arg24[%swap3A_226, %swap3A_227] : memref<16x320xf32, #tpu.memory_space<vmem>>, vector<1x320xf32>
        tpu.vector_store %arg24[%swap3A_226, %swap3A_227], %add3A_225 {strides = array<i32>} : memref<16x320xf32, #tpu.memory_space<vmem>>, vector<1x320xf32>,
        %get3A_229 = arith.constant 15 : index
        %get3A_230 = arith.constant 0 : index
        %get3A_231 = vector.load %arg25[%get3A_229, %get3A_230] : memref<16x320xf32, #tpu.memory_space<vmem>>, vector<1x320xf32>
        %jit3A_232 = arith.constant 0.000000e+00 : f32
        %broadcast_in_dim3A_233 = vector.shape_cast %eq3A_190 : vector<1000x1xi1> to vector<1000x1xi1>
        %broadcast_in_dim3A_234 = vector.broadcast %broadcast_in_dim3A_233 : vector<1000x1xi1> to vector<1000x320xi1>
        %broadcast_in_dim3A_235 = vector.broadcast %jit3A_232 : f32 to vector<1000x320xf32>
        %select_n3A_236 = arith.select %broadcast_in_dim3A_234, %get3A_1, %broadcast_in_dim3A_235 : vector<1000x320xi1>, vector<1000x320xf32>
        %reduce_sum3A_237 = arith.constant dense<0.000000e+00> : vector<320xf32>
        %reduce_sum3A_238 = vector.multi_reduction <add>, %select_n3A_236, %reduce_sum3A_237 [0] : vector<1000x320xf32> to vector<320xf32>
        %broadcast_in_dim3A_239 = vector.shape_cast %reduce_sum3A_238 : vector<320xf32> to vector<1x320xf32>
        %add3A_240 = arith.addf %get3A_231, %broadcast_in_dim3A_239 : vector<1x320xf32>
        %swap3A_241 = arith.constant 15 : index
        %swap3A_242 = arith.constant 0 : index
        %swap3A_243 = vector.load %arg25[%swap3A_241, %swap3A_242] : memref<16x320xf32, #tpu.memory_space<vmem>>, vector<1x320xf32>
        tpu.vector_store %arg25[%swap3A_241, %swap3A_242], %add3A_240 {strides = array<i32>} : memref<16x320xf32, #tpu.memory_space<vmem>>, vector<1x320xf32>,
        %get3A_244 = arith.constant 15 : index
        %get3A_245 = arith.constant 0 : index
        %get3A_246 = vector.load %arg28[%get3A_244, %get3A_245] : memref<16x1xf32, #tpu.memory_space<vmem>>, vector<1x1xf32>
        %convert_element_type3A_247 = arith.extui %eq3A_190 : vector<1000x1xi1> to vector<1000x1xi32>
        %convert_element_type3A_248 = arith.sitofp %convert_element_type3A_247 : vector<1000x1xi32> to vector<1000x1xf32>
        %reduce_sum3A_249 = arith.constant dense<0.000000e+00> : vector<1xf32>
        %reduce_sum3A_250 = vector.multi_reduction <add>, %convert_element_type3A_248, %reduce_sum3A_249 [0] : vector<1000x1xf32> to vector<1xf32>
        %broadcast_in_dim3A_251 = vector.shape_cast %reduce_sum3A_250 : vector<1xf32> to vector<1x1xf32>
        %add3A_252 = arith.addf %get3A_246, %broadcast_in_dim3A_251 : vector<1x1xf32>
        %swap3A_253 = arith.constant 15 : index
        %swap3A_254 = arith.constant 0 : index
        %swap3A_255 = vector.load %arg28[%swap3A_253, %swap3A_254] : memref<16x1xf32, #tpu.memory_space<vmem>>, vector<1x1xf32>
        tpu.vector_store %arg28[%swap3A_253, %swap3A_254], %add3A_252 {strides = array<i32>} : memref<16x1xf32, #tpu.memory_space<vmem>>, vector<1x1xf32>,
      } else {
      }
      %eq3A_183 = arith.constant 9 : i32
      %eq3A_184 = arith.cmpi eq, %arg1, %eq3A_183 : i32
      %convert_element_type3A_185 = arith.extui %eq3A_184 : i1 to i32
      %cond3A_186 = arith.constant 0 : i32
      %cond3A_187 = arith.cmpi ne, %convert_element_type3A_185, %cond3A_186 : i32
      scf.if %cond3A_187 {
        %get3A_188 = arith.constant 0 : index
        %get3A_189 = arith.constant 0 : index
        %get3A_190 = vector.load %arg28[%get3A_188, %get3A_189] : memref<16x1xf32, #tpu.memory_space<vmem>>, vector<16x1xf32>
        %max3A = arith.constant 1.000000e+00 : f32
        %max3A_191 = vector.broadcast %max3A : f32 to vector<16x1xf32>
        %max3A_192 = arith.maximumf %get3A_190, %max3A_191 : vector<16x1xf32>
        %get3A_193 = arith.constant 0 : index
        %get3A_194 = arith.constant 0 : index
        %get3A_195 = vector.load %arg24[%get3A_193, %get3A_194] : memref<16x320xf32, #tpu.memory_space<vmem>>, vector<16x320xf32>
        %get3A_196 = arith.constant 0 : index
        %get3A_197 = arith.constant 0 : index
        %get3A_198 = vector.load %arg25[%get3A_196, %get3A_197] : memref<16x320xf32, #tpu.memory_space<vmem>>, vector<16x320xf32>
        %get3A_199 = arith.constant 0 : index
        %get3A_200 = arith.constant 0 : index
        %get3A_201 = vector.load %arg26[%get3A_199, %get3A_200] : memref<16x320xf32, #tpu.memory_space<vmem>>, vector<16x320xf32>
        %get3A_202 = arith.constant 0 : index
        %get3A_203 = arith.constant 0 : index
        %get3A_204 = vector.load %arg27[%get3A_202, %get3A_203] : memref<16x320xf32, #tpu.memory_space<vmem>>, vector<16x320xf32>
        %get3A_205 = arith.constant 0 : index
        %get3A_206 = arith.constant 0 : index
        %get3A_207 = vector.load %arg24[%get3A_205, %get3A_206] : memref<16x320xf32, #tpu.memory_space<vmem>>, vector<16x320xf32>
        %div3A = vector.broadcast %max3A_192 : vector<16x1xf32> to vector<16x320xf32>
        %div3A_208 = arith.divf %get3A_207, %div3A : vector<16x320xf32>
        %get3A_209 = arith.constant 0 : index
        %get3A_210 = arith.constant 0 : index
        %get3A_211 = vector.load %arg25[%get3A_209, %get3A_210] : memref<16x320xf32, #tpu.memory_space<vmem>>, vector<16x320xf32>
        %div3A_212 = vector.broadcast %max3A_192 : vector<16x1xf32> to vector<16x320xf32>
        %div3A_213 = arith.divf %get3A_211, %div3A_212 : vector<16x320xf32>
        %concatenate3A = tpu.concatenate %get3A_195, %get3A_198, %get3A_201, %get3A_204, %div3A_208, %div3A_213 in 1 : vector<16x320xf32>, vector<16x320xf32>, vector<16x320xf32>, vector<16x320xf32>, vector<16x320xf32>, vector<16x320xf32> -> vector<16x1920xf32>
        %get3A_214 = arith.constant 0 : index
        %get3A_215 = arith.constant 0 : index
        %get3A_216 = vector.load %arg15[%get3A_214, %get3A_215] : memref<1920x960xf32, #tpu.memory_space<vmem>>, vector<1920x960xf32>
        %dot_general3A = arith.constant dense<0.000000e+00> : vector<16x960xf32>
        %dot_general3A_217 = tpu.matmul %concatenate3A, %get3A_216, %dot_general3A {dimension_numbers = #tpu.dot_dimension_numbers<[1], [0], [0], [1], [0, 0, 1, 1], [], []>, precision = #tpu.contract_precision<fp32>, transpose_lhs_hint = false} : vector<16x1920xf32>, vector<1920x960xf32>, vector<16x960xf32> -> vector<16x960xf32>
        %get3A_218 = arith.constant 0 : index
        %get3A_219 = arith.constant 0 : index
        %get3A_220 = vector.load %arg16[%get3A_218, %get3A_219] : memref<1x960xf32, #tpu.memory_space<vmem>>, vector<1x960xf32>
        %add3A_221 = vector.broadcast %get3A_220 : vector<1x960xf32> to vector<16x960xf32>
        %add3A_222 = arith.addf %dot_general3A_217, %add3A_221 : vector<16x960xf32>
        %get3A_223 = arith.constant 0 : index
        %get3A_224 = arith.constant 0 : index
        %get3A_225 = vector.load %arg17[%get3A_223, %get3A_224] : memref<1x1xf32, #tpu.memory_space<vmem>>, vector<1x1xf32>
        %get3A_226 = vector.extract %get3A_225[0, 0] : f32 from vector<1x1xf32>
        %ge3A_227 = arith.constant 0.000000e+00 : f32
        %ge3A_228 = vector.broadcast %ge3A_227 : f32 to vector<16x960xf32>
        %ge3A_229 = arith.cmpf oge, %add3A_222, %ge3A_228 : vector<16x960xf32>
        %mul3A_230 = vector.broadcast %get3A_226 : f32 to vector<16x960xf32>
        %mul3A_231 = arith.mulf %mul3A_230, %add3A_222 : vector<16x960xf32>
        %select_n3A = arith.select %ge3A_229, %add3A_222, %mul3A_231 : vector<16x960xi1>, vector<16x960xf32>
        %get3A_232 = arith.constant 0 : index
        %get3A_233 = arith.constant 0 : index
        %get3A_234 = vector.load %arg18[%get3A_232, %get3A_233] : memref<960x2xf32, #tpu.memory_space<vmem>>, vector<960x2xf32>
        %dot_general3A_235 = arith.constant dense<0.000000e+00> : vector<16x2xf32>
        %dot_general3A_236 = tpu.matmul %select_n3A, %get3A_234, %dot_general3A_235 {dimension_numbers = #tpu.dot_dimension_numbers<[1], [0], [0], [1], [0, 0, 1, 1], [], []>, precision = #tpu.contract_precision<fp32>, transpose_lhs_hint = false} : vector<16x960xf32>, vector<960x2xf32>, vector<16x2xf32> -> vector<16x2xf32>
        %get3A_237 = arith.constant 0 : index
        %get3A_238 = arith.constant 0 : index
        %get3A_239 = vector.load %arg19[%get3A_237, %get3A_238] : memref<1x2xf32, #tpu.memory_space<vmem>>, vector<1x2xf32>
        %add3A_240 = vector.broadcast %get3A_239 : vector<1x2xf32> to vector<16x2xf32>
        %add3A_241 = arith.addf %dot_general3A_236, %add3A_240 : vector<16x2xf32>
        %reduce_max3A = arith.constant dense<0xFF800000> : vector<16xf32>
        %reduce_max3A_242 = vector.multi_reduction <maximumf>, %add3A_241, %reduce_max3A [1] : vector<16x2xf32> to vector<16xf32>
        %broadcast_in_dim3A = vector.shape_cast %reduce_max3A_242 : vector<16xf32> to vector<16x1xf32>
        %sub3A_243 = vector.broadcast %broadcast_in_dim3A : vector<16x1xf32> to vector<16x2xf32>
        %sub3A_244 = arith.subf %add3A_241, %sub3A_243 : vector<16x2xf32>
        %exp3A = math.exp %sub3A_244 : vector<16x2xf32>
        %reduce_sum3A = arith.constant dense<0.000000e+00> : vector<16xf32>
        %reduce_sum3A_245 = vector.multi_reduction <add>, %exp3A, %reduce_sum3A [1] : vector<16x2xf32> to vector<16xf32>
        %broadcast_in_dim3A_246 = vector.shape_cast %reduce_sum3A_245 : vector<16xf32> to vector<16x1xf32>
        %log3A = math.log %broadcast_in_dim3A_246 : vector<16x1xf32>
        %add3A_247 = arith.addf %broadcast_in_dim3A, %log3A : vector<16x1xf32>
        %sub3A_248 = vector.broadcast %add3A_247 : vector<16x1xf32> to vector<16x2xf32>
        %sub3A_249 = arith.subf %add3A_241, %sub3A_248 : vector<16x2xf32>
        %swap3A = arith.constant 0 : index
        %swap3A_250 = arith.constant 0 : index
        %swap3A_251 = vector.load %arg20[%swap3A, %swap3A_250] : memref<16x2xf32, #tpu.memory_space<vmem>>, vector<16x2xf32>
        tpu.vector_store %arg20[%swap3A, %swap3A_250], %sub3A_249 {strides = array<i32>} : memref<16x2xf32, #tpu.memory_space<vmem>>, vector<16x2xf32>,
      } else {
      }
    } else {
    }
    return
  }
  func.func @transform_0(%arg0: i32, %arg1: i32) -> (i32, i32, i32) {
    %c0_i32 = arith.constant 0 : i32
    %c0_i32_0 = arith.constant 0 : i32
    %c0_i32_1 = arith.constant 0 : i32
    return %c0_i32, %arg1, %c0_i32_0 : i32, i32, i32
  }
  func.func @transform_1(%arg0: i32, %arg1: i32) -> (i32, i32, i32) {
    %c1_i32 = arith.constant 1 : i32
    %c0_i32 = arith.constant 0 : i32
    %c0_i32_0 = arith.constant 0 : i32
    return %c1_i32, %arg1, %c0_i32 : i32, i32, i32
  }
  func.func @transform_2(%arg0: i32, %arg1: i32) -> (i32, i32, i32) {
    %c0_i32 = arith.constant 0 : i32
    %c0_i32_0 = arith.constant 0 : i32
    %c0_i32_1 = arith.constant 0 : i32
    return %c0_i32, %arg1, %c0_i32_0 : i32, i32, i32
  }
  func.func @transform_3(%arg0: i32, %arg1: i32) -> (i32, i32, i32) {
    %c1_i32 = arith.constant 1 : i32
    %c0_i32 = arith.constant 0 : i32
    %c0_i32_0 = arith.constant 0 : i32
    return %c1_i32, %arg1, %c0_i32 : i32, i32, i32
  }
  func.func @transform_4(%arg0: i32, %arg1: i32) -> (i32, i32) {
    %c0_i32 = arith.constant 0 : i32
    %c0_i32_0 = arith.constant 0 : i32
    return %arg1, %c0_i32 : i32, i32
  }
  func.func @transform_5(%arg0: i32, %arg1: i32) -> (i32, i32) {
    %c0_i32 = arith.constant 0 : i32
    %c0_i32_0 = arith.constant 0 : i32
    return %arg1, %c0_i32 : i32, i32
  }
  func.func @transform_6(%arg0: i32, %arg1: i32) -> (i32, i32) {
    %c0_i32 = arith.constant 0 : i32
    %c0_i32_0 = arith.constant 0 : i32
    %c0_i32_1 = arith.constant 0 : i32
    return %c0_i32, %c0_i32_0 : i32, i32
  }
  func.func @transform_7(%arg0: i32, %arg1: i32) -> (i32, i32) {
    %c0_i32 = arith.constant 0 : i32
    %c0_i32_0 = arith.constant 0 : i32
    %c0_i32_1 = arith.constant 0 : i32
    return %c0_i32, %c0_i32_0 : i32, i32
  }
  func.func @transform_8(%arg0: i32, %arg1: i32) -> (i32, i32) {
    %c0_i32 = arith.constant 0 : i32
    %c0_i32_0 = arith.constant 0 : i32
    %c0_i32_1 = arith.constant 0 : i32
    return %c0_i32, %c0_i32_0 : i32, i32
  }
  func.func @transform_9(%arg0: i32, %arg1: i32) -> (i32, i32) {
    %c0_i32 = arith.constant 0 : i32
    %c0_i32_0 = arith.constant 0 : i32
    %c0_i32_1 = arith.constant 0 : i32
    return %c0_i32, %c0_i32_0 : i32, i32
  }
  func.func @transform_10(%arg0: i32, %arg1: i32) -> (i32, i32) {
    %c0_i32 = arith.constant 0 : i32
    %c0_i32_0 = arith.constant 0 : i32
    %c0_i32_1 = arith.constant 0 : i32
    return %c0_i32, %c0_i32_0 : i32, i32
  }
  func.func @transform_11(%arg0: i32, %arg1: i32) -> (i32, i32) {
    %c0_i32 = arith.constant 0 : i32
    %c0_i32_0 = arith.constant 0 : i32
    %c0_i32_1 = arith.constant 0 : i32
    return %c0_i32, %c0_i32_0 : i32, i32
  }
  func.func @transform_12(%arg0: i32, %arg1: i32) -> (i32, i32) {
    %c0_i32 = arith.constant 0 : i32
    %c0_i32_0 = arith.constant 0 : i32
    return %arg1, %c0_i32 : i32, i32
  }
  func.func @transform_13(%arg0: i32, %arg1: i32) -> (i32, i32) {
    %c0_i32 = arith.constant 0 : i32
    %c0_i32_0 = arith.constant 0 : i32
    %c0_i32_1 = arith.constant 0 : i32
    return %c0_i32, %c0_i32_0 : i32, i32
  }
  func.func @transform_14(%arg0: i32, %arg1: i32) -> (i32, i32) {
    %c0_i32 = arith.constant 0 : i32
    %c0_i32_0 = arith.constant 0 : i32
    %c0_i32_1 = arith.constant 0 : i32
    return %c0_i32, %c0_i32_0 : i32, i32
  }
  func.func @transform_15(%arg0: i32, %arg1: i32) -> (i32, i32) {
    %c0_i32 = arith.constant 0 : i32
    %c0_i32_0 = arith.constant 0 : i32
    %c0_i32_1 = arith.constant 0 : i32
    return %c0_i32, %c0_i32_0 : i32, i32
  }
  func.func @transform_16(%arg0: i32, %arg1: i32) -> (i32, i32) {
    %c0_i32 = arith.constant 0 : i32
    %c0_i32_0 = arith.constant 0 : i32
    %c0_i32_1 = arith.constant 0 : i32
    return %c0_i32, %c0_i32_0 : i32, i32
  }
  func.func @transform_17(%arg0: i32, %arg1: i32) -> (i32, i32) {
    %c0_i32 = arith.constant 0 : i32
    %c0_i32_0 = arith.constant 0 : i32
    %c0_i32_1 = arith.constant 0 : i32
    return %c0_i32, %c0_i32_0 : i32, i32
  }
  func.func @transform_18(%arg0: i32, %arg1: i32) -> (i32, i32) {
    %c0_i32 = arith.constant 0 : i32
    %c0_i32_0 = arith.constant 0 : i32
    %c0_i32_1 = arith.constant 0 : i32
    return %c0_i32, %c0_i32_0 : i32, i32
  }
}

</mosaic_0001>

<sc_bundles>
// kernel: kernel.6.cloned.1.call-start
scs
__scs_entry_jumppad:
0x0: {  	(pc) =	sbr.rel $0x88, $3  }
0x1: {  	(tag) =	ssettag $0x0;
	lr =	simm.s32 $0x1  }
0x2: {  	[smem:$0x3F8A] =	sst lr;
	_ =	strace $0xD0000000  }
0x3: {  	_ = 	snop  }
0x4: {  	_ = 	snop  }
0x5: {  	_ = 	snop  }
0x6: {  	_ = 	snop  }
0x7: {  	_ = 	snop  }
__scs_overlays_trampoline_lowered:
0x8: {  	[smem:$0x3F99] =	sst s0  }
0x9: {  	[smem:$0x3F9A] =	sst s1  }
0xa: {  	[smem:$0x3F9B] =	sst s2  }
0xb: {  	[smem:$0x3F9C] =	sst s3  }
0xc: {  	[smem:$0x3F9D] =	sst s4  }
0xd: {  	[smem:$0x3F9E] =	sst s5  }
0xe: {  	[smem:$0x3F9F] =	sst s6  }
0xf: {  	[smem:$0x3FA0] =	sst s7  }
0x10: {  	[smem:$0x3FA1] =	sst s8  }
0x11: {  	[smem:$0x3FA2] =	sst s9;
	s0 =	simm.s32 @!p0 $0x0  }
0x12: {  	s1 =	sld [smem:$0x3F88];
	s0 =	simm.s32 @p0 $0x1  }
0x13: {  	[smem:$0x3FA3] =	sst s0;
	s0 =	simm.s32 @!p1 $0x0  }
0x14: {  	s2 =	sld [smem:$0x3F87];
	s0 =	simm.s32 @p1 $0x1  }
0x15: {  	[smem:$0x3FA4] =	sst s0;
	s0 =	simm.s32 @!p2 $0x0  }
0x16: {  	s3 =	sld [smem:$0x3FDB];
	s0 =	simm.s32 @p2 $0x1  }
0x17: {  	s4 =	simm.s32 $0x1BF5;
	[smem:$0x3FA6] =	sst s0  }
0x18: {  	s0 =	sld [smem:$0x3F89];
	_ =	swait.ge [sflag:s4], $0x0  }
0x19: {  	s7 =	sld [smem:$0x3F8A]  }
0x1a: {  	s8 =	sadd.s32 $0xFFFFE003, lr  }
0x1b: {  	s9 =	sadd.s32 $0xFFFFFEF7, lr;
	s5 =	simm.s32 $0xFFFFFFFF;
	p2 =	slt.u32 s8, $0xFFFFF086  }
0x1c: {  	p1 =	slt.u32 s9, $0xF7A;
	s5 =	simm.s32 @!p2 $0x0  }
0x1d: {  	s5 =	simm.s32 @p1 $0x1;
	p0 =	seq.s32 s7, s2  }
0x1e: {  	s7 =	smul.u32 @!p0 $0xF7A, s2;
	p2 =	seq.s32 @!p0 s5, $0x0  }
0x1f: {  	s9 =	smul.u32 $0xF7A, s1;
	s8 =	simm.s32 @!p0 $0x1BF5;
	p2 =	por !p2, p0  }
0x20: {  	[sflag:s8] =	ssyncset.s32 @!p0 $0xFFFFF086;
	s6 =	sadd.s32 @!p0 s3, s7;
	s7 =	simm.s32 @!p0 $0x108  }
0x21: {  	s3 =	sadd.s32 s3, s9;
	s6 =	sadd.s32 @!p0 $0x88, s6;
	s7 =	simm.s32 @p2 $0x1082  }
0x22: {  	[simem:s7], [sflag:s8] =	dma.local @!p0 [hbm:s6], $0xF7A  }
0x23: {  	s9 =	sor.u32 $0xD0000000, s2;
	s6 =	simm.s32 $0x108;
	_ =	swait.ge @!p0 [sflag:s8], $0x0  }
0x24: {  	s3 =	sadd.s32 $0x88, s3;
	s6 =	simm.s32 @!p1 $0x1082;
	[sflag:s4] =	ssyncset.s32 $0xFFFFF086  }
0x25: {  	[simem:s6], [sflag:s4] =	dma.local [hbm:s3], $0xF7A  }
0x26: {  	[smem:$0x3F8A] =	sst s1;
	(tag) =	ssettag s2;
	_ =	strace s9  }
0x27: {  	s1 =	sld [smem:$0x3F9A]  }
0x28: {  	s2 =	sld [smem:$0x3F9B]  }
0x29: {  	s4 =	sld [smem:$0x3F9D]  }
0x2a: {  	p0 =	seq.s32 s5, $0x0;
	s5 =	sld [smem:$0x3F9E]  }
0x2b: {  	s6 =	sld [smem:$0x3F9F]  }
0x2c: {  	s7 =	sld [smem:$0x3FA0]  }
0x2d: {  	s3 =	simm.s32 $0x108;
	s8 =	sld [smem:$0x3FA1]  }
0x2e: {  	s3 =	simm.s32 @!p0 $0x1082;
	s9 =	sld [smem:$0x3FA2]  }
0x2f: {  	lr =	sadd.s32 s0, s3;
	s0 =	sld [smem:$0x3F99]  }
0x30: {  	s3 =	sld [smem:$0x3F9C]  }
0x31: {  	[smem:$0x3FA5] =	sst s10  }
0x32: {  	s10 =	sld [smem:$0x3FA3];
	_ =	sdelay $0x3  }
0x33: {  	p0 =	seq.s32 s10, $0x1;
	s10 =	sld [smem:$0x3FA5];
	_ =	sdelay $0x3  }
0x34: {  	[smem:$0x3FA5] =	sst s10  }
0x35: {  	s10 =	sld [smem:$0x3FA4];
	_ =	sdelay $0x3  }
0x36: {  	p1 =	seq.s32 s10, $0x1;
	s10 =	sld [smem:$0x3FA5];
	_ =	sdelay $0x3  }
0x37: {  	[smem:$0x3FA5] =	sst s10  }
0x38: {  	s10 =	sld [smem:$0x3FA6]  }
0x39: {  	_ = 	snop;
	(pc) =	sbr.ind lr, $3  }
0x3a: {  	_ = 	snop  }
0x3b: {  	_ = 	snop  }
0x3c: {  	p2 =	seq.s32 s10, $0x1;
	s10 =	sld [smem:$0x3FA5]  }
0x3d: {  	_ =	shalt  }
0x3e: {  	_ =	shalt  }
0x3f: {  	_ =	shalt  }
0x40: {  	_ =	shalt  }
0x41: {  	_ =	shalt  }
0x42: {  	_ =	shalt  }
0x43: {  	_ =	shalt  }
0x44: {  	_ =	shalt  }
0x45: {  	_ =	shalt  }
0x46: {  	_ =	shalt  }
0x47: {  	_ =	shalt  }
0x48: {  	_ =	shalt  }
0x49: {  	_ =	shalt  }
0x4a: {  	_ =	shalt  }
0x4b: {  	_ =	shalt  }
0x4c: {  	_ =	shalt  }
0x4d: {  	_ =	shalt  }
0x4e: {  	_ =	shalt  }
0x4f: {  	_ =	shalt  }
0x50: {  	_ =	shalt  }
0x51: {  	_ =	shalt  }
0x52: {  	_ =	shalt  }
0x53: {  	_ =	shalt  }
0x54: {  	_ =	shalt  }
0x55: {  	_ =	shalt  }
0x56: {  	_ =	shalt  }
0x57: {  	_ =	shalt  }
0x58: {  	_ =	shalt  }
0x59: {  	_ =	shalt  }
0x5a: {  	_ =	shalt  }
0x5b: {  	_ =	shalt  }
0x5c: {  	_ =	shalt  }
0x5d: {  	_ =	shalt  }
0x5e: {  	_ =	shalt  }
0x5f: {  	_ =	shalt  }
0x60: {  	_ =	shalt  }
0x61: {  	_ =	shalt  }
0x62: {  	_ =	shalt  }
0x63: {  	_ =	shalt  }
0x64: {  	_ =	shalt  }
0x65: {  	_ =	shalt  }
0x66: {  	_ =	shalt  }
0x67: {  	_ =	shalt  }
0x68: {  	_ =	shalt  }
0x69: {  	_ =	shalt  }
0x6a: {  	_ =	shalt  }
0x6b: {  	_ =	shalt  }
0x6c: {  	_ =	shalt  }
0x6d: {  	_ =	shalt  }
0x6e: {  	_ =	shalt  }
0x6f: {  	_ =	shalt  }
0x70: {  	_ =	shalt  }
0x71: {  	_ =	shalt  }
0x72: {  	_ =	shalt  }
0x73: {  	_ =	shalt  }
0x74: {  	_ =	shalt  }
0x75: {  	_ =	shalt  }
0x76: {  	_ =	shalt  }
0x77: {  	_ =	shalt  }
0x78: {  	_ =	shalt  }
0x79: {  	_ =	shalt  }
0x7a: {  	_ =	shalt  }
0x7b: {  	_ =	shalt  }
0x7c: {  	_ =	shalt  }
0x7d: {  	_ =	shalt  }
0x7e: {  	_ =	shalt  }
0x7f: {  	_ =	shalt  }
0x80: {  	_ =	shalt  }
0x81: {  	_ =	shalt  }
0x82: {  	_ =	shalt  }
0x83: {  	_ =	shalt  }
0x84: {  	_ =	shalt  }
0x85: {  	_ =	shalt  }
0x86: {  	_ =	shalt  }
0x87: {  	_ =	shalt  }
.Lfunc_end0:
.L_simem_size_0:
called_computation_lowered:
.L_overlay_start_0:
0x88: {  	s2 =	sld [smem:$0x3FD9]  }
0x89: {  	s3 =	sld [smem:$0x3FFE];
	_ =	sdelay $0x1  }
0x8a: {  	s1 =	srdreg.scid  }
0x8b: {  	s0 =	sand.u32 $0x1, s1  }
0x8c: {  	s16 =	sshll.u32 s0, $0xA;
	s2 =	sadd.s32 s3, s2  }
0x8d: {  	s2 =	sadd.s32 s2, s16  }
0x8e: {  	[smem:$0x3FB1] =	sst s2  }
0x8f: {  	_ = 	snop  }
0x90: {  	(tm) =	ssettm $0x1  }
0x91: {  	s17 =	sld [smem:$0x3FFB];
	_ =	sdelay $0x3  }
0x92: {  	_ =	strace s17  }
0x93: {  	s2 =	sld [smem:$0x3FFC];
	_ =	sdelay $0x3  }
0x94: {  	_ =	strace s2  }
0x95: {  	s2 =	sld [smem:$0x3FFD];
	_ =	sdelay $0x3  }
0x96: {  	_ =	strace s2  }
0x97: {  	_ =	strace $0x8FFFFFFF  }
0x98: {  	s18 =	sld [smem:$0x3FDB];
	_ =	sdelay $0x1  }
0x99: {  	s19 =	simm.s32 $_scs_section_size  }
0x9a: {  	s4 =	simm.s32 $_size__tile_overlayer_lowered;
	s5 =	simm.s32 $_tile_overlayer_lowered  }
0x9b: {  	s22 =	simm.s32 $0x1BFF;
	s21 =	sshll.u32 s5, $0x1;
	s2 =	sadd.s32 s19, s18  }
0x9c: {  	s6 =	simm.s32 $0x0;
	s20 =	sshll.u32 s4, $0x1;
	s4 =	sadd.s32 s21, s2  }
0x9d: {  	[timem:s6], [sflag:s22] =	dma.local [hbm:s4], s20  }
0x9e: {  	_ =	swait.ge [sflag:s22], s20  }
0x9f: {  	s3 =	ssub.s32 $0x0, s20;
	[sflag:s22] =	ssyncset.done $0x0  }
0xa0: {  	[sflag:s22] =	ssyncadd.s32 s3;
	_ =	sdelay $0x1  }
0xa1: {  	s23 =	simm.s32 $0x1B8B  }
0xa2: {  	_ =	swait.ge [sflag:s23], $0x1  }
0xa3: {  	[sflag:s23] =	ssyncset.done $0x0  }
0xa4: {  	s25 =	simm.s32 $0x1B8E;
	s24 =	sld [smem:$0x3FFE];
	[sflag:s23] =	ssyncadd.s32 $0xFFFFFFFF  }
0xa5: {  	s26 =	simm.s32 $execute0_lowered;
	[smem:$0x3FD2] =	sst s25  }
0xa6: {  	s4 =	sshll.u32 s26, $0x1;
	_ =	strace $0x80000046;
	[dreg:$0x1] =	wrdreg $0xFFFFFFFF  }
0xa7: {  	s28 =	simm.s32 $_size_execute0_lowered;
	s2 =	sadd.s32 s2, s4;
	[dreg:$0x0] =	wrdreg $0x0  }
0xa8: {  	s4 =	sshll.u32 s28, $0x1;
	[dreg:$0x2] =	wrdreg s2  }
0xa9: {  	[dreg:$0x3] =	wrdreg s4  }
0xaa: {  	[dreg:$0x4] =	wrdreg $0xC0  }
0xab: {  	_ =	task [dreg:s6], $0x5FFFF  }
0xac: {  	[dreg:$0x1] =	wrdreg $0xFFFFFFFF  }
0xad: {  	[dreg:$0x0] =	wrdreg $0x60  }
0xae: {  	[dreg:$0x2] =	wrdreg s24  }
0xaf: {  	[dreg:$0x3] =	wrdreg $0x98000  }
0xb0: {  	[dreg:$0x4] =	wrdreg $0x134800  }
0xb1: {  	[dreg:$0x5] =	wrdreg $0x9  }
0xb2: {  	_ =	task.clear_ibuf [dreg:s6], $0x6FFFF;
	_ =	strace $0x90000046  }
0xb3: {  	s29 =	simm.s32 $0x9;
	_ =	strace $0x80000048  }
0xb4: {  	_ =	swait.ge [sflag:s29], $0x1  }
0xb5: {  	[sflag:s29] =	ssyncadd.s32 $0xFFFFFFFF  }
0xb6: {  	_ =	strace $0x90000048  }
0xb7: {  	_ =	sfence  }
0xb8: {  	s30 =	sld [smem:$0x0];
	_ =	sdelay $0x2  }
0xb9: {  	s31 =	sshll.u32 s1, $0xD;
	s1 =	sshrl.u32 s1, $0x2  }
0xba: {  	s3 =	sand.u32 $0x4000, s31;
	s1 =	sadd.s32 s1, s30  }
0xbb: {  	s0 =	sor.u32 s3, s0;
	s1 =	sshll.u32 s1, $0x11  }
0xbc: {  	s0 =	sor.u32 s1, s0  }
0xbd: {  	s0 =	sadd.s32 $0x8F2B, s0  }
0xbe: {  	[sflag:s0] =	ssyncadd.remote.s32 $0x1  }
0xbf: {  	_ =	sfence.sel $0xFFFF  }
0xc0: {  	[dreg:$0x0] =	wrdreg $0xFFFFFFFF;
	(pc) =	sbr.abs _section_cstart, $3  }
0xc1: {  	[dreg:$0x1] =	wrdreg $0xFFFFFFFF  }
0xc2: {  	_ =	task.clear_ibuf [dreg:s6], $0x2FFFF;
	_ =	strace $0x9FFFFFFF  }
0xc3: {  	(tm) =	ssettm $0x7FFFFFFF  }
tec
execute0_lowered:
.L_overlay_start_1:
0x0: {  	(tag) =	ssettag $0x1  }
0x1: {  	s0 =	rddreg [dreg:$0x0];
	s15 =	stileid.u32  }
0x2: {  	s1 =	rddreg [dreg:$0x1];
	s5 =	smul.u32 $0x5000, s15  }
0x3: {  	s2 =	srdreg.scid;
	s6 =	smul.u32 $0x9C80, s15  }
0x4: {  	s3 =	rddreg [dreg:$0x2];
	s8 =	smul.u32 $0x1390, s15  }
0x5: {  	s18 =	simm.s32 $0x0;
	s2 =	sand.u32 $0x1, s2;
	s22 =	smul.u32 $0x1400, s15  }
0x6: {  	[smem:$0x7FF] =	sst s18;
	s4 =	smul.u32 $0x13880, s2  }
0x7: {  	s7 =	sadd.s32 $0x8FA00, s0;
	_ =	strace $0x80000047;
	s10 =	smul.u32 $0x13900, s2  }
0x8: {  	s11 =	ssub.s32 $0x2, s2;
	s5 =	sadd.s32 s5, s0;
	s9 =	sshrl.u32 s6, $0x3  }
0x9: {  	s12 =	sshrl.u32 s8, $0x3;
	s16 =	sadd.s32 s8, s3;
	[dreg:$0x4] =	wrdreg s9  }
0xa: {  	s13 =	sshrl.u32 s11, $0x1;
	s26 =	sadd.s32 s22, s7;
	[dreg:$0x9] =	wrdreg s16  }
0xb: {  	s4 =	sadd.s32 s4, s0;
	s25 =	sadd.s32 $0x3FA00, s5;
	[dreg:$0x11] =	wrdreg s26  }
0xc: {  	s9 =	sadd.s32 s9, s0;
	s28 =	sadd.s32 $0x3FA80, s5;
	[dreg:$0x10] =	wrdreg s25  }
0xd: {  	s10 =	sadd.s32 s10, s0;
	s31 =	sadd.s32 $0x3FE80, s5;
	[dreg:$0x12] =	wrdreg s28  }
0xe: {  	s11 =	ssub.s32 s11, s13;
	s13 =	sadd.s32 s6, s1;
	[dreg:$0x16] =	wrdreg s31  }
0xf: {  	s0 =	sadd.s32 s12, s0;
	s9 =	sadd.s32 $0x4C00, s9;
	[dreg:$0x5] =	wrdreg s13  }
0x10: {  	s14 =	smul.u32 $0xA000, s15;
	s17 =	sadd.s32 $0xA3A00, s0;
	[dreg:$0x6] =	wrdreg s9  }
0x11: {  	p0 =	sne.s32 s2, $0x0;
	s29 =	sadd.s32 $0xA6200, s10;
	[dreg:$0xa] =	wrdreg s17  }
0x12: {  	s14 =	sshrl.u32 s14, $0x3;
	s0 =	sadd.s32 $0xCD400, s0;
	[dreg:$0x13] =	wrdreg s29  }
0x13: {  	s12 =	sshll.u32 s15, $0x6;
	s30 =	smax.u32 s11, $0x1;
	[dreg:$0x14] =	wrdreg s0  }
0x14: {  	s9 =	sor.u32 $0x1C19, s12;
	s12 =	sadd.s32 s7, s14;
	[dreg:$0x15] =	wrdreg s30  }
0x15: {  	s2 =	simm.s32 $0x80;
	s8 =	simm.s32 $0x500;
	[dreg:$0x8] =	wrdreg s12  }
0x16: {  	s1 =	simm.s32 $0x0;
	s19 =	sadd.s32 $0x20, s12;
	[dreg:$0x7] =	wrdreg s9  }
.Ltmp0:
0x17: {  	s20 =	sadd.s32 $0x40, s12;
	[dreg:$0xb] =	wrdreg s19;
	(pc) =	sbr.rel .LBB2_1-.Ltmp0, $4  }
0x18: {  	s16 =	simm.s32 $0x4800;
	s21 =	sadd.s32 $0x60, s12;
	[dreg:$0xc] =	wrdreg s20  }
0x19: {  	s17 =	sadd.s32 $0x18800, s4;
	s23 =	sadd.s32 $0x80, s12;
	[dreg:$0xd] =	wrdreg s21  }
0x1a: {  	s14 =	simm.s32 $0x2800;
	s24 =	sadd.s32 $0xA0, s12;
	[dreg:$0xe] =	wrdreg s23  }
0x1b: {  	[dreg:$0xf] =	wrdreg s24;
	s23 =	simm.s32 $0x800;
	s24 =	simm.s32 $0xA  }
.LBB2_4:
0x1c: {  	s1 =	simm.s32 $0xF  }
0x1d: {  	_ =	swait.ge [sflag:s1], $0x2000  }
0x1e: {  	[sflag:s1] =	ssyncset.done $0x0  }
0x1f: {  	s29 =	simm.s32 $0x10;
	[sflag:s1] =	ssyncadd.s32 $0xFFFFE000  }
0x20: {  	_ =	swait.ge [sflag:s29], $0x2000  }
0x21: {  	[sflag:s29] =	ssyncset.done $0x0  }
0x22: {  	[sflag:s29] =	ssyncadd.s32 $0xFFFFE000  }
0x23: {  	[bflag:$0x0] =	sbarrier.arrive @p0 $0xFFFF  }
0x24: {  	s8 =	rddreg [dreg:$0x4]  }
0x25: {  	s10 =	rddreg [dreg:$0x13]  }
0x26: {  	s13 =	rddreg [dreg:$0x5]  }
0x27: {  	s9 =	rddreg [dreg:$0x7];
	s4 =	sadd.s32 @p0 s8, s10;
	s7 =	sshrl.u32 @p0 s13, $0x3  }
0x28: {  	[hbm:s4], [sflag:s9] =	dma.local @p0 [spmem:s7], $0x1390  }
0x29: {  	s4 =	simm.s32 @p0 $0x19  }
0x2a: {  	_ =	swait.ge @p0 [sflag:s4], $0x1390  }
0x2b: {  	[sflag:s4] =	ssyncset.done @p0 $0x0  }
0x2c: {  	[sflag:s4] =	ssyncadd.s32 @p0 $0xFFFFEC70  }
0x2d: {  	_ =	swait.ge @!p0 [sflag:s14], $0x400  }
0x2e: {  	[sflag:s14] =	ssyncset.done @!p0 $0x0  }
0x2f: {  	[sflag:s14] =	ssyncadd.s32 @!p0 $0xFFFFFC00  }
0x30: {  	_ =	swait.ge @!p0 [sflag:s0], $0x400  }
0x31: {  	[sflag:s0] =	ssyncset.done @!p0 $0x0  }
0x32: {  	[sflag:s0] =	ssyncadd.s32 @!p0 $0xFFFFFC00  }
0x33: {  	s4 =	sshrl.u32 @!p0 s13, $0x3;
	s0 =	sadd.s32 @!p0 s8, s10;
	[bflag:$0x0] =	sbarrier.arrive @!p0 $0xFFFF  }
0x34: {  	[hbm:s0], [sflag:s9] =	dma.local @!p0 [spmem:s4], $0x1390  }
0x35: {  	s0 =	simm.s32 @!p0 $0x19  }
0x36: {  	_ =	swait.ge @!p0 [sflag:s0], $0x1390  }
0x37: {  	[sflag:s0] =	ssyncset.done @!p0 $0x0;
	s4 =	rddreg [dreg:$0x14]  }
0x38: {  	s1 =	rddreg [dreg:$0x18];
	[sflag:s0] =	ssyncadd.s32 @!p0 $0xFFFFEC70  }
0x39: {  	[hbm:s4], [sflag:s9] =	dma.local @!p0 [spmem:s1], $0x272  }
0x3a: {  	_ =	swait.ge @!p0 [sflag:s0], $0x272  }
0x3b: {  	s30 =	rddreg [dreg:$0x17]  }
0x3c: {  	s31 =	rddreg [dreg:$0x15];
	s1 =	sadd.s32 $0x1, s30  }
0x3d: {  	p1 =	sne.s32 s1, s31  }
.Ltmp1:
0x3e: {  	_ = 	snop;
	(pc) =	sbr.rel @!p1 .LBB2_5-.Ltmp1, $3  }
0x3f: {  	_ =	sdelay $0x1  }
0x40: {  	s18 =	simm.s32 $0x0;
	[sflag:s0] =	ssyncset.done @!p0 $0x0  }
0x41: {  	s14 =	simm.s32 $0x2800;
	s8 =	simm.s32 $0x500;
	[sflag:s0] =	ssyncadd.s32 @!p0 $0xFFFFFD8E  }
.LBB2_1:
0x42: {  	[dreg:$0x17] =	wrdreg s1  }
0x43: {  	s0 =	sshrl.u32 s13, $0x3;
	s4 =	rddreg [dreg:$0x6];
	s12 =	simm.s32 $0x19  }
0x44: {  	[spmem:s0], [sflag:s9] =	dma.local [hbm:s4], $0x1390  }
0x45: {  	_ =	swait.ge [sflag:s12], $0x1390  }
0x46: {  	s0 =	rddreg [dreg:$0x9]  }
0x47: {  	[sflag:s12] =	ssyncset.done $0x0;
	s1 =	sshrl.u32 @!p0 s0, $0x3;
	s0 =	rddreg [dreg:$0xa]  }
0x48: {  	[sflag:s12] =	ssyncadd.s32 $0xFFFFEC70;
	[dreg:$0x18] =	wrdreg s1  }
0x49: {  	[spmem:s1], [sflag:s9] =	dma.local @!p0 [hbm:s0], $0x272  }
0x4a: {  	s0 =	simm.s32 @!p0 $0x19  }
0x4b: {  	_ =	swait.ge @!p0 [sflag:s0], $0x272  }
0x4c: {  	[sflag:s0] =	ssyncset.done @!p0 $0x0  }
0x4d: {  	[sflag:s0] =	ssyncadd.s32 @!p0 $0xFFFFFD8E  }
0x4e: {  	[bflag:$0x0] =	sbarrier.arrive $0xFFFF  }
0x4f: {  	s13 =	rddreg [dreg:$0x8]  }
0x50: {  	[tilespmem:s18], [sflag:$0x1] =	stream.linear.gather [hbm4b:s13+s18], $0x100, $0x38;
	[tilespmem:$0x14810] =	vst v63  }
0x51: {  	s19 =	simm.s32 $0x100;
	s15 =	rddreg [dreg:$0xb]  }
0x52: {  	[tilespmem:s19], [sflag:$0x2] =	stream.linear.gather [hbm4b:s15+s18], $0x100, $0x38;
	[tilespmem:$0x14810] =	vst v63  }
0x53: {  	s7 =	simm.s32 $0x200;
	s20 =	rddreg [dreg:$0xc]  }
0x54: {  	[tilespmem:s7], [sflag:$0x3] =	stream.linear.gather [hbm4b:s20+s18], $0x100, $0x38;
	[tilespmem:$0x14810] =	vst v63  }
0x55: {  	s22 =	simm.s32 $0x300;
	s21 =	rddreg [dreg:$0xd]  }
0x56: {  	[tilespmem:s22], [sflag:$0x4] =	stream.linear.gather [hbm4b:s21+s18], $0x100, $0x38;
	[tilespmem:$0x14810] =	vst v63  }
0x57: {  	s26 =	simm.s32 $0x400;
	s25 =	rddreg [dreg:$0xe]  }
0x58: {  	[tilespmem:s26], [sflag:$0x5] =	stream.linear.gather [hbm4b:s25+s18], $0x100, $0x38;
	[tilespmem:$0x14810] =	vst v63  }
0x59: {  	s29 =	simm.s32 $0x1;
	s28 =	rddreg [dreg:$0xf]  }
0x5a: {  	[tilespmem:s8], [sflag:$0x6] =	stream.linear.gather [hbm4b:s28+s18], $0x100, $0x38;
	[tilespmem:$0x14810] =	vst v63  }
0x5b: {  	_ =	swait.ge [sflag:s29], $0x100  }
0x5c: {  	[sflag:s29] =	ssyncset.done $0x0  }
0x5d: {  	s30 =	simm.s32 $0x2;
	[sflag:s29] =	ssyncadd.s32 $0xFFFFFF00  }
0x5e: {  	[tilespmem:s23], [sflag:$0x9] =	stream.indirect.gather [hbm4b:s17+s2], $0x40, s18, s2, $0xb8;
	[tilespmem:$0x14810] =	vst v63  }
0x5f: {  	_ =	swait.ge [sflag:s30], $0x100  }
0x60: {  	[sflag:s30] =	ssyncset.done $0x0  }
0x61: {  	s0 =	rddreg [dreg:$0x10];
	[sflag:s30] =	ssyncadd.s32 $0xFFFFFF00  }
0x62: {  	[tilespmem:s14], [sflag:$0xA] =	stream.indirect.gather [hbm4b:s17+s2], $0x40, s19, s2, $0xb8;
	[tilespmem:$0x14810] =	vst v63  }
0x63: {  	s3 =	simm.s32 @!p0 $0x0;
	s1 =	simm.s32 @!p0 $0x8800;
	s31 =	rddreg [dreg:$0x16]  }
0x64: {  	[tilespmem:s1], [sflag:$0x11] =	stream.linear.gather @!p0 [hbm4b:s0+s3], $0x400, $0x38;
	[tilespmem:$0x14810] =	vst v63  }
0x65: {  	s13 =	simm.s32 $0x0;
	s1 =	simm.s32 @!p0 $0x8C00;
	s0 =	rddreg [dreg:$0x12]  }
0x66: {  	[tilespmem:s1], [sflag:$0x12] =	stream.linear.gather @!p0 [hbm4b:s0+s3], $0x400, $0x38;
	[tilespmem:$0x14810] =	vst v63  }
.LBB2_2:
0x67: {  	s23 =	simm.s32 $0x9  }
0x68: {  	p1 =	seq.s32 @!p0 s13, $0x0;
	_ =	swait.ge [sflag:s23], $0x2000  }
0x69: {  	p1 =	por p1, p0;
	[sflag:s23] =	ssyncset.done $0x0  }
0x6a: {  	s0 =	simm.s32 @!p1 $0x17;
	[sflag:s23] =	ssyncadd.s32 $0xFFFFE000  }
0x6b: {  	_ =	swait.ge @!p1 [sflag:s0], $0x400  }
0x6c: {  	s1 =	simm.s32 @!p0 $0x9000;
	[sflag:s0] =	ssyncset.done @!p1 $0x0  }
0x6d: {  	s26 =	simm.s32 @!p0 $0x0;
	[sflag:s0] =	ssyncadd.s32 @!p1 $0xFFFFFC00;
	s0 =	sadd.s32 @!p0 $0xFFFFFC80, s31  }
0x6e: {  	[tilespmem:s1], [sflag:$0x13] =	stream.linear.gather @!p0 [hbm4b:s0+s26], $0x400, $0x38;
	[tilespmem:$0x14810] =	vst v63  }
0x6f: {  	s0 =	simm.s32 @!p0 $0x11  }
0x70: {  	_ =	swait.ge @!p0 [sflag:s0], $0x400  }
0x71: {  	[sflag:s0] =	ssyncset.done @!p0 $0x0  }
0x72: {  	s4 =	simm.s32 @!p0 $0x80;
	[sflag:s0] =	ssyncadd.s32 @!p0 $0xFFFFFC00  }
0x73: {  	s25 =	simm.s32 @!p0 $0x8800;
	p2 =	seq.s32 s13, $0x0;
	s15 =	rddreg [dreg:$0x2]  }
0x74: {  	[spmem:s15] =	stream.indirect.scatter.add.f32 @!p0 [tilespmem:s25], [sflag:$0x15], $0x8, s4, s4, $0xb8;
	[tilespmem:$0x14810] =	vst v63  }
0x75: {  	s21 =	simm.s32 $0x800;
	s7 =	simm.s32 @!p2 $0xF;
	s3 =	rddreg [dreg:$0x1]  }
0x76: {  	[spmem:s3] =	stream.indirect.scatter.add.f32 [tilespmem:s21], [sflag:$0xD], $0x40, s2, s2, $0xb8;
	[tilespmem:$0x14810] =	vst v63  }
0x77: {  	_ =	swait.ge @!p2 [sflag:s7], $0x2000  }
0x78: {  	s11 =	rddreg [dreg:$0x11]  }
0x79: {  	s19 =	simm.s32 $0x600;
	[sflag:s7] =	ssyncset.done @!p2 $0x0;
	s20 =	sadd.s32 s13, s11  }
0x7a: {  	s22 =	simm.s32 $0x3;
	[sflag:s7] =	ssyncadd.s32 @!p2 $0xFFFFE000;
	s10 =	sadd.s32 $0xC0, s20  }
0x7b: {  	[tilespmem:s19], [sflag:$0x7] =	stream.linear.gather [hbm4b:s10+s18], $0x100, $0x38;
	[tilespmem:$0x14810] =	vst v63  }
0x7c: {  	_ =	swait.ge [sflag:s22], $0x100  }
0x7d: {  	[sflag:s22] =	ssyncset.done $0x0  }
0x7e: {  	s28 =	simm.s32 $0x200;
	[sflag:s22] =	ssyncadd.s32 $0xFFFFFF00  }
0x7f: {  	[tilespmem:s16], [sflag:$0xB] =	stream.indirect.gather [hbm4b:s17+s2], $0x40, s28, s2, $0xb8;
	[tilespmem:$0x14810] =	vst v63  }
0x80: {  	_ =	swait.ge [sflag:s24], $0x2000  }
0x81: {  	[sflag:s24] =	ssyncset.done $0x0  }
0x82: {  	s7 =	simm.s32 @!p1 $0x18;
	[sflag:s24] =	ssyncadd.s32 $0xFFFFE000  }
0x83: {  	_ =	swait.ge @!p1 [sflag:s7], $0x400  }
0x84: {  	s8 =	sadd.s32 @!p0 $0xFFFFFD00, s31;
	[sflag:s7] =	ssyncset.done @!p1 $0x0  }
0x85: {  	s1 =	simm.s32 @!p0 $0x9400;
	s28 =	simm.s32 @!p0 $0x12;
	[sflag:s7] =	ssyncadd.s32 @!p1 $0xFFFFFC00  }
0x86: {  	[tilespmem:s1], [sflag:$0x14] =	stream.linear.gather @!p0 [hbm4b:s8+s26], $0x400, $0x38;
	[tilespmem:$0x14810] =	vst v63  }
0x87: {  	_ =	swait.ge @!p0 [sflag:s28], $0x400  }
0x88: {  	[sflag:s28] =	ssyncset.done @!p0 $0x0  }
0x89: {  	s5 =	simm.s32 @!p0 $0x8C00;
	s8 =	simm.s32 @!p0 $0x180;
	[sflag:s28] =	ssyncadd.s32 @!p0 $0xFFFFFC00  }
0x8a: {  	[spmem:s15] =	stream.indirect.scatter.add.f32 @!p0 [tilespmem:s5], [sflag:$0x16], $0x8, s8, s4, $0xb8;
	[tilespmem:$0x14810] =	vst v63  }
0x8b: {  	s29 =	simm.s32 $0x180;
	s8 =	simm.s32 @!p2 $0x10  }
0x8c: {  	[spmem:s3] =	stream.indirect.scatter.add.f32 [tilespmem:s14], [sflag:$0xE], $0x40, s29, s2, $0xb8;
	[tilespmem:$0x14810] =	vst v63  }
0x8d: {  	_ =	swait.ge @!p2 [sflag:s8], $0x2000  }
0x8e: {  	s6 =	simm.s32 $0x700;
	[sflag:s8] =	ssyncset.done @!p2 $0x0  }
0x8f: {  	s7 =	simm.s32 $0x4;
	s1 =	sadd.s32 $0xE0, s20;
	[sflag:s8] =	ssyncadd.s32 @!p2 $0xFFFFE000  }
0x90: {  	[tilespmem:s6], [sflag:$0x8] =	stream.linear.gather [hbm4b:s1+s18], $0x100, $0x38;
	[tilespmem:$0x14810] =	vst v63  }
0x91: {  	_ =	swait.ge [sflag:s7], $0x100  }
0x92: {  	s9 =	simm.s32 $0x300;
	[sflag:s7] =	ssyncset.done $0x0  }
0x93: {  	s10 =	simm.s32 $0x6800;
	s6 =	simm.s32 $0xB;
	[sflag:s7] =	ssyncadd.s32 $0xFFFFFF00  }
0x94: {  	[tilespmem:s10], [sflag:$0xC] =	stream.indirect.gather [hbm4b:s17+s2], $0x40, s9, s2, $0xb8;
	[tilespmem:$0x14810] =	vst v63  }
0x95: {  	_ =	swait.ge [sflag:s6], $0x2000  }
0x96: {  	[sflag:s6] =	ssyncset.done $0x0  }
0x97: {  	s18 =	simm.s32 @!p0 $0x15;
	[sflag:s6] =	ssyncadd.s32 $0xFFFFE000  }
0x98: {  	_ =	swait.ge @!p0 [sflag:s18], $0x400  }
0x99: {  	[sflag:s18] =	ssyncset.done @!p0 $0x0  }
0x9a: {  	s8 =	sadd.s32 @!p0 $0xFFFFFD80, s31;
	[sflag:s18] =	ssyncadd.s32 @!p0 $0xFFFFFC00  }
0x9b: {  	[tilespmem:s25], [sflag:$0x11] =	stream.linear.gather @!p0 [hbm4b:s8+s26], $0x400, $0x38;
	[tilespmem:$0x14810] =	vst v63  }
0x9c: {  	s8 =	simm.s32 @!p0 $0x13  }
0x9d: {  	_ =	swait.ge @!p0 [sflag:s8], $0x400  }
0x9e: {  	[sflag:s8] =	ssyncset.done @!p0 $0x0  }
0x9f: {  	s12 =	simm.s32 @!p0 $0x9000;
	s9 =	simm.s32 @!p0 $0x280;
	[sflag:s8] =	ssyncadd.s32 @!p0 $0xFFFFFC00  }
0xa0: {  	[spmem:s15] =	stream.indirect.scatter.add.f32 @!p0 [tilespmem:s12], [sflag:$0x17], $0x8, s9, s4, $0xb8;
	[tilespmem:$0x14810] =	vst v63  }
0xa1: {  	s1 =	simm.s32 $0xD;
	s12 =	simm.s32 $0x280  }
0xa2: {  	[spmem:s3] =	stream.indirect.scatter.add.f32 [tilespmem:s16], [sflag:$0xF], $0x40, s12, s2, $0xb8;
	[tilespmem:$0x14810] =	vst v63  }
0xa3: {  	p1 =	seq.s32 s13, $0x1300;
	_ =	swait.ge [sflag:s1], $0x2000  }
0xa4: {  	s19 =	sadd.s32 @!p1 s13, s11;
	s22 =	simm.s32 @!p1 $0x0;
	[sflag:s1] =	ssyncset.done $0x0  }
0xa5: {  	s14 =	simm.s32 $0x5;
	s9 =	sadd.s32 @!p1 $0x100, s19;
	[sflag:s1] =	ssyncadd.s32 $0xFFFFE000  }
0xa6: {  	[tilespmem:s22], [sflag:$0x1] =	stream.linear.gather @!p1 [hbm4b:s9+s22], $0x100, $0x38;
	[tilespmem:$0x14810] =	vst v63  }
0xa7: {  	_ =	swait.ge [sflag:s14], $0x100  }
0xa8: {  	[sflag:s14] =	ssyncset.done $0x0  }
0xa9: {  	s29 =	simm.s32 $0x400;
	s12 =	simm.s32 $0xC;
	[sflag:s14] =	ssyncadd.s32 $0xFFFFFF00  }
0xaa: {  	[tilespmem:s21], [sflag:$0x9] =	stream.indirect.gather [hbm4b:s17+s2], $0x40, s29, s2, $0xb8;
	[tilespmem:$0x14810] =	vst v63  }
0xab: {  	_ =	swait.ge [sflag:s12], $0x2000  }
0xac: {  	[sflag:s12] =	ssyncset.done $0x0  }
0xad: {  	s29 =	simm.s32 @!p0 $0x16;
	[sflag:s12] =	ssyncadd.s32 $0xFFFFE000  }
0xae: {  	_ =	swait.ge @!p0 [sflag:s29], $0x400  }
0xaf: {  	[sflag:s29] =	ssyncset.done @!p0 $0x0  }
0xb0: {  	s9 =	sadd.s32 @!p0 $0xFFFFFE00, s31;
	[sflag:s29] =	ssyncadd.s32 @!p0 $0xFFFFFC00  }
0xb1: {  	[tilespmem:s5], [sflag:$0x12] =	stream.linear.gather @!p0 [hbm4b:s9+s26], $0x400, $0x38;
	[tilespmem:$0x14810] =	vst v63  }
0xb2: {  	s9 =	simm.s32 @!p0 $0x14  }
0xb3: {  	_ =	swait.ge @!p0 [sflag:s9], $0x400  }
0xb4: {  	[sflag:s9] =	ssyncset.done @!p0 $0x0  }
0xb5: {  	s30 =	simm.s32 @!p0 $0x9400;
	s14 =	simm.s32 @!p0 $0x380;
	[sflag:s9] =	ssyncadd.s32 @!p0 $0xFFFFFC00  }
0xb6: {  	[spmem:s15] =	stream.indirect.scatter.add.f32 @!p0 [tilespmem:s30], [sflag:$0x18], $0x8, s14, s4, $0xb8;
	[tilespmem:$0x14810] =	vst v63  }
0xb7: {  	s10 =	simm.s32 $0x6800;
	s30 =	simm.s32 $0x380  }
0xb8: {  	[spmem:s3] =	stream.indirect.scatter.add.f32 [tilespmem:s10], [sflag:$0x10], $0x40, s30, s2, $0xb8;
	[tilespmem:$0x14810] =	vst v63  }
0xb9: {  	s30 =	simm.s32 $0xE  }
0xba: {  	_ =	swait.ge [sflag:s30], $0x2000  }
0xbb: {  	s11 =	simm.s32 @!p1 $0x100;
	[sflag:s30] =	ssyncset.done $0x0  }
0xbc: {  	s14 =	sadd.s32 @!p1 $0x120, s19;
	s10 =	simm.s32 $0x6;
	[sflag:s30] =	ssyncadd.s32 $0xFFFFE000  }
0xbd: {  	[tilespmem:s11], [sflag:$0x2] =	stream.linear.gather @!p1 [hbm4b:s14+s22], $0x100, $0x38;
	[tilespmem:$0x14810] =	vst v63  }
0xbe: {  	_ =	swait.ge [sflag:s10], $0x100  }
0xbf: {  	[sflag:s10] =	ssyncset.done $0x0  }
0xc0: {  	s7 =	simm.s32 $0x2800;
	s14 =	simm.s32 $0x500;
	[sflag:s10] =	ssyncadd.s32 $0xFFFFFF00  }
0xc1: {  	[tilespmem:s7], [sflag:$0xA] =	stream.indirect.gather [hbm4b:s17+s2], $0x40, s14, s2, $0xb8;
	[tilespmem:$0x14810] =	vst v63  }
0xc2: {  	_ =	swait.ge [sflag:s23], $0x2000  }
0xc3: {  	[sflag:s23] =	ssyncset.done $0x0  }
0xc4: {  	s14 =	simm.s32 @!p0 $0x17;
	[sflag:s23] =	ssyncadd.s32 $0xFFFFE000  }
0xc5: {  	_ =	swait.ge @!p0 [sflag:s14], $0x400  }
0xc6: {  	[sflag:s14] =	ssyncset.done @!p0 $0x0  }
0xc7: {  	s11 =	sadd.s32 @!p0 $0xFFFFFE80, s31;
	s23 =	simm.s32 @!p0 $0x9000;
	[sflag:s14] =	ssyncadd.s32 @!p0 $0xFFFFFC00  }
0xc8: {  	[tilespmem:s23], [sflag:$0x13] =	stream.linear.gather @!p0 [hbm4b:s11+s26], $0x400, $0x38;
	[tilespmem:$0x14810] =	vst v63  }
0xc9: {  	_ =	swait.ge @!p0 [sflag:s0], $0x400  }
0xca: {  	[sflag:s0] =	ssyncset.done @!p0 $0x0  }
0xcb: {  	[sflag:s0] =	ssyncadd.s32 @!p0 $0xFFFFFC00;
	s0 =	simm.s32 @!p0 $0x480  }
0xcc: {  	[spmem:s15] =	stream.indirect.scatter.add.f32 @!p0 [tilespmem:s25], [sflag:$0x15], $0x8, s0, s4, $0xb8;
	[tilespmem:$0x14810] =	vst v63  }
0xcd: {  	s11 =	simm.s32 $0xF;
	s25 =	simm.s32 $0x480  }
0xce: {  	[spmem:s3] =	stream.indirect.scatter.add.f32 [tilespmem:s21], [sflag:$0xD], $0x40, s25, s2, $0xb8;
	[tilespmem:$0x14810] =	vst v63  }
0xcf: {  	_ =	swait.ge [sflag:s11], $0x2000  }
0xd0: {  	s0 =	sadd.s32 @!p1 $0x140, s19;
	[sflag:s11] =	ssyncset.done $0x0  }
0xd1: {  	s21 =	simm.s32 $0x7;
	[sflag:s11] =	ssyncadd.s32 $0xFFFFE000;
	s11 =	simm.s32 @!p1 $0x200  }
0xd2: {  	[tilespmem:s11], [sflag:$0x3] =	stream.linear.gather @!p1 [hbm4b:s0+s22], $0x100, $0x38;
	[tilespmem:$0x14810] =	vst v63  }
0xd3: {  	_ =	swait.ge [sflag:s21], $0x100  }
0xd4: {  	[sflag:s21] =	ssyncset.done $0x0  }
0xd5: {  	s25 =	simm.s32 $0x600;
	[sflag:s21] =	ssyncadd.s32 $0xFFFFFF00  }
0xd6: {  	[tilespmem:s16], [sflag:$0xB] =	stream.indirect.gather [hbm4b:s17+s2], $0x40, s25, s2, $0xb8;
	[tilespmem:$0x14810] =	vst v63  }
0xd7: {  	_ =	swait.ge [sflag:s24], $0x2000  }
0xd8: {  	[sflag:s24] =	ssyncset.done $0x0  }
0xd9: {  	s0 =	simm.s32 @!p0 $0x18;
	[sflag:s24] =	ssyncadd.s32 $0xFFFFE000  }
0xda: {  	_ =	swait.ge @!p0 [sflag:s0], $0x400  }
0xdb: {  	[sflag:s0] =	ssyncset.done @!p0 $0x0  }
0xdc: {  	s11 =	sadd.s32 @!p0 $0xFFFFFF00, s31;
	s21 =	simm.s32 @!p0 $0x9400;
	[sflag:s0] =	ssyncadd.s32 @!p0 $0xFFFFFC00  }
0xdd: {  	[tilespmem:s21], [sflag:$0x14] =	stream.linear.gather @!p0 [hbm4b:s11+s26], $0x400, $0x38;
	[tilespmem:$0x14810] =	vst v63  }
0xde: {  	_ =	swait.ge @!p0 [sflag:s28], $0x400  }
0xdf: {  	[sflag:s28] =	ssyncset.done @!p0 $0x0  }
0xe0: {  	s11 =	simm.s32 @!p0 $0x580;
	[sflag:s28] =	ssyncadd.s32 @!p0 $0xFFFFFC00  }
0xe1: {  	[spmem:s15] =	stream.indirect.scatter.add.f32 @!p0 [tilespmem:s5], [sflag:$0x16], $0x8, s11, s4, $0xb8;
	[tilespmem:$0x14810] =	vst v63  }
0xe2: {  	s26 =	simm.s32 $0x580;
	s28 =	simm.s32 $0x10  }
0xe3: {  	[spmem:s3] =	stream.indirect.scatter.add.f32 [tilespmem:s7], [sflag:$0xE], $0x40, s26, s2, $0xb8;
	[tilespmem:$0x14810] =	vst v63  }
0xe4: {  	_ =	swait.ge [sflag:s28], $0x2000  }
0xe5: {  	s11 =	sadd.s32 @!p1 $0x160, s19;
	[sflag:s28] =	ssyncset.done $0x0  }
0xe6: {  	s5 =	simm.s32 $0x8;
	[sflag:s28] =	ssyncadd.s32 $0xFFFFE000;
	s28 =	simm.s32 @!p1 $0x300  }
0xe7: {  	[tilespmem:s28], [sflag:$0x4] =	stream.linear.gather @!p1 [hbm4b:s11+s22], $0x100, $0x38;
	[tilespmem:$0x14810] =	vst v63  }
0xe8: {  	_ =	swait.ge [sflag:s5], $0x100  }
0xe9: {  	[sflag:s5] =	ssyncset.done $0x0  }
0xea: {  	s25 =	simm.s32 $0x6800;
	s11 =	simm.s32 $0x700;
	[sflag:s5] =	ssyncadd.s32 $0xFFFFFF00  }
0xeb: {  	[tilespmem:s25], [sflag:$0xC] =	stream.indirect.gather [hbm4b:s17+s2], $0x40, s11, s2, $0xb8;
	[tilespmem:$0x14810] =	vst v63  }
0xec: {  	_ =	swait.ge [sflag:s6], $0x2000  }
0xed: {  	[sflag:s6] =	ssyncset.done $0x0  }
0xee: {  	p2 =	seq.s32 @!p0 s13, $0x1300;
	[sflag:s6] =	ssyncadd.s32 $0xFFFFE000  }
0xef: {  	p2 =	por p2, p0;
	_ =	swait.ge @!p0 [sflag:s18], $0x400  }
0xf0: {  	s28 =	simm.s32 @!p2 $0x8800;
	[sflag:s18] =	ssyncset.done @!p0 $0x0  }
0xf1: {  	s11 =	sadd.s32 @!p2 $0xFFFFFF80, s31;
	[sflag:s18] =	ssyncadd.s32 @!p0 $0xFFFFFC00;
	s18 =	simm.s32 @!p2 $0x0  }
0xf2: {  	[tilespmem:s28], [sflag:$0x11] =	stream.linear.gather @!p2 [hbm4b:s11+s18], $0x400, $0x38;
	[tilespmem:$0x14810] =	vst v63  }
0xf3: {  	_ =	swait.ge @!p0 [sflag:s8], $0x400  }
0xf4: {  	[sflag:s8] =	ssyncset.done @!p0 $0x0  }
0xf5: {  	s10 =	simm.s32 @!p0 $0x9000;
	[sflag:s8] =	ssyncadd.s32 @!p0 $0xFFFFFC00;
	s8 =	simm.s32 @!p0 $0x680  }
0xf6: {  	[spmem:s15] =	stream.indirect.scatter.add.f32 @!p0 [tilespmem:s10], [sflag:$0x17], $0x8, s8, s4, $0xb8;
	[tilespmem:$0x14810] =	vst v63  }
0xf7: {  	s28 =	simm.s32 $0x680  }
0xf8: {  	[spmem:s3] =	stream.indirect.scatter.add.f32 [tilespmem:s16], [sflag:$0xF], $0x40, s28, s2, $0xb8;
	[tilespmem:$0x14810] =	vst v63  }
0xf9: {  	_ =	swait.ge [sflag:s1], $0x2000  }
0xfa: {  	[sflag:s1] =	ssyncset.done $0x0  }
0xfb: {  	s8 =	sadd.s32 @!p1 $0x180, s19;
	s10 =	simm.s32 @!p1 $0x400;
	[sflag:s1] =	ssyncadd.s32 $0xFFFFE000  }
0xfc: {  	[tilespmem:s10], [sflag:$0x5] =	stream.linear.gather @!p1 [hbm4b:s8+s22], $0x100, $0x38;
	[tilespmem:$0x14810] =	vst v63  }
0xfd: {  	s8 =	simm.s32 @!p1 $0x1  }
0xfe: {  	_ =	swait.ge @!p1 [sflag:s8], $0x100  }
0xff: {  	[sflag:s8] =	ssyncset.done @!p1 $0x0  }
0x100: {  	s10 =	simm.s32 @!p1 $0x800;
	[sflag:s8] =	ssyncadd.s32 @!p1 $0xFFFFFF00;
	s8 =	simm.s32 @!p1 $0x80  }
0x101: {  	[tilespmem:s10], [sflag:$0x9] =	stream.indirect.gather @!p1 [hbm4b:s17+s8], $0x40, s22, s8, $0xb8;
	[tilespmem:$0x14810] =	vst v63  }
0x102: {  	_ =	swait.ge [sflag:s12], $0x2000  }
0x103: {  	[sflag:s12] =	ssyncset.done $0x0  }
0x104: {  	[sflag:s12] =	ssyncadd.s32 $0xFFFFE000  }
0x105: {  	_ =	swait.ge @!p0 [sflag:s29], $0x400  }
0x106: {  	[sflag:s29] =	ssyncset.done @!p0 $0x0  }
0x107: {  	s8 =	simm.s32 @!p2 $0x8C00;
	[sflag:s29] =	ssyncadd.s32 @!p0 $0xFFFFFC00  }
0x108: {  	[tilespmem:s8], [sflag:$0x12] =	stream.linear.gather @!p2 [hbm4b:s31+s18], $0x400, $0x38;
	[tilespmem:$0x14810] =	vst v63  }
0x109: {  	_ =	swait.ge @!p0 [sflag:s9], $0x400  }
0x10a: {  	[sflag:s9] =	ssyncset.done @!p0 $0x0  }
0x10b: {  	s21 =	simm.s32 @!p0 $0x9400;
	s8 =	simm.s32 @!p0 $0x780;
	[sflag:s9] =	ssyncadd.s32 @!p0 $0xFFFFFC00  }
0x10c: {  	[spmem:s15] =	stream.indirect.scatter.add.f32 @!p0 [tilespmem:s21], [sflag:$0x18], $0x8, s8, s4, $0xb8;
	[tilespmem:$0x14810] =	vst v63  }
.Ltmp2:
0x10d: {  	s26 =	simm.s32 $0x6800;
	s29 =	simm.s32 $0x780;
	(pc) =	sbr.rel @p1 .LBB2_4-.Ltmp2, $4  }
0x10e: {  	[spmem:s3] =	stream.indirect.scatter.add.f32 [tilespmem:s26], [sflag:$0x10], $0x40, s29, s2, $0xb8;
	[tilespmem:$0x14810] =	vst v63  }
0x10f: {  	_ =	swait.ge [sflag:s30], $0x2000  }
0x110: {  	[sflag:s30] =	ssyncset.done $0x0  }
0x111: {  	s23 =	simm.s32 $0x800;
	[sflag:s30] =	ssyncadd.s32 $0xFFFFE000  }
0x112: {  	s0 =	sadd.s32 $0x1A0, s20;
	s1 =	simm.s32 $0x500;
	s3 =	simm.s32 $0x0  }
0x113: {  	[tilespmem:s1], [sflag:$0x6] =	stream.linear.gather [hbm4b:s0+s3], $0x100, $0x38;
	[tilespmem:$0x14810] =	vst v63  }
.Ltmp3:
0x114: {  	s29 =	simm.s32 $0x2;
	(pc) =	sbr.rel .LBB2_2-.Ltmp3, $4  }
0x115: {  	s30 =	simm.s32 $0x100;
	_ =	swait.ge [sflag:s29], $0x100  }
0x116: {  	s13 =	sadd.s32 $0x100, s13;
	s31 =	sadd.s32 $0x400, s31;
	[sflag:s29] =	ssyncset.done $0x0  }
0x117: {  	s18 =	simm.s32 $0x0;
	s14 =	simm.s32 $0x2800;
	[sflag:s29] =	ssyncadd.s32 $0xFFFFFF00  }
0x118: {  	[tilespmem:s7], [sflag:$0xA] =	stream.indirect.gather [hbm4b:s17+s2], $0x40, s30, s2, $0xb8;
	[tilespmem:$0x14810] =	vst v63  }
.LBB2_5:
0x119: {  	_ =	sfence.sel $0x180000  }
0x11a: {  	[bflag:$0x0] =	sbarrier.arrive $0xFFFF  }
0x11b: {  	_ =	strace $0x90000047  }
0x11c: {  	s0 =	stileid.u32;
	[bflag:$0x2] =	sbarrier.arrive $0xFFFF  }
0x11d: {  	p0 =	sne.s32 s0, $0x0;
	s0 =	rddreg [dreg:$0x3]  }
0x11e: {  	s0 =	sadd.s32 @!p0 $0x100000, s0  }
0x11f: {  	[sflag:s0] =	ssyncadd.tile.s32 @!p0 $0x1;
	_ =	shalt  }
.Lfunc_end2:
_tile_overlayer_lowered:
.L_overlay_start_2:
0x120: {  	(tag) =	ssettag $0x2  }
0x121: {  	s0 =	rddreg [dreg:$0x0];
	s2 =	stileid.u32  }
0x122: {  	s1 =	rddreg [dreg:$0x1];
	p0 =	sne.s32 s2, $0x0  }
0x123: {  	s3 =	rddreg [dreg:$0x2];
	[bflag:$0x3] =	sbarrier.arrive $0xFFFF;
	s2 =	simm.s32 @!p0 $0x1C19  }
0x124: {  	[timem:s3], [sflag:s2] =	dma.local @!p0 [hbm:s0], s1  }
0x125: {  	s0 =	simm.s32 @!p0 $0x19  }
0x126: {  	_ =	swait.ge @!p0 [sflag:s0], s1  }
0x127: {  	s1 =	ssub.s32 @!p0 $0x0, s1;
	[sflag:s0] =	ssyncset.done @!p0 $0x0  }
0x128: {  	[sflag:s0] =	ssyncadd.s32 @!p0 s1  }
0x129: {  	[bflag:$0x3] =	sbarrier.arrive $0xFFFF  }
0x12a: {  	_ =	shalt  }

// kernel: kernel.9.cloned.1.call-start
scs
__scs_entry_jumppad:
0x0: {  	(pc) =	sbr.rel $0x88, $3  }
0x1: {  	(tag) =	ssettag $0x0;
	lr =	simm.s32 $0x1  }
0x2: {  	[smem:$0x3F8A] =	sst lr;
	_ =	strace $0xD0000000  }
0x3: {  	_ = 	snop  }
0x4: {  	_ = 	snop  }
0x5: {  	_ = 	snop  }
0x6: {  	_ = 	snop  }
0x7: {  	_ = 	snop  }
__scs_overlays_trampoline_lowered:
0x8: {  	[smem:$0x3F99] =	sst s0  }
0x9: {  	[smem:$0x3F9A] =	sst s1  }
0xa: {  	[smem:$0x3F9B] =	sst s2  }
0xb: {  	[smem:$0x3F9C] =	sst s3  }
0xc: {  	[smem:$0x3F9D] =	sst s4  }
0xd: {  	[smem:$0x3F9E] =	sst s5  }
0xe: {  	[smem:$0x3F9F] =	sst s6  }
0xf: {  	[smem:$0x3FA0] =	sst s7  }
0x10: {  	[smem:$0x3FA1] =	sst s8  }
0x11: {  	[smem:$0x3FA2] =	sst s9;
	s0 =	simm.s32 @!p0 $0x0  }
0x12: {  	s1 =	sld [smem:$0x3F88];
	s0 =	simm.s32 @p0 $0x1  }
0x13: {  	[smem:$0x3FA3] =	sst s0;
	s0 =	simm.s32 @!p1 $0x0  }
0x14: {  	s2 =	sld [smem:$0x3F87];
	s0 =	simm.s32 @p1 $0x1  }
0x15: {  	[smem:$0x3FA4] =	sst s0;
	s0 =	simm.s32 @!p2 $0x0  }
0x16: {  	s3 =	sld [smem:$0x3FDB];
	s0 =	simm.s32 @p2 $0x1  }
0x17: {  	s4 =	simm.s32 $0x1BF5;
	[smem:$0x3FA6] =	sst s0  }
0x18: {  	s0 =	sld [smem:$0x3F89];
	_ =	swait.ge [sflag:s4], $0x0  }
0x19: {  	s7 =	sld [smem:$0x3F8A]  }
0x1a: {  	s8 =	sadd.s32 $0xFFFFE003, lr  }
0x1b: {  	s9 =	sadd.s32 $0xFFFFFEF7, lr;
	s5 =	simm.s32 $0xFFFFFFFF;
	p2 =	slt.u32 s8, $0xFFFFF086  }
0x1c: {  	p1 =	slt.u32 s9, $0xF7A;
	s5 =	simm.s32 @!p2 $0x0  }
0x1d: {  	s5 =	simm.s32 @p1 $0x1;
	p0 =	seq.s32 s7, s2  }
0x1e: {  	s7 =	smul.u32 @!p0 $0xF7A, s2;
	p2 =	seq.s32 @!p0 s5, $0x0  }
0x1f: {  	s9 =	smul.u32 $0xF7A, s1;
	s8 =	simm.s32 @!p0 $0x1BF5;
	p2 =	por !p2, p0  }
0x20: {  	[sflag:s8] =	ssyncset.s32 @!p0 $0xFFFFF086;
	s6 =	sadd.s32 @!p0 s3, s7;
	s7 =	simm.s32 @!p0 $0x108  }
0x21: {  	s3 =	sadd.s32 s3, s9;
	s6 =	sadd.s32 @!p0 $0x88, s6;
	s7 =	simm.s32 @p2 $0x1082  }
0x22: {  	[simem:s7], [sflag:s8] =	dma.local @!p0 [hbm:s6], $0xF7A  }
0x23: {  	s9 =	sor.u32 $0xD0000000, s2;
	s6 =	simm.s32 $0x108;
	_ =	swait.ge @!p0 [sflag:s8], $0x0  }
0x24: {  	s3 =	sadd.s32 $0x88, s3;
	s6 =	simm.s32 @!p1 $0x1082;
	[sflag:s4] =	ssyncset.s32 $0xFFFFF086  }
0x25: {  	[simem:s6], [sflag:s4] =	dma.local [hbm:s3], $0xF7A  }
0x26: {  	[smem:$0x3F8A] =	sst s1;
	(tag) =	ssettag s2;
	_ =	strace s9  }
0x27: {  	s1 =	sld [smem:$0x3F9A]  }
0x28: {  	s2 =	sld [smem:$0x3F9B]  }
0x29: {  	s4 =	sld [smem:$0x3F9D]  }
0x2a: {  	p0 =	seq.s32 s5, $0x0;
	s5 =	sld [smem:$0x3F9E]  }
0x2b: {  	s6 =	sld [smem:$0x3F9F]  }
0x2c: {  	s7 =	sld [smem:$0x3FA0]  }
0x2d: {  	s3 =	simm.s32 $0x108;
	s8 =	sld [smem:$0x3FA1]  }
0x2e: {  	s3 =	simm.s32 @!p0 $0x1082;
	s9 =	sld [smem:$0x3FA2]  }
0x2f: {  	lr =	sadd.s32 s0, s3;
	s0 =	sld [smem:$0x3F99]  }
0x30: {  	s3 =	sld [smem:$0x3F9C]  }
0x31: {  	[smem:$0x3FA5] =	sst s10  }
0x32: {  	s10 =	sld [smem:$0x3FA3];
	_ =	sdelay $0x3  }
0x33: {  	p0 =	seq.s32 s10, $0x1;
	s10 =	sld [smem:$0x3FA5];
	_ =	sdelay $0x3  }
0x34: {  	[smem:$0x3FA5] =	sst s10  }
0x35: {  	s10 =	sld [smem:$0x3FA4];
	_ =	sdelay $0x3  }
0x36: {  	p1 =	seq.s32 s10, $0x1;
	s10 =	sld [smem:$0x3FA5];
	_ =	sdelay $0x3  }
0x37: {  	[smem:$0x3FA5] =	sst s10  }
0x38: {  	s10 =	sld [smem:$0x3FA6]  }
0x39: {  	_ = 	snop;
	(pc) =	sbr.ind lr, $3  }
0x3a: {  	_ = 	snop  }
0x3b: {  	_ = 	snop  }
0x3c: {  	p2 =	seq.s32 s10, $0x1;
	s10 =	sld [smem:$0x3FA5]  }
0x3d: {  	_ =	shalt  }
0x3e: {  	_ =	shalt  }
0x3f: {  	_ =	shalt  }
0x40: {  	_ =	shalt  }
0x41: {  	_ =	shalt  }
0x42: {  	_ =	shalt  }
0x43: {  	_ =	shalt  }
0x44: {  	_ =	shalt  }
0x45: {  	_ =	shalt  }
0x46: {  	_ =	shalt  }
0x47: {  	_ =	shalt  }
0x48: {  	_ =	shalt  }
0x49: {  	_ =	shalt  }
0x4a: {  	_ =	shalt  }
0x4b: {  	_ =	shalt  }
0x4c: {  	_ =	shalt  }
0x4d: {  	_ =	shalt  }
0x4e: {  	_ =	shalt  }
0x4f: {  	_ =	shalt  }
0x50: {  	_ =	shalt  }
0x51: {  	_ =	shalt  }
0x52: {  	_ =	shalt  }
0x53: {  	_ =	shalt  }
0x54: {  	_ =	shalt  }
0x55: {  	_ =	shalt  }
0x56: {  	_ =	shalt  }
0x57: {  	_ =	shalt  }
0x58: {  	_ =	shalt  }
0x59: {  	_ =	shalt  }
0x5a: {  	_ =	shalt  }
0x5b: {  	_ =	shalt  }
0x5c: {  	_ =	shalt  }
0x5d: {  	_ =	shalt  }
0x5e: {  	_ =	shalt  }
0x5f: {  	_ =	shalt  }
0x60: {  	_ =	shalt  }
0x61: {  	_ =	shalt  }
0x62: {  	_ =	shalt  }
0x63: {  	_ =	shalt  }
0x64: {  	_ =	shalt  }
0x65: {  	_ =	shalt  }
0x66: {  	_ =	shalt  }
0x67: {  	_ =	shalt  }
0x68: {  	_ =	shalt  }
0x69: {  	_ =	shalt  }
0x6a: {  	_ =	shalt  }
0x6b: {  	_ =	shalt  }
0x6c: {  	_ =	shalt  }
0x6d: {  	_ =	shalt  }
0x6e: {  	_ =	shalt  }
0x6f: {  	_ =	shalt  }
0x70: {  	_ =	shalt  }
0x71: {  	_ =	shalt  }
0x72: {  	_ =	shalt  }
0x73: {  	_ =	shalt  }
0x74: {  	_ =	shalt  }
0x75: {  	_ =	shalt  }
0x76: {  	_ =	shalt  }
0x77: {  	_ =	shalt  }
0x78: {  	_ =	shalt  }
0x79: {  	_ =	shalt  }
0x7a: {  	_ =	shalt  }
0x7b: {  	_ =	shalt  }
0x7c: {  	_ =	shalt  }
0x7d: {  	_ =	shalt  }
0x7e: {  	_ =	shalt  }
0x7f: {  	_ =	shalt  }
0x80: {  	_ =	shalt  }
0x81: {  	_ =	shalt  }
0x82: {  	_ =	shalt  }
0x83: {  	_ =	shalt  }
0x84: {  	_ =	shalt  }
0x85: {  	_ =	shalt  }
0x86: {  	_ =	shalt  }
0x87: {  	_ =	shalt  }
.Lfunc_end0:
.L_simem_size_0:
called_computation.1_lowered:
.L_overlay_start_0:
0x88: {  	s2 =	sld [smem:$0x3FD9]  }
0x89: {  	s3 =	sld [smem:$0x3FFE];
	_ =	sdelay $0x1  }
0x8a: {  	s1 =	srdreg.scid  }
0x8b: {  	s0 =	sand.u32 $0x1, s1  }
0x8c: {  	s16 =	sshll.u32 s0, $0xA;
	s2 =	sadd.s32 s3, s2  }
0x8d: {  	s2 =	sadd.s32 s2, s16  }
0x8e: {  	[smem:$0x3FB1] =	sst s2  }
0x8f: {  	_ = 	snop  }
0x90: {  	(tm) =	ssettm $0x1  }
0x91: {  	s17 =	sld [smem:$0x3FFB];
	_ =	sdelay $0x3  }
0x92: {  	_ =	strace s17  }
0x93: {  	s2 =	sld [smem:$0x3FFC];
	_ =	sdelay $0x3  }
0x94: {  	_ =	strace s2  }
0x95: {  	s2 =	sld [smem:$0x3FFD];
	_ =	sdelay $0x3  }
0x96: {  	_ =	strace s2  }
0x97: {  	_ =	strace $0x8FFFFFFF  }
0x98: {  	s18 =	sld [smem:$0x3FDB];
	_ =	sdelay $0x1  }
0x99: {  	s19 =	simm.s32 $_scs_section_size  }
0x9a: {  	s4 =	simm.s32 $_size__tile_overlayer_lowered;
	s5 =	simm.s32 $_tile_overlayer_lowered  }
0x9b: {  	s22 =	simm.s32 $0x1BFF;
	s21 =	sshll.u32 s5, $0x1;
	s2 =	sadd.s32 s19, s18  }
0x9c: {  	s6 =	simm.s32 $0x0;
	s20 =	sshll.u32 s4, $0x1;
	s4 =	sadd.s32 s21, s2  }
0x9d: {  	[timem:s6], [sflag:s22] =	dma.local [hbm:s4], s20  }
0x9e: {  	_ =	swait.ge [sflag:s22], s20  }
0x9f: {  	s3 =	ssub.s32 $0x0, s20;
	[sflag:s22] =	ssyncset.done $0x0  }
0xa0: {  	[sflag:s22] =	ssyncadd.s32 s3;
	_ =	sdelay $0x1  }
0xa1: {  	s23 =	simm.s32 $0x1B8B  }
0xa2: {  	_ =	swait.ge [sflag:s23], $0x1  }
0xa3: {  	[sflag:s23] =	ssyncset.done $0x0  }
0xa4: {  	s25 =	simm.s32 $0x1B8E;
	s24 =	sld [smem:$0x3FFE];
	[sflag:s23] =	ssyncadd.s32 $0xFFFFFFFF  }
0xa5: {  	s26 =	simm.s32 $execute0_lowered;
	[smem:$0x3FD2] =	sst s25  }
0xa6: {  	s4 =	sshll.u32 s26, $0x1;
	_ =	strace $0x80000049;
	[dreg:$0x1] =	wrdreg $0xFFFFFFFF  }
0xa7: {  	s28 =	simm.s32 $_size_execute0_lowered;
	s2 =	sadd.s32 s2, s4;
	[dreg:$0x0] =	wrdreg $0x0  }
0xa8: {  	s4 =	sshll.u32 s28, $0x1;
	[dreg:$0x2] =	wrdreg s2  }
0xa9: {  	[dreg:$0x3] =	wrdreg s4  }
0xaa: {  	[dreg:$0x4] =	wrdreg $0xC0  }
0xab: {  	_ =	task [dreg:s6], $0x5FFFF  }
0xac: {  	[dreg:$0x1] =	wrdreg $0xFFFFFFFF  }
0xad: {  	[dreg:$0x0] =	wrdreg $0x60  }
0xae: {  	[dreg:$0x2] =	wrdreg s24  }
0xaf: {  	[dreg:$0x3] =	wrdreg $0xC8000  }
0xb0: {  	[dreg:$0x4] =	wrdreg $0x9  }
0xb1: {  	_ =	task.clear_ibuf [dreg:s6], $0x5FFFF;
	_ =	strace $0x90000049  }
0xb2: {  	s29 =	simm.s32 $0x9;
	_ =	strace $0x8000004B  }
0xb3: {  	_ =	swait.ge [sflag:s29], $0x1  }
0xb4: {  	[sflag:s29] =	ssyncadd.s32 $0xFFFFFFFF  }
0xb5: {  	_ =	strace $0x9000004B  }
0xb6: {  	_ =	sfence  }
0xb7: {  	s30 =	sld [smem:$0x0];
	_ =	sdelay $0x2  }
0xb8: {  	s31 =	sshll.u32 s1, $0xD;
	s1 =	sshrl.u32 s1, $0x2  }
0xb9: {  	s3 =	sand.u32 $0x4000, s31;
	s1 =	sadd.s32 s1, s30  }
0xba: {  	s0 =	sor.u32 s3, s0;
	s1 =	sshll.u32 s1, $0x11  }
0xbb: {  	s0 =	sor.u32 s1, s0  }
0xbc: {  	s0 =	sadd.s32 $0x8F2B, s0  }
0xbd: {  	[sflag:s0] =	ssyncadd.remote.s32 $0x1  }
0xbe: {  	_ =	sfence.sel $0xFFFF  }
0xbf: {  	[dreg:$0x0] =	wrdreg $0xFFFFFFFF;
	(pc) =	sbr.abs _section_cstart, $3  }
0xc0: {  	[dreg:$0x1] =	wrdreg $0xFFFFFFFF  }
0xc1: {  	_ =	task.clear_ibuf [dreg:s6], $0x2FFFF;
	_ =	strace $0x9FFFFFFF  }
0xc2: {  	(tm) =	ssettm $0x7FFFFFFF  }
0xc3: {  	_ =	shalt  }
tec
execute0_lowered:
.L_overlay_start_1:
0x0: {  	(tag) =	ssettag $0x1  }
0x1: {  	s0 =	rddreg [dreg:$0x0]  }
0x2: {  	s1 =	rddreg [dreg:$0x1]  }
0x3: {  	s2 =	srdreg.scid;
	s3 =	simm.s32 $0x0;
	s12 =	stileid.u32  }
0x4: {  	s30 =	simm.s32 $0x500;
	s28 =	simm.s32 $0x3800;
	s29 =	simm.s32 $0x9  }
0x5: {  	s31 =	simm.s32 $0x3;
	s13 =	simm.s32 $0xD;
	s5 =	smul.u32 $0xEAC0, s12  }
0x6: {  	s15 =	simm.s32 $0xE;
	s16 =	simm.s32 $0x6;
	s8 =	smul.u32 $0xA000, s12  }
0x7: {  	s2 =	sand.u32 $0x1, s2;
	[smem:$0x7FF] =	sst s3;
	s24 =	smul.u32 $0x1400, s12  }
0x8: {  	s9 =	sadd.s32 $0x8FA00, s0;
	s18 =	sshll.u32 s12, $0x6;
	s4 =	smul.u32 $0x1D4C0, s2  }
0x9: {  	_ =	strace $0x8000004A;
	s6 =	smul.u32 $0x1D580, s2;
	s2 =	ssub.s32 $0x2, s2  }
0xa: {  	s7 =	sshrl.u32 s5, $0x3;
	s11 =	sshrl.u32 s2, $0x1;
	s17 =	sshrl.u32 s8, $0x3  }
0xb: {  	s5 =	sadd.s32 s5, s1;
	s14 =	sadd.s32 s24, s9;
	s8 =	simm.s32 $0x4  }
0xc: {  	s24 =	simm.s32 $0x5;
	s4 =	sadd.s32 s4, s0;
	s10 =	sadd.s32 s7, s0  }
0xd: {  	s0 =	sadd.s32 s6, s0;
	s2 =	ssub.s32 s2, s11;
	s19 =	sadd.s32 s9, s17  }
0xe: {  	s17 =	sor.u32 $0x1C11, s18;
	s9 =	simm.s32 $0x9800;
	[dreg:$0x3] =	wrdreg s19  }
0xf: {  	s18 =	simm.s32 $0xF;
	s20 =	sadd.s32 $0x118E00, s10;
	[dreg:$0x5] =	wrdreg s17  }
0x10: {  	s11 =	simm.s32 $0x10;
	s21 =	sadd.s32 $0x20, s19;
	[dreg:$0x4] =	wrdreg s20  }
0x11: {  	s6 =	simm.s32 $0x8;
	s22 =	sadd.s32 $0x40, s19;
	[dreg:$0x6] =	wrdreg s21  }
0x12: {  	s23 =	sadd.s32 $0x60, s19;
	s25 =	sadd.s32 $0x80, s19;
	[dreg:$0x7] =	wrdreg s22  }
0x13: {  	s26 =	sadd.s32 $0xA0, s19;
	s12 =	sadd.s32 $0x53000, s4;
	[dreg:$0x8] =	wrdreg s23  }
0x14: {  	s0 =	sadd.s32 $0x136400, s0;
	s2 =	smax.u32 s2, $0x1;
	[dreg:$0x9] =	wrdreg s25  }
0x15: {  	s10 =	simm.s32 $0xB;
	s4 =	simm.s32 $0xC;
	[dreg:$0xa] =	wrdreg s26  }
.Ltmp0:
0x16: {  	s19 =	simm.s32 $0x7;
	[dreg:$0xb] =	wrdreg s2;
	(pc) =	sbr.rel .LBB2_1-.Ltmp0, $4  }
0x17: {  	s20 =	sshrl.u32 s5, $0x3;
	s21 =	simm.s32 $0x11;
	s22 =	simm.s32 $0x400  }
0x18: {  	s23 =	simm.s32 $0x80;
	s0 =	sadd.s32 s7, s0;
	s25 =	simm.s32 $0x800  }
0x19: {  	s2 =	simm.s32 $0xA;
	s7 =	simm.s32 $0x0;
	[dreg:$0xd] =	wrdreg s0  }
0x1a: {  	s26 =	simm.s32 $0x700;
	s0 =	simm.s32 $0x6800;
	[dreg:$0xc] =	wrdreg s20  }
.LBB2_4:
0x1b: {  	_ =	swait.ge [sflag:s4], $0x3000  }
0x1c: {  	[sflag:s4] =	ssyncset.done $0x0  }
0x1d: {  	s5 =	simm.s32 $0x780;
	[sflag:s4] =	ssyncadd.s32 $0xFFFFD000  }
0x1e: {  	[spmem:s1] =	stream.indirect.scatter.add.f32 [tilespmem:s9], [sflag:$0x10], $0x60, s5, s23, $0xb8;
	[tilespmem:$0x1B2C0] =	vst v63  }
0x1f: {  	_ =	swait.ge [sflag:s15], $0x3000  }
0x20: {  	[sflag:s15] =	ssyncset.done $0x0  }
0x21: {  	[sflag:s15] =	ssyncadd.s32 $0xFFFFD000  }
0x22: {  	_ =	swait.ge [sflag:s18], $0x3000  }
0x23: {  	[sflag:s18] =	ssyncset.done $0x0  }
0x24: {  	[sflag:s18] =	ssyncadd.s32 $0xFFFFD000  }
0x25: {  	_ =	swait.ge [sflag:s11], $0x3000  }
0x26: {  	[sflag:s11] =	ssyncset.done $0x0  }
0x27: {  	[sflag:s11] =	ssyncadd.s32 $0xFFFFD000  }
0x28: {  	[bflag:$0x0] =	sbarrier.arrive $0xFFFF  }
0x29: {  	s17 =	rddreg [dreg:$0x5]  }
0x2a: {  	s20 =	rddreg [dreg:$0xc]  }
0x2b: {  	s21 =	rddreg [dreg:$0xd]  }
0x2c: {  	[hbm:s21], [sflag:s17] =	dma.local [spmem:s20], $0x1D58  }
0x2d: {  	s21 =	simm.s32 $0x11  }
0x2e: {  	_ =	swait.ge [sflag:s21], $0x1D58  }
0x2f: {  	s7 =	rddreg [dreg:$0xe]  }
0x30: {  	s22 =	rddreg [dreg:$0xb];
	s7 =	sadd.s32 $0x1, s7  }
0x31: {  	p0 =	sne.s32 s7, s22  }
.Ltmp1:
0x32: {  	_ = 	snop;
	(pc) =	sbr.rel @!p0 .LBB2_5-.Ltmp1, $3  }
0x33: {  	_ =	sdelay $0x1  }
0x34: {  	[sflag:s21] =	ssyncset.done $0x0  }
0x35: {  	s30 =	simm.s32 $0x500;
	[sflag:s21] =	ssyncadd.s32 $0xFFFFE2A8;
	s22 =	simm.s32 $0x400  }
.LBB2_1:
0x36: {  	[dreg:$0xe] =	wrdreg s7  }
0x37: {  	s5 =	rddreg [dreg:$0x4]  }
0x38: {  	[spmem:s20], [sflag:s17] =	dma.local [hbm:s5], $0x1D58  }
0x39: {  	_ =	swait.ge [sflag:s21], $0x1D58  }
0x3a: {  	[sflag:s21] =	ssyncset.done $0x0  }
0x3b: {  	[sflag:s21] =	ssyncadd.s32 $0xFFFFE2A8  }
0x3c: {  	[bflag:$0x0] =	sbarrier.arrive $0xFFFF  }
0x3d: {  	s7 =	rddreg [dreg:$0x3]  }
0x3e: {  	[tilespmem:s3], [sflag:$0x1] =	stream.linear.gather [hbm4b:s7+s3], $0x100, $0x38;
	[tilespmem:$0x1B2C0] =	vst v63  }
0x3f: {  	s17 =	rddreg [dreg:$0x6];
	s7 =	simm.s32 $0x100  }
0x40: {  	[tilespmem:s7], [sflag:$0x2] =	stream.linear.gather [hbm4b:s17+s3], $0x100, $0x38;
	[tilespmem:$0x1B2C0] =	vst v63  }
0x41: {  	s21 =	simm.s32 $0x200;
	s20 =	rddreg [dreg:$0x7]  }
0x42: {  	[tilespmem:s21], [sflag:$0x3] =	stream.linear.gather [hbm4b:s20+s3], $0x100, $0x38;
	[tilespmem:$0x1B2C0] =	vst v63  }
0x43: {  	s20 =	rddreg [dreg:$0x8];
	s21 =	simm.s32 $0x300  }
0x44: {  	[tilespmem:s21], [sflag:$0x4] =	stream.linear.gather [hbm4b:s20+s3], $0x100, $0x38;
	[tilespmem:$0x1B2C0] =	vst v63  }
0x45: {  	s20 =	rddreg [dreg:$0x9]  }
0x46: {  	[tilespmem:s22], [sflag:$0x5] =	stream.linear.gather [hbm4b:s20+s3], $0x100, $0x38;
	[tilespmem:$0x1B2C0] =	vst v63  }
0x47: {  	s21 =	rddreg [dreg:$0xa];
	s22 =	simm.s32 $0x1  }
0x48: {  	[tilespmem:s30], [sflag:$0x6] =	stream.linear.gather [hbm4b:s21+s3], $0x100, $0x38;
	[tilespmem:$0x1B2C0] =	vst v63  }
0x49: {  	_ =	swait.ge [sflag:s22], $0x100  }
0x4a: {  	[sflag:s22] =	ssyncset.done $0x0  }
0x4b: {  	s30 =	simm.s32 $0x2;
	[sflag:s22] =	ssyncadd.s32 $0xFFFFFF00  }
0x4c: {  	[tilespmem:s25], [sflag:$0x9] =	stream.indirect.gather [hbm4b:s12+s23], $0x60, s3, s23, $0xb8;
	[tilespmem:$0x1B2C0] =	vst v63  }
0x4d: {  	_ =	swait.ge [sflag:s30], $0x100  }
0x4e: {  	[sflag:s30] =	ssyncset.done $0x0  }
0x4f: {  	s17 =	simm.s32 $0x0;
	[sflag:s30] =	ssyncadd.s32 $0xFFFFFF00  }
0x50: {  	[tilespmem:s28], [sflag:$0xA] =	stream.indirect.gather [hbm4b:s12+s23], $0x60, s7, s23, $0xb8;
	[tilespmem:$0x1B2C0] =	vst v63  }
.LBB2_2:
0x51: {  	_ =	swait.ge [sflag:s29], $0x3000  }
0x52: {  	p0 =	seq.s32 s17, $0x0;
	[sflag:s29] =	ssyncset.done $0x0  }
0x53: {  	s20 =	simm.s32 @!p0 $0xF;
	[sflag:s29] =	ssyncadd.s32 $0xFFFFD000  }
0x54: {  	[spmem:s1] =	stream.indirect.scatter.add.f32 [tilespmem:s25], [sflag:$0xD], $0x60, s23, s23, $0xb8;
	[tilespmem:$0x1B2C0] =	vst v63  }
0x55: {  	_ =	swait.ge @!p0 [sflag:s20], $0x3000  }
0x56: {  	s5 =	sadd.s32 s17, s14;
	[sflag:s20] =	ssyncset.done @!p0 $0x0  }
0x57: {  	s22 =	simm.s32 $0x600;
	s7 =	sadd.s32 $0xC0, s5;
	[sflag:s20] =	ssyncadd.s32 @!p0 $0xFFFFD000  }
0x58: {  	[tilespmem:s22], [sflag:$0x7] =	stream.linear.gather [hbm4b:s7+s3], $0x100, $0x38;
	[tilespmem:$0x1B2C0] =	vst v63  }
0x59: {  	_ =	swait.ge [sflag:s31], $0x100  }
0x5a: {  	[sflag:s31] =	ssyncset.done $0x0  }
0x5b: {  	s7 =	simm.s32 $0x200;
	[sflag:s31] =	ssyncadd.s32 $0xFFFFFF00  }
0x5c: {  	[tilespmem:s0], [sflag:$0xB] =	stream.indirect.gather [hbm4b:s12+s23], $0x60, s7, s23, $0xb8;
	[tilespmem:$0x1B2C0] =	vst v63  }
0x5d: {  	_ =	swait.ge [sflag:s2], $0x3000  }
0x5e: {  	[sflag:s2] =	ssyncset.done $0x0  }
0x5f: {  	s20 =	simm.s32 $0x180;
	[sflag:s2] =	ssyncadd.s32 $0xFFFFD000  }
0x60: {  	[spmem:s1] =	stream.indirect.scatter.add.f32 [tilespmem:s28], [sflag:$0xE], $0x60, s20, s23, $0xb8;
	[tilespmem:$0x1B2C0] =	vst v63  }
0x61: {  	s20 =	simm.s32 @!p0 $0x10  }
0x62: {  	_ =	swait.ge @!p0 [sflag:s20], $0x3000  }
0x63: {  	[sflag:s20] =	ssyncset.done @!p0 $0x0  }
0x64: {  	s21 =	sadd.s32 $0xE0, s5;
	[sflag:s20] =	ssyncadd.s32 @!p0 $0xFFFFD000  }
0x65: {  	[tilespmem:s26], [sflag:$0x8] =	stream.linear.gather [hbm4b:s21+s3], $0x100, $0x38;
	[tilespmem:$0x1B2C0] =	vst v63  }
0x66: {  	_ =	swait.ge [sflag:s8], $0x100  }
0x67: {  	[sflag:s8] =	ssyncset.done $0x0  }
0x68: {  	s30 =	simm.s32 $0x300;
	[sflag:s8] =	ssyncadd.s32 $0xFFFFFF00  }
0x69: {  	[tilespmem:s9], [sflag:$0xC] =	stream.indirect.gather [hbm4b:s12+s23], $0x60, s30, s23, $0xb8;
	[tilespmem:$0x1B2C0] =	vst v63  }
0x6a: {  	_ =	swait.ge [sflag:s10], $0x3000  }
0x6b: {  	[sflag:s10] =	ssyncset.done $0x0  }
0x6c: {  	s20 =	simm.s32 $0x280;
	[sflag:s10] =	ssyncadd.s32 $0xFFFFD000  }
0x6d: {  	[spmem:s1] =	stream.indirect.scatter.add.f32 [tilespmem:s0], [sflag:$0xF], $0x60, s20, s23, $0xb8;
	[tilespmem:$0x1B2C0] =	vst v63  }
0x6e: {  	p0 =	seq.s32 s17, $0x1300;
	_ =	swait.ge [sflag:s13], $0x3000  }
0x6f: {  	s20 =	sadd.s32 @!p0 s17, s14;
	[sflag:s13] =	ssyncset.done $0x0  }
0x70: {  	s30 =	simm.s32 @!p0 $0x0;
	s21 =	sadd.s32 @!p0 $0x100, s20;
	[sflag:s13] =	ssyncadd.s32 $0xFFFFD000  }
0x71: {  	[tilespmem:s30], [sflag:$0x1] =	stream.linear.gather @!p0 [hbm4b:s21+s30], $0x100, $0x38;
	[tilespmem:$0x1B2C0] =	vst v63  }
0x72: {  	_ =	swait.ge [sflag:s24], $0x100  }
0x73: {  	[sflag:s24] =	ssyncset.done $0x0  }
0x74: {  	s21 =	simm.s32 $0x400;
	[sflag:s24] =	ssyncadd.s32 $0xFFFFFF00  }
0x75: {  	[tilespmem:s25], [sflag:$0x9] =	stream.indirect.gather [hbm4b:s12+s23], $0x60, s21, s23, $0xb8;
	[tilespmem:$0x1B2C0] =	vst v63  }
0x76: {  	_ =	swait.ge [sflag:s4], $0x3000  }
0x77: {  	[sflag:s4] =	ssyncset.done $0x0  }
0x78: {  	s21 =	simm.s32 $0x380;
	[sflag:s4] =	ssyncadd.s32 $0xFFFFD000  }
0x79: {  	[spmem:s1] =	stream.indirect.scatter.add.f32 [tilespmem:s9], [sflag:$0x10], $0x60, s21, s23, $0xb8;
	[tilespmem:$0x1B2C0] =	vst v63  }
0x7a: {  	_ =	swait.ge [sflag:s15], $0x3000  }
0x7b: {  	[sflag:s15] =	ssyncset.done $0x0  }
0x7c: {  	s7 =	simm.s32 @!p0 $0x100;
	s21 =	sadd.s32 @!p0 $0x120, s20;
	[sflag:s15] =	ssyncadd.s32 $0xFFFFD000  }
0x7d: {  	[tilespmem:s7], [sflag:$0x2] =	stream.linear.gather @!p0 [hbm4b:s21+s30], $0x100, $0x38;
	[tilespmem:$0x1B2C0] =	vst v63  }
0x7e: {  	_ =	swait.ge [sflag:s16], $0x100  }
0x7f: {  	[sflag:s16] =	ssyncset.done $0x0  }
0x80: {  	s21 =	simm.s32 $0x500;
	[sflag:s16] =	ssyncadd.s32 $0xFFFFFF00  }
0x81: {  	[tilespmem:s28], [sflag:$0xA] =	stream.indirect.gather [hbm4b:s12+s23], $0x60, s21, s23, $0xb8;
	[tilespmem:$0x1B2C0] =	vst v63  }
0x82: {  	_ =	swait.ge [sflag:s29], $0x3000  }
0x83: {  	[sflag:s29] =	ssyncset.done $0x0  }
0x84: {  	s21 =	simm.s32 $0x480;
	[sflag:s29] =	ssyncadd.s32 $0xFFFFD000  }
0x85: {  	[spmem:s1] =	stream.indirect.scatter.add.f32 [tilespmem:s25], [sflag:$0xD], $0x60, s21, s23, $0xb8;
	[tilespmem:$0x1B2C0] =	vst v63  }
0x86: {  	_ =	swait.ge [sflag:s18], $0x3000  }
0x87: {  	[sflag:s18] =	ssyncset.done $0x0  }
0x88: {  	s7 =	sadd.s32 @!p0 $0x140, s20;
	s21 =	simm.s32 @!p0 $0x200;
	[sflag:s18] =	ssyncadd.s32 $0xFFFFD000  }
0x89: {  	[tilespmem:s21], [sflag:$0x3] =	stream.linear.gather @!p0 [hbm4b:s7+s30], $0x100, $0x38;
	[tilespmem:$0x1B2C0] =	vst v63  }
0x8a: {  	_ =	swait.ge [sflag:s19], $0x100  }
0x8b: {  	[sflag:s19] =	ssyncset.done $0x0  }
0x8c: {  	[sflag:s19] =	ssyncadd.s32 $0xFFFFFF00  }
0x8d: {  	[tilespmem:s0], [sflag:$0xB] =	stream.indirect.gather [hbm4b:s12+s23], $0x60, s22, s23, $0xb8;
	[tilespmem:$0x1B2C0] =	vst v63  }
0x8e: {  	_ =	swait.ge [sflag:s2], $0x3000  }
0x8f: {  	[sflag:s2] =	ssyncset.done $0x0  }
0x90: {  	s22 =	simm.s32 $0x580;
	[sflag:s2] =	ssyncadd.s32 $0xFFFFD000  }
0x91: {  	[spmem:s1] =	stream.indirect.scatter.add.f32 [tilespmem:s28], [sflag:$0xE], $0x60, s22, s23, $0xb8;
	[tilespmem:$0x1B2C0] =	vst v63  }
0x92: {  	_ =	swait.ge [sflag:s11], $0x3000  }
0x93: {  	[sflag:s11] =	ssyncset.done $0x0  }
0x94: {  	s7 =	sadd.s32 @!p0 $0x160, s20;
	s20 =	simm.s32 @!p0 $0x300;
	[sflag:s11] =	ssyncadd.s32 $0xFFFFD000  }
0x95: {  	[tilespmem:s20], [sflag:$0x4] =	stream.linear.gather @!p0 [hbm4b:s7+s30], $0x100, $0x38;
	[tilespmem:$0x1B2C0] =	vst v63  }
0x96: {  	_ =	swait.ge [sflag:s6], $0x100  }
0x97: {  	[sflag:s6] =	ssyncset.done $0x0  }
0x98: {  	[sflag:s6] =	ssyncadd.s32 $0xFFFFFF00  }
0x99: {  	[tilespmem:s9], [sflag:$0xC] =	stream.indirect.gather [hbm4b:s12+s23], $0x60, s26, s23, $0xb8;
	[tilespmem:$0x1B2C0] =	vst v63  }
0x9a: {  	_ =	swait.ge [sflag:s10], $0x3000  }
0x9b: {  	[sflag:s10] =	ssyncset.done $0x0  }
.Ltmp2:
0x9c: {  	s30 =	simm.s32 $0x680;
	[sflag:s10] =	ssyncadd.s32 $0xFFFFD000;
	(pc) =	sbr.rel @p0 .LBB2_4-.Ltmp2, $4  }
0x9d: {  	[spmem:s1] =	stream.indirect.scatter.add.f32 [tilespmem:s0], [sflag:$0xF], $0x60, s30, s23, $0xb8;
	[tilespmem:$0x1B2C0] =	vst v63  }
0x9e: {  	_ =	swait.ge [sflag:s13], $0x3000  }
0x9f: {  	[sflag:s13] =	ssyncset.done $0x0  }
0xa0: {  	[sflag:s13] =	ssyncadd.s32 $0xFFFFD000  }
0xa1: {  	s7 =	sadd.s32 $0x180, s5;
	s20 =	simm.s32 $0x400;
	s22 =	simm.s32 $0x1  }
0xa2: {  	[tilespmem:s20], [sflag:$0x5] =	stream.linear.gather [hbm4b:s7+s3], $0x100, $0x38;
	[tilespmem:$0x1B2C0] =	vst v63  }
0xa3: {  	_ =	swait.ge [sflag:s22], $0x100  }
0xa4: {  	[sflag:s22] =	ssyncset.done $0x0  }
0xa5: {  	[sflag:s22] =	ssyncadd.s32 $0xFFFFFF00  }
0xa6: {  	[tilespmem:s25], [sflag:$0x9] =	stream.indirect.gather [hbm4b:s12+s23], $0x60, s3, s23, $0xb8;
	[tilespmem:$0x1B2C0] =	vst v63  }
0xa7: {  	_ =	swait.ge [sflag:s4], $0x3000  }
0xa8: {  	[sflag:s4] =	ssyncset.done $0x0  }
0xa9: {  	s30 =	simm.s32 $0x780;
	[sflag:s4] =	ssyncadd.s32 $0xFFFFD000  }
0xaa: {  	[spmem:s1] =	stream.indirect.scatter.add.f32 [tilespmem:s9], [sflag:$0x10], $0x60, s30, s23, $0xb8;
	[tilespmem:$0x1B2C0] =	vst v63  }
0xab: {  	_ =	swait.ge [sflag:s15], $0x3000  }
0xac: {  	[sflag:s15] =	ssyncset.done $0x0  }
0xad: {  	s21 =	simm.s32 $0x500;
	s20 =	sadd.s32 $0x1A0, s5;
	[sflag:s15] =	ssyncadd.s32 $0xFFFFD000  }
0xae: {  	[tilespmem:s21], [sflag:$0x6] =	stream.linear.gather [hbm4b:s20+s3], $0x100, $0x38;
	[tilespmem:$0x1B2C0] =	vst v63  }
.Ltmp3:
0xaf: {  	s22 =	simm.s32 $0x2;
	(pc) =	sbr.rel .LBB2_2-.Ltmp3, $4  }
0xb0: {  	_ =	swait.ge [sflag:s22], $0x100  }
0xb1: {  	[sflag:s22] =	ssyncset.done $0x0  }
0xb2: {  	s17 =	sadd.s32 $0x100, s17;
	s30 =	simm.s32 $0x100;
	[sflag:s22] =	ssyncadd.s32 $0xFFFFFF00  }
0xb3: {  	[tilespmem:s28], [sflag:$0xA] =	stream.indirect.gather [hbm4b:s12+s23], $0x60, s30, s23, $0xb8;
	[tilespmem:$0x1B2C0] =	vst v63  }
.LBB2_5:
0xb4: {  	_ =	sfence.sel $0x180000  }
0xb5: {  	[bflag:$0x0] =	sbarrier.arrive $0xFFFF  }
0xb6: {  	_ =	strace $0x9000004A  }
0xb7: {  	s0 =	stileid.u32;
	[bflag:$0x2] =	sbarrier.arrive $0xFFFF  }
0xb8: {  	p0 =	sne.s32 s0, $0x0;
	s0 =	rddreg [dreg:$0x2]  }
0xb9: {  	s0 =	sadd.s32 @!p0 $0x100000, s0  }
0xba: {  	[sflag:s0] =	ssyncadd.tile.s32 @!p0 $0x1;
	_ =	shalt  }
.Lfunc_end2:
_tile_overlayer_lowered:
.L_overlay_start_2:
0xbb: {  	(tag) =	ssettag $0x2  }
0xbc: {  	s0 =	rddreg [dreg:$0x0];
	s2 =	stileid.u32  }
0xbd: {  	s1 =	rddreg [dreg:$0x1];
	p0 =	sne.s32 s2, $0x0  }
0xbe: {  	s3 =	rddreg [dreg:$0x2];
	[bflag:$0x3] =	sbarrier.arrive $0xFFFF;
	s2 =	simm.s32 @!p0 $0x1C11  }
0xbf: {  	[timem:s3], [sflag:s2] =	dma.local @!p0 [hbm:s0], s1  }
0xc0: {  	s0 =	simm.s32 @!p0 $0x11  }
0xc1: {  	_ =	swait.ge @!p0 [sflag:s0], s1  }
0xc2: {  	s1 =	ssub.s32 @!p0 $0x0, s1;
	[sflag:s0] =	ssyncset.done @!p0 $0x0  }
0xc3: {  	[sflag:s0] =	ssyncadd.s32 @!p0 s1  }
0xc4: {  	[bflag:$0x3] =	sbarrier.arrive $0xFFFF  }
0xc5: {  	_ =	shalt  }

</sc_bundles>
